<compile_context>
chip_gen: v7x
topology: tpu7x:2x2x1
jax: 0.10.2.dev20260603
libtpu: 0.0.44.dev20260713+nightly
codegen_flags: <defaults>
</compile_context>

<pallas_src>
import functools

import jax
import jax.numpy as jnp
from jax import lax
from jax.experimental import pallas as pl
from jax.experimental.pallas import tpu as pltpu
from jax.experimental.pallas import tpu_sc as plsc

D = 128
NC = 2
NS = 16
NW = NC * NS
CHUNK = 80
NB = 4
NPAD = 10240


def _tc_gru_xw(x, w0, w_ih, w_hh, b_ih2, b_hh2):
    def body(x_ref, w0_ref, wih_ref, whh_ref, bih_ref, bhh_ref, out_ref):
        w = w0_ref[...]
        gi = lax.dot_general(w, wih_ref[...], (((1,), (1,)), ((), ())),
                             preferred_element_type=jnp.float32) + bih_ref[...]
        gh = lax.dot_general(w, whh_ref[...], (((1,), (1,)), ((), ())),
                             preferred_element_type=jnp.float32) + bhh_ref[...]
        r = jax.nn.sigmoid(gi[:, :D] + gh[:, :D])
        z = jax.nn.sigmoid(gi[:, D:2 * D] + gh[:, D:2 * D])
        n = jnp.tanh(gi[:, 2 * D:] + r * gh[:, 2 * D:])
        wt = (1.0 - z) * n + z * w
        out_ref[...] = jnp.dot(x_ref[...], wt,
                               preferred_element_type=jnp.float32)

    return pl.pallas_call(
        body,
        out_shape=jax.ShapeDtypeStruct((x.shape[0], D), jnp.float32),
    )(x, w0, w_ih, w_hh, b_ih2, b_hh2)


def _tc_split(edges):
    e = edges.shape[1]

    def body(e_ref, s_ref, d_ref):
        s_ref[...] = e_ref[0]
        d_ref[...] = e_ref[1]

    return pl.pallas_call(
        body,
        out_shape=(
            jax.ShapeDtypeStruct((e,), jnp.int32),
            jax.ShapeDtypeStruct((e,), jnp.int32),
        ),
    )(edges)


def _sc_degree(edges):
    e = edges.shape[1]
    hch = 128
    nch = e // hch
    cpt = nch // NW
    rem = nch - cpt * NW
    hgs = 13
    ngrp = cpt // hgs
    assert ngrp * hgs == cpt and e % hch == 0
    spt = NPAD // NS
    mesh = plsc.VectorSubcoreMesh(core_axis_name="c", subcore_axis_name="s")

    @functools.partial(
        pl.kernel,
        out_type=jax.ShapeDtypeStruct((NC, 1, NPAD), jnp.float32),
        mesh=mesh,
        scratch_types=[
            pltpu.VMEM((2, hgs, 2, hch), jnp.int32),
            pltpu.VMEM((hch,), jnp.float32),
            pltpu.VMEM((spt,), jnp.float32),
            pltpu.VMEM_SHARED((NPAD,), jnp.float32),
            pltpu.SemaphoreType.DMA,
            [pltpu.SemaphoreType.DMA] * 2,
        ],
    )
    def k(edge_hbm, out_hbm, idx_v, ones_v, buf_v, acc_sh, sem, stsems):
        c = lax.axis_index("c")
        s = lax.axis_index("s")
        wid = s * NC + c
        base = wid * cpt

        def fill_zero(i, _):
            buf_v[pl.ds(i * 16, 16)] = jnp.zeros((16,), jnp.float32)
            return 0
        lax.fori_loop(0, spt // 16, fill_zero, 0)

        def fill_one(i, _):
            ones_v[pl.ds(i * 16, 16)] = jnp.ones((16,), jnp.float32)
            return 0
        lax.fori_loop(0, hch // 16, fill_one, 0)

        def issue_stage(m, buf, sem2):
            off = (base + m * hgs) * hch
            for t in range(hgs):
                pltpu.async_copy(edge_hbm.at[:, pl.ds(off + t * hch, hch)],
                                 idx_v.at[buf, t], sem2)

        def wait_stage(buf, sem2):
            for t in range(hgs):
                pltpu.make_async_copy(edge_hbm.at[:, pl.ds(0, hch)],
                                      idx_v.at[buf, t], sem2).wait()

        pltpu.sync_copy(buf_v, acc_sh.at[pl.ds(s * spt, spt)])
        for t in range(hgs):
            pltpu.sync_copy(edge_hbm.at[:, pl.ds((base + t) * hch, hch)],
                            idx_v.at[0, t])
        plsc.subcore_barrier()

        def grp(g, _):
            p = lax.rem(g, 2)
            even = p == 0

            @pl.when(jnp.logical_and(g > 0, even))
            def _w0():
                wait_stage(p, stsems[0])

            @pl.when(jnp.logical_and(g > 0, jnp.logical_not(even)))
            def _w1():
                wait_stage(p, stsems[1])

            @pl.when(jnp.logical_and(g + 1 < ngrp, even))
            def _s1():
                issue_stage(g + 1, 1 - p, stsems[1])

            @pl.when(jnp.logical_and(g + 1 < ngrp, jnp.logical_not(even)))
            def _s0():
                issue_stage(g + 1, 1 - p, stsems[0])

            for t in range(hgs):
                pltpu.async_copy(ones_v, acc_sh.at[idx_v.at[p, t, 1]], sem,
                                 add=True)
            for t in range(hgs):
                pltpu.make_async_copy(ones_v, acc_sh.at[idx_v.at[p, t, 1]],
                                      sem).wait()
            return 0
        lax.fori_loop(0, ngrp, grp, 0)
        @pl.when(wid < rem)
        def _tail():
            off = (NW * cpt + wid) * hch
            pltpu.sync_copy(edge_hbm.at[:, pl.ds(off, hch)], idx_v.at[0, 0])
            pltpu.sync_copy(ones_v, acc_sh.at[idx_v.at[0, 0, 1]], add=True)
        plsc.subcore_barrier()

        pltpu.sync_copy(acc_sh.at[pl.ds(s * spt, spt)], buf_v)
        pltpu.sync_copy(buf_v, out_hbm.at[c, 0, pl.ds(s * spt, spt)])

    return k(edges)


def _sc_scatter(src_h, dst_h, y, zeros_h):
    e = src_h.shape[0]
    ept = e // NW
    nch = ept // CHUNK
    ngrp = nch // NB
    tail = nch - ngrp * NB
    npt = NPAD // NS
    mesh = plsc.VectorSubcoreMesh(core_axis_name="c", subcore_axis_name="s")

    @functools.partial(
        pl.kernel,
        out_type=jax.ShapeDtypeStruct((NC, NPAD, D), jnp.float32),
        mesh=mesh,
        scratch_types=[
            pltpu.VMEM((3, NB, CHUNK), jnp.int32),
            pltpu.VMEM((3, NB, CHUNK), jnp.int32),
            pltpu.VMEM((NB, CHUNK, D), jnp.float32),
            pltpu.VMEM_SHARED((NPAD, D), jnp.float32),
            [pltpu.SemaphoreType.DMA] * NB,
            [pltpu.SemaphoreType.DMA] * NB,
            [pltpu.SemaphoreType.DMA] * 2,
        ],
    )
    def k(src_hbm, dst_hbm, y_hbm, z_hbm, out_hbm,
          si_v, di_v, rows_v, acc_sh, gsems, ssems, stsems):
        c = lax.axis_index("c")
        s = lax.axis_index("s")
        wid = s * NC + c
        base = wid * ept
        r0 = s * npt

        def issue_stage(m, sem):
            b = lax.rem(m, 3)
            off = base + m * (NB * CHUNK)
            for t in range(NB):
                pltpu.async_copy(
                    src_hbm.at[pl.ds(off + t * CHUNK, CHUNK)],
                    si_v.at[b, t], sem)
            for t in range(NB):
                pltpu.async_copy(
                    dst_hbm.at[pl.ds(off + t * CHUNK, CHUNK)],
                    di_v.at[b, t], sem)

        def wait_stage(bg, sem):
            for t in range(NB):
                pltpu.make_async_copy(src_hbm.at[pl.ds(0, CHUNK)],
                                      si_v.at[bg, t], sem).wait()
            for t in range(NB):
                pltpu.make_async_copy(dst_hbm.at[pl.ds(0, CHUNK)],
                                      di_v.at[bg, t], sem).wait()

        def wait_gather(b):
            pltpu.make_async_copy(
                y_hbm.at[si_v.at[0, 0]], rows_v.at[b], gsems[b]).wait()

        def wait_scatter(b):
            pltpu.make_async_copy(
                rows_v.at[b], acc_sh.at[di_v.at[0, 0]], ssems[b]).wait()

        pltpu.sync_copy(z_hbm, acc_sh.at[pl.ds(r0, npt), :])
        for t in range(NB):
            pltpu.sync_copy(src_hbm.at[pl.ds(base + t * CHUNK, CHUNK)],
                            si_v.at[0, t])
            pltpu.sync_copy(dst_hbm.at[pl.ds(base + t * CHUNK, CHUNK)],
                            di_v.at[0, t])
        issue_stage(1, stsems[1])
        issue_stage(2, stsems[0])
        pltpu.async_copy(y_hbm.at[si_v.at[0, 0]], rows_v.at[0], gsems[0])
        pltpu.async_copy(y_hbm.at[si_v.at[0, 1]], rows_v.at[1], gsems[1])
        plsc.subcore_barrier()

        def grp(g, _):
            bg = lax.rem(g, 3)
            bg1 = lax.rem(g + 1, 3)
            even = lax.rem(g, 2) == 0

            @pl.when(jnp.logical_and(g > 0, even))
            def _ws0():
                wait_stage(bg, stsems[0])

            @pl.when(jnp.logical_and(g > 0, jnp.logical_not(even)))
            def _ws1():
                wait_stage(bg, stsems[1])

            for t in range(NB):
                b = t % NB
                jb = (t + 2) % NB
                if t < 2:
                    @pl.when(g > 0)
                    def _wsct():
                        wait_scatter(jb)
                else:
                    wait_scatter(jb)
                if t == 2:
                    @pl.when(jnp.logical_and(g + 2 < ngrp, even))
                    def _st0():
                        issue_stage(g + 2, stsems[0])

                    @pl.when(jnp.logical_and(g + 2 < ngrp,
                                             jnp.logical_not(even)))
                    def _st1():
                        issue_stage(g + 2, stsems[1])
                if t < NB - 2:
                    nxt = si_v.at[bg, t + 2]
                else:
                    nxt = si_v.at[bg1, t + 2 - NB]
                pltpu.async_copy(y_hbm.at[nxt], rows_v.at[jb], gsems[jb])
                wait_gather(b)
                pltpu.async_copy(rows_v.at[b], acc_sh.at[di_v.at[bg, t]],
                                 ssems[b], add=True)
            return 0
        lax.fori_loop(0, ngrp, grp, 0)
        wait_scatter(NB - 2)
        wait_scatter(NB - 1)
        wait_gather(0)
        wait_gather(1)
        for u in range(tail):
            off = base + (ngrp * NB + u) * CHUNK
            pltpu.sync_copy(src_hbm.at[pl.ds(off, CHUNK)], si_v.at[0, 0])
            pltpu.sync_copy(dst_hbm.at[pl.ds(off, CHUNK)], di_v.at[0, 0])
            pltpu.async_copy(y_hbm.at[si_v.at[0, 0]], rows_v.at[0], gsems[0])
            wait_gather(0)
            pltpu.sync_copy(rows_v.at[0], acc_sh.at[di_v.at[0, 0]], add=True)
        plsc.subcore_barrier()

        pltpu.sync_copy(acc_sh.at[pl.ds(r0, npt), :],
                        out_hbm.at[c, pl.ds(r0, npt), :])

    return k(src_h, dst_h, y, zeros_h)


def _tc_scale(xw, degp):
    n = xw.shape[0]

    def body(xw_ref, degp_ref, y_ref):
        deg = degp_ref[0, 0] + degp_ref[1, 0] + 1.0
        dinv = lax.rsqrt(deg)
        y_ref[:n] = xw_ref[...] * dinv[:n][:, None]
        y_ref[n:] = jnp.zeros((NPAD - n, D), jnp.float32)

    return pl.pallas_call(
        body,
        out_shape=jax.ShapeDtypeStruct((NPAD, D), jnp.float32),
    )(xw, degp)


def _tc_final(partials, y, degp, n):
    def body(p_ref, y_ref, degp_ref, out_ref):
        deg = degp_ref[0, 0] + degp_ref[1, 0] + 1.0
        dinv = lax.rsqrt(deg)
        acc = p_ref[0][:n] + p_ref[1][:n] + y_ref[:n]
        out_ref[...] = acc * dinv[:n][:, None]

    return pl.pallas_call(
        body,
        out_shape=jax.ShapeDtypeStruct((n, D), jnp.float32),
    )(partials, y, degp)


def kernel(x, edge_index, initial_weight, w_ih, w_hh, b_ih, b_hh):
    n = x.shape[0]
    e = edge_index.shape[1]
    assert e % (NW * CHUNK) == 0 and n < NPAD

    b_ih2 = b_ih.reshape(1, 3 * D)
    b_hh2 = b_hh.reshape(1, 3 * D)
    zeros_h = jnp.zeros((NPAD // NS, D), jnp.float32)

    degp = _sc_degree(edge_index)
    src_h, dst_h = _tc_split(edge_index)
    xw = _tc_gru_xw(x, initial_weight, w_ih, w_hh, b_ih2, b_hh2)
    y = _tc_scale(xw, degp)
    partials = _sc_scatter(src_h, dst_h, y, zeros_h)
    return _tc_final(partials, y, degp, n)

# --- scband reference (transcript-rebuilt; emitter-appended) ---
"""Pipeline reference for scband-evolve-gcn-o-71390946394435 (READ-ONLY COPY).

The authoritative reference and input builder live on the scoring server;
editing this copy changes nothing except your own understanding.
"""

import jax, jax.numpy as jnp
import numpy as np

D = 128
N = 10000
E = 320000


def setup_inputs(seed: int = 0) -> dict:
    key = jax.random.key(seed)
    ks = jax.random.split(key, 8)
    x = jax.random.normal(ks[0], (N, D), dtype=jnp.float32)
    edge_index = jax.random.randint(ks[1], (2, E), 0, N, dtype=jnp.int32)
    scale = 1.0 / np.sqrt(D)
    initial_weight = jax.random.uniform(ks[2], (D, D), minval=-scale, maxval=scale, dtype=jnp.float32)
    w_ih = jax.random.uniform(ks[3], (3 * D, D), minval=-scale, maxval=scale, dtype=jnp.float32)
    w_hh = jax.random.uniform(ks[4], (3 * D, D), minval=-scale, maxval=scale, dtype=jnp.float32)
    b_ih = jax.random.uniform(ks[5], (3 * D,), minval=-scale, maxval=scale, dtype=jnp.float32)
    b_hh = jax.random.uniform(ks[6], (3 * D,), minval=-scale, maxval=scale, dtype=jnp.float32)
    return {"x": x, "edge_index": edge_index, "initial_weight": initial_weight,
            "w_ih": w_ih, "w_hh": w_hh, "b_ih": b_ih, "b_hh": b_hh}


def _gru_step(inp, h, w_ih, w_hh, b_ih, b_hh):
    # torch.nn.GRU single-layer, seq_len=1 semantics
    gi = inp @ w_ih.T + b_ih
    gh = h @ w_hh.T + b_hh
    i_r, i_z, i_n = jnp.split(gi, 3, axis=-1)
    h_r, h_z, h_n = jnp.split(gh, 3, axis=-1)
    r = jax.nn.sigmoid(i_r + h_r)
    z = jax.nn.sigmoid(i_z + h_z)
    n = jnp.tanh(i_n + r * h_n)
    return (1.0 - z) * n + z * h


def reference(x, edge_index, initial_weight, w_ih, w_hh, b_ih, b_hh):
    # EvolveGCN-O: W_t = GRU(W_{t-1}, W_{t-1}); first step uses initial_weight
    W = _gru_step(initial_weight, initial_weight, w_ih, w_hh, b_ih, b_hh)
    n = x.shape[0]
    src = edge_index[0]
    dst = edge_index[1]
    # gcn_norm: add self-loops, symmetric normalization
    loop = jnp.arange(n, dtype=src.dtype)
    src = jnp.concatenate([src, loop])
    dst = jnp.concatenate([dst, loop])
    ones = jnp.ones(src.shape[0], dtype=x.dtype)
    deg = jax.ops.segment_sum(ones, dst, num_segments=n)
    dinv = jnp.where(deg > 0, jax.lax.rsqrt(deg), 0.0)
    norm = dinv[src] * dinv[dst]
    # GCNConv_Fixed_W: transform then propagate (scatter-add)
    xw = x @ W
    msg = xw[src] * norm[:, None]
    out = jax.ops.segment_sum(msg, dst, num_segments=n)
    return out

if __name__ == "__main__":
    import jax
    _d = setup_inputs()
    print(jax.jit(kernel)(*tuple(_d.values())))

</pallas_src>

<mosaic_0001>
#map = affine_map<(d0, d1) -> (0, 0)>
#map1 = affine_map<(d0, d1) -> (0, 0, 0)>
module attributes {stable_mosaic.version = 14 : i64} {
  func.func @k(%arg0: i32, %arg1: i32, %arg2: memref<2x320000xi32, #tpu.memory_space<hbm>>, %arg3: memref<2x1x10240xf32, #tpu.memory_space<hbm>>, %arg4: memref<2x13x2x128xi32, #tpu.memory_space<vmem>>, %arg5: memref<128xf32, #tpu.memory_space<vmem>>, %arg6: memref<640xf32, #tpu.memory_space<vmem>>, %arg7: memref<10240xf32, #tpu.memory_space<vmem_shared>>, %arg8: memref<!tpu.dma_semaphore, #tpu.memory_space<semaphore_mem>>, %arg9: memref<!tpu.dma_semaphore, #tpu.memory_space<semaphore_mem>>, %arg10: memref<!tpu.dma_semaphore, #tpu.memory_space<semaphore_mem>>) attributes {dimension_semantics = [#tpu.dimension_semantics<core_parallel>, #tpu.dimension_semantics<subcore_parallel>], iteration_bounds = array<i64: 2, 16>, scalar_prefetch = 0 : i64, scratch_operands = 7 : i64, tpu.core_type = #tpu.core_type<sc_vector_subcore>, window_params = [{transform_indices = #map}, {transform_indices = #map1}]} {
    %mul3A = arith.constant 2 : i32
    %mul3A_0 = arith.muli %arg1, %mul3A : i32
    %add3A = arith.addi %mul3A_0, %arg0 : i32
    %mul3A_1 = arith.constant 78 : i32
    %mul3A_2 = arith.muli %add3A, %mul3A_1 : i32
    %scan3A = arith.constant 0 : i32
    %scan3A_3 = arith.constant 0 : i32
    %scan3A_4 = arith.constant 40 : i32
    %scan3A_5 = arith.addi %scan3A_3, %scan3A_4 : i32
    %scan3A_6 = arith.constant 1 : i32
    %scan3A_7 = scf.for %scan3A_110 = %scan3A_3 to %scan3A_5 step %scan3A_6 iter_args(%scan3A_111 = %scan3A) -> (i32)  : i32 {
      %broadcast_in_dim3A = arith.constant 0.000000e+00 : f32
      %broadcast_in_dim3A_112 = vector.broadcast %broadcast_in_dim3A : f32 to vector<16xf32>
      %mul3A_113 = arith.constant 16 : i32
      %mul3A_114 = arith.muli %scan3A_110, %mul3A_113 : i32
      %swap3A = arith.index_cast %mul3A_114 : i32 to index
      %swap3A_115 = tpu.vector_load %arg6[%swap3A] {strides = array<i32>} : memref<640xf32, #tpu.memory_space<vmem>>, vector<16xf32>,
      %swap3A_116 = vector.shape_cast %swap3A_115 : vector<16xf32> to vector<16xf32>
      %swap3A_117 = vector.shape_cast %broadcast_in_dim3A_112 : vector<16xf32> to vector<16xf32>
      tpu.vector_store %arg6[%swap3A], %swap3A_117 {strides = array<i32>} : memref<640xf32, #tpu.memory_space<vmem>>, vector<16xf32>,
      %scan3A_118 = arith.constant 0 : i32
      scf.yield %scan3A_118 : i32
    }
    %scan3A_8 = arith.constant 40 : i32
    %scan3A_9 = arith.constant 0 : i32
    %scan3A_10 = arith.constant 0 : i32
    %scan3A_11 = arith.constant 8 : i32
    %scan3A_12 = arith.addi %scan3A_10, %scan3A_11 : i32
    %scan3A_13 = arith.constant 1 : i32
    %scan3A_14 = scf.for %scan3A_110 = %scan3A_10 to %scan3A_12 step %scan3A_13 iter_args(%scan3A_111 = %scan3A_9) -> (i32)  : i32 {
      %broadcast_in_dim3A = arith.constant 1.000000e+00 : f32
      %broadcast_in_dim3A_112 = vector.broadcast %broadcast_in_dim3A : f32 to vector<16xf32>
      %mul3A_113 = arith.constant 16 : i32
      %mul3A_114 = arith.muli %scan3A_110, %mul3A_113 : i32
      %swap3A = arith.index_cast %mul3A_114 : i32 to index
      %swap3A_115 = tpu.vector_load %arg5[%swap3A] {strides = array<i32>} : memref<128xf32, #tpu.memory_space<vmem>>, vector<16xf32>,
      %swap3A_116 = vector.shape_cast %swap3A_115 : vector<16xf32> to vector<16xf32>
      %swap3A_117 = vector.shape_cast %broadcast_in_dim3A_112 : vector<16xf32> to vector<16xf32>
      tpu.vector_store %arg5[%swap3A], %swap3A_117 {strides = array<i32>} : memref<128xf32, #tpu.memory_space<vmem>>, vector<16xf32>,
      %scan3A_118 = arith.constant 0 : i32
      scf.yield %scan3A_118 : i32
    }
    %scan3A_15 = arith.constant 8 : i32
    %mul3A_16 = arith.constant 640 : i32
    %mul3A_17 = arith.muli %arg1, %mul3A_16 : i32
    "tpu.region"() ({
      %run_scoped3A_110 = tpu.sem_alloc : memref<!tpu.dma_semaphore, #tpu.memory_space<semaphore_mem>>
      %dma_start3A = tpu.memref_slice %arg7[%mul3A_17] : memref<10240xf32, #tpu.memory_space<vmem_shared>> -> memref<640xf32, #tpu.memory_space<vmem_shared>>
      %dma_start3A_111 = tpu.memref_slice %arg7[%mul3A_17] : memref<10240xf32, #tpu.memory_space<vmem_shared>> -> memref<640xf32, #tpu.memory_space<vmem_shared>>
      tpu.enqueue_dma source(%arg6 : memref<640xf32, #tpu.memory_space<vmem>>) target(%dma_start3A_111 : memref<640xf32, #tpu.memory_space<vmem_shared>>) target_semaphore(%run_scoped3A_110 : memref<!tpu.dma_semaphore, #tpu.memory_space<semaphore_mem>>)
      %dma_wait3A = tpu.memref_slice %arg7[%mul3A_17] : memref<10240xf32, #tpu.memory_space<vmem_shared>> -> memref<640xf32, #tpu.memory_space<vmem_shared>>
      %dma_wait3A_112 = tpu.memref_slice %arg7[%mul3A_17] : memref<10240xf32, #tpu.memory_space<vmem_shared>> -> memref<640xf32, #tpu.memory_space<vmem_shared>>
      tpu.wait_dma2 semaphore(%run_scoped3A_110 : memref<!tpu.dma_semaphore, #tpu.memory_space<semaphore_mem>>) src(%arg6 : memref<640xf32, #tpu.memory_space<vmem>>) dst(%dma_wait3A_112 : memref<640xf32, #tpu.memory_space<vmem_shared>>)
      tpu.yield
    }) : () -> ()
    %add3A_18 = arith.constant 0 : i32
    %add3A_19 = arith.addi %mul3A_2, %add3A_18 : i32
    %mul3A_20 = arith.constant 128 : i32
    %mul3A_21 = arith.muli %add3A_19, %mul3A_20 : i32
    %run_scoped3A = arith.constant 0 : i32
    %run_scoped3A_22 = arith.constant 0 : i32
    "tpu.region"() ({
      %run_scoped3A_110 = tpu.sem_alloc : memref<!tpu.dma_semaphore, #tpu.memory_space<semaphore_mem>>
      %dma_start3A = arith.constant 0 : i32
      %dma_start3A_111 = arith.constant 0 : i32
      %dma_start3A_112 = tpu.memref_slice %arg4[%run_scoped3A, %run_scoped3A_22, %dma_start3A, %dma_start3A_111] : memref<2x13x2x128xi32, #tpu.memory_space<vmem>> -> memref<1x1x2x128xi32, #tpu.memory_space<vmem>>
      %dma_start3A_113 = tpu.memref_squeeze %dma_start3A_112 : memref<1x1x2x128xi32, #tpu.memory_space<vmem>> -> memref<2x128xi32, #tpu.memory_space<vmem>>
      %dma_start3A_114 = arith.constant 0 : i32
      %dma_start3A_115 = tpu.memref_slice %arg2[%dma_start3A_114, %mul3A_21] : memref<2x320000xi32, #tpu.memory_space<hbm>> -> memref<2x128xi32, #tpu.memory_space<hbm>>
      %dma_start3A_116 = arith.constant 0 : i32
      %dma_start3A_117 = arith.constant 0 : i32
      %dma_start3A_118 = tpu.memref_slice %arg4[%run_scoped3A, %run_scoped3A_22, %dma_start3A_116, %dma_start3A_117] : memref<2x13x2x128xi32, #tpu.memory_space<vmem>> -> memref<1x1x2x128xi32, #tpu.memory_space<vmem>>
      %dma_start3A_119 = tpu.memref_squeeze %dma_start3A_118 : memref<1x1x2x128xi32, #tpu.memory_space<vmem>> -> memref<2x128xi32, #tpu.memory_space<vmem>>
      %dma_start3A_120 = arith.constant 0 : i32
      %dma_start3A_121 = tpu.memref_slice %arg2[%dma_start3A_120, %mul3A_21] : memref<2x320000xi32, #tpu.memory_space<hbm>> -> memref<2x128xi32, #tpu.memory_space<hbm>>
      tpu.enqueue_dma source(%dma_start3A_121 : memref<2x128xi32, #tpu.memory_space<hbm>>) target(%dma_start3A_119 : memref<2x128xi32, #tpu.memory_space<vmem>>) target_semaphore(%run_scoped3A_110 : memref<!tpu.dma_semaphore, #tpu.memory_space<semaphore_mem>>)
      %dma_wait3A = arith.constant 0 : i32
      %dma_wait3A_122 = arith.constant 0 : i32
      %dma_wait3A_123 = tpu.memref_slice %arg4[%run_scoped3A, %run_scoped3A_22, %dma_wait3A, %dma_wait3A_122] : memref<2x13x2x128xi32, #tpu.memory_space<vmem>> -> memref<1x1x2x128xi32, #tpu.memory_space<vmem>>
      %dma_wait3A_124 = tpu.memref_squeeze %dma_wait3A_123 : memref<1x1x2x128xi32, #tpu.memory_space<vmem>> -> memref<2x128xi32, #tpu.memory_space<vmem>>
      %dma_wait3A_125 = arith.constant 0 : i32
      %dma_wait3A_126 = tpu.memref_slice %arg2[%dma_wait3A_125, %mul3A_21] : memref<2x320000xi32, #tpu.memory_space<hbm>> -> memref<2x128xi32, #tpu.memory_space<hbm>>
      %dma_wait3A_127 = arith.constant 0 : i32
      %dma_wait3A_128 = arith.constant 0 : i32
      %dma_wait3A_129 = tpu.memref_slice %arg4[%run_scoped3A, %run_scoped3A_22, %dma_wait3A_127, %dma_wait3A_128] : memref<2x13x2x128xi32, #tpu.memory_space<vmem>> -> memref<1x1x2x128xi32, #tpu.memory_space<vmem>>
      %dma_wait3A_130 = tpu.memref_squeeze %dma_wait3A_129 : memref<1x1x2x128xi32, #tpu.memory_space<vmem>> -> memref<2x128xi32, #tpu.memory_space<vmem>>
      %dma_wait3A_131 = arith.constant 0 : i32
      %dma_wait3A_132 = tpu.memref_slice %arg2[%dma_wait3A_131, %mul3A_21] : memref<2x320000xi32, #tpu.memory_space<hbm>> -> memref<2x128xi32, #tpu.memory_space<hbm>>
      tpu.wait_dma2 semaphore(%run_scoped3A_110 : memref<!tpu.dma_semaphore, #tpu.memory_space<semaphore_mem>>) src(%dma_wait3A_132 : memref<2x128xi32, #tpu.memory_space<hbm>>) dst(%dma_wait3A_130 : memref<2x128xi32, #tpu.memory_space<vmem>>)
      tpu.yield
    }) : () -> ()
    %add3A_23 = arith.constant 1 : i32
    %add3A_24 = arith.addi %mul3A_2, %add3A_23 : i32
    %mul3A_25 = arith.constant 128 : i32
    %mul3A_26 = arith.muli %add3A_24, %mul3A_25 : i32
    %run_scoped3A_27 = arith.constant 0 : i32
    %run_scoped3A_28 = arith.constant 1 : i32
    "tpu.region"() ({
      %run_scoped3A_110 = tpu.sem_alloc : memref<!tpu.dma_semaphore, #tpu.memory_space<semaphore_mem>>
      %dma_start3A = arith.constant 0 : i32
      %dma_start3A_111 = arith.constant 0 : i32
      %dma_start3A_112 = tpu.memref_slice %arg4[%run_scoped3A_27, %run_scoped3A_28, %dma_start3A, %dma_start3A_111] : memref<2x13x2x128xi32, #tpu.memory_space<vmem>> -> memref<1x1x2x128xi32, #tpu.memory_space<vmem>>
      %dma_start3A_113 = tpu.memref_squeeze %dma_start3A_112 : memref<1x1x2x128xi32, #tpu.memory_space<vmem>> -> memref<2x128xi32, #tpu.memory_space<vmem>>
      %dma_start3A_114 = arith.constant 0 : i32
      %dma_start3A_115 = tpu.memref_slice %arg2[%dma_start3A_114, %mul3A_26] : memref<2x320000xi32, #tpu.memory_space<hbm>> -> memref<2x128xi32, #tpu.memory_space<hbm>>
      %dma_start3A_116 = arith.constant 0 : i32
      %dma_start3A_117 = arith.constant 0 : i32
      %dma_start3A_118 = tpu.memref_slice %arg4[%run_scoped3A_27, %run_scoped3A_28, %dma_start3A_116, %dma_start3A_117] : memref<2x13x2x128xi32, #tpu.memory_space<vmem>> -> memref<1x1x2x128xi32, #tpu.memory_space<vmem>>
      %dma_start3A_119 = tpu.memref_squeeze %dma_start3A_118 : memref<1x1x2x128xi32, #tpu.memory_space<vmem>> -> memref<2x128xi32, #tpu.memory_space<vmem>>
      %dma_start3A_120 = arith.constant 0 : i32
      %dma_start3A_121 = tpu.memref_slice %arg2[%dma_start3A_120, %mul3A_26] : memref<2x320000xi32, #tpu.memory_space<hbm>> -> memref<2x128xi32, #tpu.memory_space<hbm>>
      tpu.enqueue_dma source(%dma_start3A_121 : memref<2x128xi32, #tpu.memory_space<hbm>>) target(%dma_start3A_119 : memref<2x128xi32, #tpu.memory_space<vmem>>) target_semaphore(%run_scoped3A_110 : memref<!tpu.dma_semaphore, #tpu.memory_space<semaphore_mem>>)
      %dma_wait3A = arith.constant 0 : i32
      %dma_wait3A_122 = arith.constant 0 : i32
      %dma_wait3A_123 = tpu.memref_slice %arg4[%run_scoped3A_27, %run_scoped3A_28, %dma_wait3A, %dma_wait3A_122] : memref<2x13x2x128xi32, #tpu.memory_space<vmem>> -> memref<1x1x2x128xi32, #tpu.memory_space<vmem>>
      %dma_wait3A_124 = tpu.memref_squeeze %dma_wait3A_123 : memref<1x1x2x128xi32, #tpu.memory_space<vmem>> -> memref<2x128xi32, #tpu.memory_space<vmem>>
      %dma_wait3A_125 = arith.constant 0 : i32
      %dma_wait3A_126 = tpu.memref_slice %arg2[%dma_wait3A_125, %mul3A_26] : memref<2x320000xi32, #tpu.memory_space<hbm>> -> memref<2x128xi32, #tpu.memory_space<hbm>>
      %dma_wait3A_127 = arith.constant 0 : i32
      %dma_wait3A_128 = arith.constant 0 : i32
      %dma_wait3A_129 = tpu.memref_slice %arg4[%run_scoped3A_27, %run_scoped3A_28, %dma_wait3A_127, %dma_wait3A_128] : memref<2x13x2x128xi32, #tpu.memory_space<vmem>> -> memref<1x1x2x128xi32, #tpu.memory_space<vmem>>
      %dma_wait3A_130 = tpu.memref_squeeze %dma_wait3A_129 : memref<1x1x2x128xi32, #tpu.memory_space<vmem>> -> memref<2x128xi32, #tpu.memory_space<vmem>>
      %dma_wait3A_131 = arith.constant 0 : i32
      %dma_wait3A_132 = tpu.memref_slice %arg2[%dma_wait3A_131, %mul3A_26] : memref<2x320000xi32, #tpu.memory_space<hbm>> -> memref<2x128xi32, #tpu.memory_space<hbm>>
      tpu.wait_dma2 semaphore(%run_scoped3A_110 : memref<!tpu.dma_semaphore, #tpu.memory_space<semaphore_mem>>) src(%dma_wait3A_132 : memref<2x128xi32, #tpu.memory_space<hbm>>) dst(%dma_wait3A_130 : memref<2x128xi32, #tpu.memory_space<vmem>>)
      tpu.yield
    }) : () -> ()
    %add3A_29 = arith.constant 2 : i32
    %add3A_30 = arith.addi %mul3A_2, %add3A_29 : i32
    %mul3A_31 = arith.constant 128 : i32
    %mul3A_32 = arith.muli %add3A_30, %mul3A_31 : i32
    %run_scoped3A_33 = arith.constant 0 : i32
    %run_scoped3A_34 = arith.constant 2 : i32
    "tpu.region"() ({
      %run_scoped3A_110 = tpu.sem_alloc : memref<!tpu.dma_semaphore, #tpu.memory_space<semaphore_mem>>
      %dma_start3A = arith.constant 0 : i32
      %dma_start3A_111 = arith.constant 0 : i32
      %dma_start3A_112 = tpu.memref_slice %arg4[%run_scoped3A_33, %run_scoped3A_34, %dma_start3A, %dma_start3A_111] : memref<2x13x2x128xi32, #tpu.memory_space<vmem>> -> memref<1x1x2x128xi32, #tpu.memory_space<vmem>>
      %dma_start3A_113 = tpu.memref_squeeze %dma_start3A_112 : memref<1x1x2x128xi32, #tpu.memory_space<vmem>> -> memref<2x128xi32, #tpu.memory_space<vmem>>
      %dma_start3A_114 = arith.constant 0 : i32
      %dma_start3A_115 = tpu.memref_slice %arg2[%dma_start3A_114, %mul3A_32] : memref<2x320000xi32, #tpu.memory_space<hbm>> -> memref<2x128xi32, #tpu.memory_space<hbm>>
      %dma_start3A_116 = arith.constant 0 : i32
      %dma_start3A_117 = arith.constant 0 : i32
      %dma_start3A_118 = tpu.memref_slice %arg4[%run_scoped3A_33, %run_scoped3A_34, %dma_start3A_116, %dma_start3A_117] : memref<2x13x2x128xi32, #tpu.memory_space<vmem>> -> memref<1x1x2x128xi32, #tpu.memory_space<vmem>>
      %dma_start3A_119 = tpu.memref_squeeze %dma_start3A_118 : memref<1x1x2x128xi32, #tpu.memory_space<vmem>> -> memref<2x128xi32, #tpu.memory_space<vmem>>
      %dma_start3A_120 = arith.constant 0 : i32
      %dma_start3A_121 = tpu.memref_slice %arg2[%dma_start3A_120, %mul3A_32] : memref<2x320000xi32, #tpu.memory_space<hbm>> -> memref<2x128xi32, #tpu.memory_space<hbm>>
      tpu.enqueue_dma source(%dma_start3A_121 : memref<2x128xi32, #tpu.memory_space<hbm>>) target(%dma_start3A_119 : memref<2x128xi32, #tpu.memory_space<vmem>>) target_semaphore(%run_scoped3A_110 : memref<!tpu.dma_semaphore, #tpu.memory_space<semaphore_mem>>)
      %dma_wait3A = arith.constant 0 : i32
      %dma_wait3A_122 = arith.constant 0 : i32
      %dma_wait3A_123 = tpu.memref_slice %arg4[%run_scoped3A_33, %run_scoped3A_34, %dma_wait3A, %dma_wait3A_122] : memref<2x13x2x128xi32, #tpu.memory_space<vmem>> -> memref<1x1x2x128xi32, #tpu.memory_space<vmem>>
      %dma_wait3A_124 = tpu.memref_squeeze %dma_wait3A_123 : memref<1x1x2x128xi32, #tpu.memory_space<vmem>> -> memref<2x128xi32, #tpu.memory_space<vmem>>
      %dma_wait3A_125 = arith.constant 0 : i32
      %dma_wait3A_126 = tpu.memref_slice %arg2[%dma_wait3A_125, %mul3A_32] : memref<2x320000xi32, #tpu.memory_space<hbm>> -> memref<2x128xi32, #tpu.memory_space<hbm>>
      %dma_wait3A_127 = arith.constant 0 : i32
      %dma_wait3A_128 = arith.constant 0 : i32
      %dma_wait3A_129 = tpu.memref_slice %arg4[%run_scoped3A_33, %run_scoped3A_34, %dma_wait3A_127, %dma_wait3A_128] : memref<2x13x2x128xi32, #tpu.memory_space<vmem>> -> memref<1x1x2x128xi32, #tpu.memory_space<vmem>>
      %dma_wait3A_130 = tpu.memref_squeeze %dma_wait3A_129 : memref<1x1x2x128xi32, #tpu.memory_space<vmem>> -> memref<2x128xi32, #tpu.memory_space<vmem>>
      %dma_wait3A_131 = arith.constant 0 : i32
      %dma_wait3A_132 = tpu.memref_slice %arg2[%dma_wait3A_131, %mul3A_32] : memref<2x320000xi32, #tpu.memory_space<hbm>> -> memref<2x128xi32, #tpu.memory_space<hbm>>
      tpu.wait_dma2 semaphore(%run_scoped3A_110 : memref<!tpu.dma_semaphore, #tpu.memory_space<semaphore_mem>>) src(%dma_wait3A_132 : memref<2x128xi32, #tpu.memory_space<hbm>>) dst(%dma_wait3A_130 : memref<2x128xi32, #tpu.memory_space<vmem>>)
      tpu.yield
    }) : () -> ()
    %add3A_35 = arith.constant 3 : i32
    %add3A_36 = arith.addi %mul3A_2, %add3A_35 : i32
    %mul3A_37 = arith.constant 128 : i32
    %mul3A_38 = arith.muli %add3A_36, %mul3A_37 : i32
    %run_scoped3A_39 = arith.constant 0 : i32
    %run_scoped3A_40 = arith.constant 3 : i32
    "tpu.region"() ({
      %run_scoped3A_110 = tpu.sem_alloc : memref<!tpu.dma_semaphore, #tpu.memory_space<semaphore_mem>>
      %dma_start3A = arith.constant 0 : i32
      %dma_start3A_111 = arith.constant 0 : i32
      %dma_start3A_112 = tpu.memref_slice %arg4[%run_scoped3A_39, %run_scoped3A_40, %dma_start3A, %dma_start3A_111] : memref<2x13x2x128xi32, #tpu.memory_space<vmem>> -> memref<1x1x2x128xi32, #tpu.memory_space<vmem>>
      %dma_start3A_113 = tpu.memref_squeeze %dma_start3A_112 : memref<1x1x2x128xi32, #tpu.memory_space<vmem>> -> memref<2x128xi32, #tpu.memory_space<vmem>>
      %dma_start3A_114 = arith.constant 0 : i32
      %dma_start3A_115 = tpu.memref_slice %arg2[%dma_start3A_114, %mul3A_38] : memref<2x320000xi32, #tpu.memory_space<hbm>> -> memref<2x128xi32, #tpu.memory_space<hbm>>
      %dma_start3A_116 = arith.constant 0 : i32
      %dma_start3A_117 = arith.constant 0 : i32
      %dma_start3A_118 = tpu.memref_slice %arg4[%run_scoped3A_39, %run_scoped3A_40, %dma_start3A_116, %dma_start3A_117] : memref<2x13x2x128xi32, #tpu.memory_space<vmem>> -> memref<1x1x2x128xi32, #tpu.memory_space<vmem>>
      %dma_start3A_119 = tpu.memref_squeeze %dma_start3A_118 : memref<1x1x2x128xi32, #tpu.memory_space<vmem>> -> memref<2x128xi32, #tpu.memory_space<vmem>>
      %dma_start3A_120 = arith.constant 0 : i32
      %dma_start3A_121 = tpu.memref_slice %arg2[%dma_start3A_120, %mul3A_38] : memref<2x320000xi32, #tpu.memory_space<hbm>> -> memref<2x128xi32, #tpu.memory_space<hbm>>
      tpu.enqueue_dma source(%dma_start3A_121 : memref<2x128xi32, #tpu.memory_space<hbm>>) target(%dma_start3A_119 : memref<2x128xi32, #tpu.memory_space<vmem>>) target_semaphore(%run_scoped3A_110 : memref<!tpu.dma_semaphore, #tpu.memory_space<semaphore_mem>>)
      %dma_wait3A = arith.constant 0 : i32
      %dma_wait3A_122 = arith.constant 0 : i32
      %dma_wait3A_123 = tpu.memref_slice %arg4[%run_scoped3A_39, %run_scoped3A_40, %dma_wait3A, %dma_wait3A_122] : memref<2x13x2x128xi32, #tpu.memory_space<vmem>> -> memref<1x1x2x128xi32, #tpu.memory_space<vmem>>
      %dma_wait3A_124 = tpu.memref_squeeze %dma_wait3A_123 : memref<1x1x2x128xi32, #tpu.memory_space<vmem>> -> memref<2x128xi32, #tpu.memory_space<vmem>>
      %dma_wait3A_125 = arith.constant 0 : i32
      %dma_wait3A_126 = tpu.memref_slice %arg2[%dma_wait3A_125, %mul3A_38] : memref<2x320000xi32, #tpu.memory_space<hbm>> -> memref<2x128xi32, #tpu.memory_space<hbm>>
      %dma_wait3A_127 = arith.constant 0 : i32
      %dma_wait3A_128 = arith.constant 0 : i32
      %dma_wait3A_129 = tpu.memref_slice %arg4[%run_scoped3A_39, %run_scoped3A_40, %dma_wait3A_127, %dma_wait3A_128] : memref<2x13x2x128xi32, #tpu.memory_space<vmem>> -> memref<1x1x2x128xi32, #tpu.memory_space<vmem>>
      %dma_wait3A_130 = tpu.memref_squeeze %dma_wait3A_129 : memref<1x1x2x128xi32, #tpu.memory_space<vmem>> -> memref<2x128xi32, #tpu.memory_space<vmem>>
      %dma_wait3A_131 = arith.constant 0 : i32
      %dma_wait3A_132 = tpu.memref_slice %arg2[%dma_wait3A_131, %mul3A_38] : memref<2x320000xi32, #tpu.memory_space<hbm>> -> memref<2x128xi32, #tpu.memory_space<hbm>>
      tpu.wait_dma2 semaphore(%run_scoped3A_110 : memref<!tpu.dma_semaphore, #tpu.memory_space<semaphore_mem>>) src(%dma_wait3A_132 : memref<2x128xi32, #tpu.memory_space<hbm>>) dst(%dma_wait3A_130 : memref<2x128xi32, #tpu.memory_space<vmem>>)
      tpu.yield
    }) : () -> ()
    %add3A_41 = arith.constant 4 : i32
    %add3A_42 = arith.addi %mul3A_2, %add3A_41 : i32
    %mul3A_43 = arith.constant 128 : i32
    %mul3A_44 = arith.muli %add3A_42, %mul3A_43 : i32
    %run_scoped3A_45 = arith.constant 0 : i32
    %run_scoped3A_46 = arith.constant 4 : i32
    "tpu.region"() ({
      %run_scoped3A_110 = tpu.sem_alloc : memref<!tpu.dma_semaphore, #tpu.memory_space<semaphore_mem>>
      %dma_start3A = arith.constant 0 : i32
      %dma_start3A_111 = arith.constant 0 : i32
      %dma_start3A_112 = tpu.memref_slice %arg4[%run_scoped3A_45, %run_scoped3A_46, %dma_start3A, %dma_start3A_111] : memref<2x13x2x128xi32, #tpu.memory_space<vmem>> -> memref<1x1x2x128xi32, #tpu.memory_space<vmem>>
      %dma_start3A_113 = tpu.memref_squeeze %dma_start3A_112 : memref<1x1x2x128xi32, #tpu.memory_space<vmem>> -> memref<2x128xi32, #tpu.memory_space<vmem>>
      %dma_start3A_114 = arith.constant 0 : i32
      %dma_start3A_115 = tpu.memref_slice %arg2[%dma_start3A_114, %mul3A_44] : memref<2x320000xi32, #tpu.memory_space<hbm>> -> memref<2x128xi32, #tpu.memory_space<hbm>>
      %dma_start3A_116 = arith.constant 0 : i32
      %dma_start3A_117 = arith.constant 0 : i32
      %dma_start3A_118 = tpu.memref_slice %arg4[%run_scoped3A_45, %run_scoped3A_46, %dma_start3A_116, %dma_start3A_117] : memref<2x13x2x128xi32, #tpu.memory_space<vmem>> -> memref<1x1x2x128xi32, #tpu.memory_space<vmem>>
      %dma_start3A_119 = tpu.memref_squeeze %dma_start3A_118 : memref<1x1x2x128xi32, #tpu.memory_space<vmem>> -> memref<2x128xi32, #tpu.memory_space<vmem>>
      %dma_start3A_120 = arith.constant 0 : i32
      %dma_start3A_121 = tpu.memref_slice %arg2[%dma_start3A_120, %mul3A_44] : memref<2x320000xi32, #tpu.memory_space<hbm>> -> memref<2x128xi32, #tpu.memory_space<hbm>>
      tpu.enqueue_dma source(%dma_start3A_121 : memref<2x128xi32, #tpu.memory_space<hbm>>) target(%dma_start3A_119 : memref<2x128xi32, #tpu.memory_space<vmem>>) target_semaphore(%run_scoped3A_110 : memref<!tpu.dma_semaphore, #tpu.memory_space<semaphore_mem>>)
      %dma_wait3A = arith.constant 0 : i32
      %dma_wait3A_122 = arith.constant 0 : i32
      %dma_wait3A_123 = tpu.memref_slice %arg4[%run_scoped3A_45, %run_scoped3A_46, %dma_wait3A, %dma_wait3A_122] : memref<2x13x2x128xi32, #tpu.memory_space<vmem>> -> memref<1x1x2x128xi32, #tpu.memory_space<vmem>>
      %dma_wait3A_124 = tpu.memref_squeeze %dma_wait3A_123 : memref<1x1x2x128xi32, #tpu.memory_space<vmem>> -> memref<2x128xi32, #tpu.memory_space<vmem>>
      %dma_wait3A_125 = arith.constant 0 : i32
      %dma_wait3A_126 = tpu.memref_slice %arg2[%dma_wait3A_125, %mul3A_44] : memref<2x320000xi32, #tpu.memory_space<hbm>> -> memref<2x128xi32, #tpu.memory_space<hbm>>
      %dma_wait3A_127 = arith.constant 0 : i32
      %dma_wait3A_128 = arith.constant 0 : i32
      %dma_wait3A_129 = tpu.memref_slice %arg4[%run_scoped3A_45, %run_scoped3A_46, %dma_wait3A_127, %dma_wait3A_128] : memref<2x13x2x128xi32, #tpu.memory_space<vmem>> -> memref<1x1x2x128xi32, #tpu.memory_space<vmem>>
      %dma_wait3A_130 = tpu.memref_squeeze %dma_wait3A_129 : memref<1x1x2x128xi32, #tpu.memory_space<vmem>> -> memref<2x128xi32, #tpu.memory_space<vmem>>
      %dma_wait3A_131 = arith.constant 0 : i32
      %dma_wait3A_132 = tpu.memref_slice %arg2[%dma_wait3A_131, %mul3A_44] : memref<2x320000xi32, #tpu.memory_space<hbm>> -> memref<2x128xi32, #tpu.memory_space<hbm>>
      tpu.wait_dma2 semaphore(%run_scoped3A_110 : memref<!tpu.dma_semaphore, #tpu.memory_space<semaphore_mem>>) src(%dma_wait3A_132 : memref<2x128xi32, #tpu.memory_space<hbm>>) dst(%dma_wait3A_130 : memref<2x128xi32, #tpu.memory_space<vmem>>)
      tpu.yield
    }) : () -> ()
    %add3A_47 = arith.constant 5 : i32
    %add3A_48 = arith.addi %mul3A_2, %add3A_47 : i32
    %mul3A_49 = arith.constant 128 : i32
    %mul3A_50 = arith.muli %add3A_48, %mul3A_49 : i32
    %run_scoped3A_51 = arith.constant 0 : i32
    %run_scoped3A_52 = arith.constant 5 : i32
    "tpu.region"() ({
      %run_scoped3A_110 = tpu.sem_alloc : memref<!tpu.dma_semaphore, #tpu.memory_space<semaphore_mem>>
      %dma_start3A = arith.constant 0 : i32
      %dma_start3A_111 = arith.constant 0 : i32
      %dma_start3A_112 = tpu.memref_slice %arg4[%run_scoped3A_51, %run_scoped3A_52, %dma_start3A, %dma_start3A_111] : memref<2x13x2x128xi32, #tpu.memory_space<vmem>> -> memref<1x1x2x128xi32, #tpu.memory_space<vmem>>
      %dma_start3A_113 = tpu.memref_squeeze %dma_start3A_112 : memref<1x1x2x128xi32, #tpu.memory_space<vmem>> -> memref<2x128xi32, #tpu.memory_space<vmem>>
      %dma_start3A_114 = arith.constant 0 : i32
      %dma_start3A_115 = tpu.memref_slice %arg2[%dma_start3A_114, %mul3A_50] : memref<2x320000xi32, #tpu.memory_space<hbm>> -> memref<2x128xi32, #tpu.memory_space<hbm>>
      %dma_start3A_116 = arith.constant 0 : i32
      %dma_start3A_117 = arith.constant 0 : i32
      %dma_start3A_118 = tpu.memref_slice %arg4[%run_scoped3A_51, %run_scoped3A_52, %dma_start3A_116, %dma_start3A_117] : memref<2x13x2x128xi32, #tpu.memory_space<vmem>> -> memref<1x1x2x128xi32, #tpu.memory_space<vmem>>
      %dma_start3A_119 = tpu.memref_squeeze %dma_start3A_118 : memref<1x1x2x128xi32, #tpu.memory_space<vmem>> -> memref<2x128xi32, #tpu.memory_space<vmem>>
      %dma_start3A_120 = arith.constant 0 : i32
      %dma_start3A_121 = tpu.memref_slice %arg2[%dma_start3A_120, %mul3A_50] : memref<2x320000xi32, #tpu.memory_space<hbm>> -> memref<2x128xi32, #tpu.memory_space<hbm>>
      tpu.enqueue_dma source(%dma_start3A_121 : memref<2x128xi32, #tpu.memory_space<hbm>>) target(%dma_start3A_119 : memref<2x128xi32, #tpu.memory_space<vmem>>) target_semaphore(%run_scoped3A_110 : memref<!tpu.dma_semaphore, #tpu.memory_space<semaphore_mem>>)
      %dma_wait3A = arith.constant 0 : i32
      %dma_wait3A_122 = arith.constant 0 : i32
      %dma_wait3A_123 = tpu.memref_slice %arg4[%run_scoped3A_51, %run_scoped3A_52, %dma_wait3A, %dma_wait3A_122] : memref<2x13x2x128xi32, #tpu.memory_space<vmem>> -> memref<1x1x2x128xi32, #tpu.memory_space<vmem>>
      %dma_wait3A_124 = tpu.memref_squeeze %dma_wait3A_123 : memref<1x1x2x128xi32, #tpu.memory_space<vmem>> -> memref<2x128xi32, #tpu.memory_space<vmem>>
      %dma_wait3A_125 = arith.constant 0 : i32
      %dma_wait3A_126 = tpu.memref_slice %arg2[%dma_wait3A_125, %mul3A_50] : memref<2x320000xi32, #tpu.memory_space<hbm>> -> memref<2x128xi32, #tpu.memory_space<hbm>>
      %dma_wait3A_127 = arith.constant 0 : i32
      %dma_wait3A_128 = arith.constant 0 : i32
      %dma_wait3A_129 = tpu.memref_slice %arg4[%run_scoped3A_51, %run_scoped3A_52, %dma_wait3A_127, %dma_wait3A_128] : memref<2x13x2x128xi32, #tpu.memory_space<vmem>> -> memref<1x1x2x128xi32, #tpu.memory_space<vmem>>
      %dma_wait3A_130 = tpu.memref_squeeze %dma_wait3A_129 : memref<1x1x2x128xi32, #tpu.memory_space<vmem>> -> memref<2x128xi32, #tpu.memory_space<vmem>>
      %dma_wait3A_131 = arith.constant 0 : i32
      %dma_wait3A_132 = tpu.memref_slice %arg2[%dma_wait3A_131, %mul3A_50] : memref<2x320000xi32, #tpu.memory_space<hbm>> -> memref<2x128xi32, #tpu.memory_space<hbm>>
      tpu.wait_dma2 semaphore(%run_scoped3A_110 : memref<!tpu.dma_semaphore, #tpu.memory_space<semaphore_mem>>) src(%dma_wait3A_132 : memref<2x128xi32, #tpu.memory_space<hbm>>) dst(%dma_wait3A_130 : memref<2x128xi32, #tpu.memory_space<vmem>>)
      tpu.yield
    }) : () -> ()
    %add3A_53 = arith.constant 6 : i32
    %add3A_54 = arith.addi %mul3A_2, %add3A_53 : i32
    %mul3A_55 = arith.constant 128 : i32
    %mul3A_56 = arith.muli %add3A_54, %mul3A_55 : i32
    %run_scoped3A_57 = arith.constant 0 : i32
    %run_scoped3A_58 = arith.constant 6 : i32
    "tpu.region"() ({
      %run_scoped3A_110 = tpu.sem_alloc : memref<!tpu.dma_semaphore, #tpu.memory_space<semaphore_mem>>
      %dma_start3A = arith.constant 0 : i32
      %dma_start3A_111 = arith.constant 0 : i32
      %dma_start3A_112 = tpu.memref_slice %arg4[%run_scoped3A_57, %run_scoped3A_58, %dma_start3A, %dma_start3A_111] : memref<2x13x2x128xi32, #tpu.memory_space<vmem>> -> memref<1x1x2x128xi32, #tpu.memory_space<vmem>>
      %dma_start3A_113 = tpu.memref_squeeze %dma_start3A_112 : memref<1x1x2x128xi32, #tpu.memory_space<vmem>> -> memref<2x128xi32, #tpu.memory_space<vmem>>
      %dma_start3A_114 = arith.constant 0 : i32
      %dma_start3A_115 = tpu.memref_slice %arg2[%dma_start3A_114, %mul3A_56] : memref<2x320000xi32, #tpu.memory_space<hbm>> -> memref<2x128xi32, #tpu.memory_space<hbm>>
      %dma_start3A_116 = arith.constant 0 : i32
      %dma_start3A_117 = arith.constant 0 : i32
      %dma_start3A_118 = tpu.memref_slice %arg4[%run_scoped3A_57, %run_scoped3A_58, %dma_start3A_116, %dma_start3A_117] : memref<2x13x2x128xi32, #tpu.memory_space<vmem>> -> memref<1x1x2x128xi32, #tpu.memory_space<vmem>>
      %dma_start3A_119 = tpu.memref_squeeze %dma_start3A_118 : memref<1x1x2x128xi32, #tpu.memory_space<vmem>> -> memref<2x128xi32, #tpu.memory_space<vmem>>
      %dma_start3A_120 = arith.constant 0 : i32
      %dma_start3A_121 = tpu.memref_slice %arg2[%dma_start3A_120, %mul3A_56] : memref<2x320000xi32, #tpu.memory_space<hbm>> -> memref<2x128xi32, #tpu.memory_space<hbm>>
      tpu.enqueue_dma source(%dma_start3A_121 : memref<2x128xi32, #tpu.memory_space<hbm>>) target(%dma_start3A_119 : memref<2x128xi32, #tpu.memory_space<vmem>>) target_semaphore(%run_scoped3A_110 : memref<!tpu.dma_semaphore, #tpu.memory_space<semaphore_mem>>)
      %dma_wait3A = arith.constant 0 : i32
      %dma_wait3A_122 = arith.constant 0 : i32
      %dma_wait3A_123 = tpu.memref_slice %arg4[%run_scoped3A_57, %run_scoped3A_58, %dma_wait3A, %dma_wait3A_122] : memref<2x13x2x128xi32, #tpu.memory_space<vmem>> -> memref<1x1x2x128xi32, #tpu.memory_space<vmem>>
      %dma_wait3A_124 = tpu.memref_squeeze %dma_wait3A_123 : memref<1x1x2x128xi32, #tpu.memory_space<vmem>> -> memref<2x128xi32, #tpu.memory_space<vmem>>
      %dma_wait3A_125 = arith.constant 0 : i32
      %dma_wait3A_126 = tpu.memref_slice %arg2[%dma_wait3A_125, %mul3A_56] : memref<2x320000xi32, #tpu.memory_space<hbm>> -> memref<2x128xi32, #tpu.memory_space<hbm>>
      %dma_wait3A_127 = arith.constant 0 : i32
      %dma_wait3A_128 = arith.constant 0 : i32
      %dma_wait3A_129 = tpu.memref_slice %arg4[%run_scoped3A_57, %run_scoped3A_58, %dma_wait3A_127, %dma_wait3A_128] : memref<2x13x2x128xi32, #tpu.memory_space<vmem>> -> memref<1x1x2x128xi32, #tpu.memory_space<vmem>>
      %dma_wait3A_130 = tpu.memref_squeeze %dma_wait3A_129 : memref<1x1x2x128xi32, #tpu.memory_space<vmem>> -> memref<2x128xi32, #tpu.memory_space<vmem>>
      %dma_wait3A_131 = arith.constant 0 : i32
      %dma_wait3A_132 = tpu.memref_slice %arg2[%dma_wait3A_131, %mul3A_56] : memref<2x320000xi32, #tpu.memory_space<hbm>> -> memref<2x128xi32, #tpu.memory_space<hbm>>
      tpu.wait_dma2 semaphore(%run_scoped3A_110 : memref<!tpu.dma_semaphore, #tpu.memory_space<semaphore_mem>>) src(%dma_wait3A_132 : memref<2x128xi32, #tpu.memory_space<hbm>>) dst(%dma_wait3A_130 : memref<2x128xi32, #tpu.memory_space<vmem>>)
      tpu.yield
    }) : () -> ()
    %add3A_59 = arith.constant 7 : i32
    %add3A_60 = arith.addi %mul3A_2, %add3A_59 : i32
    %mul3A_61 = arith.constant 128 : i32
    %mul3A_62 = arith.muli %add3A_60, %mul3A_61 : i32
    %run_scoped3A_63 = arith.constant 0 : i32
    %run_scoped3A_64 = arith.constant 7 : i32
    "tpu.region"() ({
      %run_scoped3A_110 = tpu.sem_alloc : memref<!tpu.dma_semaphore, #tpu.memory_space<semaphore_mem>>
      %dma_start3A = arith.constant 0 : i32
      %dma_start3A_111 = arith.constant 0 : i32
      %dma_start3A_112 = tpu.memref_slice %arg4[%run_scoped3A_63, %run_scoped3A_64, %dma_start3A, %dma_start3A_111] : memref<2x13x2x128xi32, #tpu.memory_space<vmem>> -> memref<1x1x2x128xi32, #tpu.memory_space<vmem>>
      %dma_start3A_113 = tpu.memref_squeeze %dma_start3A_112 : memref<1x1x2x128xi32, #tpu.memory_space<vmem>> -> memref<2x128xi32, #tpu.memory_space<vmem>>
      %dma_start3A_114 = arith.constant 0 : i32
      %dma_start3A_115 = tpu.memref_slice %arg2[%dma_start3A_114, %mul3A_62] : memref<2x320000xi32, #tpu.memory_space<hbm>> -> memref<2x128xi32, #tpu.memory_space<hbm>>
      %dma_start3A_116 = arith.constant 0 : i32
      %dma_start3A_117 = arith.constant 0 : i32
      %dma_start3A_118 = tpu.memref_slice %arg4[%run_scoped3A_63, %run_scoped3A_64, %dma_start3A_116, %dma_start3A_117] : memref<2x13x2x128xi32, #tpu.memory_space<vmem>> -> memref<1x1x2x128xi32, #tpu.memory_space<vmem>>
      %dma_start3A_119 = tpu.memref_squeeze %dma_start3A_118 : memref<1x1x2x128xi32, #tpu.memory_space<vmem>> -> memref<2x128xi32, #tpu.memory_space<vmem>>
      %dma_start3A_120 = arith.constant 0 : i32
      %dma_start3A_121 = tpu.memref_slice %arg2[%dma_start3A_120, %mul3A_62] : memref<2x320000xi32, #tpu.memory_space<hbm>> -> memref<2x128xi32, #tpu.memory_space<hbm>>
      tpu.enqueue_dma source(%dma_start3A_121 : memref<2x128xi32, #tpu.memory_space<hbm>>) target(%dma_start3A_119 : memref<2x128xi32, #tpu.memory_space<vmem>>) target_semaphore(%run_scoped3A_110 : memref<!tpu.dma_semaphore, #tpu.memory_space<semaphore_mem>>)
      %dma_wait3A = arith.constant 0 : i32
      %dma_wait3A_122 = arith.constant 0 : i32
      %dma_wait3A_123 = tpu.memref_slice %arg4[%run_scoped3A_63, %run_scoped3A_64, %dma_wait3A, %dma_wait3A_122] : memref<2x13x2x128xi32, #tpu.memory_space<vmem>> -> memref<1x1x2x128xi32, #tpu.memory_space<vmem>>
      %dma_wait3A_124 = tpu.memref_squeeze %dma_wait3A_123 : memref<1x1x2x128xi32, #tpu.memory_space<vmem>> -> memref<2x128xi32, #tpu.memory_space<vmem>>
      %dma_wait3A_125 = arith.constant 0 : i32
      %dma_wait3A_126 = tpu.memref_slice %arg2[%dma_wait3A_125, %mul3A_62] : memref<2x320000xi32, #tpu.memory_space<hbm>> -> memref<2x128xi32, #tpu.memory_space<hbm>>
      %dma_wait3A_127 = arith.constant 0 : i32
      %dma_wait3A_128 = arith.constant 0 : i32
      %dma_wait3A_129 = tpu.memref_slice %arg4[%run_scoped3A_63, %run_scoped3A_64, %dma_wait3A_127, %dma_wait3A_128] : memref<2x13x2x128xi32, #tpu.memory_space<vmem>> -> memref<1x1x2x128xi32, #tpu.memory_space<vmem>>
      %dma_wait3A_130 = tpu.memref_squeeze %dma_wait3A_129 : memref<1x1x2x128xi32, #tpu.memory_space<vmem>> -> memref<2x128xi32, #tpu.memory_space<vmem>>
      %dma_wait3A_131 = arith.constant 0 : i32
      %dma_wait3A_132 = tpu.memref_slice %arg2[%dma_wait3A_131, %mul3A_62] : memref<2x320000xi32, #tpu.memory_space<hbm>> -> memref<2x128xi32, #tpu.memory_space<hbm>>
      tpu.wait_dma2 semaphore(%run_scoped3A_110 : memref<!tpu.dma_semaphore, #tpu.memory_space<semaphore_mem>>) src(%dma_wait3A_132 : memref<2x128xi32, #tpu.memory_space<hbm>>) dst(%dma_wait3A_130 : memref<2x128xi32, #tpu.memory_space<vmem>>)
      tpu.yield
    }) : () -> ()
    %add3A_65 = arith.constant 8 : i32
    %add3A_66 = arith.addi %mul3A_2, %add3A_65 : i32
    %mul3A_67 = arith.constant 128 : i32
    %mul3A_68 = arith.muli %add3A_66, %mul3A_67 : i32
    %run_scoped3A_69 = arith.constant 0 : i32
    %run_scoped3A_70 = arith.constant 8 : i32
    "tpu.region"() ({
      %run_scoped3A_110 = tpu.sem_alloc : memref<!tpu.dma_semaphore, #tpu.memory_space<semaphore_mem>>
      %dma_start3A = arith.constant 0 : i32
      %dma_start3A_111 = arith.constant 0 : i32
      %dma_start3A_112 = tpu.memref_slice %arg4[%run_scoped3A_69, %run_scoped3A_70, %dma_start3A, %dma_start3A_111] : memref<2x13x2x128xi32, #tpu.memory_space<vmem>> -> memref<1x1x2x128xi32, #tpu.memory_space<vmem>>
      %dma_start3A_113 = tpu.memref_squeeze %dma_start3A_112 : memref<1x1x2x128xi32, #tpu.memory_space<vmem>> -> memref<2x128xi32, #tpu.memory_space<vmem>>
      %dma_start3A_114 = arith.constant 0 : i32
      %dma_start3A_115 = tpu.memref_slice %arg2[%dma_start3A_114, %mul3A_68] : memref<2x320000xi32, #tpu.memory_space<hbm>> -> memref<2x128xi32, #tpu.memory_space<hbm>>
      %dma_start3A_116 = arith.constant 0 : i32
      %dma_start3A_117 = arith.constant 0 : i32
      %dma_start3A_118 = tpu.memref_slice %arg4[%run_scoped3A_69, %run_scoped3A_70, %dma_start3A_116, %dma_start3A_117] : memref<2x13x2x128xi32, #tpu.memory_space<vmem>> -> memref<1x1x2x128xi32, #tpu.memory_space<vmem>>
      %dma_start3A_119 = tpu.memref_squeeze %dma_start3A_118 : memref<1x1x2x128xi32, #tpu.memory_space<vmem>> -> memref<2x128xi32, #tpu.memory_space<vmem>>
      %dma_start3A_120 = arith.constant 0 : i32
      %dma_start3A_121 = tpu.memref_slice %arg2[%dma_start3A_120, %mul3A_68] : memref<2x320000xi32, #tpu.memory_space<hbm>> -> memref<2x128xi32, #tpu.memory_space<hbm>>
      tpu.enqueue_dma source(%dma_start3A_121 : memref<2x128xi32, #tpu.memory_space<hbm>>) target(%dma_start3A_119 : memref<2x128xi32, #tpu.memory_space<vmem>>) target_semaphore(%run_scoped3A_110 : memref<!tpu.dma_semaphore, #tpu.memory_space<semaphore_mem>>)
      %dma_wait3A = arith.constant 0 : i32
      %dma_wait3A_122 = arith.constant 0 : i32
      %dma_wait3A_123 = tpu.memref_slice %arg4[%run_scoped3A_69, %run_scoped3A_70, %dma_wait3A, %dma_wait3A_122] : memref<2x13x2x128xi32, #tpu.memory_space<vmem>> -> memref<1x1x2x128xi32, #tpu.memory_space<vmem>>
      %dma_wait3A_124 = tpu.memref_squeeze %dma_wait3A_123 : memref<1x1x2x128xi32, #tpu.memory_space<vmem>> -> memref<2x128xi32, #tpu.memory_space<vmem>>
      %dma_wait3A_125 = arith.constant 0 : i32
      %dma_wait3A_126 = tpu.memref_slice %arg2[%dma_wait3A_125, %mul3A_68] : memref<2x320000xi32, #tpu.memory_space<hbm>> -> memref<2x128xi32, #tpu.memory_space<hbm>>
      %dma_wait3A_127 = arith.constant 0 : i32
      %dma_wait3A_128 = arith.constant 0 : i32
      %dma_wait3A_129 = tpu.memref_slice %arg4[%run_scoped3A_69, %run_scoped3A_70, %dma_wait3A_127, %dma_wait3A_128] : memref<2x13x2x128xi32, #tpu.memory_space<vmem>> -> memref<1x1x2x128xi32, #tpu.memory_space<vmem>>
      %dma_wait3A_130 = tpu.memref_squeeze %dma_wait3A_129 : memref<1x1x2x128xi32, #tpu.memory_space<vmem>> -> memref<2x128xi32, #tpu.memory_space<vmem>>
      %dma_wait3A_131 = arith.constant 0 : i32
      %dma_wait3A_132 = tpu.memref_slice %arg2[%dma_wait3A_131, %mul3A_68] : memref<2x320000xi32, #tpu.memory_space<hbm>> -> memref<2x128xi32, #tpu.memory_space<hbm>>
      tpu.wait_dma2 semaphore(%run_scoped3A_110 : memref<!tpu.dma_semaphore, #tpu.memory_space<semaphore_mem>>) src(%dma_wait3A_132 : memref<2x128xi32, #tpu.memory_space<hbm>>) dst(%dma_wait3A_130 : memref<2x128xi32, #tpu.memory_space<vmem>>)
      tpu.yield
    }) : () -> ()
    %add3A_71 = arith.constant 9 : i32
    %add3A_72 = arith.addi %mul3A_2, %add3A_71 : i32
    %mul3A_73 = arith.constant 128 : i32
    %mul3A_74 = arith.muli %add3A_72, %mul3A_73 : i32
    %run_scoped3A_75 = arith.constant 0 : i32
    %run_scoped3A_76 = arith.constant 9 : i32
    "tpu.region"() ({
      %run_scoped3A_110 = tpu.sem_alloc : memref<!tpu.dma_semaphore, #tpu.memory_space<semaphore_mem>>
      %dma_start3A = arith.constant 0 : i32
      %dma_start3A_111 = arith.constant 0 : i32
      %dma_start3A_112 = tpu.memref_slice %arg4[%run_scoped3A_75, %run_scoped3A_76, %dma_start3A, %dma_start3A_111] : memref<2x13x2x128xi32, #tpu.memory_space<vmem>> -> memref<1x1x2x128xi32, #tpu.memory_space<vmem>>
      %dma_start3A_113 = tpu.memref_squeeze %dma_start3A_112 : memref<1x1x2x128xi32, #tpu.memory_space<vmem>> -> memref<2x128xi32, #tpu.memory_space<vmem>>
      %dma_start3A_114 = arith.constant 0 : i32
      %dma_start3A_115 = tpu.memref_slice %arg2[%dma_start3A_114, %mul3A_74] : memref<2x320000xi32, #tpu.memory_space<hbm>> -> memref<2x128xi32, #tpu.memory_space<hbm>>
      %dma_start3A_116 = arith.constant 0 : i32
      %dma_start3A_117 = arith.constant 0 : i32
      %dma_start3A_118 = tpu.memref_slice %arg4[%run_scoped3A_75, %run_scoped3A_76, %dma_start3A_116, %dma_start3A_117] : memref<2x13x2x128xi32, #tpu.memory_space<vmem>> -> memref<1x1x2x128xi32, #tpu.memory_space<vmem>>
      %dma_start3A_119 = tpu.memref_squeeze %dma_start3A_118 : memref<1x1x2x128xi32, #tpu.memory_space<vmem>> -> memref<2x128xi32, #tpu.memory_space<vmem>>
      %dma_start3A_120 = arith.constant 0 : i32
      %dma_start3A_121 = tpu.memref_slice %arg2[%dma_start3A_120, %mul3A_74] : memref<2x320000xi32, #tpu.memory_space<hbm>> -> memref<2x128xi32, #tpu.memory_space<hbm>>
      tpu.enqueue_dma source(%dma_start3A_121 : memref<2x128xi32, #tpu.memory_space<hbm>>) target(%dma_start3A_119 : memref<2x128xi32, #tpu.memory_space<vmem>>) target_semaphore(%run_scoped3A_110 : memref<!tpu.dma_semaphore, #tpu.memory_space<semaphore_mem>>)
      %dma_wait3A = arith.constant 0 : i32
      %dma_wait3A_122 = arith.constant 0 : i32
      %dma_wait3A_123 = tpu.memref_slice %arg4[%run_scoped3A_75, %run_scoped3A_76, %dma_wait3A, %dma_wait3A_122] : memref<2x13x2x128xi32, #tpu.memory_space<vmem>> -> memref<1x1x2x128xi32, #tpu.memory_space<vmem>>
      %dma_wait3A_124 = tpu.memref_squeeze %dma_wait3A_123 : memref<1x1x2x128xi32, #tpu.memory_space<vmem>> -> memref<2x128xi32, #tpu.memory_space<vmem>>
      %dma_wait3A_125 = arith.constant 0 : i32
      %dma_wait3A_126 = tpu.memref_slice %arg2[%dma_wait3A_125, %mul3A_74] : memref<2x320000xi32, #tpu.memory_space<hbm>> -> memref<2x128xi32, #tpu.memory_space<hbm>>
      %dma_wait3A_127 = arith.constant 0 : i32
      %dma_wait3A_128 = arith.constant 0 : i32
      %dma_wait3A_129 = tpu.memref_slice %arg4[%run_scoped3A_75, %run_scoped3A_76, %dma_wait3A_127, %dma_wait3A_128] : memref<2x13x2x128xi32, #tpu.memory_space<vmem>> -> memref<1x1x2x128xi32, #tpu.memory_space<vmem>>
      %dma_wait3A_130 = tpu.memref_squeeze %dma_wait3A_129 : memref<1x1x2x128xi32, #tpu.memory_space<vmem>> -> memref<2x128xi32, #tpu.memory_space<vmem>>
      %dma_wait3A_131 = arith.constant 0 : i32
      %dma_wait3A_132 = tpu.memref_slice %arg2[%dma_wait3A_131, %mul3A_74] : memref<2x320000xi32, #tpu.memory_space<hbm>> -> memref<2x128xi32, #tpu.memory_space<hbm>>
      tpu.wait_dma2 semaphore(%run_scoped3A_110 : memref<!tpu.dma_semaphore, #tpu.memory_space<semaphore_mem>>) src(%dma_wait3A_132 : memref<2x128xi32, #tpu.memory_space<hbm>>) dst(%dma_wait3A_130 : memref<2x128xi32, #tpu.memory_space<vmem>>)
      tpu.yield
    }) : () -> ()
    %add3A_77 = arith.constant 10 : i32
    %add3A_78 = arith.addi %mul3A_2, %add3A_77 : i32
    %mul3A_79 = arith.constant 128 : i32
    %mul3A_80 = arith.muli %add3A_78, %mul3A_79 : i32
    %run_scoped3A_81 = arith.constant 0 : i32
    %run_scoped3A_82 = arith.constant 10 : i32
    "tpu.region"() ({
      %run_scoped3A_110 = tpu.sem_alloc : memref<!tpu.dma_semaphore, #tpu.memory_space<semaphore_mem>>
      %dma_start3A = arith.constant 0 : i32
      %dma_start3A_111 = arith.constant 0 : i32
      %dma_start3A_112 = tpu.memref_slice %arg4[%run_scoped3A_81, %run_scoped3A_82, %dma_start3A, %dma_start3A_111] : memref<2x13x2x128xi32, #tpu.memory_space<vmem>> -> memref<1x1x2x128xi32, #tpu.memory_space<vmem>>
      %dma_start3A_113 = tpu.memref_squeeze %dma_start3A_112 : memref<1x1x2x128xi32, #tpu.memory_space<vmem>> -> memref<2x128xi32, #tpu.memory_space<vmem>>
      %dma_start3A_114 = arith.constant 0 : i32
      %dma_start3A_115 = tpu.memref_slice %arg2[%dma_start3A_114, %mul3A_80] : memref<2x320000xi32, #tpu.memory_space<hbm>> -> memref<2x128xi32, #tpu.memory_space<hbm>>
      %dma_start3A_116 = arith.constant 0 : i32
      %dma_start3A_117 = arith.constant 0 : i32
      %dma_start3A_118 = tpu.memref_slice %arg4[%run_scoped3A_81, %run_scoped3A_82, %dma_start3A_116, %dma_start3A_117] : memref<2x13x2x128xi32, #tpu.memory_space<vmem>> -> memref<1x1x2x128xi32, #tpu.memory_space<vmem>>
      %dma_start3A_119 = tpu.memref_squeeze %dma_start3A_118 : memref<1x1x2x128xi32, #tpu.memory_space<vmem>> -> memref<2x128xi32, #tpu.memory_space<vmem>>
      %dma_start3A_120 = arith.constant 0 : i32
      %dma_start3A_121 = tpu.memref_slice %arg2[%dma_start3A_120, %mul3A_80] : memref<2x320000xi32, #tpu.memory_space<hbm>> -> memref<2x128xi32, #tpu.memory_space<hbm>>
      tpu.enqueue_dma source(%dma_start3A_121 : memref<2x128xi32, #tpu.memory_space<hbm>>) target(%dma_start3A_119 : memref<2x128xi32, #tpu.memory_space<vmem>>) target_semaphore(%run_scoped3A_110 : memref<!tpu.dma_semaphore, #tpu.memory_space<semaphore_mem>>)
      %dma_wait3A = arith.constant 0 : i32
      %dma_wait3A_122 = arith.constant 0 : i32
      %dma_wait3A_123 = tpu.memref_slice %arg4[%run_scoped3A_81, %run_scoped3A_82, %dma_wait3A, %dma_wait3A_122] : memref<2x13x2x128xi32, #tpu.memory_space<vmem>> -> memref<1x1x2x128xi32, #tpu.memory_space<vmem>>
      %dma_wait3A_124 = tpu.memref_squeeze %dma_wait3A_123 : memref<1x1x2x128xi32, #tpu.memory_space<vmem>> -> memref<2x128xi32, #tpu.memory_space<vmem>>
      %dma_wait3A_125 = arith.constant 0 : i32
      %dma_wait3A_126 = tpu.memref_slice %arg2[%dma_wait3A_125, %mul3A_80] : memref<2x320000xi32, #tpu.memory_space<hbm>> -> memref<2x128xi32, #tpu.memory_space<hbm>>
      %dma_wait3A_127 = arith.constant 0 : i32
      %dma_wait3A_128 = arith.constant 0 : i32
      %dma_wait3A_129 = tpu.memref_slice %arg4[%run_scoped3A_81, %run_scoped3A_82, %dma_wait3A_127, %dma_wait3A_128] : memref<2x13x2x128xi32, #tpu.memory_space<vmem>> -> memref<1x1x2x128xi32, #tpu.memory_space<vmem>>
      %dma_wait3A_130 = tpu.memref_squeeze %dma_wait3A_129 : memref<1x1x2x128xi32, #tpu.memory_space<vmem>> -> memref<2x128xi32, #tpu.memory_space<vmem>>
      %dma_wait3A_131 = arith.constant 0 : i32
      %dma_wait3A_132 = tpu.memref_slice %arg2[%dma_wait3A_131, %mul3A_80] : memref<2x320000xi32, #tpu.memory_space<hbm>> -> memref<2x128xi32, #tpu.memory_space<hbm>>
      tpu.wait_dma2 semaphore(%run_scoped3A_110 : memref<!tpu.dma_semaphore, #tpu.memory_space<semaphore_mem>>) src(%dma_wait3A_132 : memref<2x128xi32, #tpu.memory_space<hbm>>) dst(%dma_wait3A_130 : memref<2x128xi32, #tpu.memory_space<vmem>>)
      tpu.yield
    }) : () -> ()
    %add3A_83 = arith.constant 11 : i32
    %add3A_84 = arith.addi %mul3A_2, %add3A_83 : i32
    %mul3A_85 = arith.constant 128 : i32
    %mul3A_86 = arith.muli %add3A_84, %mul3A_85 : i32
    %run_scoped3A_87 = arith.constant 0 : i32
    %run_scoped3A_88 = arith.constant 11 : i32
    "tpu.region"() ({
      %run_scoped3A_110 = tpu.sem_alloc : memref<!tpu.dma_semaphore, #tpu.memory_space<semaphore_mem>>
      %dma_start3A = arith.constant 0 : i32
      %dma_start3A_111 = arith.constant 0 : i32
      %dma_start3A_112 = tpu.memref_slice %arg4[%run_scoped3A_87, %run_scoped3A_88, %dma_start3A, %dma_start3A_111] : memref<2x13x2x128xi32, #tpu.memory_space<vmem>> -> memref<1x1x2x128xi32, #tpu.memory_space<vmem>>
      %dma_start3A_113 = tpu.memref_squeeze %dma_start3A_112 : memref<1x1x2x128xi32, #tpu.memory_space<vmem>> -> memref<2x128xi32, #tpu.memory_space<vmem>>
      %dma_start3A_114 = arith.constant 0 : i32
      %dma_start3A_115 = tpu.memref_slice %arg2[%dma_start3A_114, %mul3A_86] : memref<2x320000xi32, #tpu.memory_space<hbm>> -> memref<2x128xi32, #tpu.memory_space<hbm>>
      %dma_start3A_116 = arith.constant 0 : i32
      %dma_start3A_117 = arith.constant 0 : i32
      %dma_start3A_118 = tpu.memref_slice %arg4[%run_scoped3A_87, %run_scoped3A_88, %dma_start3A_116, %dma_start3A_117] : memref<2x13x2x128xi32, #tpu.memory_space<vmem>> -> memref<1x1x2x128xi32, #tpu.memory_space<vmem>>
      %dma_start3A_119 = tpu.memref_squeeze %dma_start3A_118 : memref<1x1x2x128xi32, #tpu.memory_space<vmem>> -> memref<2x128xi32, #tpu.memory_space<vmem>>
      %dma_start3A_120 = arith.constant 0 : i32
      %dma_start3A_121 = tpu.memref_slice %arg2[%dma_start3A_120, %mul3A_86] : memref<2x320000xi32, #tpu.memory_space<hbm>> -> memref<2x128xi32, #tpu.memory_space<hbm>>
      tpu.enqueue_dma source(%dma_start3A_121 : memref<2x128xi32, #tpu.memory_space<hbm>>) target(%dma_start3A_119 : memref<2x128xi32, #tpu.memory_space<vmem>>) target_semaphore(%run_scoped3A_110 : memref<!tpu.dma_semaphore, #tpu.memory_space<semaphore_mem>>)
      %dma_wait3A = arith.constant 0 : i32
      %dma_wait3A_122 = arith.constant 0 : i32
      %dma_wait3A_123 = tpu.memref_slice %arg4[%run_scoped3A_87, %run_scoped3A_88, %dma_wait3A, %dma_wait3A_122] : memref<2x13x2x128xi32, #tpu.memory_space<vmem>> -> memref<1x1x2x128xi32, #tpu.memory_space<vmem>>
      %dma_wait3A_124 = tpu.memref_squeeze %dma_wait3A_123 : memref<1x1x2x128xi32, #tpu.memory_space<vmem>> -> memref<2x128xi32, #tpu.memory_space<vmem>>
      %dma_wait3A_125 = arith.constant 0 : i32
      %dma_wait3A_126 = tpu.memref_slice %arg2[%dma_wait3A_125, %mul3A_86] : memref<2x320000xi32, #tpu.memory_space<hbm>> -> memref<2x128xi32, #tpu.memory_space<hbm>>
      %dma_wait3A_127 = arith.constant 0 : i32
      %dma_wait3A_128 = arith.constant 0 : i32
      %dma_wait3A_129 = tpu.memref_slice %arg4[%run_scoped3A_87, %run_scoped3A_88, %dma_wait3A_127, %dma_wait3A_128] : memref<2x13x2x128xi32, #tpu.memory_space<vmem>> -> memref<1x1x2x128xi32, #tpu.memory_space<vmem>>
      %dma_wait3A_130 = tpu.memref_squeeze %dma_wait3A_129 : memref<1x1x2x128xi32, #tpu.memory_space<vmem>> -> memref<2x128xi32, #tpu.memory_space<vmem>>
      %dma_wait3A_131 = arith.constant 0 : i32
      %dma_wait3A_132 = tpu.memref_slice %arg2[%dma_wait3A_131, %mul3A_86] : memref<2x320000xi32, #tpu.memory_space<hbm>> -> memref<2x128xi32, #tpu.memory_space<hbm>>
      tpu.wait_dma2 semaphore(%run_scoped3A_110 : memref<!tpu.dma_semaphore, #tpu.memory_space<semaphore_mem>>) src(%dma_wait3A_132 : memref<2x128xi32, #tpu.memory_space<hbm>>) dst(%dma_wait3A_130 : memref<2x128xi32, #tpu.memory_space<vmem>>)
      tpu.yield
    }) : () -> ()
    %add3A_89 = arith.constant 12 : i32
    %add3A_90 = arith.addi %mul3A_2, %add3A_89 : i32
    %mul3A_91 = arith.constant 128 : i32
    %mul3A_92 = arith.muli %add3A_90, %mul3A_91 : i32
    %run_scoped3A_93 = arith.constant 0 : i32
    %run_scoped3A_94 = arith.constant 12 : i32
    "tpu.region"() ({
      %run_scoped3A_110 = tpu.sem_alloc : memref<!tpu.dma_semaphore, #tpu.memory_space<semaphore_mem>>
      %dma_start3A = arith.constant 0 : i32
      %dma_start3A_111 = arith.constant 0 : i32
      %dma_start3A_112 = tpu.memref_slice %arg4[%run_scoped3A_93, %run_scoped3A_94, %dma_start3A, %dma_start3A_111] : memref<2x13x2x128xi32, #tpu.memory_space<vmem>> -> memref<1x1x2x128xi32, #tpu.memory_space<vmem>>
      %dma_start3A_113 = tpu.memref_squeeze %dma_start3A_112 : memref<1x1x2x128xi32, #tpu.memory_space<vmem>> -> memref<2x128xi32, #tpu.memory_space<vmem>>
      %dma_start3A_114 = arith.constant 0 : i32
      %dma_start3A_115 = tpu.memref_slice %arg2[%dma_start3A_114, %mul3A_92] : memref<2x320000xi32, #tpu.memory_space<hbm>> -> memref<2x128xi32, #tpu.memory_space<hbm>>
      %dma_start3A_116 = arith.constant 0 : i32
      %dma_start3A_117 = arith.constant 0 : i32
      %dma_start3A_118 = tpu.memref_slice %arg4[%run_scoped3A_93, %run_scoped3A_94, %dma_start3A_116, %dma_start3A_117] : memref<2x13x2x128xi32, #tpu.memory_space<vmem>> -> memref<1x1x2x128xi32, #tpu.memory_space<vmem>>
      %dma_start3A_119 = tpu.memref_squeeze %dma_start3A_118 : memref<1x1x2x128xi32, #tpu.memory_space<vmem>> -> memref<2x128xi32, #tpu.memory_space<vmem>>
      %dma_start3A_120 = arith.constant 0 : i32
      %dma_start3A_121 = tpu.memref_slice %arg2[%dma_start3A_120, %mul3A_92] : memref<2x320000xi32, #tpu.memory_space<hbm>> -> memref<2x128xi32, #tpu.memory_space<hbm>>
      tpu.enqueue_dma source(%dma_start3A_121 : memref<2x128xi32, #tpu.memory_space<hbm>>) target(%dma_start3A_119 : memref<2x128xi32, #tpu.memory_space<vmem>>) target_semaphore(%run_scoped3A_110 : memref<!tpu.dma_semaphore, #tpu.memory_space<semaphore_mem>>)
      %dma_wait3A = arith.constant 0 : i32
      %dma_wait3A_122 = arith.constant 0 : i32
      %dma_wait3A_123 = tpu.memref_slice %arg4[%run_scoped3A_93, %run_scoped3A_94, %dma_wait3A, %dma_wait3A_122] : memref<2x13x2x128xi32, #tpu.memory_space<vmem>> -> memref<1x1x2x128xi32, #tpu.memory_space<vmem>>
      %dma_wait3A_124 = tpu.memref_squeeze %dma_wait3A_123 : memref<1x1x2x128xi32, #tpu.memory_space<vmem>> -> memref<2x128xi32, #tpu.memory_space<vmem>>
      %dma_wait3A_125 = arith.constant 0 : i32
      %dma_wait3A_126 = tpu.memref_slice %arg2[%dma_wait3A_125, %mul3A_92] : memref<2x320000xi32, #tpu.memory_space<hbm>> -> memref<2x128xi32, #tpu.memory_space<hbm>>
      %dma_wait3A_127 = arith.constant 0 : i32
      %dma_wait3A_128 = arith.constant 0 : i32
      %dma_wait3A_129 = tpu.memref_slice %arg4[%run_scoped3A_93, %run_scoped3A_94, %dma_wait3A_127, %dma_wait3A_128] : memref<2x13x2x128xi32, #tpu.memory_space<vmem>> -> memref<1x1x2x128xi32, #tpu.memory_space<vmem>>
      %dma_wait3A_130 = tpu.memref_squeeze %dma_wait3A_129 : memref<1x1x2x128xi32, #tpu.memory_space<vmem>> -> memref<2x128xi32, #tpu.memory_space<vmem>>
      %dma_wait3A_131 = arith.constant 0 : i32
      %dma_wait3A_132 = tpu.memref_slice %arg2[%dma_wait3A_131, %mul3A_92] : memref<2x320000xi32, #tpu.memory_space<hbm>> -> memref<2x128xi32, #tpu.memory_space<hbm>>
      tpu.wait_dma2 semaphore(%run_scoped3A_110 : memref<!tpu.dma_semaphore, #tpu.memory_space<semaphore_mem>>) src(%dma_wait3A_132 : memref<2x128xi32, #tpu.memory_space<hbm>>) dst(%dma_wait3A_130 : memref<2x128xi32, #tpu.memory_space<vmem>>)
      tpu.yield
    }) : () -> ()
    %barrier3A = arith.constant 0 : index
    tpu.barrier barrier_id(%barrier3A)
    %scan3A_95 = arith.constant 0 : i32
    %scan3A_96 = arith.constant 0 : i32
    %scan3A_97 = arith.constant 6 : i32
    %scan3A_98 = arith.addi %scan3A_96, %scan3A_97 : i32
    %scan3A_99 = arith.constant 1 : i32
    %scan3A_100 = scf.for %scan3A_110 = %scan3A_96 to %scan3A_98 step %scan3A_99 iter_args(%scan3A_111 = %scan3A_95) -> (i32)  : i32 {
      %rem3A = arith.constant 2 : i32
      %rem3A_112 = arith.remsi %scan3A_110, %rem3A : i32
      %eq3A = arith.constant 0 : i32
      %eq3A_113 = arith.cmpi eq, %rem3A_112, %eq3A : i32
      %gt3A = arith.constant 0 : i32
      %gt3A_114 = arith.cmpi sgt, %scan3A_110, %gt3A : i32
      %and3A = arith.andi %gt3A_114, %eq3A_113 : i1
      %convert_element_type3A_115 = arith.extui %and3A : i1 to i32
      %cond3A_116 = arith.constant 0 : i32
      %cond3A_117 = arith.cmpi ne, %convert_element_type3A_115, %cond3A_116 : i32
      scf.if %cond3A_117 {
        %dma_wait3A_324 = arith.constant 0 : i32
        %dma_wait3A_325 = arith.constant 0 : i32
        %dma_wait3A_326 = arith.constant 0 : i32
        %dma_wait3A_327 = tpu.memref_slice %arg4[%rem3A_112, %dma_wait3A_324, %dma_wait3A_325, %dma_wait3A_326] : memref<2x13x2x128xi32, #tpu.memory_space<vmem>> -> memref<1x1x2x128xi32, #tpu.memory_space<vmem>>
        %dma_wait3A_328 = tpu.memref_squeeze %dma_wait3A_327 : memref<1x1x2x128xi32, #tpu.memory_space<vmem>> -> memref<2x128xi32, #tpu.memory_space<vmem>>
        %dma_wait3A_329 = arith.constant 0 : i32
        %dma_wait3A_330 = arith.constant 0 : i32
        %dma_wait3A_331 = tpu.memref_slice %arg2[%dma_wait3A_329, %dma_wait3A_330] : memref<2x320000xi32, #tpu.memory_space<hbm>> -> memref<2x128xi32, #tpu.memory_space<hbm>>
        %dma_wait3A_332 = arith.constant 0 : i32
        %dma_wait3A_333 = arith.constant 0 : i32
        %dma_wait3A_334 = tpu.memref_slice %arg4[%rem3A_112, %dma_wait3A_324, %dma_wait3A_332, %dma_wait3A_333] : memref<2x13x2x128xi32, #tpu.memory_space<vmem>> -> memref<1x1x2x128xi32, #tpu.memory_space<vmem>>
        %dma_wait3A_335 = tpu.memref_squeeze %dma_wait3A_334 : memref<1x1x2x128xi32, #tpu.memory_space<vmem>> -> memref<2x128xi32, #tpu.memory_space<vmem>>
        %dma_wait3A_336 = arith.constant 0 : i32
        %dma_wait3A_337 = arith.constant 0 : i32
        %dma_wait3A_338 = tpu.memref_slice %arg2[%dma_wait3A_336, %dma_wait3A_337] : memref<2x320000xi32, #tpu.memory_space<hbm>> -> memref<2x128xi32, #tpu.memory_space<hbm>>
        tpu.wait_dma2 semaphore(%arg9 : memref<!tpu.dma_semaphore, #tpu.memory_space<semaphore_mem>>) src(%dma_wait3A_338 : memref<2x128xi32, #tpu.memory_space<hbm>>) dst(%dma_wait3A_335 : memref<2x128xi32, #tpu.memory_space<vmem>>)
        %dma_wait3A_339 = arith.constant 1 : i32
        %dma_wait3A_340 = arith.constant 0 : i32
        %dma_wait3A_341 = arith.constant 0 : i32
        %dma_wait3A_342 = tpu.memref_slice %arg4[%rem3A_112, %dma_wait3A_339, %dma_wait3A_340, %dma_wait3A_341] : memref<2x13x2x128xi32, #tpu.memory_space<vmem>> -> memref<1x1x2x128xi32, #tpu.memory_space<vmem>>
        %dma_wait3A_343 = tpu.memref_squeeze %dma_wait3A_342 : memref<1x1x2x128xi32, #tpu.memory_space<vmem>> -> memref<2x128xi32, #tpu.memory_space<vmem>>
        %dma_wait3A_344 = arith.constant 0 : i32
        %dma_wait3A_345 = arith.constant 0 : i32
        %dma_wait3A_346 = tpu.memref_slice %arg2[%dma_wait3A_344, %dma_wait3A_345] : memref<2x320000xi32, #tpu.memory_space<hbm>> -> memref<2x128xi32, #tpu.memory_space<hbm>>
        %dma_wait3A_347 = arith.constant 0 : i32
        %dma_wait3A_348 = arith.constant 0 : i32
        %dma_wait3A_349 = tpu.memref_slice %arg4[%rem3A_112, %dma_wait3A_339, %dma_wait3A_347, %dma_wait3A_348] : memref<2x13x2x128xi32, #tpu.memory_space<vmem>> -> memref<1x1x2x128xi32, #tpu.memory_space<vmem>>
        %dma_wait3A_350 = tpu.memref_squeeze %dma_wait3A_349 : memref<1x1x2x128xi32, #tpu.memory_space<vmem>> -> memref<2x128xi32, #tpu.memory_space<vmem>>
        %dma_wait3A_351 = arith.constant 0 : i32
        %dma_wait3A_352 = arith.constant 0 : i32
        %dma_wait3A_353 = tpu.memref_slice %arg2[%dma_wait3A_351, %dma_wait3A_352] : memref<2x320000xi32, #tpu.memory_space<hbm>> -> memref<2x128xi32, #tpu.memory_space<hbm>>
        tpu.wait_dma2 semaphore(%arg9 : memref<!tpu.dma_semaphore, #tpu.memory_space<semaphore_mem>>) src(%dma_wait3A_353 : memref<2x128xi32, #tpu.memory_space<hbm>>) dst(%dma_wait3A_350 : memref<2x128xi32, #tpu.memory_space<vmem>>)
        %dma_wait3A_354 = arith.constant 2 : i32
        %dma_wait3A_355 = arith.constant 0 : i32
        %dma_wait3A_356 = arith.constant 0 : i32
        %dma_wait3A_357 = tpu.memref_slice %arg4[%rem3A_112, %dma_wait3A_354, %dma_wait3A_355, %dma_wait3A_356] : memref<2x13x2x128xi32, #tpu.memory_space<vmem>> -> memref<1x1x2x128xi32, #tpu.memory_space<vmem>>
        %dma_wait3A_358 = tpu.memref_squeeze %dma_wait3A_357 : memref<1x1x2x128xi32, #tpu.memory_space<vmem>> -> memref<2x128xi32, #tpu.memory_space<vmem>>
        %dma_wait3A_359 = arith.constant 0 : i32
        %dma_wait3A_360 = arith.constant 0 : i32
        %dma_wait3A_361 = tpu.memref_slice %arg2[%dma_wait3A_359, %dma_wait3A_360] : memref<2x320000xi32, #tpu.memory_space<hbm>> -> memref<2x128xi32, #tpu.memory_space<hbm>>
        %dma_wait3A_362 = arith.constant 0 : i32
        %dma_wait3A_363 = arith.constant 0 : i32
        %dma_wait3A_364 = tpu.memref_slice %arg4[%rem3A_112, %dma_wait3A_354, %dma_wait3A_362, %dma_wait3A_363] : memref<2x13x2x128xi32, #tpu.memory_space<vmem>> -> memref<1x1x2x128xi32, #tpu.memory_space<vmem>>
        %dma_wait3A_365 = tpu.memref_squeeze %dma_wait3A_364 : memref<1x1x2x128xi32, #tpu.memory_space<vmem>> -> memref<2x128xi32, #tpu.memory_space<vmem>>
        %dma_wait3A_366 = arith.constant 0 : i32
        %dma_wait3A_367 = arith.constant 0 : i32
        %dma_wait3A_368 = tpu.memref_slice %arg2[%dma_wait3A_366, %dma_wait3A_367] : memref<2x320000xi32, #tpu.memory_space<hbm>> -> memref<2x128xi32, #tpu.memory_space<hbm>>
        tpu.wait_dma2 semaphore(%arg9 : memref<!tpu.dma_semaphore, #tpu.memory_space<semaphore_mem>>) src(%dma_wait3A_368 : memref<2x128xi32, #tpu.memory_space<hbm>>) dst(%dma_wait3A_365 : memref<2x128xi32, #tpu.memory_space<vmem>>)
        %dma_wait3A_369 = arith.constant 3 : i32
        %dma_wait3A_370 = arith.constant 0 : i32
        %dma_wait3A_371 = arith.constant 0 : i32
        %dma_wait3A_372 = tpu.memref_slice %arg4[%rem3A_112, %dma_wait3A_369, %dma_wait3A_370, %dma_wait3A_371] : memref<2x13x2x128xi32, #tpu.memory_space<vmem>> -> memref<1x1x2x128xi32, #tpu.memory_space<vmem>>
        %dma_wait3A_373 = tpu.memref_squeeze %dma_wait3A_372 : memref<1x1x2x128xi32, #tpu.memory_space<vmem>> -> memref<2x128xi32, #tpu.memory_space<vmem>>
        %dma_wait3A_374 = arith.constant 0 : i32
        %dma_wait3A_375 = arith.constant 0 : i32
        %dma_wait3A_376 = tpu.memref_slice %arg2[%dma_wait3A_374, %dma_wait3A_375] : memref<2x320000xi32, #tpu.memory_space<hbm>> -> memref<2x128xi32, #tpu.memory_space<hbm>>
        %dma_wait3A_377 = arith.constant 0 : i32
        %dma_wait3A_378 = arith.constant 0 : i32
        %dma_wait3A_379 = tpu.memref_slice %arg4[%rem3A_112, %dma_wait3A_369, %dma_wait3A_377, %dma_wait3A_378] : memref<2x13x2x128xi32, #tpu.memory_space<vmem>> -> memref<1x1x2x128xi32, #tpu.memory_space<vmem>>
        %dma_wait3A_380 = tpu.memref_squeeze %dma_wait3A_379 : memref<1x1x2x128xi32, #tpu.memory_space<vmem>> -> memref<2x128xi32, #tpu.memory_space<vmem>>
        %dma_wait3A_381 = arith.constant 0 : i32
        %dma_wait3A_382 = arith.constant 0 : i32
        %dma_wait3A_383 = tpu.memref_slice %arg2[%dma_wait3A_381, %dma_wait3A_382] : memref<2x320000xi32, #tpu.memory_space<hbm>> -> memref<2x128xi32, #tpu.memory_space<hbm>>
        tpu.wait_dma2 semaphore(%arg9 : memref<!tpu.dma_semaphore, #tpu.memory_space<semaphore_mem>>) src(%dma_wait3A_383 : memref<2x128xi32, #tpu.memory_space<hbm>>) dst(%dma_wait3A_380 : memref<2x128xi32, #tpu.memory_space<vmem>>)
        %dma_wait3A_384 = arith.constant 4 : i32
        %dma_wait3A_385 = arith.constant 0 : i32
        %dma_wait3A_386 = arith.constant 0 : i32
        %dma_wait3A_387 = tpu.memref_slice %arg4[%rem3A_112, %dma_wait3A_384, %dma_wait3A_385, %dma_wait3A_386] : memref<2x13x2x128xi32, #tpu.memory_space<vmem>> -> memref<1x1x2x128xi32, #tpu.memory_space<vmem>>
        %dma_wait3A_388 = tpu.memref_squeeze %dma_wait3A_387 : memref<1x1x2x128xi32, #tpu.memory_space<vmem>> -> memref<2x128xi32, #tpu.memory_space<vmem>>
        %dma_wait3A_389 = arith.constant 0 : i32
        %dma_wait3A_390 = arith.constant 0 : i32
        %dma_wait3A_391 = tpu.memref_slice %arg2[%dma_wait3A_389, %dma_wait3A_390] : memref<2x320000xi32, #tpu.memory_space<hbm>> -> memref<2x128xi32, #tpu.memory_space<hbm>>
        %dma_wait3A_392 = arith.constant 0 : i32
        %dma_wait3A_393 = arith.constant 0 : i32
        %dma_wait3A_394 = tpu.memref_slice %arg4[%rem3A_112, %dma_wait3A_384, %dma_wait3A_392, %dma_wait3A_393] : memref<2x13x2x128xi32, #tpu.memory_space<vmem>> -> memref<1x1x2x128xi32, #tpu.memory_space<vmem>>
        %dma_wait3A_395 = tpu.memref_squeeze %dma_wait3A_394 : memref<1x1x2x128xi32, #tpu.memory_space<vmem>> -> memref<2x128xi32, #tpu.memory_space<vmem>>
        %dma_wait3A_396 = arith.constant 0 : i32
        %dma_wait3A_397 = arith.constant 0 : i32
        %dma_wait3A_398 = tpu.memref_slice %arg2[%dma_wait3A_396, %dma_wait3A_397] : memref<2x320000xi32, #tpu.memory_space<hbm>> -> memref<2x128xi32, #tpu.memory_space<hbm>>
        tpu.wait_dma2 semaphore(%arg9 : memref<!tpu.dma_semaphore, #tpu.memory_space<semaphore_mem>>) src(%dma_wait3A_398 : memref<2x128xi32, #tpu.memory_space<hbm>>) dst(%dma_wait3A_395 : memref<2x128xi32, #tpu.memory_space<vmem>>)
        %dma_wait3A_399 = arith.constant 5 : i32
        %dma_wait3A_400 = arith.constant 0 : i32
        %dma_wait3A_401 = arith.constant 0 : i32
        %dma_wait3A_402 = tpu.memref_slice %arg4[%rem3A_112, %dma_wait3A_399, %dma_wait3A_400, %dma_wait3A_401] : memref<2x13x2x128xi32, #tpu.memory_space<vmem>> -> memref<1x1x2x128xi32, #tpu.memory_space<vmem>>
        %dma_wait3A_403 = tpu.memref_squeeze %dma_wait3A_402 : memref<1x1x2x128xi32, #tpu.memory_space<vmem>> -> memref<2x128xi32, #tpu.memory_space<vmem>>
        %dma_wait3A_404 = arith.constant 0 : i32
        %dma_wait3A_405 = arith.constant 0 : i32
        %dma_wait3A_406 = tpu.memref_slice %arg2[%dma_wait3A_404, %dma_wait3A_405] : memref<2x320000xi32, #tpu.memory_space<hbm>> -> memref<2x128xi32, #tpu.memory_space<hbm>>
        %dma_wait3A_407 = arith.constant 0 : i32
        %dma_wait3A_408 = arith.constant 0 : i32
        %dma_wait3A_409 = tpu.memref_slice %arg4[%rem3A_112, %dma_wait3A_399, %dma_wait3A_407, %dma_wait3A_408] : memref<2x13x2x128xi32, #tpu.memory_space<vmem>> -> memref<1x1x2x128xi32, #tpu.memory_space<vmem>>
        %dma_wait3A_410 = tpu.memref_squeeze %dma_wait3A_409 : memref<1x1x2x128xi32, #tpu.memory_space<vmem>> -> memref<2x128xi32, #tpu.memory_space<vmem>>
        %dma_wait3A_411 = arith.constant 0 : i32
        %dma_wait3A_412 = arith.constant 0 : i32
        %dma_wait3A_413 = tpu.memref_slice %arg2[%dma_wait3A_411, %dma_wait3A_412] : memref<2x320000xi32, #tpu.memory_space<hbm>> -> memref<2x128xi32, #tpu.memory_space<hbm>>
        tpu.wait_dma2 semaphore(%arg9 : memref<!tpu.dma_semaphore, #tpu.memory_space<semaphore_mem>>) src(%dma_wait3A_413 : memref<2x128xi32, #tpu.memory_space<hbm>>) dst(%dma_wait3A_410 : memref<2x128xi32, #tpu.memory_space<vmem>>)
        %dma_wait3A_414 = arith.constant 6 : i32
        %dma_wait3A_415 = arith.constant 0 : i32
        %dma_wait3A_416 = arith.constant 0 : i32
        %dma_wait3A_417 = tpu.memref_slice %arg4[%rem3A_112, %dma_wait3A_414, %dma_wait3A_415, %dma_wait3A_416] : memref<2x13x2x128xi32, #tpu.memory_space<vmem>> -> memref<1x1x2x128xi32, #tpu.memory_space<vmem>>
        %dma_wait3A_418 = tpu.memref_squeeze %dma_wait3A_417 : memref<1x1x2x128xi32, #tpu.memory_space<vmem>> -> memref<2x128xi32, #tpu.memory_space<vmem>>
        %dma_wait3A_419 = arith.constant 0 : i32
        %dma_wait3A_420 = arith.constant 0 : i32
        %dma_wait3A_421 = tpu.memref_slice %arg2[%dma_wait3A_419, %dma_wait3A_420] : memref<2x320000xi32, #tpu.memory_space<hbm>> -> memref<2x128xi32, #tpu.memory_space<hbm>>
        %dma_wait3A_422 = arith.constant 0 : i32
        %dma_wait3A_423 = arith.constant 0 : i32
        %dma_wait3A_424 = tpu.memref_slice %arg4[%rem3A_112, %dma_wait3A_414, %dma_wait3A_422, %dma_wait3A_423] : memref<2x13x2x128xi32, #tpu.memory_space<vmem>> -> memref<1x1x2x128xi32, #tpu.memory_space<vmem>>
        %dma_wait3A_425 = tpu.memref_squeeze %dma_wait3A_424 : memref<1x1x2x128xi32, #tpu.memory_space<vmem>> -> memref<2x128xi32, #tpu.memory_space<vmem>>
        %dma_wait3A_426 = arith.constant 0 : i32
        %dma_wait3A_427 = arith.constant 0 : i32
        %dma_wait3A_428 = tpu.memref_slice %arg2[%dma_wait3A_426, %dma_wait3A_427] : memref<2x320000xi32, #tpu.memory_space<hbm>> -> memref<2x128xi32, #tpu.memory_space<hbm>>
        tpu.wait_dma2 semaphore(%arg9 : memref<!tpu.dma_semaphore, #tpu.memory_space<semaphore_mem>>) src(%dma_wait3A_428 : memref<2x128xi32, #tpu.memory_space<hbm>>) dst(%dma_wait3A_425 : memref<2x128xi32, #tpu.memory_space<vmem>>)
        %dma_wait3A_429 = arith.constant 7 : i32
        %dma_wait3A_430 = arith.constant 0 : i32
        %dma_wait3A_431 = arith.constant 0 : i32
        %dma_wait3A_432 = tpu.memref_slice %arg4[%rem3A_112, %dma_wait3A_429, %dma_wait3A_430, %dma_wait3A_431] : memref<2x13x2x128xi32, #tpu.memory_space<vmem>> -> memref<1x1x2x128xi32, #tpu.memory_space<vmem>>
        %dma_wait3A_433 = tpu.memref_squeeze %dma_wait3A_432 : memref<1x1x2x128xi32, #tpu.memory_space<vmem>> -> memref<2x128xi32, #tpu.memory_space<vmem>>
        %dma_wait3A_434 = arith.constant 0 : i32
        %dma_wait3A_435 = arith.constant 0 : i32
        %dma_wait3A_436 = tpu.memref_slice %arg2[%dma_wait3A_434, %dma_wait3A_435] : memref<2x320000xi32, #tpu.memory_space<hbm>> -> memref<2x128xi32, #tpu.memory_space<hbm>>
        %dma_wait3A_437 = arith.constant 0 : i32
        %dma_wait3A_438 = arith.constant 0 : i32
        %dma_wait3A_439 = tpu.memref_slice %arg4[%rem3A_112, %dma_wait3A_429, %dma_wait3A_437, %dma_wait3A_438] : memref<2x13x2x128xi32, #tpu.memory_space<vmem>> -> memref<1x1x2x128xi32, #tpu.memory_space<vmem>>
        %dma_wait3A_440 = tpu.memref_squeeze %dma_wait3A_439 : memref<1x1x2x128xi32, #tpu.memory_space<vmem>> -> memref<2x128xi32, #tpu.memory_space<vmem>>
        %dma_wait3A_441 = arith.constant 0 : i32
        %dma_wait3A_442 = arith.constant 0 : i32
        %dma_wait3A_443 = tpu.memref_slice %arg2[%dma_wait3A_441, %dma_wait3A_442] : memref<2x320000xi32, #tpu.memory_space<hbm>> -> memref<2x128xi32, #tpu.memory_space<hbm>>
        tpu.wait_dma2 semaphore(%arg9 : memref<!tpu.dma_semaphore, #tpu.memory_space<semaphore_mem>>) src(%dma_wait3A_443 : memref<2x128xi32, #tpu.memory_space<hbm>>) dst(%dma_wait3A_440 : memref<2x128xi32, #tpu.memory_space<vmem>>)
        %dma_wait3A_444 = arith.constant 8 : i32
        %dma_wait3A_445 = arith.constant 0 : i32
        %dma_wait3A_446 = arith.constant 0 : i32
        %dma_wait3A_447 = tpu.memref_slice %arg4[%rem3A_112, %dma_wait3A_444, %dma_wait3A_445, %dma_wait3A_446] : memref<2x13x2x128xi32, #tpu.memory_space<vmem>> -> memref<1x1x2x128xi32, #tpu.memory_space<vmem>>
        %dma_wait3A_448 = tpu.memref_squeeze %dma_wait3A_447 : memref<1x1x2x128xi32, #tpu.memory_space<vmem>> -> memref<2x128xi32, #tpu.memory_space<vmem>>
        %dma_wait3A_449 = arith.constant 0 : i32
        %dma_wait3A_450 = arith.constant 0 : i32
        %dma_wait3A_451 = tpu.memref_slice %arg2[%dma_wait3A_449, %dma_wait3A_450] : memref<2x320000xi32, #tpu.memory_space<hbm>> -> memref<2x128xi32, #tpu.memory_space<hbm>>
        %dma_wait3A_452 = arith.constant 0 : i32
        %dma_wait3A_453 = arith.constant 0 : i32
        %dma_wait3A_454 = tpu.memref_slice %arg4[%rem3A_112, %dma_wait3A_444, %dma_wait3A_452, %dma_wait3A_453] : memref<2x13x2x128xi32, #tpu.memory_space<vmem>> -> memref<1x1x2x128xi32, #tpu.memory_space<vmem>>
        %dma_wait3A_455 = tpu.memref_squeeze %dma_wait3A_454 : memref<1x1x2x128xi32, #tpu.memory_space<vmem>> -> memref<2x128xi32, #tpu.memory_space<vmem>>
        %dma_wait3A_456 = arith.constant 0 : i32
        %dma_wait3A_457 = arith.constant 0 : i32
        %dma_wait3A_458 = tpu.memref_slice %arg2[%dma_wait3A_456, %dma_wait3A_457] : memref<2x320000xi32, #tpu.memory_space<hbm>> -> memref<2x128xi32, #tpu.memory_space<hbm>>
        tpu.wait_dma2 semaphore(%arg9 : memref<!tpu.dma_semaphore, #tpu.memory_space<semaphore_mem>>) src(%dma_wait3A_458 : memref<2x128xi32, #tpu.memory_space<hbm>>) dst(%dma_wait3A_455 : memref<2x128xi32, #tpu.memory_space<vmem>>)
        %dma_wait3A_459 = arith.constant 9 : i32
        %dma_wait3A_460 = arith.constant 0 : i32
        %dma_wait3A_461 = arith.constant 0 : i32
        %dma_wait3A_462 = tpu.memref_slice %arg4[%rem3A_112, %dma_wait3A_459, %dma_wait3A_460, %dma_wait3A_461] : memref<2x13x2x128xi32, #tpu.memory_space<vmem>> -> memref<1x1x2x128xi32, #tpu.memory_space<vmem>>
        %dma_wait3A_463 = tpu.memref_squeeze %dma_wait3A_462 : memref<1x1x2x128xi32, #tpu.memory_space<vmem>> -> memref<2x128xi32, #tpu.memory_space<vmem>>
        %dma_wait3A_464 = arith.constant 0 : i32
        %dma_wait3A_465 = arith.constant 0 : i32
        %dma_wait3A_466 = tpu.memref_slice %arg2[%dma_wait3A_464, %dma_wait3A_465] : memref<2x320000xi32, #tpu.memory_space<hbm>> -> memref<2x128xi32, #tpu.memory_space<hbm>>
        %dma_wait3A_467 = arith.constant 0 : i32
        %dma_wait3A_468 = arith.constant 0 : i32
        %dma_wait3A_469 = tpu.memref_slice %arg4[%rem3A_112, %dma_wait3A_459, %dma_wait3A_467, %dma_wait3A_468] : memref<2x13x2x128xi32, #tpu.memory_space<vmem>> -> memref<1x1x2x128xi32, #tpu.memory_space<vmem>>
        %dma_wait3A_470 = tpu.memref_squeeze %dma_wait3A_469 : memref<1x1x2x128xi32, #tpu.memory_space<vmem>> -> memref<2x128xi32, #tpu.memory_space<vmem>>
        %dma_wait3A_471 = arith.constant 0 : i32
        %dma_wait3A_472 = arith.constant 0 : i32
        %dma_wait3A_473 = tpu.memref_slice %arg2[%dma_wait3A_471, %dma_wait3A_472] : memref<2x320000xi32, #tpu.memory_space<hbm>> -> memref<2x128xi32, #tpu.memory_space<hbm>>
        tpu.wait_dma2 semaphore(%arg9 : memref<!tpu.dma_semaphore, #tpu.memory_space<semaphore_mem>>) src(%dma_wait3A_473 : memref<2x128xi32, #tpu.memory_space<hbm>>) dst(%dma_wait3A_470 : memref<2x128xi32, #tpu.memory_space<vmem>>)
        %dma_wait3A_474 = arith.constant 10 : i32
        %dma_wait3A_475 = arith.constant 0 : i32
        %dma_wait3A_476 = arith.constant 0 : i32
        %dma_wait3A_477 = tpu.memref_slice %arg4[%rem3A_112, %dma_wait3A_474, %dma_wait3A_475, %dma_wait3A_476] : memref<2x13x2x128xi32, #tpu.memory_space<vmem>> -> memref<1x1x2x128xi32, #tpu.memory_space<vmem>>
        %dma_wait3A_478 = tpu.memref_squeeze %dma_wait3A_477 : memref<1x1x2x128xi32, #tpu.memory_space<vmem>> -> memref<2x128xi32, #tpu.memory_space<vmem>>
        %dma_wait3A_479 = arith.constant 0 : i32
        %dma_wait3A_480 = arith.constant 0 : i32
        %dma_wait3A_481 = tpu.memref_slice %arg2[%dma_wait3A_479, %dma_wait3A_480] : memref<2x320000xi32, #tpu.memory_space<hbm>> -> memref<2x128xi32, #tpu.memory_space<hbm>>
        %dma_wait3A_482 = arith.constant 0 : i32
        %dma_wait3A_483 = arith.constant 0 : i32
        %dma_wait3A_484 = tpu.memref_slice %arg4[%rem3A_112, %dma_wait3A_474, %dma_wait3A_482, %dma_wait3A_483] : memref<2x13x2x128xi32, #tpu.memory_space<vmem>> -> memref<1x1x2x128xi32, #tpu.memory_space<vmem>>
        %dma_wait3A_485 = tpu.memref_squeeze %dma_wait3A_484 : memref<1x1x2x128xi32, #tpu.memory_space<vmem>> -> memref<2x128xi32, #tpu.memory_space<vmem>>
        %dma_wait3A_486 = arith.constant 0 : i32
        %dma_wait3A_487 = arith.constant 0 : i32
        %dma_wait3A_488 = tpu.memref_slice %arg2[%dma_wait3A_486, %dma_wait3A_487] : memref<2x320000xi32, #tpu.memory_space<hbm>> -> memref<2x128xi32, #tpu.memory_space<hbm>>
        tpu.wait_dma2 semaphore(%arg9 : memref<!tpu.dma_semaphore, #tpu.memory_space<semaphore_mem>>) src(%dma_wait3A_488 : memref<2x128xi32, #tpu.memory_space<hbm>>) dst(%dma_wait3A_485 : memref<2x128xi32, #tpu.memory_space<vmem>>)
        %dma_wait3A_489 = arith.constant 11 : i32
        %dma_wait3A_490 = arith.constant 0 : i32
        %dma_wait3A_491 = arith.constant 0 : i32
        %dma_wait3A_492 = tpu.memref_slice %arg4[%rem3A_112, %dma_wait3A_489, %dma_wait3A_490, %dma_wait3A_491] : memref<2x13x2x128xi32, #tpu.memory_space<vmem>> -> memref<1x1x2x128xi32, #tpu.memory_space<vmem>>
        %dma_wait3A_493 = tpu.memref_squeeze %dma_wait3A_492 : memref<1x1x2x128xi32, #tpu.memory_space<vmem>> -> memref<2x128xi32, #tpu.memory_space<vmem>>
        %dma_wait3A_494 = arith.constant 0 : i32
        %dma_wait3A_495 = arith.constant 0 : i32
        %dma_wait3A_496 = tpu.memref_slice %arg2[%dma_wait3A_494, %dma_wait3A_495] : memref<2x320000xi32, #tpu.memory_space<hbm>> -> memref<2x128xi32, #tpu.memory_space<hbm>>
        %dma_wait3A_497 = arith.constant 0 : i32
        %dma_wait3A_498 = arith.constant 0 : i32
        %dma_wait3A_499 = tpu.memref_slice %arg4[%rem3A_112, %dma_wait3A_489, %dma_wait3A_497, %dma_wait3A_498] : memref<2x13x2x128xi32, #tpu.memory_space<vmem>> -> memref<1x1x2x128xi32, #tpu.memory_space<vmem>>
        %dma_wait3A_500 = tpu.memref_squeeze %dma_wait3A_499 : memref<1x1x2x128xi32, #tpu.memory_space<vmem>> -> memref<2x128xi32, #tpu.memory_space<vmem>>
        %dma_wait3A_501 = arith.constant 0 : i32
        %dma_wait3A_502 = arith.constant 0 : i32
        %dma_wait3A_503 = tpu.memref_slice %arg2[%dma_wait3A_501, %dma_wait3A_502] : memref<2x320000xi32, #tpu.memory_space<hbm>> -> memref<2x128xi32, #tpu.memory_space<hbm>>
        tpu.wait_dma2 semaphore(%arg9 : memref<!tpu.dma_semaphore, #tpu.memory_space<semaphore_mem>>) src(%dma_wait3A_503 : memref<2x128xi32, #tpu.memory_space<hbm>>) dst(%dma_wait3A_500 : memref<2x128xi32, #tpu.memory_space<vmem>>)
        %dma_wait3A_504 = arith.constant 12 : i32
        %dma_wait3A_505 = arith.constant 0 : i32
        %dma_wait3A_506 = arith.constant 0 : i32
        %dma_wait3A_507 = tpu.memref_slice %arg4[%rem3A_112, %dma_wait3A_504, %dma_wait3A_505, %dma_wait3A_506] : memref<2x13x2x128xi32, #tpu.memory_space<vmem>> -> memref<1x1x2x128xi32, #tpu.memory_space<vmem>>
        %dma_wait3A_508 = tpu.memref_squeeze %dma_wait3A_507 : memref<1x1x2x128xi32, #tpu.memory_space<vmem>> -> memref<2x128xi32, #tpu.memory_space<vmem>>
        %dma_wait3A_509 = arith.constant 0 : i32
        %dma_wait3A_510 = arith.constant 0 : i32
        %dma_wait3A_511 = tpu.memref_slice %arg2[%dma_wait3A_509, %dma_wait3A_510] : memref<2x320000xi32, #tpu.memory_space<hbm>> -> memref<2x128xi32, #tpu.memory_space<hbm>>
        %dma_wait3A_512 = arith.constant 0 : i32
        %dma_wait3A_513 = arith.constant 0 : i32
        %dma_wait3A_514 = tpu.memref_slice %arg4[%rem3A_112, %dma_wait3A_504, %dma_wait3A_512, %dma_wait3A_513] : memref<2x13x2x128xi32, #tpu.memory_space<vmem>> -> memref<1x1x2x128xi32, #tpu.memory_space<vmem>>
        %dma_wait3A_515 = tpu.memref_squeeze %dma_wait3A_514 : memref<1x1x2x128xi32, #tpu.memory_space<vmem>> -> memref<2x128xi32, #tpu.memory_space<vmem>>
        %dma_wait3A_516 = arith.constant 0 : i32
        %dma_wait3A_517 = arith.constant 0 : i32
        %dma_wait3A_518 = tpu.memref_slice %arg2[%dma_wait3A_516, %dma_wait3A_517] : memref<2x320000xi32, #tpu.memory_space<hbm>> -> memref<2x128xi32, #tpu.memory_space<hbm>>
        tpu.wait_dma2 semaphore(%arg9 : memref<!tpu.dma_semaphore, #tpu.memory_space<semaphore_mem>>) src(%dma_wait3A_518 : memref<2x128xi32, #tpu.memory_space<hbm>>) dst(%dma_wait3A_515 : memref<2x128xi32, #tpu.memory_space<vmem>>)
      } else {
      }
      %gt3A_118 = arith.constant 0 : i32
      %gt3A_119 = arith.cmpi sgt, %scan3A_110, %gt3A_118 : i32
      %not3A = arith.constant true
      %not3A_120 = arith.xori %eq3A_113, %not3A : i1
      %and3A_121 = arith.andi %gt3A_119, %not3A_120 : i1
      %convert_element_type3A_122 = arith.extui %and3A_121 : i1 to i32
      %cond3A_123 = arith.constant 0 : i32
      %cond3A_124 = arith.cmpi ne, %convert_element_type3A_122, %cond3A_123 : i32
      scf.if %cond3A_124 {
        %dma_wait3A_324 = arith.constant 0 : i32
        %dma_wait3A_325 = arith.constant 0 : i32
        %dma_wait3A_326 = arith.constant 0 : i32
        %dma_wait3A_327 = tpu.memref_slice %arg4[%rem3A_112, %dma_wait3A_324, %dma_wait3A_325, %dma_wait3A_326] : memref<2x13x2x128xi32, #tpu.memory_space<vmem>> -> memref<1x1x2x128xi32, #tpu.memory_space<vmem>>
        %dma_wait3A_328 = tpu.memref_squeeze %dma_wait3A_327 : memref<1x1x2x128xi32, #tpu.memory_space<vmem>> -> memref<2x128xi32, #tpu.memory_space<vmem>>
        %dma_wait3A_329 = arith.constant 0 : i32
        %dma_wait3A_330 = arith.constant 0 : i32
        %dma_wait3A_331 = tpu.memref_slice %arg2[%dma_wait3A_329, %dma_wait3A_330] : memref<2x320000xi32, #tpu.memory_space<hbm>> -> memref<2x128xi32, #tpu.memory_space<hbm>>
        %dma_wait3A_332 = arith.constant 0 : i32
        %dma_wait3A_333 = arith.constant 0 : i32
        %dma_wait3A_334 = tpu.memref_slice %arg4[%rem3A_112, %dma_wait3A_324, %dma_wait3A_332, %dma_wait3A_333] : memref<2x13x2x128xi32, #tpu.memory_space<vmem>> -> memref<1x1x2x128xi32, #tpu.memory_space<vmem>>
        %dma_wait3A_335 = tpu.memref_squeeze %dma_wait3A_334 : memref<1x1x2x128xi32, #tpu.memory_space<vmem>> -> memref<2x128xi32, #tpu.memory_space<vmem>>
        %dma_wait3A_336 = arith.constant 0 : i32
        %dma_wait3A_337 = arith.constant 0 : i32
        %dma_wait3A_338 = tpu.memref_slice %arg2[%dma_wait3A_336, %dma_wait3A_337] : memref<2x320000xi32, #tpu.memory_space<hbm>> -> memref<2x128xi32, #tpu.memory_space<hbm>>
        tpu.wait_dma2 semaphore(%arg10 : memref<!tpu.dma_semaphore, #tpu.memory_space<semaphore_mem>>) src(%dma_wait3A_338 : memref<2x128xi32, #tpu.memory_space<hbm>>) dst(%dma_wait3A_335 : memref<2x128xi32, #tpu.memory_space<vmem>>)
        %dma_wait3A_339 = arith.constant 1 : i32
        %dma_wait3A_340 = arith.constant 0 : i32
        %dma_wait3A_341 = arith.constant 0 : i32
        %dma_wait3A_342 = tpu.memref_slice %arg4[%rem3A_112, %dma_wait3A_339, %dma_wait3A_340, %dma_wait3A_341] : memref<2x13x2x128xi32, #tpu.memory_space<vmem>> -> memref<1x1x2x128xi32, #tpu.memory_space<vmem>>
        %dma_wait3A_343 = tpu.memref_squeeze %dma_wait3A_342 : memref<1x1x2x128xi32, #tpu.memory_space<vmem>> -> memref<2x128xi32, #tpu.memory_space<vmem>>
        %dma_wait3A_344 = arith.constant 0 : i32
        %dma_wait3A_345 = arith.constant 0 : i32
        %dma_wait3A_346 = tpu.memref_slice %arg2[%dma_wait3A_344, %dma_wait3A_345] : memref<2x320000xi32, #tpu.memory_space<hbm>> -> memref<2x128xi32, #tpu.memory_space<hbm>>
        %dma_wait3A_347 = arith.constant 0 : i32
        %dma_wait3A_348 = arith.constant 0 : i32
        %dma_wait3A_349 = tpu.memref_slice %arg4[%rem3A_112, %dma_wait3A_339, %dma_wait3A_347, %dma_wait3A_348] : memref<2x13x2x128xi32, #tpu.memory_space<vmem>> -> memref<1x1x2x128xi32, #tpu.memory_space<vmem>>
        %dma_wait3A_350 = tpu.memref_squeeze %dma_wait3A_349 : memref<1x1x2x128xi32, #tpu.memory_space<vmem>> -> memref<2x128xi32, #tpu.memory_space<vmem>>
        %dma_wait3A_351 = arith.constant 0 : i32
        %dma_wait3A_352 = arith.constant 0 : i32
        %dma_wait3A_353 = tpu.memref_slice %arg2[%dma_wait3A_351, %dma_wait3A_352] : memref<2x320000xi32, #tpu.memory_space<hbm>> -> memref<2x128xi32, #tpu.memory_space<hbm>>
        tpu.wait_dma2 semaphore(%arg10 : memref<!tpu.dma_semaphore, #tpu.memory_space<semaphore_mem>>) src(%dma_wait3A_353 : memref<2x128xi32, #tpu.memory_space<hbm>>) dst(%dma_wait3A_350 : memref<2x128xi32, #tpu.memory_space<vmem>>)
        %dma_wait3A_354 = arith.constant 2 : i32
        %dma_wait3A_355 = arith.constant 0 : i32
        %dma_wait3A_356 = arith.constant 0 : i32
        %dma_wait3A_357 = tpu.memref_slice %arg4[%rem3A_112, %dma_wait3A_354, %dma_wait3A_355, %dma_wait3A_356] : memref<2x13x2x128xi32, #tpu.memory_space<vmem>> -> memref<1x1x2x128xi32, #tpu.memory_space<vmem>>
        %dma_wait3A_358 = tpu.memref_squeeze %dma_wait3A_357 : memref<1x1x2x128xi32, #tpu.memory_space<vmem>> -> memref<2x128xi32, #tpu.memory_space<vmem>>
        %dma_wait3A_359 = arith.constant 0 : i32
        %dma_wait3A_360 = arith.constant 0 : i32
        %dma_wait3A_361 = tpu.memref_slice %arg2[%dma_wait3A_359, %dma_wait3A_360] : memref<2x320000xi32, #tpu.memory_space<hbm>> -> memref<2x128xi32, #tpu.memory_space<hbm>>
        %dma_wait3A_362 = arith.constant 0 : i32
        %dma_wait3A_363 = arith.constant 0 : i32
        %dma_wait3A_364 = tpu.memref_slice %arg4[%rem3A_112, %dma_wait3A_354, %dma_wait3A_362, %dma_wait3A_363] : memref<2x13x2x128xi32, #tpu.memory_space<vmem>> -> memref<1x1x2x128xi32, #tpu.memory_space<vmem>>
        %dma_wait3A_365 = tpu.memref_squeeze %dma_wait3A_364 : memref<1x1x2x128xi32, #tpu.memory_space<vmem>> -> memref<2x128xi32, #tpu.memory_space<vmem>>
        %dma_wait3A_366 = arith.constant 0 : i32
        %dma_wait3A_367 = arith.constant 0 : i32
        %dma_wait3A_368 = tpu.memref_slice %arg2[%dma_wait3A_366, %dma_wait3A_367] : memref<2x320000xi32, #tpu.memory_space<hbm>> -> memref<2x128xi32, #tpu.memory_space<hbm>>
        tpu.wait_dma2 semaphore(%arg10 : memref<!tpu.dma_semaphore, #tpu.memory_space<semaphore_mem>>) src(%dma_wait3A_368 : memref<2x128xi32, #tpu.memory_space<hbm>>) dst(%dma_wait3A_365 : memref<2x128xi32, #tpu.memory_space<vmem>>)
        %dma_wait3A_369 = arith.constant 3 : i32
        %dma_wait3A_370 = arith.constant 0 : i32
        %dma_wait3A_371 = arith.constant 0 : i32
        %dma_wait3A_372 = tpu.memref_slice %arg4[%rem3A_112, %dma_wait3A_369, %dma_wait3A_370, %dma_wait3A_371] : memref<2x13x2x128xi32, #tpu.memory_space<vmem>> -> memref<1x1x2x128xi32, #tpu.memory_space<vmem>>
        %dma_wait3A_373 = tpu.memref_squeeze %dma_wait3A_372 : memref<1x1x2x128xi32, #tpu.memory_space<vmem>> -> memref<2x128xi32, #tpu.memory_space<vmem>>
        %dma_wait3A_374 = arith.constant 0 : i32
        %dma_wait3A_375 = arith.constant 0 : i32
        %dma_wait3A_376 = tpu.memref_slice %arg2[%dma_wait3A_374, %dma_wait3A_375] : memref<2x320000xi32, #tpu.memory_space<hbm>> -> memref<2x128xi32, #tpu.memory_space<hbm>>
        %dma_wait3A_377 = arith.constant 0 : i32
        %dma_wait3A_378 = arith.constant 0 : i32
        %dma_wait3A_379 = tpu.memref_slice %arg4[%rem3A_112, %dma_wait3A_369, %dma_wait3A_377, %dma_wait3A_378] : memref<2x13x2x128xi32, #tpu.memory_space<vmem>> -> memref<1x1x2x128xi32, #tpu.memory_space<vmem>>
        %dma_wait3A_380 = tpu.memref_squeeze %dma_wait3A_379 : memref<1x1x2x128xi32, #tpu.memory_space<vmem>> -> memref<2x128xi32, #tpu.memory_space<vmem>>
        %dma_wait3A_381 = arith.constant 0 : i32
        %dma_wait3A_382 = arith.constant 0 : i32
        %dma_wait3A_383 = tpu.memref_slice %arg2[%dma_wait3A_381, %dma_wait3A_382] : memref<2x320000xi32, #tpu.memory_space<hbm>> -> memref<2x128xi32, #tpu.memory_space<hbm>>
        tpu.wait_dma2 semaphore(%arg10 : memref<!tpu.dma_semaphore, #tpu.memory_space<semaphore_mem>>) src(%dma_wait3A_383 : memref<2x128xi32, #tpu.memory_space<hbm>>) dst(%dma_wait3A_380 : memref<2x128xi32, #tpu.memory_space<vmem>>)
        %dma_wait3A_384 = arith.constant 4 : i32
        %dma_wait3A_385 = arith.constant 0 : i32
        %dma_wait3A_386 = arith.constant 0 : i32
        %dma_wait3A_387 = tpu.memref_slice %arg4[%rem3A_112, %dma_wait3A_384, %dma_wait3A_385, %dma_wait3A_386] : memref<2x13x2x128xi32, #tpu.memory_space<vmem>> -> memref<1x1x2x128xi32, #tpu.memory_space<vmem>>
        %dma_wait3A_388 = tpu.memref_squeeze %dma_wait3A_387 : memref<1x1x2x128xi32, #tpu.memory_space<vmem>> -> memref<2x128xi32, #tpu.memory_space<vmem>>
        %dma_wait3A_389 = arith.constant 0 : i32
        %dma_wait3A_390 = arith.constant 0 : i32
        %dma_wait3A_391 = tpu.memref_slice %arg2[%dma_wait3A_389, %dma_wait3A_390] : memref<2x320000xi32, #tpu.memory_space<hbm>> -> memref<2x128xi32, #tpu.memory_space<hbm>>
        %dma_wait3A_392 = arith.constant 0 : i32
        %dma_wait3A_393 = arith.constant 0 : i32
        %dma_wait3A_394 = tpu.memref_slice %arg4[%rem3A_112, %dma_wait3A_384, %dma_wait3A_392, %dma_wait3A_393] : memref<2x13x2x128xi32, #tpu.memory_space<vmem>> -> memref<1x1x2x128xi32, #tpu.memory_space<vmem>>
        %dma_wait3A_395 = tpu.memref_squeeze %dma_wait3A_394 : memref<1x1x2x128xi32, #tpu.memory_space<vmem>> -> memref<2x128xi32, #tpu.memory_space<vmem>>
        %dma_wait3A_396 = arith.constant 0 : i32
        %dma_wait3A_397 = arith.constant 0 : i32
        %dma_wait3A_398 = tpu.memref_slice %arg2[%dma_wait3A_396, %dma_wait3A_397] : memref<2x320000xi32, #tpu.memory_space<hbm>> -> memref<2x128xi32, #tpu.memory_space<hbm>>
        tpu.wait_dma2 semaphore(%arg10 : memref<!tpu.dma_semaphore, #tpu.memory_space<semaphore_mem>>) src(%dma_wait3A_398 : memref<2x128xi32, #tpu.memory_space<hbm>>) dst(%dma_wait3A_395 : memref<2x128xi32, #tpu.memory_space<vmem>>)
        %dma_wait3A_399 = arith.constant 5 : i32
        %dma_wait3A_400 = arith.constant 0 : i32
        %dma_wait3A_401 = arith.constant 0 : i32
        %dma_wait3A_402 = tpu.memref_slice %arg4[%rem3A_112, %dma_wait3A_399, %dma_wait3A_400, %dma_wait3A_401] : memref<2x13x2x128xi32, #tpu.memory_space<vmem>> -> memref<1x1x2x128xi32, #tpu.memory_space<vmem>>
        %dma_wait3A_403 = tpu.memref_squeeze %dma_wait3A_402 : memref<1x1x2x128xi32, #tpu.memory_space<vmem>> -> memref<2x128xi32, #tpu.memory_space<vmem>>
        %dma_wait3A_404 = arith.constant 0 : i32
        %dma_wait3A_405 = arith.constant 0 : i32
        %dma_wait3A_406 = tpu.memref_slice %arg2[%dma_wait3A_404, %dma_wait3A_405] : memref<2x320000xi32, #tpu.memory_space<hbm>> -> memref<2x128xi32, #tpu.memory_space<hbm>>
        %dma_wait3A_407 = arith.constant 0 : i32
        %dma_wait3A_408 = arith.constant 0 : i32
        %dma_wait3A_409 = tpu.memref_slice %arg4[%rem3A_112, %dma_wait3A_399, %dma_wait3A_407, %dma_wait3A_408] : memref<2x13x2x128xi32, #tpu.memory_space<vmem>> -> memref<1x1x2x128xi32, #tpu.memory_space<vmem>>
        %dma_wait3A_410 = tpu.memref_squeeze %dma_wait3A_409 : memref<1x1x2x128xi32, #tpu.memory_space<vmem>> -> memref<2x128xi32, #tpu.memory_space<vmem>>
        %dma_wait3A_411 = arith.constant 0 : i32
        %dma_wait3A_412 = arith.constant 0 : i32
        %dma_wait3A_413 = tpu.memref_slice %arg2[%dma_wait3A_411, %dma_wait3A_412] : memref<2x320000xi32, #tpu.memory_space<hbm>> -> memref<2x128xi32, #tpu.memory_space<hbm>>
        tpu.wait_dma2 semaphore(%arg10 : memref<!tpu.dma_semaphore, #tpu.memory_space<semaphore_mem>>) src(%dma_wait3A_413 : memref<2x128xi32, #tpu.memory_space<hbm>>) dst(%dma_wait3A_410 : memref<2x128xi32, #tpu.memory_space<vmem>>)
        %dma_wait3A_414 = arith.constant 6 : i32
        %dma_wait3A_415 = arith.constant 0 : i32
        %dma_wait3A_416 = arith.constant 0 : i32
        %dma_wait3A_417 = tpu.memref_slice %arg4[%rem3A_112, %dma_wait3A_414, %dma_wait3A_415, %dma_wait3A_416] : memref<2x13x2x128xi32, #tpu.memory_space<vmem>> -> memref<1x1x2x128xi32, #tpu.memory_space<vmem>>
        %dma_wait3A_418 = tpu.memref_squeeze %dma_wait3A_417 : memref<1x1x2x128xi32, #tpu.memory_space<vmem>> -> memref<2x128xi32, #tpu.memory_space<vmem>>
        %dma_wait3A_419 = arith.constant 0 : i32
        %dma_wait3A_420 = arith.constant 0 : i32
        %dma_wait3A_421 = tpu.memref_slice %arg2[%dma_wait3A_419, %dma_wait3A_420] : memref<2x320000xi32, #tpu.memory_space<hbm>> -> memref<2x128xi32, #tpu.memory_space<hbm>>
        %dma_wait3A_422 = arith.constant 0 : i32
        %dma_wait3A_423 = arith.constant 0 : i32
        %dma_wait3A_424 = tpu.memref_slice %arg4[%rem3A_112, %dma_wait3A_414, %dma_wait3A_422, %dma_wait3A_423] : memref<2x13x2x128xi32, #tpu.memory_space<vmem>> -> memref<1x1x2x128xi32, #tpu.memory_space<vmem>>
        %dma_wait3A_425 = tpu.memref_squeeze %dma_wait3A_424 : memref<1x1x2x128xi32, #tpu.memory_space<vmem>> -> memref<2x128xi32, #tpu.memory_space<vmem>>
        %dma_wait3A_426 = arith.constant 0 : i32
        %dma_wait3A_427 = arith.constant 0 : i32
        %dma_wait3A_428 = tpu.memref_slice %arg2[%dma_wait3A_426, %dma_wait3A_427] : memref<2x320000xi32, #tpu.memory_space<hbm>> -> memref<2x128xi32, #tpu.memory_space<hbm>>
        tpu.wait_dma2 semaphore(%arg10 : memref<!tpu.dma_semaphore, #tpu.memory_space<semaphore_mem>>) src(%dma_wait3A_428 : memref<2x128xi32, #tpu.memory_space<hbm>>) dst(%dma_wait3A_425 : memref<2x128xi32, #tpu.memory_space<vmem>>)
        %dma_wait3A_429 = arith.constant 7 : i32
        %dma_wait3A_430 = arith.constant 0 : i32
        %dma_wait3A_431 = arith.constant 0 : i32
        %dma_wait3A_432 = tpu.memref_slice %arg4[%rem3A_112, %dma_wait3A_429, %dma_wait3A_430, %dma_wait3A_431] : memref<2x13x2x128xi32, #tpu.memory_space<vmem>> -> memref<1x1x2x128xi32, #tpu.memory_space<vmem>>
        %dma_wait3A_433 = tpu.memref_squeeze %dma_wait3A_432 : memref<1x1x2x128xi32, #tpu.memory_space<vmem>> -> memref<2x128xi32, #tpu.memory_space<vmem>>
        %dma_wait3A_434 = arith.constant 0 : i32
        %dma_wait3A_435 = arith.constant 0 : i32
        %dma_wait3A_436 = tpu.memref_slice %arg2[%dma_wait3A_434, %dma_wait3A_435] : memref<2x320000xi32, #tpu.memory_space<hbm>> -> memref<2x128xi32, #tpu.memory_space<hbm>>
        %dma_wait3A_437 = arith.constant 0 : i32
        %dma_wait3A_438 = arith.constant 0 : i32
        %dma_wait3A_439 = tpu.memref_slice %arg4[%rem3A_112, %dma_wait3A_429, %dma_wait3A_437, %dma_wait3A_438] : memref<2x13x2x128xi32, #tpu.memory_space<vmem>> -> memref<1x1x2x128xi32, #tpu.memory_space<vmem>>
        %dma_wait3A_440 = tpu.memref_squeeze %dma_wait3A_439 : memref<1x1x2x128xi32, #tpu.memory_space<vmem>> -> memref<2x128xi32, #tpu.memory_space<vmem>>
        %dma_wait3A_441 = arith.constant 0 : i32
        %dma_wait3A_442 = arith.constant 0 : i32
        %dma_wait3A_443 = tpu.memref_slice %arg2[%dma_wait3A_441, %dma_wait3A_442] : memref<2x320000xi32, #tpu.memory_space<hbm>> -> memref<2x128xi32, #tpu.memory_space<hbm>>
        tpu.wait_dma2 semaphore(%arg10 : memref<!tpu.dma_semaphore, #tpu.memory_space<semaphore_mem>>) src(%dma_wait3A_443 : memref<2x128xi32, #tpu.memory_space<hbm>>) dst(%dma_wait3A_440 : memref<2x128xi32, #tpu.memory_space<vmem>>)
        %dma_wait3A_444 = arith.constant 8 : i32
        %dma_wait3A_445 = arith.constant 0 : i32
        %dma_wait3A_446 = arith.constant 0 : i32
        %dma_wait3A_447 = tpu.memref_slice %arg4[%rem3A_112, %dma_wait3A_444, %dma_wait3A_445, %dma_wait3A_446] : memref<2x13x2x128xi32, #tpu.memory_space<vmem>> -> memref<1x1x2x128xi32, #tpu.memory_space<vmem>>
        %dma_wait3A_448 = tpu.memref_squeeze %dma_wait3A_447 : memref<1x1x2x128xi32, #tpu.memory_space<vmem>> -> memref<2x128xi32, #tpu.memory_space<vmem>>
        %dma_wait3A_449 = arith.constant 0 : i32
        %dma_wait3A_450 = arith.constant 0 : i32
        %dma_wait3A_451 = tpu.memref_slice %arg2[%dma_wait3A_449, %dma_wait3A_450] : memref<2x320000xi32, #tpu.memory_space<hbm>> -> memref<2x128xi32, #tpu.memory_space<hbm>>
        %dma_wait3A_452 = arith.constant 0 : i32
        %dma_wait3A_453 = arith.constant 0 : i32
        %dma_wait3A_454 = tpu.memref_slice %arg4[%rem3A_112, %dma_wait3A_444, %dma_wait3A_452, %dma_wait3A_453] : memref<2x13x2x128xi32, #tpu.memory_space<vmem>> -> memref<1x1x2x128xi32, #tpu.memory_space<vmem>>
        %dma_wait3A_455 = tpu.memref_squeeze %dma_wait3A_454 : memref<1x1x2x128xi32, #tpu.memory_space<vmem>> -> memref<2x128xi32, #tpu.memory_space<vmem>>
        %dma_wait3A_456 = arith.constant 0 : i32
        %dma_wait3A_457 = arith.constant 0 : i32
        %dma_wait3A_458 = tpu.memref_slice %arg2[%dma_wait3A_456, %dma_wait3A_457] : memref<2x320000xi32, #tpu.memory_space<hbm>> -> memref<2x128xi32, #tpu.memory_space<hbm>>
        tpu.wait_dma2 semaphore(%arg10 : memref<!tpu.dma_semaphore, #tpu.memory_space<semaphore_mem>>) src(%dma_wait3A_458 : memref<2x128xi32, #tpu.memory_space<hbm>>) dst(%dma_wait3A_455 : memref<2x128xi32, #tpu.memory_space<vmem>>)
        %dma_wait3A_459 = arith.constant 9 : i32
        %dma_wait3A_460 = arith.constant 0 : i32
        %dma_wait3A_461 = arith.constant 0 : i32
        %dma_wait3A_462 = tpu.memref_slice %arg4[%rem3A_112, %dma_wait3A_459, %dma_wait3A_460, %dma_wait3A_461] : memref<2x13x2x128xi32, #tpu.memory_space<vmem>> -> memref<1x1x2x128xi32, #tpu.memory_space<vmem>>
        %dma_wait3A_463 = tpu.memref_squeeze %dma_wait3A_462 : memref<1x1x2x128xi32, #tpu.memory_space<vmem>> -> memref<2x128xi32, #tpu.memory_space<vmem>>
        %dma_wait3A_464 = arith.constant 0 : i32
        %dma_wait3A_465 = arith.constant 0 : i32
        %dma_wait3A_466 = tpu.memref_slice %arg2[%dma_wait3A_464, %dma_wait3A_465] : memref<2x320000xi32, #tpu.memory_space<hbm>> -> memref<2x128xi32, #tpu.memory_space<hbm>>
        %dma_wait3A_467 = arith.constant 0 : i32
        %dma_wait3A_468 = arith.constant 0 : i32
        %dma_wait3A_469 = tpu.memref_slice %arg4[%rem3A_112, %dma_wait3A_459, %dma_wait3A_467, %dma_wait3A_468] : memref<2x13x2x128xi32, #tpu.memory_space<vmem>> -> memref<1x1x2x128xi32, #tpu.memory_space<vmem>>
        %dma_wait3A_470 = tpu.memref_squeeze %dma_wait3A_469 : memref<1x1x2x128xi32, #tpu.memory_space<vmem>> -> memref<2x128xi32, #tpu.memory_space<vmem>>
        %dma_wait3A_471 = arith.constant 0 : i32
        %dma_wait3A_472 = arith.constant 0 : i32
        %dma_wait3A_473 = tpu.memref_slice %arg2[%dma_wait3A_471, %dma_wait3A_472] : memref<2x320000xi32, #tpu.memory_space<hbm>> -> memref<2x128xi32, #tpu.memory_space<hbm>>
        tpu.wait_dma2 semaphore(%arg10 : memref<!tpu.dma_semaphore, #tpu.memory_space<semaphore_mem>>) src(%dma_wait3A_473 : memref<2x128xi32, #tpu.memory_space<hbm>>) dst(%dma_wait3A_470 : memref<2x128xi32, #tpu.memory_space<vmem>>)
        %dma_wait3A_474 = arith.constant 10 : i32
        %dma_wait3A_475 = arith.constant 0 : i32
        %dma_wait3A_476 = arith.constant 0 : i32
        %dma_wait3A_477 = tpu.memref_slice %arg4[%rem3A_112, %dma_wait3A_474, %dma_wait3A_475, %dma_wait3A_476] : memref<2x13x2x128xi32, #tpu.memory_space<vmem>> -> memref<1x1x2x128xi32, #tpu.memory_space<vmem>>
        %dma_wait3A_478 = tpu.memref_squeeze %dma_wait3A_477 : memref<1x1x2x128xi32, #tpu.memory_space<vmem>> -> memref<2x128xi32, #tpu.memory_space<vmem>>
        %dma_wait3A_479 = arith.constant 0 : i32
        %dma_wait3A_480 = arith.constant 0 : i32
        %dma_wait3A_481 = tpu.memref_slice %arg2[%dma_wait3A_479, %dma_wait3A_480] : memref<2x320000xi32, #tpu.memory_space<hbm>> -> memref<2x128xi32, #tpu.memory_space<hbm>>
        %dma_wait3A_482 = arith.constant 0 : i32
        %dma_wait3A_483 = arith.constant 0 : i32
        %dma_wait3A_484 = tpu.memref_slice %arg4[%rem3A_112, %dma_wait3A_474, %dma_wait3A_482, %dma_wait3A_483] : memref<2x13x2x128xi32, #tpu.memory_space<vmem>> -> memref<1x1x2x128xi32, #tpu.memory_space<vmem>>
        %dma_wait3A_485 = tpu.memref_squeeze %dma_wait3A_484 : memref<1x1x2x128xi32, #tpu.memory_space<vmem>> -> memref<2x128xi32, #tpu.memory_space<vmem>>
        %dma_wait3A_486 = arith.constant 0 : i32
        %dma_wait3A_487 = arith.constant 0 : i32
        %dma_wait3A_488 = tpu.memref_slice %arg2[%dma_wait3A_486, %dma_wait3A_487] : memref<2x320000xi32, #tpu.memory_space<hbm>> -> memref<2x128xi32, #tpu.memory_space<hbm>>
        tpu.wait_dma2 semaphore(%arg10 : memref<!tpu.dma_semaphore, #tpu.memory_space<semaphore_mem>>) src(%dma_wait3A_488 : memref<2x128xi32, #tpu.memory_space<hbm>>) dst(%dma_wait3A_485 : memref<2x128xi32, #tpu.memory_space<vmem>>)
        %dma_wait3A_489 = arith.constant 11 : i32
        %dma_wait3A_490 = arith.constant 0 : i32
        %dma_wait3A_491 = arith.constant 0 : i32
        %dma_wait3A_492 = tpu.memref_slice %arg4[%rem3A_112, %dma_wait3A_489, %dma_wait3A_490, %dma_wait3A_491] : memref<2x13x2x128xi32, #tpu.memory_space<vmem>> -> memref<1x1x2x128xi32, #tpu.memory_space<vmem>>
        %dma_wait3A_493 = tpu.memref_squeeze %dma_wait3A_492 : memref<1x1x2x128xi32, #tpu.memory_space<vmem>> -> memref<2x128xi32, #tpu.memory_space<vmem>>
        %dma_wait3A_494 = arith.constant 0 : i32
        %dma_wait3A_495 = arith.constant 0 : i32
        %dma_wait3A_496 = tpu.memref_slice %arg2[%dma_wait3A_494, %dma_wait3A_495] : memref<2x320000xi32, #tpu.memory_space<hbm>> -> memref<2x128xi32, #tpu.memory_space<hbm>>
        %dma_wait3A_497 = arith.constant 0 : i32
        %dma_wait3A_498 = arith.constant 0 : i32
        %dma_wait3A_499 = tpu.memref_slice %arg4[%rem3A_112, %dma_wait3A_489, %dma_wait3A_497, %dma_wait3A_498] : memref<2x13x2x128xi32, #tpu.memory_space<vmem>> -> memref<1x1x2x128xi32, #tpu.memory_space<vmem>>
        %dma_wait3A_500 = tpu.memref_squeeze %dma_wait3A_499 : memref<1x1x2x128xi32, #tpu.memory_space<vmem>> -> memref<2x128xi32, #tpu.memory_space<vmem>>
        %dma_wait3A_501 = arith.constant 0 : i32
        %dma_wait3A_502 = arith.constant 0 : i32
        %dma_wait3A_503 = tpu.memref_slice %arg2[%dma_wait3A_501, %dma_wait3A_502] : memref<2x320000xi32, #tpu.memory_space<hbm>> -> memref<2x128xi32, #tpu.memory_space<hbm>>
        tpu.wait_dma2 semaphore(%arg10 : memref<!tpu.dma_semaphore, #tpu.memory_space<semaphore_mem>>) src(%dma_wait3A_503 : memref<2x128xi32, #tpu.memory_space<hbm>>) dst(%dma_wait3A_500 : memref<2x128xi32, #tpu.memory_space<vmem>>)
        %dma_wait3A_504 = arith.constant 12 : i32
        %dma_wait3A_505 = arith.constant 0 : i32
        %dma_wait3A_506 = arith.constant 0 : i32
        %dma_wait3A_507 = tpu.memref_slice %arg4[%rem3A_112, %dma_wait3A_504, %dma_wait3A_505, %dma_wait3A_506] : memref<2x13x2x128xi32, #tpu.memory_space<vmem>> -> memref<1x1x2x128xi32, #tpu.memory_space<vmem>>
        %dma_wait3A_508 = tpu.memref_squeeze %dma_wait3A_507 : memref<1x1x2x128xi32, #tpu.memory_space<vmem>> -> memref<2x128xi32, #tpu.memory_space<vmem>>
        %dma_wait3A_509 = arith.constant 0 : i32
        %dma_wait3A_510 = arith.constant 0 : i32
        %dma_wait3A_511 = tpu.memref_slice %arg2[%dma_wait3A_509, %dma_wait3A_510] : memref<2x320000xi32, #tpu.memory_space<hbm>> -> memref<2x128xi32, #tpu.memory_space<hbm>>
        %dma_wait3A_512 = arith.constant 0 : i32
        %dma_wait3A_513 = arith.constant 0 : i32
        %dma_wait3A_514 = tpu.memref_slice %arg4[%rem3A_112, %dma_wait3A_504, %dma_wait3A_512, %dma_wait3A_513] : memref<2x13x2x128xi32, #tpu.memory_space<vmem>> -> memref<1x1x2x128xi32, #tpu.memory_space<vmem>>
        %dma_wait3A_515 = tpu.memref_squeeze %dma_wait3A_514 : memref<1x1x2x128xi32, #tpu.memory_space<vmem>> -> memref<2x128xi32, #tpu.memory_space<vmem>>
        %dma_wait3A_516 = arith.constant 0 : i32
        %dma_wait3A_517 = arith.constant 0 : i32
        %dma_wait3A_518 = tpu.memref_slice %arg2[%dma_wait3A_516, %dma_wait3A_517] : memref<2x320000xi32, #tpu.memory_space<hbm>> -> memref<2x128xi32, #tpu.memory_space<hbm>>
        tpu.wait_dma2 semaphore(%arg10 : memref<!tpu.dma_semaphore, #tpu.memory_space<semaphore_mem>>) src(%dma_wait3A_518 : memref<2x128xi32, #tpu.memory_space<hbm>>) dst(%dma_wait3A_515 : memref<2x128xi32, #tpu.memory_space<vmem>>)
      } else {
      }
      %add3A_125 = arith.constant 1 : i32
      %add3A_126 = arith.addi %scan3A_110, %add3A_125 : i32
      %lt3A_127 = arith.constant 6 : i32
      %lt3A_128 = arith.cmpi slt, %add3A_126, %lt3A_127 : i32
      %and3A_129 = arith.andi %lt3A_128, %eq3A_113 : i1
      %convert_element_type3A_130 = arith.extui %and3A_129 : i1 to i32
      %cond3A_131 = arith.constant 0 : i32
      %cond3A_132 = arith.cmpi ne, %convert_element_type3A_130, %cond3A_131 : i32
      scf.if %cond3A_132 {
        %add3A_324 = arith.constant 1 : i32
        %add3A_325 = arith.addi %scan3A_110, %add3A_324 : i32
        %sub3A = arith.constant 1 : i32
        %sub3A_326 = arith.subi %sub3A, %rem3A_112 : i32
        %mul3A_327 = arith.constant 13 : i32
        %mul3A_328 = arith.muli %add3A_325, %mul3A_327 : i32
        %add3A_329 = arith.addi %mul3A_2, %mul3A_328 : i32
        %mul3A_330 = arith.constant 128 : i32
        %mul3A_331 = arith.muli %add3A_329, %mul3A_330 : i32
        %add3A_332 = arith.constant 0 : i32
        %add3A_333 = arith.addi %mul3A_331, %add3A_332 : i32
        %dma_start3A_334 = arith.constant 0 : i32
        %dma_start3A_335 = arith.constant 0 : i32
        %dma_start3A_336 = arith.constant 0 : i32
        %dma_start3A_337 = tpu.memref_slice %arg4[%sub3A_326, %dma_start3A_334, %dma_start3A_335, %dma_start3A_336] : memref<2x13x2x128xi32, #tpu.memory_space<vmem>> -> memref<1x1x2x128xi32, #tpu.memory_space<vmem>>
        %dma_start3A_338 = tpu.memref_squeeze %dma_start3A_337 : memref<1x1x2x128xi32, #tpu.memory_space<vmem>> -> memref<2x128xi32, #tpu.memory_space<vmem>>
        %dma_start3A_339 = arith.constant 0 : i32
        %dma_start3A_340 = tpu.memref_slice %arg2[%dma_start3A_339, %add3A_333] : memref<2x320000xi32, #tpu.memory_space<hbm>> -> memref<2x128xi32, #tpu.memory_space<hbm>>
        %dma_start3A_341 = arith.constant 0 : i32
        %dma_start3A_342 = arith.constant 0 : i32
        %dma_start3A_343 = tpu.memref_slice %arg4[%sub3A_326, %dma_start3A_334, %dma_start3A_341, %dma_start3A_342] : memref<2x13x2x128xi32, #tpu.memory_space<vmem>> -> memref<1x1x2x128xi32, #tpu.memory_space<vmem>>
        %dma_start3A_344 = tpu.memref_squeeze %dma_start3A_343 : memref<1x1x2x128xi32, #tpu.memory_space<vmem>> -> memref<2x128xi32, #tpu.memory_space<vmem>>
        %dma_start3A_345 = arith.constant 0 : i32
        %dma_start3A_346 = tpu.memref_slice %arg2[%dma_start3A_345, %add3A_333] : memref<2x320000xi32, #tpu.memory_space<hbm>> -> memref<2x128xi32, #tpu.memory_space<hbm>>
        tpu.enqueue_dma source(%dma_start3A_346 : memref<2x128xi32, #tpu.memory_space<hbm>>) target(%dma_start3A_344 : memref<2x128xi32, #tpu.memory_space<vmem>>) target_semaphore(%arg10 : memref<!tpu.dma_semaphore, #tpu.memory_space<semaphore_mem>>)
        %add3A_347 = arith.constant 128 : i32
        %add3A_348 = arith.addi %mul3A_331, %add3A_347 : i32
        %dma_start3A_349 = arith.constant 1 : i32
        %dma_start3A_350 = arith.constant 0 : i32
        %dma_start3A_351 = arith.constant 0 : i32
        %dma_start3A_352 = tpu.memref_slice %arg4[%sub3A_326, %dma_start3A_349, %dma_start3A_350, %dma_start3A_351] : memref<2x13x2x128xi32, #tpu.memory_space<vmem>> -> memref<1x1x2x128xi32, #tpu.memory_space<vmem>>
        %dma_start3A_353 = tpu.memref_squeeze %dma_start3A_352 : memref<1x1x2x128xi32, #tpu.memory_space<vmem>> -> memref<2x128xi32, #tpu.memory_space<vmem>>
        %dma_start3A_354 = arith.constant 0 : i32
        %dma_start3A_355 = tpu.memref_slice %arg2[%dma_start3A_354, %add3A_348] : memref<2x320000xi32, #tpu.memory_space<hbm>> -> memref<2x128xi32, #tpu.memory_space<hbm>>
        %dma_start3A_356 = arith.constant 0 : i32
        %dma_start3A_357 = arith.constant 0 : i32
        %dma_start3A_358 = tpu.memref_slice %arg4[%sub3A_326, %dma_start3A_349, %dma_start3A_356, %dma_start3A_357] : memref<2x13x2x128xi32, #tpu.memory_space<vmem>> -> memref<1x1x2x128xi32, #tpu.memory_space<vmem>>
        %dma_start3A_359 = tpu.memref_squeeze %dma_start3A_358 : memref<1x1x2x128xi32, #tpu.memory_space<vmem>> -> memref<2x128xi32, #tpu.memory_space<vmem>>
        %dma_start3A_360 = arith.constant 0 : i32
        %dma_start3A_361 = tpu.memref_slice %arg2[%dma_start3A_360, %add3A_348] : memref<2x320000xi32, #tpu.memory_space<hbm>> -> memref<2x128xi32, #tpu.memory_space<hbm>>
        tpu.enqueue_dma source(%dma_start3A_361 : memref<2x128xi32, #tpu.memory_space<hbm>>) target(%dma_start3A_359 : memref<2x128xi32, #tpu.memory_space<vmem>>) target_semaphore(%arg10 : memref<!tpu.dma_semaphore, #tpu.memory_space<semaphore_mem>>)
        %add3A_362 = arith.constant 256 : i32
        %add3A_363 = arith.addi %mul3A_331, %add3A_362 : i32
        %dma_start3A_364 = arith.constant 2 : i32
        %dma_start3A_365 = arith.constant 0 : i32
        %dma_start3A_366 = arith.constant 0 : i32
        %dma_start3A_367 = tpu.memref_slice %arg4[%sub3A_326, %dma_start3A_364, %dma_start3A_365, %dma_start3A_366] : memref<2x13x2x128xi32, #tpu.memory_space<vmem>> -> memref<1x1x2x128xi32, #tpu.memory_space<vmem>>
        %dma_start3A_368 = tpu.memref_squeeze %dma_start3A_367 : memref<1x1x2x128xi32, #tpu.memory_space<vmem>> -> memref<2x128xi32, #tpu.memory_space<vmem>>
        %dma_start3A_369 = arith.constant 0 : i32
        %dma_start3A_370 = tpu.memref_slice %arg2[%dma_start3A_369, %add3A_363] : memref<2x320000xi32, #tpu.memory_space<hbm>> -> memref<2x128xi32, #tpu.memory_space<hbm>>
        %dma_start3A_371 = arith.constant 0 : i32
        %dma_start3A_372 = arith.constant 0 : i32
        %dma_start3A_373 = tpu.memref_slice %arg4[%sub3A_326, %dma_start3A_364, %dma_start3A_371, %dma_start3A_372] : memref<2x13x2x128xi32, #tpu.memory_space<vmem>> -> memref<1x1x2x128xi32, #tpu.memory_space<vmem>>
        %dma_start3A_374 = tpu.memref_squeeze %dma_start3A_373 : memref<1x1x2x128xi32, #tpu.memory_space<vmem>> -> memref<2x128xi32, #tpu.memory_space<vmem>>
        %dma_start3A_375 = arith.constant 0 : i32
        %dma_start3A_376 = tpu.memref_slice %arg2[%dma_start3A_375, %add3A_363] : memref<2x320000xi32, #tpu.memory_space<hbm>> -> memref<2x128xi32, #tpu.memory_space<hbm>>
        tpu.enqueue_dma source(%dma_start3A_376 : memref<2x128xi32, #tpu.memory_space<hbm>>) target(%dma_start3A_374 : memref<2x128xi32, #tpu.memory_space<vmem>>) target_semaphore(%arg10 : memref<!tpu.dma_semaphore, #tpu.memory_space<semaphore_mem>>)
        %add3A_377 = arith.constant 384 : i32
        %add3A_378 = arith.addi %mul3A_331, %add3A_377 : i32
        %dma_start3A_379 = arith.constant 3 : i32
        %dma_start3A_380 = arith.constant 0 : i32
        %dma_start3A_381 = arith.constant 0 : i32
        %dma_start3A_382 = tpu.memref_slice %arg4[%sub3A_326, %dma_start3A_379, %dma_start3A_380, %dma_start3A_381] : memref<2x13x2x128xi32, #tpu.memory_space<vmem>> -> memref<1x1x2x128xi32, #tpu.memory_space<vmem>>
        %dma_start3A_383 = tpu.memref_squeeze %dma_start3A_382 : memref<1x1x2x128xi32, #tpu.memory_space<vmem>> -> memref<2x128xi32, #tpu.memory_space<vmem>>
        %dma_start3A_384 = arith.constant 0 : i32
        %dma_start3A_385 = tpu.memref_slice %arg2[%dma_start3A_384, %add3A_378] : memref<2x320000xi32, #tpu.memory_space<hbm>> -> memref<2x128xi32, #tpu.memory_space<hbm>>
        %dma_start3A_386 = arith.constant 0 : i32
        %dma_start3A_387 = arith.constant 0 : i32
        %dma_start3A_388 = tpu.memref_slice %arg4[%sub3A_326, %dma_start3A_379, %dma_start3A_386, %dma_start3A_387] : memref<2x13x2x128xi32, #tpu.memory_space<vmem>> -> memref<1x1x2x128xi32, #tpu.memory_space<vmem>>
        %dma_start3A_389 = tpu.memref_squeeze %dma_start3A_388 : memref<1x1x2x128xi32, #tpu.memory_space<vmem>> -> memref<2x128xi32, #tpu.memory_space<vmem>>
        %dma_start3A_390 = arith.constant 0 : i32
        %dma_start3A_391 = tpu.memref_slice %arg2[%dma_start3A_390, %add3A_378] : memref<2x320000xi32, #tpu.memory_space<hbm>> -> memref<2x128xi32, #tpu.memory_space<hbm>>
        tpu.enqueue_dma source(%dma_start3A_391 : memref<2x128xi32, #tpu.memory_space<hbm>>) target(%dma_start3A_389 : memref<2x128xi32, #tpu.memory_space<vmem>>) target_semaphore(%arg10 : memref<!tpu.dma_semaphore, #tpu.memory_space<semaphore_mem>>)
        %add3A_392 = arith.constant 512 : i32
        %add3A_393 = arith.addi %mul3A_331, %add3A_392 : i32
        %dma_start3A_394 = arith.constant 4 : i32
        %dma_start3A_395 = arith.constant 0 : i32
        %dma_start3A_396 = arith.constant 0 : i32
        %dma_start3A_397 = tpu.memref_slice %arg4[%sub3A_326, %dma_start3A_394, %dma_start3A_395, %dma_start3A_396] : memref<2x13x2x128xi32, #tpu.memory_space<vmem>> -> memref<1x1x2x128xi32, #tpu.memory_space<vmem>>
        %dma_start3A_398 = tpu.memref_squeeze %dma_start3A_397 : memref<1x1x2x128xi32, #tpu.memory_space<vmem>> -> memref<2x128xi32, #tpu.memory_space<vmem>>
        %dma_start3A_399 = arith.constant 0 : i32
        %dma_start3A_400 = tpu.memref_slice %arg2[%dma_start3A_399, %add3A_393] : memref<2x320000xi32, #tpu.memory_space<hbm>> -> memref<2x128xi32, #tpu.memory_space<hbm>>
        %dma_start3A_401 = arith.constant 0 : i32
        %dma_start3A_402 = arith.constant 0 : i32
        %dma_start3A_403 = tpu.memref_slice %arg4[%sub3A_326, %dma_start3A_394, %dma_start3A_401, %dma_start3A_402] : memref<2x13x2x128xi32, #tpu.memory_space<vmem>> -> memref<1x1x2x128xi32, #tpu.memory_space<vmem>>
        %dma_start3A_404 = tpu.memref_squeeze %dma_start3A_403 : memref<1x1x2x128xi32, #tpu.memory_space<vmem>> -> memref<2x128xi32, #tpu.memory_space<vmem>>
        %dma_start3A_405 = arith.constant 0 : i32
        %dma_start3A_406 = tpu.memref_slice %arg2[%dma_start3A_405, %add3A_393] : memref<2x320000xi32, #tpu.memory_space<hbm>> -> memref<2x128xi32, #tpu.memory_space<hbm>>
        tpu.enqueue_dma source(%dma_start3A_406 : memref<2x128xi32, #tpu.memory_space<hbm>>) target(%dma_start3A_404 : memref<2x128xi32, #tpu.memory_space<vmem>>) target_semaphore(%arg10 : memref<!tpu.dma_semaphore, #tpu.memory_space<semaphore_mem>>)
        %add3A_407 = arith.constant 640 : i32
        %add3A_408 = arith.addi %mul3A_331, %add3A_407 : i32
        %dma_start3A_409 = arith.constant 5 : i32
        %dma_start3A_410 = arith.constant 0 : i32
        %dma_start3A_411 = arith.constant 0 : i32
        %dma_start3A_412 = tpu.memref_slice %arg4[%sub3A_326, %dma_start3A_409, %dma_start3A_410, %dma_start3A_411] : memref<2x13x2x128xi32, #tpu.memory_space<vmem>> -> memref<1x1x2x128xi32, #tpu.memory_space<vmem>>
        %dma_start3A_413 = tpu.memref_squeeze %dma_start3A_412 : memref<1x1x2x128xi32, #tpu.memory_space<vmem>> -> memref<2x128xi32, #tpu.memory_space<vmem>>
        %dma_start3A_414 = arith.constant 0 : i32
        %dma_start3A_415 = tpu.memref_slice %arg2[%dma_start3A_414, %add3A_408] : memref<2x320000xi32, #tpu.memory_space<hbm>> -> memref<2x128xi32, #tpu.memory_space<hbm>>
        %dma_start3A_416 = arith.constant 0 : i32
        %dma_start3A_417 = arith.constant 0 : i32
        %dma_start3A_418 = tpu.memref_slice %arg4[%sub3A_326, %dma_start3A_409, %dma_start3A_416, %dma_start3A_417] : memref<2x13x2x128xi32, #tpu.memory_space<vmem>> -> memref<1x1x2x128xi32, #tpu.memory_space<vmem>>
        %dma_start3A_419 = tpu.memref_squeeze %dma_start3A_418 : memref<1x1x2x128xi32, #tpu.memory_space<vmem>> -> memref<2x128xi32, #tpu.memory_space<vmem>>
        %dma_start3A_420 = arith.constant 0 : i32
        %dma_start3A_421 = tpu.memref_slice %arg2[%dma_start3A_420, %add3A_408] : memref<2x320000xi32, #tpu.memory_space<hbm>> -> memref<2x128xi32, #tpu.memory_space<hbm>>
        tpu.enqueue_dma source(%dma_start3A_421 : memref<2x128xi32, #tpu.memory_space<hbm>>) target(%dma_start3A_419 : memref<2x128xi32, #tpu.memory_space<vmem>>) target_semaphore(%arg10 : memref<!tpu.dma_semaphore, #tpu.memory_space<semaphore_mem>>)
        %add3A_422 = arith.constant 768 : i32
        %add3A_423 = arith.addi %mul3A_331, %add3A_422 : i32
        %dma_start3A_424 = arith.constant 6 : i32
        %dma_start3A_425 = arith.constant 0 : i32
        %dma_start3A_426 = arith.constant 0 : i32
        %dma_start3A_427 = tpu.memref_slice %arg4[%sub3A_326, %dma_start3A_424, %dma_start3A_425, %dma_start3A_426] : memref<2x13x2x128xi32, #tpu.memory_space<vmem>> -> memref<1x1x2x128xi32, #tpu.memory_space<vmem>>
        %dma_start3A_428 = tpu.memref_squeeze %dma_start3A_427 : memref<1x1x2x128xi32, #tpu.memory_space<vmem>> -> memref<2x128xi32, #tpu.memory_space<vmem>>
        %dma_start3A_429 = arith.constant 0 : i32
        %dma_start3A_430 = tpu.memref_slice %arg2[%dma_start3A_429, %add3A_423] : memref<2x320000xi32, #tpu.memory_space<hbm>> -> memref<2x128xi32, #tpu.memory_space<hbm>>
        %dma_start3A_431 = arith.constant 0 : i32
        %dma_start3A_432 = arith.constant 0 : i32
        %dma_start3A_433 = tpu.memref_slice %arg4[%sub3A_326, %dma_start3A_424, %dma_start3A_431, %dma_start3A_432] : memref<2x13x2x128xi32, #tpu.memory_space<vmem>> -> memref<1x1x2x128xi32, #tpu.memory_space<vmem>>
        %dma_start3A_434 = tpu.memref_squeeze %dma_start3A_433 : memref<1x1x2x128xi32, #tpu.memory_space<vmem>> -> memref<2x128xi32, #tpu.memory_space<vmem>>
        %dma_start3A_435 = arith.constant 0 : i32
        %dma_start3A_436 = tpu.memref_slice %arg2[%dma_start3A_435, %add3A_423] : memref<2x320000xi32, #tpu.memory_space<hbm>> -> memref<2x128xi32, #tpu.memory_space<hbm>>
        tpu.enqueue_dma source(%dma_start3A_436 : memref<2x128xi32, #tpu.memory_space<hbm>>) target(%dma_start3A_434 : memref<2x128xi32, #tpu.memory_space<vmem>>) target_semaphore(%arg10 : memref<!tpu.dma_semaphore, #tpu.memory_space<semaphore_mem>>)
        %add3A_437 = arith.constant 896 : i32
        %add3A_438 = arith.addi %mul3A_331, %add3A_437 : i32
        %dma_start3A_439 = arith.constant 7 : i32
        %dma_start3A_440 = arith.constant 0 : i32
        %dma_start3A_441 = arith.constant 0 : i32
        %dma_start3A_442 = tpu.memref_slice %arg4[%sub3A_326, %dma_start3A_439, %dma_start3A_440, %dma_start3A_441] : memref<2x13x2x128xi32, #tpu.memory_space<vmem>> -> memref<1x1x2x128xi32, #tpu.memory_space<vmem>>
        %dma_start3A_443 = tpu.memref_squeeze %dma_start3A_442 : memref<1x1x2x128xi32, #tpu.memory_space<vmem>> -> memref<2x128xi32, #tpu.memory_space<vmem>>
        %dma_start3A_444 = arith.constant 0 : i32
        %dma_start3A_445 = tpu.memref_slice %arg2[%dma_start3A_444, %add3A_438] : memref<2x320000xi32, #tpu.memory_space<hbm>> -> memref<2x128xi32, #tpu.memory_space<hbm>>
        %dma_start3A_446 = arith.constant 0 : i32
        %dma_start3A_447 = arith.constant 0 : i32
        %dma_start3A_448 = tpu.memref_slice %arg4[%sub3A_326, %dma_start3A_439, %dma_start3A_446, %dma_start3A_447] : memref<2x13x2x128xi32, #tpu.memory_space<vmem>> -> memref<1x1x2x128xi32, #tpu.memory_space<vmem>>
        %dma_start3A_449 = tpu.memref_squeeze %dma_start3A_448 : memref<1x1x2x128xi32, #tpu.memory_space<vmem>> -> memref<2x128xi32, #tpu.memory_space<vmem>>
        %dma_start3A_450 = arith.constant 0 : i32
        %dma_start3A_451 = tpu.memref_slice %arg2[%dma_start3A_450, %add3A_438] : memref<2x320000xi32, #tpu.memory_space<hbm>> -> memref<2x128xi32, #tpu.memory_space<hbm>>
        tpu.enqueue_dma source(%dma_start3A_451 : memref<2x128xi32, #tpu.memory_space<hbm>>) target(%dma_start3A_449 : memref<2x128xi32, #tpu.memory_space<vmem>>) target_semaphore(%arg10 : memref<!tpu.dma_semaphore, #tpu.memory_space<semaphore_mem>>)
        %add3A_452 = arith.constant 1024 : i32
        %add3A_453 = arith.addi %mul3A_331, %add3A_452 : i32
        %dma_start3A_454 = arith.constant 8 : i32
        %dma_start3A_455 = arith.constant 0 : i32
        %dma_start3A_456 = arith.constant 0 : i32
        %dma_start3A_457 = tpu.memref_slice %arg4[%sub3A_326, %dma_start3A_454, %dma_start3A_455, %dma_start3A_456] : memref<2x13x2x128xi32, #tpu.memory_space<vmem>> -> memref<1x1x2x128xi32, #tpu.memory_space<vmem>>
        %dma_start3A_458 = tpu.memref_squeeze %dma_start3A_457 : memref<1x1x2x128xi32, #tpu.memory_space<vmem>> -> memref<2x128xi32, #tpu.memory_space<vmem>>
        %dma_start3A_459 = arith.constant 0 : i32
        %dma_start3A_460 = tpu.memref_slice %arg2[%dma_start3A_459, %add3A_453] : memref<2x320000xi32, #tpu.memory_space<hbm>> -> memref<2x128xi32, #tpu.memory_space<hbm>>
        %dma_start3A_461 = arith.constant 0 : i32
        %dma_start3A_462 = arith.constant 0 : i32
        %dma_start3A_463 = tpu.memref_slice %arg4[%sub3A_326, %dma_start3A_454, %dma_start3A_461, %dma_start3A_462] : memref<2x13x2x128xi32, #tpu.memory_space<vmem>> -> memref<1x1x2x128xi32, #tpu.memory_space<vmem>>
        %dma_start3A_464 = tpu.memref_squeeze %dma_start3A_463 : memref<1x1x2x128xi32, #tpu.memory_space<vmem>> -> memref<2x128xi32, #tpu.memory_space<vmem>>
        %dma_start3A_465 = arith.constant 0 : i32
        %dma_start3A_466 = tpu.memref_slice %arg2[%dma_start3A_465, %add3A_453] : memref<2x320000xi32, #tpu.memory_space<hbm>> -> memref<2x128xi32, #tpu.memory_space<hbm>>
        tpu.enqueue_dma source(%dma_start3A_466 : memref<2x128xi32, #tpu.memory_space<hbm>>) target(%dma_start3A_464 : memref<2x128xi32, #tpu.memory_space<vmem>>) target_semaphore(%arg10 : memref<!tpu.dma_semaphore, #tpu.memory_space<semaphore_mem>>)
        %add3A_467 = arith.constant 1152 : i32
        %add3A_468 = arith.addi %mul3A_331, %add3A_467 : i32
        %dma_start3A_469 = arith.constant 9 : i32
        %dma_start3A_470 = arith.constant 0 : i32
        %dma_start3A_471 = arith.constant 0 : i32
        %dma_start3A_472 = tpu.memref_slice %arg4[%sub3A_326, %dma_start3A_469, %dma_start3A_470, %dma_start3A_471] : memref<2x13x2x128xi32, #tpu.memory_space<vmem>> -> memref<1x1x2x128xi32, #tpu.memory_space<vmem>>
        %dma_start3A_473 = tpu.memref_squeeze %dma_start3A_472 : memref<1x1x2x128xi32, #tpu.memory_space<vmem>> -> memref<2x128xi32, #tpu.memory_space<vmem>>
        %dma_start3A_474 = arith.constant 0 : i32
        %dma_start3A_475 = tpu.memref_slice %arg2[%dma_start3A_474, %add3A_468] : memref<2x320000xi32, #tpu.memory_space<hbm>> -> memref<2x128xi32, #tpu.memory_space<hbm>>
        %dma_start3A_476 = arith.constant 0 : i32
        %dma_start3A_477 = arith.constant 0 : i32
        %dma_start3A_478 = tpu.memref_slice %arg4[%sub3A_326, %dma_start3A_469, %dma_start3A_476, %dma_start3A_477] : memref<2x13x2x128xi32, #tpu.memory_space<vmem>> -> memref<1x1x2x128xi32, #tpu.memory_space<vmem>>
        %dma_start3A_479 = tpu.memref_squeeze %dma_start3A_478 : memref<1x1x2x128xi32, #tpu.memory_space<vmem>> -> memref<2x128xi32, #tpu.memory_space<vmem>>
        %dma_start3A_480 = arith.constant 0 : i32
        %dma_start3A_481 = tpu.memref_slice %arg2[%dma_start3A_480, %add3A_468] : memref<2x320000xi32, #tpu.memory_space<hbm>> -> memref<2x128xi32, #tpu.memory_space<hbm>>
        tpu.enqueue_dma source(%dma_start3A_481 : memref<2x128xi32, #tpu.memory_space<hbm>>) target(%dma_start3A_479 : memref<2x128xi32, #tpu.memory_space<vmem>>) target_semaphore(%arg10 : memref<!tpu.dma_semaphore, #tpu.memory_space<semaphore_mem>>)
        %add3A_482 = arith.constant 1280 : i32
        %add3A_483 = arith.addi %mul3A_331, %add3A_482 : i32
        %dma_start3A_484 = arith.constant 10 : i32
        %dma_start3A_485 = arith.constant 0 : i32
        %dma_start3A_486 = arith.constant 0 : i32
        %dma_start3A_487 = tpu.memref_slice %arg4[%sub3A_326, %dma_start3A_484, %dma_start3A_485, %dma_start3A_486] : memref<2x13x2x128xi32, #tpu.memory_space<vmem>> -> memref<1x1x2x128xi32, #tpu.memory_space<vmem>>
        %dma_start3A_488 = tpu.memref_squeeze %dma_start3A_487 : memref<1x1x2x128xi32, #tpu.memory_space<vmem>> -> memref<2x128xi32, #tpu.memory_space<vmem>>
        %dma_start3A_489 = arith.constant 0 : i32
        %dma_start3A_490 = tpu.memref_slice %arg2[%dma_start3A_489, %add3A_483] : memref<2x320000xi32, #tpu.memory_space<hbm>> -> memref<2x128xi32, #tpu.memory_space<hbm>>
        %dma_start3A_491 = arith.constant 0 : i32
        %dma_start3A_492 = arith.constant 0 : i32
        %dma_start3A_493 = tpu.memref_slice %arg4[%sub3A_326, %dma_start3A_484, %dma_start3A_491, %dma_start3A_492] : memref<2x13x2x128xi32, #tpu.memory_space<vmem>> -> memref<1x1x2x128xi32, #tpu.memory_space<vmem>>
        %dma_start3A_494 = tpu.memref_squeeze %dma_start3A_493 : memref<1x1x2x128xi32, #tpu.memory_space<vmem>> -> memref<2x128xi32, #tpu.memory_space<vmem>>
        %dma_start3A_495 = arith.constant 0 : i32
        %dma_start3A_496 = tpu.memref_slice %arg2[%dma_start3A_495, %add3A_483] : memref<2x320000xi32, #tpu.memory_space<hbm>> -> memref<2x128xi32, #tpu.memory_space<hbm>>
        tpu.enqueue_dma source(%dma_start3A_496 : memref<2x128xi32, #tpu.memory_space<hbm>>) target(%dma_start3A_494 : memref<2x128xi32, #tpu.memory_space<vmem>>) target_semaphore(%arg10 : memref<!tpu.dma_semaphore, #tpu.memory_space<semaphore_mem>>)
        %add3A_497 = arith.constant 1408 : i32
        %add3A_498 = arith.addi %mul3A_331, %add3A_497 : i32
        %dma_start3A_499 = arith.constant 11 : i32
        %dma_start3A_500 = arith.constant 0 : i32
        %dma_start3A_501 = arith.constant 0 : i32
        %dma_start3A_502 = tpu.memref_slice %arg4[%sub3A_326, %dma_start3A_499, %dma_start3A_500, %dma_start3A_501] : memref<2x13x2x128xi32, #tpu.memory_space<vmem>> -> memref<1x1x2x128xi32, #tpu.memory_space<vmem>>
        %dma_start3A_503 = tpu.memref_squeeze %dma_start3A_502 : memref<1x1x2x128xi32, #tpu.memory_space<vmem>> -> memref<2x128xi32, #tpu.memory_space<vmem>>
        %dma_start3A_504 = arith.constant 0 : i32
        %dma_start3A_505 = tpu.memref_slice %arg2[%dma_start3A_504, %add3A_498] : memref<2x320000xi32, #tpu.memory_space<hbm>> -> memref<2x128xi32, #tpu.memory_space<hbm>>
        %dma_start3A_506 = arith.constant 0 : i32
        %dma_start3A_507 = arith.constant 0 : i32
        %dma_start3A_508 = tpu.memref_slice %arg4[%sub3A_326, %dma_start3A_499, %dma_start3A_506, %dma_start3A_507] : memref<2x13x2x128xi32, #tpu.memory_space<vmem>> -> memref<1x1x2x128xi32, #tpu.memory_space<vmem>>
        %dma_start3A_509 = tpu.memref_squeeze %dma_start3A_508 : memref<1x1x2x128xi32, #tpu.memory_space<vmem>> -> memref<2x128xi32, #tpu.memory_space<vmem>>
        %dma_start3A_510 = arith.constant 0 : i32
        %dma_start3A_511 = tpu.memref_slice %arg2[%dma_start3A_510, %add3A_498] : memref<2x320000xi32, #tpu.memory_space<hbm>> -> memref<2x128xi32, #tpu.memory_space<hbm>>
        tpu.enqueue_dma source(%dma_start3A_511 : memref<2x128xi32, #tpu.memory_space<hbm>>) target(%dma_start3A_509 : memref<2x128xi32, #tpu.memory_space<vmem>>) target_semaphore(%arg10 : memref<!tpu.dma_semaphore, #tpu.memory_space<semaphore_mem>>)
        %add3A_512 = arith.constant 1536 : i32
        %add3A_513 = arith.addi %mul3A_331, %add3A_512 : i32
        %dma_start3A_514 = arith.constant 12 : i32
        %dma_start3A_515 = arith.constant 0 : i32
        %dma_start3A_516 = arith.constant 0 : i32
        %dma_start3A_517 = tpu.memref_slice %arg4[%sub3A_326, %dma_start3A_514, %dma_start3A_515, %dma_start3A_516] : memref<2x13x2x128xi32, #tpu.memory_space<vmem>> -> memref<1x1x2x128xi32, #tpu.memory_space<vmem>>
        %dma_start3A_518 = tpu.memref_squeeze %dma_start3A_517 : memref<1x1x2x128xi32, #tpu.memory_space<vmem>> -> memref<2x128xi32, #tpu.memory_space<vmem>>
        %dma_start3A_519 = arith.constant 0 : i32
        %dma_start3A_520 = tpu.memref_slice %arg2[%dma_start3A_519, %add3A_513] : memref<2x320000xi32, #tpu.memory_space<hbm>> -> memref<2x128xi32, #tpu.memory_space<hbm>>
        %dma_start3A_521 = arith.constant 0 : i32
        %dma_start3A_522 = arith.constant 0 : i32
        %dma_start3A_523 = tpu.memref_slice %arg4[%sub3A_326, %dma_start3A_514, %dma_start3A_521, %dma_start3A_522] : memref<2x13x2x128xi32, #tpu.memory_space<vmem>> -> memref<1x1x2x128xi32, #tpu.memory_space<vmem>>
        %dma_start3A_524 = tpu.memref_squeeze %dma_start3A_523 : memref<1x1x2x128xi32, #tpu.memory_space<vmem>> -> memref<2x128xi32, #tpu.memory_space<vmem>>
        %dma_start3A_525 = arith.constant 0 : i32
        %dma_start3A_526 = tpu.memref_slice %arg2[%dma_start3A_525, %add3A_513] : memref<2x320000xi32, #tpu.memory_space<hbm>> -> memref<2x128xi32, #tpu.memory_space<hbm>>
        tpu.enqueue_dma source(%dma_start3A_526 : memref<2x128xi32, #tpu.memory_space<hbm>>) target(%dma_start3A_524 : memref<2x128xi32, #tpu.memory_space<vmem>>) target_semaphore(%arg10 : memref<!tpu.dma_semaphore, #tpu.memory_space<semaphore_mem>>)
      } else {
      }
      %add3A_133 = arith.constant 1 : i32
      %add3A_134 = arith.addi %scan3A_110, %add3A_133 : i32
      %lt3A_135 = arith.constant 6 : i32
      %lt3A_136 = arith.cmpi slt, %add3A_134, %lt3A_135 : i32
      %not3A_137 = arith.constant true
      %not3A_138 = arith.xori %eq3A_113, %not3A_137 : i1
      %and3A_139 = arith.andi %lt3A_136, %not3A_138 : i1
      %convert_element_type3A_140 = arith.extui %and3A_139 : i1 to i32
      %cond3A_141 = arith.constant 0 : i32
      %cond3A_142 = arith.cmpi ne, %convert_element_type3A_140, %cond3A_141 : i32
      scf.if %cond3A_142 {
        %add3A_324 = arith.constant 1 : i32
        %add3A_325 = arith.addi %scan3A_110, %add3A_324 : i32
        %sub3A = arith.constant 1 : i32
        %sub3A_326 = arith.subi %sub3A, %rem3A_112 : i32
        %mul3A_327 = arith.constant 13 : i32
        %mul3A_328 = arith.muli %add3A_325, %mul3A_327 : i32
        %add3A_329 = arith.addi %mul3A_2, %mul3A_328 : i32
        %mul3A_330 = arith.constant 128 : i32
        %mul3A_331 = arith.muli %add3A_329, %mul3A_330 : i32
        %add3A_332 = arith.constant 0 : i32
        %add3A_333 = arith.addi %mul3A_331, %add3A_332 : i32
        %dma_start3A_334 = arith.constant 0 : i32
        %dma_start3A_335 = arith.constant 0 : i32
        %dma_start3A_336 = arith.constant 0 : i32
        %dma_start3A_337 = tpu.memref_slice %arg4[%sub3A_326, %dma_start3A_334, %dma_start3A_335, %dma_start3A_336] : memref<2x13x2x128xi32, #tpu.memory_space<vmem>> -> memref<1x1x2x128xi32, #tpu.memory_space<vmem>>
        %dma_start3A_338 = tpu.memref_squeeze %dma_start3A_337 : memref<1x1x2x128xi32, #tpu.memory_space<vmem>> -> memref<2x128xi32, #tpu.memory_space<vmem>>
        %dma_start3A_339 = arith.constant 0 : i32
        %dma_start3A_340 = tpu.memref_slice %arg2[%dma_start3A_339, %add3A_333] : memref<2x320000xi32, #tpu.memory_space<hbm>> -> memref<2x128xi32, #tpu.memory_space<hbm>>
        %dma_start3A_341 = arith.constant 0 : i32
        %dma_start3A_342 = arith.constant 0 : i32
        %dma_start3A_343 = tpu.memref_slice %arg4[%sub3A_326, %dma_start3A_334, %dma_start3A_341, %dma_start3A_342] : memref<2x13x2x128xi32, #tpu.memory_space<vmem>> -> memref<1x1x2x128xi32, #tpu.memory_space<vmem>>
        %dma_start3A_344 = tpu.memref_squeeze %dma_start3A_343 : memref<1x1x2x128xi32, #tpu.memory_space<vmem>> -> memref<2x128xi32, #tpu.memory_space<vmem>>
        %dma_start3A_345 = arith.constant 0 : i32
        %dma_start3A_346 = tpu.memref_slice %arg2[%dma_start3A_345, %add3A_333] : memref<2x320000xi32, #tpu.memory_space<hbm>> -> memref<2x128xi32, #tpu.memory_space<hbm>>
        tpu.enqueue_dma source(%dma_start3A_346 : memref<2x128xi32, #tpu.memory_space<hbm>>) target(%dma_start3A_344 : memref<2x128xi32, #tpu.memory_space<vmem>>) target_semaphore(%arg9 : memref<!tpu.dma_semaphore, #tpu.memory_space<semaphore_mem>>)
        %add3A_347 = arith.constant 128 : i32
        %add3A_348 = arith.addi %mul3A_331, %add3A_347 : i32
        %dma_start3A_349 = arith.constant 1 : i32
        %dma_start3A_350 = arith.constant 0 : i32
        %dma_start3A_351 = arith.constant 0 : i32
        %dma_start3A_352 = tpu.memref_slice %arg4[%sub3A_326, %dma_start3A_349, %dma_start3A_350, %dma_start3A_351] : memref<2x13x2x128xi32, #tpu.memory_space<vmem>> -> memref<1x1x2x128xi32, #tpu.memory_space<vmem>>
        %dma_start3A_353 = tpu.memref_squeeze %dma_start3A_352 : memref<1x1x2x128xi32, #tpu.memory_space<vmem>> -> memref<2x128xi32, #tpu.memory_space<vmem>>
        %dma_start3A_354 = arith.constant 0 : i32
        %dma_start3A_355 = tpu.memref_slice %arg2[%dma_start3A_354, %add3A_348] : memref<2x320000xi32, #tpu.memory_space<hbm>> -> memref<2x128xi32, #tpu.memory_space<hbm>>
        %dma_start3A_356 = arith.constant 0 : i32
        %dma_start3A_357 = arith.constant 0 : i32
        %dma_start3A_358 = tpu.memref_slice %arg4[%sub3A_326, %dma_start3A_349, %dma_start3A_356, %dma_start3A_357] : memref<2x13x2x128xi32, #tpu.memory_space<vmem>> -> memref<1x1x2x128xi32, #tpu.memory_space<vmem>>
        %dma_start3A_359 = tpu.memref_squeeze %dma_start3A_358 : memref<1x1x2x128xi32, #tpu.memory_space<vmem>> -> memref<2x128xi32, #tpu.memory_space<vmem>>
        %dma_start3A_360 = arith.constant 0 : i32
        %dma_start3A_361 = tpu.memref_slice %arg2[%dma_start3A_360, %add3A_348] : memref<2x320000xi32, #tpu.memory_space<hbm>> -> memref<2x128xi32, #tpu.memory_space<hbm>>
        tpu.enqueue_dma source(%dma_start3A_361 : memref<2x128xi32, #tpu.memory_space<hbm>>) target(%dma_start3A_359 : memref<2x128xi32, #tpu.memory_space<vmem>>) target_semaphore(%arg9 : memref<!tpu.dma_semaphore, #tpu.memory_space<semaphore_mem>>)
        %add3A_362 = arith.constant 256 : i32
        %add3A_363 = arith.addi %mul3A_331, %add3A_362 : i32
        %dma_start3A_364 = arith.constant 2 : i32
        %dma_start3A_365 = arith.constant 0 : i32
        %dma_start3A_366 = arith.constant 0 : i32
        %dma_start3A_367 = tpu.memref_slice %arg4[%sub3A_326, %dma_start3A_364, %dma_start3A_365, %dma_start3A_366] : memref<2x13x2x128xi32, #tpu.memory_space<vmem>> -> memref<1x1x2x128xi32, #tpu.memory_space<vmem>>
        %dma_start3A_368 = tpu.memref_squeeze %dma_start3A_367 : memref<1x1x2x128xi32, #tpu.memory_space<vmem>> -> memref<2x128xi32, #tpu.memory_space<vmem>>
        %dma_start3A_369 = arith.constant 0 : i32
        %dma_start3A_370 = tpu.memref_slice %arg2[%dma_start3A_369, %add3A_363] : memref<2x320000xi32, #tpu.memory_space<hbm>> -> memref<2x128xi32, #tpu.memory_space<hbm>>
        %dma_start3A_371 = arith.constant 0 : i32
        %dma_start3A_372 = arith.constant 0 : i32
        %dma_start3A_373 = tpu.memref_slice %arg4[%sub3A_326, %dma_start3A_364, %dma_start3A_371, %dma_start3A_372] : memref<2x13x2x128xi32, #tpu.memory_space<vmem>> -> memref<1x1x2x128xi32, #tpu.memory_space<vmem>>
        %dma_start3A_374 = tpu.memref_squeeze %dma_start3A_373 : memref<1x1x2x128xi32, #tpu.memory_space<vmem>> -> memref<2x128xi32, #tpu.memory_space<vmem>>
        %dma_start3A_375 = arith.constant 0 : i32
        %dma_start3A_376 = tpu.memref_slice %arg2[%dma_start3A_375, %add3A_363] : memref<2x320000xi32, #tpu.memory_space<hbm>> -> memref<2x128xi32, #tpu.memory_space<hbm>>
        tpu.enqueue_dma source(%dma_start3A_376 : memref<2x128xi32, #tpu.memory_space<hbm>>) target(%dma_start3A_374 : memref<2x128xi32, #tpu.memory_space<vmem>>) target_semaphore(%arg9 : memref<!tpu.dma_semaphore, #tpu.memory_space<semaphore_mem>>)
        %add3A_377 = arith.constant 384 : i32
        %add3A_378 = arith.addi %mul3A_331, %add3A_377 : i32
        %dma_start3A_379 = arith.constant 3 : i32
        %dma_start3A_380 = arith.constant 0 : i32
        %dma_start3A_381 = arith.constant 0 : i32
        %dma_start3A_382 = tpu.memref_slice %arg4[%sub3A_326, %dma_start3A_379, %dma_start3A_380, %dma_start3A_381] : memref<2x13x2x128xi32, #tpu.memory_space<vmem>> -> memref<1x1x2x128xi32, #tpu.memory_space<vmem>>
        %dma_start3A_383 = tpu.memref_squeeze %dma_start3A_382 : memref<1x1x2x128xi32, #tpu.memory_space<vmem>> -> memref<2x128xi32, #tpu.memory_space<vmem>>
        %dma_start3A_384 = arith.constant 0 : i32
        %dma_start3A_385 = tpu.memref_slice %arg2[%dma_start3A_384, %add3A_378] : memref<2x320000xi32, #tpu.memory_space<hbm>> -> memref<2x128xi32, #tpu.memory_space<hbm>>
        %dma_start3A_386 = arith.constant 0 : i32
        %dma_start3A_387 = arith.constant 0 : i32
        %dma_start3A_388 = tpu.memref_slice %arg4[%sub3A_326, %dma_start3A_379, %dma_start3A_386, %dma_start3A_387] : memref<2x13x2x128xi32, #tpu.memory_space<vmem>> -> memref<1x1x2x128xi32, #tpu.memory_space<vmem>>
        %dma_start3A_389 = tpu.memref_squeeze %dma_start3A_388 : memref<1x1x2x128xi32, #tpu.memory_space<vmem>> -> memref<2x128xi32, #tpu.memory_space<vmem>>
        %dma_start3A_390 = arith.constant 0 : i32
        %dma_start3A_391 = tpu.memref_slice %arg2[%dma_start3A_390, %add3A_378] : memref<2x320000xi32, #tpu.memory_space<hbm>> -> memref<2x128xi32, #tpu.memory_space<hbm>>
        tpu.enqueue_dma source(%dma_start3A_391 : memref<2x128xi32, #tpu.memory_space<hbm>>) target(%dma_start3A_389 : memref<2x128xi32, #tpu.memory_space<vmem>>) target_semaphore(%arg9 : memref<!tpu.dma_semaphore, #tpu.memory_space<semaphore_mem>>)
        %add3A_392 = arith.constant 512 : i32
        %add3A_393 = arith.addi %mul3A_331, %add3A_392 : i32
        %dma_start3A_394 = arith.constant 4 : i32
        %dma_start3A_395 = arith.constant 0 : i32
        %dma_start3A_396 = arith.constant 0 : i32
        %dma_start3A_397 = tpu.memref_slice %arg4[%sub3A_326, %dma_start3A_394, %dma_start3A_395, %dma_start3A_396] : memref<2x13x2x128xi32, #tpu.memory_space<vmem>> -> memref<1x1x2x128xi32, #tpu.memory_space<vmem>>
        %dma_start3A_398 = tpu.memref_squeeze %dma_start3A_397 : memref<1x1x2x128xi32, #tpu.memory_space<vmem>> -> memref<2x128xi32, #tpu.memory_space<vmem>>
        %dma_start3A_399 = arith.constant 0 : i32
        %dma_start3A_400 = tpu.memref_slice %arg2[%dma_start3A_399, %add3A_393] : memref<2x320000xi32, #tpu.memory_space<hbm>> -> memref<2x128xi32, #tpu.memory_space<hbm>>
        %dma_start3A_401 = arith.constant 0 : i32
        %dma_start3A_402 = arith.constant 0 : i32
        %dma_start3A_403 = tpu.memref_slice %arg4[%sub3A_326, %dma_start3A_394, %dma_start3A_401, %dma_start3A_402] : memref<2x13x2x128xi32, #tpu.memory_space<vmem>> -> memref<1x1x2x128xi32, #tpu.memory_space<vmem>>
        %dma_start3A_404 = tpu.memref_squeeze %dma_start3A_403 : memref<1x1x2x128xi32, #tpu.memory_space<vmem>> -> memref<2x128xi32, #tpu.memory_space<vmem>>
        %dma_start3A_405 = arith.constant 0 : i32
        %dma_start3A_406 = tpu.memref_slice %arg2[%dma_start3A_405, %add3A_393] : memref<2x320000xi32, #tpu.memory_space<hbm>> -> memref<2x128xi32, #tpu.memory_space<hbm>>
        tpu.enqueue_dma source(%dma_start3A_406 : memref<2x128xi32, #tpu.memory_space<hbm>>) target(%dma_start3A_404 : memref<2x128xi32, #tpu.memory_space<vmem>>) target_semaphore(%arg9 : memref<!tpu.dma_semaphore, #tpu.memory_space<semaphore_mem>>)
        %add3A_407 = arith.constant 640 : i32
        %add3A_408 = arith.addi %mul3A_331, %add3A_407 : i32
        %dma_start3A_409 = arith.constant 5 : i32
        %dma_start3A_410 = arith.constant 0 : i32
        %dma_start3A_411 = arith.constant 0 : i32
        %dma_start3A_412 = tpu.memref_slice %arg4[%sub3A_326, %dma_start3A_409, %dma_start3A_410, %dma_start3A_411] : memref<2x13x2x128xi32, #tpu.memory_space<vmem>> -> memref<1x1x2x128xi32, #tpu.memory_space<vmem>>
        %dma_start3A_413 = tpu.memref_squeeze %dma_start3A_412 : memref<1x1x2x128xi32, #tpu.memory_space<vmem>> -> memref<2x128xi32, #tpu.memory_space<vmem>>
        %dma_start3A_414 = arith.constant 0 : i32
        %dma_start3A_415 = tpu.memref_slice %arg2[%dma_start3A_414, %add3A_408] : memref<2x320000xi32, #tpu.memory_space<hbm>> -> memref<2x128xi32, #tpu.memory_space<hbm>>
        %dma_start3A_416 = arith.constant 0 : i32
        %dma_start3A_417 = arith.constant 0 : i32
        %dma_start3A_418 = tpu.memref_slice %arg4[%sub3A_326, %dma_start3A_409, %dma_start3A_416, %dma_start3A_417] : memref<2x13x2x128xi32, #tpu.memory_space<vmem>> -> memref<1x1x2x128xi32, #tpu.memory_space<vmem>>
        %dma_start3A_419 = tpu.memref_squeeze %dma_start3A_418 : memref<1x1x2x128xi32, #tpu.memory_space<vmem>> -> memref<2x128xi32, #tpu.memory_space<vmem>>
        %dma_start3A_420 = arith.constant 0 : i32
        %dma_start3A_421 = tpu.memref_slice %arg2[%dma_start3A_420, %add3A_408] : memref<2x320000xi32, #tpu.memory_space<hbm>> -> memref<2x128xi32, #tpu.memory_space<hbm>>
        tpu.enqueue_dma source(%dma_start3A_421 : memref<2x128xi32, #tpu.memory_space<hbm>>) target(%dma_start3A_419 : memref<2x128xi32, #tpu.memory_space<vmem>>) target_semaphore(%arg9 : memref<!tpu.dma_semaphore, #tpu.memory_space<semaphore_mem>>)
        %add3A_422 = arith.constant 768 : i32
        %add3A_423 = arith.addi %mul3A_331, %add3A_422 : i32
        %dma_start3A_424 = arith.constant 6 : i32
        %dma_start3A_425 = arith.constant 0 : i32
        %dma_start3A_426 = arith.constant 0 : i32
        %dma_start3A_427 = tpu.memref_slice %arg4[%sub3A_326, %dma_start3A_424, %dma_start3A_425, %dma_start3A_426] : memref<2x13x2x128xi32, #tpu.memory_space<vmem>> -> memref<1x1x2x128xi32, #tpu.memory_space<vmem>>
        %dma_start3A_428 = tpu.memref_squeeze %dma_start3A_427 : memref<1x1x2x128xi32, #tpu.memory_space<vmem>> -> memref<2x128xi32, #tpu.memory_space<vmem>>
        %dma_start3A_429 = arith.constant 0 : i32
        %dma_start3A_430 = tpu.memref_slice %arg2[%dma_start3A_429, %add3A_423] : memref<2x320000xi32, #tpu.memory_space<hbm>> -> memref<2x128xi32, #tpu.memory_space<hbm>>
        %dma_start3A_431 = arith.constant 0 : i32
        %dma_start3A_432 = arith.constant 0 : i32
        %dma_start3A_433 = tpu.memref_slice %arg4[%sub3A_326, %dma_start3A_424, %dma_start3A_431, %dma_start3A_432] : memref<2x13x2x128xi32, #tpu.memory_space<vmem>> -> memref<1x1x2x128xi32, #tpu.memory_space<vmem>>
        %dma_start3A_434 = tpu.memref_squeeze %dma_start3A_433 : memref<1x1x2x128xi32, #tpu.memory_space<vmem>> -> memref<2x128xi32, #tpu.memory_space<vmem>>
        %dma_start3A_435 = arith.constant 0 : i32
        %dma_start3A_436 = tpu.memref_slice %arg2[%dma_start3A_435, %add3A_423] : memref<2x320000xi32, #tpu.memory_space<hbm>> -> memref<2x128xi32, #tpu.memory_space<hbm>>
        tpu.enqueue_dma source(%dma_start3A_436 : memref<2x128xi32, #tpu.memory_space<hbm>>) target(%dma_start3A_434 : memref<2x128xi32, #tpu.memory_space<vmem>>) target_semaphore(%arg9 : memref<!tpu.dma_semaphore, #tpu.memory_space<semaphore_mem>>)
        %add3A_437 = arith.constant 896 : i32
        %add3A_438 = arith.addi %mul3A_331, %add3A_437 : i32
        %dma_start3A_439 = arith.constant 7 : i32
        %dma_start3A_440 = arith.constant 0 : i32
        %dma_start3A_441 = arith.constant 0 : i32
        %dma_start3A_442 = tpu.memref_slice %arg4[%sub3A_326, %dma_start3A_439, %dma_start3A_440, %dma_start3A_441] : memref<2x13x2x128xi32, #tpu.memory_space<vmem>> -> memref<1x1x2x128xi32, #tpu.memory_space<vmem>>
        %dma_start3A_443 = tpu.memref_squeeze %dma_start3A_442 : memref<1x1x2x128xi32, #tpu.memory_space<vmem>> -> memref<2x128xi32, #tpu.memory_space<vmem>>
        %dma_start3A_444 = arith.constant 0 : i32
        %dma_start3A_445 = tpu.memref_slice %arg2[%dma_start3A_444, %add3A_438] : memref<2x320000xi32, #tpu.memory_space<hbm>> -> memref<2x128xi32, #tpu.memory_space<hbm>>
        %dma_start3A_446 = arith.constant 0 : i32
        %dma_start3A_447 = arith.constant 0 : i32
        %dma_start3A_448 = tpu.memref_slice %arg4[%sub3A_326, %dma_start3A_439, %dma_start3A_446, %dma_start3A_447] : memref<2x13x2x128xi32, #tpu.memory_space<vmem>> -> memref<1x1x2x128xi32, #tpu.memory_space<vmem>>
        %dma_start3A_449 = tpu.memref_squeeze %dma_start3A_448 : memref<1x1x2x128xi32, #tpu.memory_space<vmem>> -> memref<2x128xi32, #tpu.memory_space<vmem>>
        %dma_start3A_450 = arith.constant 0 : i32
        %dma_start3A_451 = tpu.memref_slice %arg2[%dma_start3A_450, %add3A_438] : memref<2x320000xi32, #tpu.memory_space<hbm>> -> memref<2x128xi32, #tpu.memory_space<hbm>>
        tpu.enqueue_dma source(%dma_start3A_451 : memref<2x128xi32, #tpu.memory_space<hbm>>) target(%dma_start3A_449 : memref<2x128xi32, #tpu.memory_space<vmem>>) target_semaphore(%arg9 : memref<!tpu.dma_semaphore, #tpu.memory_space<semaphore_mem>>)
        %add3A_452 = arith.constant 1024 : i32
        %add3A_453 = arith.addi %mul3A_331, %add3A_452 : i32
        %dma_start3A_454 = arith.constant 8 : i32
        %dma_start3A_455 = arith.constant 0 : i32
        %dma_start3A_456 = arith.constant 0 : i32
        %dma_start3A_457 = tpu.memref_slice %arg4[%sub3A_326, %dma_start3A_454, %dma_start3A_455, %dma_start3A_456] : memref<2x13x2x128xi32, #tpu.memory_space<vmem>> -> memref<1x1x2x128xi32, #tpu.memory_space<vmem>>
        %dma_start3A_458 = tpu.memref_squeeze %dma_start3A_457 : memref<1x1x2x128xi32, #tpu.memory_space<vmem>> -> memref<2x128xi32, #tpu.memory_space<vmem>>
        %dma_start3A_459 = arith.constant 0 : i32
        %dma_start3A_460 = tpu.memref_slice %arg2[%dma_start3A_459, %add3A_453] : memref<2x320000xi32, #tpu.memory_space<hbm>> -> memref<2x128xi32, #tpu.memory_space<hbm>>
        %dma_start3A_461 = arith.constant 0 : i32
        %dma_start3A_462 = arith.constant 0 : i32
        %dma_start3A_463 = tpu.memref_slice %arg4[%sub3A_326, %dma_start3A_454, %dma_start3A_461, %dma_start3A_462] : memref<2x13x2x128xi32, #tpu.memory_space<vmem>> -> memref<1x1x2x128xi32, #tpu.memory_space<vmem>>
        %dma_start3A_464 = tpu.memref_squeeze %dma_start3A_463 : memref<1x1x2x128xi32, #tpu.memory_space<vmem>> -> memref<2x128xi32, #tpu.memory_space<vmem>>
        %dma_start3A_465 = arith.constant 0 : i32
        %dma_start3A_466 = tpu.memref_slice %arg2[%dma_start3A_465, %add3A_453] : memref<2x320000xi32, #tpu.memory_space<hbm>> -> memref<2x128xi32, #tpu.memory_space<hbm>>
        tpu.enqueue_dma source(%dma_start3A_466 : memref<2x128xi32, #tpu.memory_space<hbm>>) target(%dma_start3A_464 : memref<2x128xi32, #tpu.memory_space<vmem>>) target_semaphore(%arg9 : memref<!tpu.dma_semaphore, #tpu.memory_space<semaphore_mem>>)
        %add3A_467 = arith.constant 1152 : i32
        %add3A_468 = arith.addi %mul3A_331, %add3A_467 : i32
        %dma_start3A_469 = arith.constant 9 : i32
        %dma_start3A_470 = arith.constant 0 : i32
        %dma_start3A_471 = arith.constant 0 : i32
        %dma_start3A_472 = tpu.memref_slice %arg4[%sub3A_326, %dma_start3A_469, %dma_start3A_470, %dma_start3A_471] : memref<2x13x2x128xi32, #tpu.memory_space<vmem>> -> memref<1x1x2x128xi32, #tpu.memory_space<vmem>>
        %dma_start3A_473 = tpu.memref_squeeze %dma_start3A_472 : memref<1x1x2x128xi32, #tpu.memory_space<vmem>> -> memref<2x128xi32, #tpu.memory_space<vmem>>
        %dma_start3A_474 = arith.constant 0 : i32
        %dma_start3A_475 = tpu.memref_slice %arg2[%dma_start3A_474, %add3A_468] : memref<2x320000xi32, #tpu.memory_space<hbm>> -> memref<2x128xi32, #tpu.memory_space<hbm>>
        %dma_start3A_476 = arith.constant 0 : i32
        %dma_start3A_477 = arith.constant 0 : i32
        %dma_start3A_478 = tpu.memref_slice %arg4[%sub3A_326, %dma_start3A_469, %dma_start3A_476, %dma_start3A_477] : memref<2x13x2x128xi32, #tpu.memory_space<vmem>> -> memref<1x1x2x128xi32, #tpu.memory_space<vmem>>
        %dma_start3A_479 = tpu.memref_squeeze %dma_start3A_478 : memref<1x1x2x128xi32, #tpu.memory_space<vmem>> -> memref<2x128xi32, #tpu.memory_space<vmem>>
        %dma_start3A_480 = arith.constant 0 : i32
        %dma_start3A_481 = tpu.memref_slice %arg2[%dma_start3A_480, %add3A_468] : memref<2x320000xi32, #tpu.memory_space<hbm>> -> memref<2x128xi32, #tpu.memory_space<hbm>>
        tpu.enqueue_dma source(%dma_start3A_481 : memref<2x128xi32, #tpu.memory_space<hbm>>) target(%dma_start3A_479 : memref<2x128xi32, #tpu.memory_space<vmem>>) target_semaphore(%arg9 : memref<!tpu.dma_semaphore, #tpu.memory_space<semaphore_mem>>)
        %add3A_482 = arith.constant 1280 : i32
        %add3A_483 = arith.addi %mul3A_331, %add3A_482 : i32
        %dma_start3A_484 = arith.constant 10 : i32
        %dma_start3A_485 = arith.constant 0 : i32
        %dma_start3A_486 = arith.constant 0 : i32
        %dma_start3A_487 = tpu.memref_slice %arg4[%sub3A_326, %dma_start3A_484, %dma_start3A_485, %dma_start3A_486] : memref<2x13x2x128xi32, #tpu.memory_space<vmem>> -> memref<1x1x2x128xi32, #tpu.memory_space<vmem>>
        %dma_start3A_488 = tpu.memref_squeeze %dma_start3A_487 : memref<1x1x2x128xi32, #tpu.memory_space<vmem>> -> memref<2x128xi32, #tpu.memory_space<vmem>>
        %dma_start3A_489 = arith.constant 0 : i32
        %dma_start3A_490 = tpu.memref_slice %arg2[%dma_start3A_489, %add3A_483] : memref<2x320000xi32, #tpu.memory_space<hbm>> -> memref<2x128xi32, #tpu.memory_space<hbm>>
        %dma_start3A_491 = arith.constant 0 : i32
        %dma_start3A_492 = arith.constant 0 : i32
        %dma_start3A_493 = tpu.memref_slice %arg4[%sub3A_326, %dma_start3A_484, %dma_start3A_491, %dma_start3A_492] : memref<2x13x2x128xi32, #tpu.memory_space<vmem>> -> memref<1x1x2x128xi32, #tpu.memory_space<vmem>>
        %dma_start3A_494 = tpu.memref_squeeze %dma_start3A_493 : memref<1x1x2x128xi32, #tpu.memory_space<vmem>> -> memref<2x128xi32, #tpu.memory_space<vmem>>
        %dma_start3A_495 = arith.constant 0 : i32
        %dma_start3A_496 = tpu.memref_slice %arg2[%dma_start3A_495, %add3A_483] : memref<2x320000xi32, #tpu.memory_space<hbm>> -> memref<2x128xi32, #tpu.memory_space<hbm>>
        tpu.enqueue_dma source(%dma_start3A_496 : memref<2x128xi32, #tpu.memory_space<hbm>>) target(%dma_start3A_494 : memref<2x128xi32, #tpu.memory_space<vmem>>) target_semaphore(%arg9 : memref<!tpu.dma_semaphore, #tpu.memory_space<semaphore_mem>>)
        %add3A_497 = arith.constant 1408 : i32
        %add3A_498 = arith.addi %mul3A_331, %add3A_497 : i32
        %dma_start3A_499 = arith.constant 11 : i32
        %dma_start3A_500 = arith.constant 0 : i32
        %dma_start3A_501 = arith.constant 0 : i32
        %dma_start3A_502 = tpu.memref_slice %arg4[%sub3A_326, %dma_start3A_499, %dma_start3A_500, %dma_start3A_501] : memref<2x13x2x128xi32, #tpu.memory_space<vmem>> -> memref<1x1x2x128xi32, #tpu.memory_space<vmem>>
        %dma_start3A_503 = tpu.memref_squeeze %dma_start3A_502 : memref<1x1x2x128xi32, #tpu.memory_space<vmem>> -> memref<2x128xi32, #tpu.memory_space<vmem>>
        %dma_start3A_504 = arith.constant 0 : i32
        %dma_start3A_505 = tpu.memref_slice %arg2[%dma_start3A_504, %add3A_498] : memref<2x320000xi32, #tpu.memory_space<hbm>> -> memref<2x128xi32, #tpu.memory_space<hbm>>
        %dma_start3A_506 = arith.constant 0 : i32
        %dma_start3A_507 = arith.constant 0 : i32
        %dma_start3A_508 = tpu.memref_slice %arg4[%sub3A_326, %dma_start3A_499, %dma_start3A_506, %dma_start3A_507] : memref<2x13x2x128xi32, #tpu.memory_space<vmem>> -> memref<1x1x2x128xi32, #tpu.memory_space<vmem>>
        %dma_start3A_509 = tpu.memref_squeeze %dma_start3A_508 : memref<1x1x2x128xi32, #tpu.memory_space<vmem>> -> memref<2x128xi32, #tpu.memory_space<vmem>>
        %dma_start3A_510 = arith.constant 0 : i32
        %dma_start3A_511 = tpu.memref_slice %arg2[%dma_start3A_510, %add3A_498] : memref<2x320000xi32, #tpu.memory_space<hbm>> -> memref<2x128xi32, #tpu.memory_space<hbm>>
        tpu.enqueue_dma source(%dma_start3A_511 : memref<2x128xi32, #tpu.memory_space<hbm>>) target(%dma_start3A_509 : memref<2x128xi32, #tpu.memory_space<vmem>>) target_semaphore(%arg9 : memref<!tpu.dma_semaphore, #tpu.memory_space<semaphore_mem>>)
        %add3A_512 = arith.constant 1536 : i32
        %add3A_513 = arith.addi %mul3A_331, %add3A_512 : i32
        %dma_start3A_514 = arith.constant 12 : i32
        %dma_start3A_515 = arith.constant 0 : i32
        %dma_start3A_516 = arith.constant 0 : i32
        %dma_start3A_517 = tpu.memref_slice %arg4[%sub3A_326, %dma_start3A_514, %dma_start3A_515, %dma_start3A_516] : memref<2x13x2x128xi32, #tpu.memory_space<vmem>> -> memref<1x1x2x128xi32, #tpu.memory_space<vmem>>
        %dma_start3A_518 = tpu.memref_squeeze %dma_start3A_517 : memref<1x1x2x128xi32, #tpu.memory_space<vmem>> -> memref<2x128xi32, #tpu.memory_space<vmem>>
        %dma_start3A_519 = arith.constant 0 : i32
        %dma_start3A_520 = tpu.memref_slice %arg2[%dma_start3A_519, %add3A_513] : memref<2x320000xi32, #tpu.memory_space<hbm>> -> memref<2x128xi32, #tpu.memory_space<hbm>>
        %dma_start3A_521 = arith.constant 0 : i32
        %dma_start3A_522 = arith.constant 0 : i32
        %dma_start3A_523 = tpu.memref_slice %arg4[%sub3A_326, %dma_start3A_514, %dma_start3A_521, %dma_start3A_522] : memref<2x13x2x128xi32, #tpu.memory_space<vmem>> -> memref<1x1x2x128xi32, #tpu.memory_space<vmem>>
        %dma_start3A_524 = tpu.memref_squeeze %dma_start3A_523 : memref<1x1x2x128xi32, #tpu.memory_space<vmem>> -> memref<2x128xi32, #tpu.memory_space<vmem>>
        %dma_start3A_525 = arith.constant 0 : i32
        %dma_start3A_526 = tpu.memref_slice %arg2[%dma_start3A_525, %add3A_513] : memref<2x320000xi32, #tpu.memory_space<hbm>> -> memref<2x128xi32, #tpu.memory_space<hbm>>
        tpu.enqueue_dma source(%dma_start3A_526 : memref<2x128xi32, #tpu.memory_space<hbm>>) target(%dma_start3A_524 : memref<2x128xi32, #tpu.memory_space<vmem>>) target_semaphore(%arg9 : memref<!tpu.dma_semaphore, #tpu.memory_space<semaphore_mem>>)
      } else {
      }
      %dma_start3A = arith.constant 0 : i32
      %dma_start3A_143 = arith.constant 1 : i32
      %dma_start3A_144 = arith.constant 0 : i32
      %dma_start3A_145 = tpu.memref_slice %arg4[%rem3A_112, %dma_start3A, %dma_start3A_143, %dma_start3A_144] : memref<2x13x2x128xi32, #tpu.memory_space<vmem>> -> memref<1x1x1x128xi32, #tpu.memory_space<vmem>>
      %dma_start3A_146 = tpu.memref_squeeze %dma_start3A_145 : memref<1x1x1x128xi32, #tpu.memory_space<vmem>> -> memref<128xi32, #tpu.memory_space<vmem>>
      %dma_start3A_147 = arith.constant 0 : i32
      %dma_start3A_148 = tpu.memref_slice %arg7[%dma_start3A_147] : memref<10240xf32, #tpu.memory_space<vmem_shared>> -> memref<10240xf32, #tpu.memory_space<vmem_shared>>
      tpu.enqueue_indirect_dma source(%arg5 : memref<128xf32, #tpu.memory_space<vmem>>) target(%dma_start3A_148 : memref<10240xf32, #tpu.memory_space<vmem_shared>>) offsets(%dma_start3A_146 : memref<128xi32, #tpu.memory_space<vmem>>) semaphore(%arg8 : memref<!tpu.dma_semaphore, #tpu.memory_space<semaphore_mem>>) {add = true}
      %dma_start3A_149 = arith.constant 1 : i32
      %dma_start3A_150 = arith.constant 1 : i32
      %dma_start3A_151 = arith.constant 0 : i32
      %dma_start3A_152 = tpu.memref_slice %arg4[%rem3A_112, %dma_start3A_149, %dma_start3A_150, %dma_start3A_151] : memref<2x13x2x128xi32, #tpu.memory_space<vmem>> -> memref<1x1x1x128xi32, #tpu.memory_space<vmem>>
      %dma_start3A_153 = tpu.memref_squeeze %dma_start3A_152 : memref<1x1x1x128xi32, #tpu.memory_space<vmem>> -> memref<128xi32, #tpu.memory_space<vmem>>
      %dma_start3A_154 = arith.constant 0 : i32
      %dma_start3A_155 = tpu.memref_slice %arg7[%dma_start3A_154] : memref<10240xf32, #tpu.memory_space<vmem_shared>> -> memref<10240xf32, #tpu.memory_space<vmem_shared>>
      tpu.enqueue_indirect_dma source(%arg5 : memref<128xf32, #tpu.memory_space<vmem>>) target(%dma_start3A_155 : memref<10240xf32, #tpu.memory_space<vmem_shared>>) offsets(%dma_start3A_153 : memref<128xi32, #tpu.memory_space<vmem>>) semaphore(%arg8 : memref<!tpu.dma_semaphore, #tpu.memory_space<semaphore_mem>>) {add = true}
      %dma_start3A_156 = arith.constant 2 : i32
      %dma_start3A_157 = arith.constant 1 : i32
      %dma_start3A_158 = arith.constant 0 : i32
      %dma_start3A_159 = tpu.memref_slice %arg4[%rem3A_112, %dma_start3A_156, %dma_start3A_157, %dma_start3A_158] : memref<2x13x2x128xi32, #tpu.memory_space<vmem>> -> memref<1x1x1x128xi32, #tpu.memory_space<vmem>>
      %dma_start3A_160 = tpu.memref_squeeze %dma_start3A_159 : memref<1x1x1x128xi32, #tpu.memory_space<vmem>> -> memref<128xi32, #tpu.memory_space<vmem>>
      %dma_start3A_161 = arith.constant 0 : i32
      %dma_start3A_162 = tpu.memref_slice %arg7[%dma_start3A_161] : memref<10240xf32, #tpu.memory_space<vmem_shared>> -> memref<10240xf32, #tpu.memory_space<vmem_shared>>
      tpu.enqueue_indirect_dma source(%arg5 : memref<128xf32, #tpu.memory_space<vmem>>) target(%dma_start3A_162 : memref<10240xf32, #tpu.memory_space<vmem_shared>>) offsets(%dma_start3A_160 : memref<128xi32, #tpu.memory_space<vmem>>) semaphore(%arg8 : memref<!tpu.dma_semaphore, #tpu.memory_space<semaphore_mem>>) {add = true}
      %dma_start3A_163 = arith.constant 3 : i32
      %dma_start3A_164 = arith.constant 1 : i32
      %dma_start3A_165 = arith.constant 0 : i32
      %dma_start3A_166 = tpu.memref_slice %arg4[%rem3A_112, %dma_start3A_163, %dma_start3A_164, %dma_start3A_165] : memref<2x13x2x128xi32, #tpu.memory_space<vmem>> -> memref<1x1x1x128xi32, #tpu.memory_space<vmem>>
      %dma_start3A_167 = tpu.memref_squeeze %dma_start3A_166 : memref<1x1x1x128xi32, #tpu.memory_space<vmem>> -> memref<128xi32, #tpu.memory_space<vmem>>
      %dma_start3A_168 = arith.constant 0 : i32
      %dma_start3A_169 = tpu.memref_slice %arg7[%dma_start3A_168] : memref<10240xf32, #tpu.memory_space<vmem_shared>> -> memref<10240xf32, #tpu.memory_space<vmem_shared>>
      tpu.enqueue_indirect_dma source(%arg5 : memref<128xf32, #tpu.memory_space<vmem>>) target(%dma_start3A_169 : memref<10240xf32, #tpu.memory_space<vmem_shared>>) offsets(%dma_start3A_167 : memref<128xi32, #tpu.memory_space<vmem>>) semaphore(%arg8 : memref<!tpu.dma_semaphore, #tpu.memory_space<semaphore_mem>>) {add = true}
      %dma_start3A_170 = arith.constant 4 : i32
      %dma_start3A_171 = arith.constant 1 : i32
      %dma_start3A_172 = arith.constant 0 : i32
      %dma_start3A_173 = tpu.memref_slice %arg4[%rem3A_112, %dma_start3A_170, %dma_start3A_171, %dma_start3A_172] : memref<2x13x2x128xi32, #tpu.memory_space<vmem>> -> memref<1x1x1x128xi32, #tpu.memory_space<vmem>>
      %dma_start3A_174 = tpu.memref_squeeze %dma_start3A_173 : memref<1x1x1x128xi32, #tpu.memory_space<vmem>> -> memref<128xi32, #tpu.memory_space<vmem>>
      %dma_start3A_175 = arith.constant 0 : i32
      %dma_start3A_176 = tpu.memref_slice %arg7[%dma_start3A_175] : memref<10240xf32, #tpu.memory_space<vmem_shared>> -> memref<10240xf32, #tpu.memory_space<vmem_shared>>
      tpu.enqueue_indirect_dma source(%arg5 : memref<128xf32, #tpu.memory_space<vmem>>) target(%dma_start3A_176 : memref<10240xf32, #tpu.memory_space<vmem_shared>>) offsets(%dma_start3A_174 : memref<128xi32, #tpu.memory_space<vmem>>) semaphore(%arg8 : memref<!tpu.dma_semaphore, #tpu.memory_space<semaphore_mem>>) {add = true}
      %dma_start3A_177 = arith.constant 5 : i32
      %dma_start3A_178 = arith.constant 1 : i32
      %dma_start3A_179 = arith.constant 0 : i32
      %dma_start3A_180 = tpu.memref_slice %arg4[%rem3A_112, %dma_start3A_177, %dma_start3A_178, %dma_start3A_179] : memref<2x13x2x128xi32, #tpu.memory_space<vmem>> -> memref<1x1x1x128xi32, #tpu.memory_space<vmem>>
      %dma_start3A_181 = tpu.memref_squeeze %dma_start3A_180 : memref<1x1x1x128xi32, #tpu.memory_space<vmem>> -> memref<128xi32, #tpu.memory_space<vmem>>
      %dma_start3A_182 = arith.constant 0 : i32
      %dma_start3A_183 = tpu.memref_slice %arg7[%dma_start3A_182] : memref<10240xf32, #tpu.memory_space<vmem_shared>> -> memref<10240xf32, #tpu.memory_space<vmem_shared>>
      tpu.enqueue_indirect_dma source(%arg5 : memref<128xf32, #tpu.memory_space<vmem>>) target(%dma_start3A_183 : memref<10240xf32, #tpu.memory_space<vmem_shared>>) offsets(%dma_start3A_181 : memref<128xi32, #tpu.memory_space<vmem>>) semaphore(%arg8 : memref<!tpu.dma_semaphore, #tpu.memory_space<semaphore_mem>>) {add = true}
      %dma_start3A_184 = arith.constant 6 : i32
      %dma_start3A_185 = arith.constant 1 : i32
      %dma_start3A_186 = arith.constant 0 : i32
      %dma_start3A_187 = tpu.memref_slice %arg4[%rem3A_112, %dma_start3A_184, %dma_start3A_185, %dma_start3A_186] : memref<2x13x2x128xi32, #tpu.memory_space<vmem>> -> memref<1x1x1x128xi32, #tpu.memory_space<vmem>>
      %dma_start3A_188 = tpu.memref_squeeze %dma_start3A_187 : memref<1x1x1x128xi32, #tpu.memory_space<vmem>> -> memref<128xi32, #tpu.memory_space<vmem>>
      %dma_start3A_189 = arith.constant 0 : i32
      %dma_start3A_190 = tpu.memref_slice %arg7[%dma_start3A_189] : memref<10240xf32, #tpu.memory_space<vmem_shared>> -> memref<10240xf32, #tpu.memory_space<vmem_shared>>
      tpu.enqueue_indirect_dma source(%arg5 : memref<128xf32, #tpu.memory_space<vmem>>) target(%dma_start3A_190 : memref<10240xf32, #tpu.memory_space<vmem_shared>>) offsets(%dma_start3A_188 : memref<128xi32, #tpu.memory_space<vmem>>) semaphore(%arg8 : memref<!tpu.dma_semaphore, #tpu.memory_space<semaphore_mem>>) {add = true}
      %dma_start3A_191 = arith.constant 7 : i32
      %dma_start3A_192 = arith.constant 1 : i32
      %dma_start3A_193 = arith.constant 0 : i32
      %dma_start3A_194 = tpu.memref_slice %arg4[%rem3A_112, %dma_start3A_191, %dma_start3A_192, %dma_start3A_193] : memref<2x13x2x128xi32, #tpu.memory_space<vmem>> -> memref<1x1x1x128xi32, #tpu.memory_space<vmem>>
      %dma_start3A_195 = tpu.memref_squeeze %dma_start3A_194 : memref<1x1x1x128xi32, #tpu.memory_space<vmem>> -> memref<128xi32, #tpu.memory_space<vmem>>
      %dma_start3A_196 = arith.constant 0 : i32
      %dma_start3A_197 = tpu.memref_slice %arg7[%dma_start3A_196] : memref<10240xf32, #tpu.memory_space<vmem_shared>> -> memref<10240xf32, #tpu.memory_space<vmem_shared>>
      tpu.enqueue_indirect_dma source(%arg5 : memref<128xf32, #tpu.memory_space<vmem>>) target(%dma_start3A_197 : memref<10240xf32, #tpu.memory_space<vmem_shared>>) offsets(%dma_start3A_195 : memref<128xi32, #tpu.memory_space<vmem>>) semaphore(%arg8 : memref<!tpu.dma_semaphore, #tpu.memory_space<semaphore_mem>>) {add = true}
      %dma_start3A_198 = arith.constant 8 : i32
      %dma_start3A_199 = arith.constant 1 : i32
      %dma_start3A_200 = arith.constant 0 : i32
      %dma_start3A_201 = tpu.memref_slice %arg4[%rem3A_112, %dma_start3A_198, %dma_start3A_199, %dma_start3A_200] : memref<2x13x2x128xi32, #tpu.memory_space<vmem>> -> memref<1x1x1x128xi32, #tpu.memory_space<vmem>>
      %dma_start3A_202 = tpu.memref_squeeze %dma_start3A_201 : memref<1x1x1x128xi32, #tpu.memory_space<vmem>> -> memref<128xi32, #tpu.memory_space<vmem>>
      %dma_start3A_203 = arith.constant 0 : i32
      %dma_start3A_204 = tpu.memref_slice %arg7[%dma_start3A_203] : memref<10240xf32, #tpu.memory_space<vmem_shared>> -> memref<10240xf32, #tpu.memory_space<vmem_shared>>
      tpu.enqueue_indirect_dma source(%arg5 : memref<128xf32, #tpu.memory_space<vmem>>) target(%dma_start3A_204 : memref<10240xf32, #tpu.memory_space<vmem_shared>>) offsets(%dma_start3A_202 : memref<128xi32, #tpu.memory_space<vmem>>) semaphore(%arg8 : memref<!tpu.dma_semaphore, #tpu.memory_space<semaphore_mem>>) {add = true}
      %dma_start3A_205 = arith.constant 9 : i32
      %dma_start3A_206 = arith.constant 1 : i32
      %dma_start3A_207 = arith.constant 0 : i32
      %dma_start3A_208 = tpu.memref_slice %arg4[%rem3A_112, %dma_start3A_205, %dma_start3A_206, %dma_start3A_207] : memref<2x13x2x128xi32, #tpu.memory_space<vmem>> -> memref<1x1x1x128xi32, #tpu.memory_space<vmem>>
      %dma_start3A_209 = tpu.memref_squeeze %dma_start3A_208 : memref<1x1x1x128xi32, #tpu.memory_space<vmem>> -> memref<128xi32, #tpu.memory_space<vmem>>
      %dma_start3A_210 = arith.constant 0 : i32
      %dma_start3A_211 = tpu.memref_slice %arg7[%dma_start3A_210] : memref<10240xf32, #tpu.memory_space<vmem_shared>> -> memref<10240xf32, #tpu.memory_space<vmem_shared>>
      tpu.enqueue_indirect_dma source(%arg5 : memref<128xf32, #tpu.memory_space<vmem>>) target(%dma_start3A_211 : memref<10240xf32, #tpu.memory_space<vmem_shared>>) offsets(%dma_start3A_209 : memref<128xi32, #tpu.memory_space<vmem>>) semaphore(%arg8 : memref<!tpu.dma_semaphore, #tpu.memory_space<semaphore_mem>>) {add = true}
      %dma_start3A_212 = arith.constant 10 : i32
      %dma_start3A_213 = arith.constant 1 : i32
      %dma_start3A_214 = arith.constant 0 : i32
      %dma_start3A_215 = tpu.memref_slice %arg4[%rem3A_112, %dma_start3A_212, %dma_start3A_213, %dma_start3A_214] : memref<2x13x2x128xi32, #tpu.memory_space<vmem>> -> memref<1x1x1x128xi32, #tpu.memory_space<vmem>>
      %dma_start3A_216 = tpu.memref_squeeze %dma_start3A_215 : memref<1x1x1x128xi32, #tpu.memory_space<vmem>> -> memref<128xi32, #tpu.memory_space<vmem>>
      %dma_start3A_217 = arith.constant 0 : i32
      %dma_start3A_218 = tpu.memref_slice %arg7[%dma_start3A_217] : memref<10240xf32, #tpu.memory_space<vmem_shared>> -> memref<10240xf32, #tpu.memory_space<vmem_shared>>
      tpu.enqueue_indirect_dma source(%arg5 : memref<128xf32, #tpu.memory_space<vmem>>) target(%dma_start3A_218 : memref<10240xf32, #tpu.memory_space<vmem_shared>>) offsets(%dma_start3A_216 : memref<128xi32, #tpu.memory_space<vmem>>) semaphore(%arg8 : memref<!tpu.dma_semaphore, #tpu.memory_space<semaphore_mem>>) {add = true}
      %dma_start3A_219 = arith.constant 11 : i32
      %dma_start3A_220 = arith.constant 1 : i32
      %dma_start3A_221 = arith.constant 0 : i32
      %dma_start3A_222 = tpu.memref_slice %arg4[%rem3A_112, %dma_start3A_219, %dma_start3A_220, %dma_start3A_221] : memref<2x13x2x128xi32, #tpu.memory_space<vmem>> -> memref<1x1x1x128xi32, #tpu.memory_space<vmem>>
      %dma_start3A_223 = tpu.memref_squeeze %dma_start3A_222 : memref<1x1x1x128xi32, #tpu.memory_space<vmem>> -> memref<128xi32, #tpu.memory_space<vmem>>
      %dma_start3A_224 = arith.constant 0 : i32
      %dma_start3A_225 = tpu.memref_slice %arg7[%dma_start3A_224] : memref<10240xf32, #tpu.memory_space<vmem_shared>> -> memref<10240xf32, #tpu.memory_space<vmem_shared>>
      tpu.enqueue_indirect_dma source(%arg5 : memref<128xf32, #tpu.memory_space<vmem>>) target(%dma_start3A_225 : memref<10240xf32, #tpu.memory_space<vmem_shared>>) offsets(%dma_start3A_223 : memref<128xi32, #tpu.memory_space<vmem>>) semaphore(%arg8 : memref<!tpu.dma_semaphore, #tpu.memory_space<semaphore_mem>>) {add = true}
      %dma_start3A_226 = arith.constant 12 : i32
      %dma_start3A_227 = arith.constant 1 : i32
      %dma_start3A_228 = arith.constant 0 : i32
      %dma_start3A_229 = tpu.memref_slice %arg4[%rem3A_112, %dma_start3A_226, %dma_start3A_227, %dma_start3A_228] : memref<2x13x2x128xi32, #tpu.memory_space<vmem>> -> memref<1x1x1x128xi32, #tpu.memory_space<vmem>>
      %dma_start3A_230 = tpu.memref_squeeze %dma_start3A_229 : memref<1x1x1x128xi32, #tpu.memory_space<vmem>> -> memref<128xi32, #tpu.memory_space<vmem>>
      %dma_start3A_231 = arith.constant 0 : i32
      %dma_start3A_232 = tpu.memref_slice %arg7[%dma_start3A_231] : memref<10240xf32, #tpu.memory_space<vmem_shared>> -> memref<10240xf32, #tpu.memory_space<vmem_shared>>
      tpu.enqueue_indirect_dma source(%arg5 : memref<128xf32, #tpu.memory_space<vmem>>) target(%dma_start3A_232 : memref<10240xf32, #tpu.memory_space<vmem_shared>>) offsets(%dma_start3A_230 : memref<128xi32, #tpu.memory_space<vmem>>) semaphore(%arg8 : memref<!tpu.dma_semaphore, #tpu.memory_space<semaphore_mem>>) {add = true}
      %dma_wait3A = arith.constant 0 : i32
      %dma_wait3A_233 = arith.constant 1 : i32
      %dma_wait3A_234 = arith.constant 0 : i32
      %dma_wait3A_235 = tpu.memref_slice %arg4[%rem3A_112, %dma_wait3A, %dma_wait3A_233, %dma_wait3A_234] : memref<2x13x2x128xi32, #tpu.memory_space<vmem>> -> memref<1x1x1x128xi32, #tpu.memory_space<vmem>>
      %dma_wait3A_236 = tpu.memref_squeeze %dma_wait3A_235 : memref<1x1x1x128xi32, #tpu.memory_space<vmem>> -> memref<128xi32, #tpu.memory_space<vmem>>
      %dma_wait3A_237 = arith.constant 0 : i32
      %dma_wait3A_238 = tpu.memref_slice %arg7[%dma_wait3A_237] : memref<10240xf32, #tpu.memory_space<vmem_shared>> -> memref<10240xf32, #tpu.memory_space<vmem_shared>>
      tpu.wait_indirect_dma semaphore(%arg8 : memref<!tpu.dma_semaphore, #tpu.memory_space<semaphore_mem>>) src(%arg5 : memref<128xf32, #tpu.memory_space<vmem>>) dst(%dma_wait3A_238 : memref<10240xf32, #tpu.memory_space<vmem_shared>>)
      %dma_wait3A_239 = arith.constant 1 : i32
      %dma_wait3A_240 = arith.constant 1 : i32
      %dma_wait3A_241 = arith.constant 0 : i32
      %dma_wait3A_242 = tpu.memref_slice %arg4[%rem3A_112, %dma_wait3A_239, %dma_wait3A_240, %dma_wait3A_241] : memref<2x13x2x128xi32, #tpu.memory_space<vmem>> -> memref<1x1x1x128xi32, #tpu.memory_space<vmem>>
      %dma_wait3A_243 = tpu.memref_squeeze %dma_wait3A_242 : memref<1x1x1x128xi32, #tpu.memory_space<vmem>> -> memref<128xi32, #tpu.memory_space<vmem>>
      %dma_wait3A_244 = arith.constant 0 : i32
      %dma_wait3A_245 = tpu.memref_slice %arg7[%dma_wait3A_244] : memref<10240xf32, #tpu.memory_space<vmem_shared>> -> memref<10240xf32, #tpu.memory_space<vmem_shared>>
      tpu.wait_indirect_dma semaphore(%arg8 : memref<!tpu.dma_semaphore, #tpu.memory_space<semaphore_mem>>) src(%arg5 : memref<128xf32, #tpu.memory_space<vmem>>) dst(%dma_wait3A_245 : memref<10240xf32, #tpu.memory_space<vmem_shared>>)
      %dma_wait3A_246 = arith.constant 2 : i32
      %dma_wait3A_247 = arith.constant 1 : i32
      %dma_wait3A_248 = arith.constant 0 : i32
      %dma_wait3A_249 = tpu.memref_slice %arg4[%rem3A_112, %dma_wait3A_246, %dma_wait3A_247, %dma_wait3A_248] : memref<2x13x2x128xi32, #tpu.memory_space<vmem>> -> memref<1x1x1x128xi32, #tpu.memory_space<vmem>>
      %dma_wait3A_250 = tpu.memref_squeeze %dma_wait3A_249 : memref<1x1x1x128xi32, #tpu.memory_space<vmem>> -> memref<128xi32, #tpu.memory_space<vmem>>
      %dma_wait3A_251 = arith.constant 0 : i32
      %dma_wait3A_252 = tpu.memref_slice %arg7[%dma_wait3A_251] : memref<10240xf32, #tpu.memory_space<vmem_shared>> -> memref<10240xf32, #tpu.memory_space<vmem_shared>>
      tpu.wait_indirect_dma semaphore(%arg8 : memref<!tpu.dma_semaphore, #tpu.memory_space<semaphore_mem>>) src(%arg5 : memref<128xf32, #tpu.memory_space<vmem>>) dst(%dma_wait3A_252 : memref<10240xf32, #tpu.memory_space<vmem_shared>>)
      %dma_wait3A_253 = arith.constant 3 : i32
      %dma_wait3A_254 = arith.constant 1 : i32
      %dma_wait3A_255 = arith.constant 0 : i32
      %dma_wait3A_256 = tpu.memref_slice %arg4[%rem3A_112, %dma_wait3A_253, %dma_wait3A_254, %dma_wait3A_255] : memref<2x13x2x128xi32, #tpu.memory_space<vmem>> -> memref<1x1x1x128xi32, #tpu.memory_space<vmem>>
      %dma_wait3A_257 = tpu.memref_squeeze %dma_wait3A_256 : memref<1x1x1x128xi32, #tpu.memory_space<vmem>> -> memref<128xi32, #tpu.memory_space<vmem>>
      %dma_wait3A_258 = arith.constant 0 : i32
      %dma_wait3A_259 = tpu.memref_slice %arg7[%dma_wait3A_258] : memref<10240xf32, #tpu.memory_space<vmem_shared>> -> memref<10240xf32, #tpu.memory_space<vmem_shared>>
      tpu.wait_indirect_dma semaphore(%arg8 : memref<!tpu.dma_semaphore, #tpu.memory_space<semaphore_mem>>) src(%arg5 : memref<128xf32, #tpu.memory_space<vmem>>) dst(%dma_wait3A_259 : memref<10240xf32, #tpu.memory_space<vmem_shared>>)
      %dma_wait3A_260 = arith.constant 4 : i32
      %dma_wait3A_261 = arith.constant 1 : i32
      %dma_wait3A_262 = arith.constant 0 : i32
      %dma_wait3A_263 = tpu.memref_slice %arg4[%rem3A_112, %dma_wait3A_260, %dma_wait3A_261, %dma_wait3A_262] : memref<2x13x2x128xi32, #tpu.memory_space<vmem>> -> memref<1x1x1x128xi32, #tpu.memory_space<vmem>>
      %dma_wait3A_264 = tpu.memref_squeeze %dma_wait3A_263 : memref<1x1x1x128xi32, #tpu.memory_space<vmem>> -> memref<128xi32, #tpu.memory_space<vmem>>
      %dma_wait3A_265 = arith.constant 0 : i32
      %dma_wait3A_266 = tpu.memref_slice %arg7[%dma_wait3A_265] : memref<10240xf32, #tpu.memory_space<vmem_shared>> -> memref<10240xf32, #tpu.memory_space<vmem_shared>>
      tpu.wait_indirect_dma semaphore(%arg8 : memref<!tpu.dma_semaphore, #tpu.memory_space<semaphore_mem>>) src(%arg5 : memref<128xf32, #tpu.memory_space<vmem>>) dst(%dma_wait3A_266 : memref<10240xf32, #tpu.memory_space<vmem_shared>>)
      %dma_wait3A_267 = arith.constant 5 : i32
      %dma_wait3A_268 = arith.constant 1 : i32
      %dma_wait3A_269 = arith.constant 0 : i32
      %dma_wait3A_270 = tpu.memref_slice %arg4[%rem3A_112, %dma_wait3A_267, %dma_wait3A_268, %dma_wait3A_269] : memref<2x13x2x128xi32, #tpu.memory_space<vmem>> -> memref<1x1x1x128xi32, #tpu.memory_space<vmem>>
      %dma_wait3A_271 = tpu.memref_squeeze %dma_wait3A_270 : memref<1x1x1x128xi32, #tpu.memory_space<vmem>> -> memref<128xi32, #tpu.memory_space<vmem>>
      %dma_wait3A_272 = arith.constant 0 : i32
      %dma_wait3A_273 = tpu.memref_slice %arg7[%dma_wait3A_272] : memref<10240xf32, #tpu.memory_space<vmem_shared>> -> memref<10240xf32, #tpu.memory_space<vmem_shared>>
      tpu.wait_indirect_dma semaphore(%arg8 : memref<!tpu.dma_semaphore, #tpu.memory_space<semaphore_mem>>) src(%arg5 : memref<128xf32, #tpu.memory_space<vmem>>) dst(%dma_wait3A_273 : memref<10240xf32, #tpu.memory_space<vmem_shared>>)
      %dma_wait3A_274 = arith.constant 6 : i32
      %dma_wait3A_275 = arith.constant 1 : i32
      %dma_wait3A_276 = arith.constant 0 : i32
      %dma_wait3A_277 = tpu.memref_slice %arg4[%rem3A_112, %dma_wait3A_274, %dma_wait3A_275, %dma_wait3A_276] : memref<2x13x2x128xi32, #tpu.memory_space<vmem>> -> memref<1x1x1x128xi32, #tpu.memory_space<vmem>>
      %dma_wait3A_278 = tpu.memref_squeeze %dma_wait3A_277 : memref<1x1x1x128xi32, #tpu.memory_space<vmem>> -> memref<128xi32, #tpu.memory_space<vmem>>
      %dma_wait3A_279 = arith.constant 0 : i32
      %dma_wait3A_280 = tpu.memref_slice %arg7[%dma_wait3A_279] : memref<10240xf32, #tpu.memory_space<vmem_shared>> -> memref<10240xf32, #tpu.memory_space<vmem_shared>>
      tpu.wait_indirect_dma semaphore(%arg8 : memref<!tpu.dma_semaphore, #tpu.memory_space<semaphore_mem>>) src(%arg5 : memref<128xf32, #tpu.memory_space<vmem>>) dst(%dma_wait3A_280 : memref<10240xf32, #tpu.memory_space<vmem_shared>>)
      %dma_wait3A_281 = arith.constant 7 : i32
      %dma_wait3A_282 = arith.constant 1 : i32
      %dma_wait3A_283 = arith.constant 0 : i32
      %dma_wait3A_284 = tpu.memref_slice %arg4[%rem3A_112, %dma_wait3A_281, %dma_wait3A_282, %dma_wait3A_283] : memref<2x13x2x128xi32, #tpu.memory_space<vmem>> -> memref<1x1x1x128xi32, #tpu.memory_space<vmem>>
      %dma_wait3A_285 = tpu.memref_squeeze %dma_wait3A_284 : memref<1x1x1x128xi32, #tpu.memory_space<vmem>> -> memref<128xi32, #tpu.memory_space<vmem>>
      %dma_wait3A_286 = arith.constant 0 : i32
      %dma_wait3A_287 = tpu.memref_slice %arg7[%dma_wait3A_286] : memref<10240xf32, #tpu.memory_space<vmem_shared>> -> memref<10240xf32, #tpu.memory_space<vmem_shared>>
      tpu.wait_indirect_dma semaphore(%arg8 : memref<!tpu.dma_semaphore, #tpu.memory_space<semaphore_mem>>) src(%arg5 : memref<128xf32, #tpu.memory_space<vmem>>) dst(%dma_wait3A_287 : memref<10240xf32, #tpu.memory_space<vmem_shared>>)
      %dma_wait3A_288 = arith.constant 8 : i32
      %dma_wait3A_289 = arith.constant 1 : i32
      %dma_wait3A_290 = arith.constant 0 : i32
      %dma_wait3A_291 = tpu.memref_slice %arg4[%rem3A_112, %dma_wait3A_288, %dma_wait3A_289, %dma_wait3A_290] : memref<2x13x2x128xi32, #tpu.memory_space<vmem>> -> memref<1x1x1x128xi32, #tpu.memory_space<vmem>>
      %dma_wait3A_292 = tpu.memref_squeeze %dma_wait3A_291 : memref<1x1x1x128xi32, #tpu.memory_space<vmem>> -> memref<128xi32, #tpu.memory_space<vmem>>
      %dma_wait3A_293 = arith.constant 0 : i32
      %dma_wait3A_294 = tpu.memref_slice %arg7[%dma_wait3A_293] : memref<10240xf32, #tpu.memory_space<vmem_shared>> -> memref<10240xf32, #tpu.memory_space<vmem_shared>>
      tpu.wait_indirect_dma semaphore(%arg8 : memref<!tpu.dma_semaphore, #tpu.memory_space<semaphore_mem>>) src(%arg5 : memref<128xf32, #tpu.memory_space<vmem>>) dst(%dma_wait3A_294 : memref<10240xf32, #tpu.memory_space<vmem_shared>>)
      %dma_wait3A_295 = arith.constant 9 : i32
      %dma_wait3A_296 = arith.constant 1 : i32
      %dma_wait3A_297 = arith.constant 0 : i32
      %dma_wait3A_298 = tpu.memref_slice %arg4[%rem3A_112, %dma_wait3A_295, %dma_wait3A_296, %dma_wait3A_297] : memref<2x13x2x128xi32, #tpu.memory_space<vmem>> -> memref<1x1x1x128xi32, #tpu.memory_space<vmem>>
      %dma_wait3A_299 = tpu.memref_squeeze %dma_wait3A_298 : memref<1x1x1x128xi32, #tpu.memory_space<vmem>> -> memref<128xi32, #tpu.memory_space<vmem>>
      %dma_wait3A_300 = arith.constant 0 : i32
      %dma_wait3A_301 = tpu.memref_slice %arg7[%dma_wait3A_300] : memref<10240xf32, #tpu.memory_space<vmem_shared>> -> memref<10240xf32, #tpu.memory_space<vmem_shared>>
      tpu.wait_indirect_dma semaphore(%arg8 : memref<!tpu.dma_semaphore, #tpu.memory_space<semaphore_mem>>) src(%arg5 : memref<128xf32, #tpu.memory_space<vmem>>) dst(%dma_wait3A_301 : memref<10240xf32, #tpu.memory_space<vmem_shared>>)
      %dma_wait3A_302 = arith.constant 10 : i32
      %dma_wait3A_303 = arith.constant 1 : i32
      %dma_wait3A_304 = arith.constant 0 : i32
      %dma_wait3A_305 = tpu.memref_slice %arg4[%rem3A_112, %dma_wait3A_302, %dma_wait3A_303, %dma_wait3A_304] : memref<2x13x2x128xi32, #tpu.memory_space<vmem>> -> memref<1x1x1x128xi32, #tpu.memory_space<vmem>>
      %dma_wait3A_306 = tpu.memref_squeeze %dma_wait3A_305 : memref<1x1x1x128xi32, #tpu.memory_space<vmem>> -> memref<128xi32, #tpu.memory_space<vmem>>
      %dma_wait3A_307 = arith.constant 0 : i32
      %dma_wait3A_308 = tpu.memref_slice %arg7[%dma_wait3A_307] : memref<10240xf32, #tpu.memory_space<vmem_shared>> -> memref<10240xf32, #tpu.memory_space<vmem_shared>>
      tpu.wait_indirect_dma semaphore(%arg8 : memref<!tpu.dma_semaphore, #tpu.memory_space<semaphore_mem>>) src(%arg5 : memref<128xf32, #tpu.memory_space<vmem>>) dst(%dma_wait3A_308 : memref<10240xf32, #tpu.memory_space<vmem_shared>>)
      %dma_wait3A_309 = arith.constant 11 : i32
      %dma_wait3A_310 = arith.constant 1 : i32
      %dma_wait3A_311 = arith.constant 0 : i32
      %dma_wait3A_312 = tpu.memref_slice %arg4[%rem3A_112, %dma_wait3A_309, %dma_wait3A_310, %dma_wait3A_311] : memref<2x13x2x128xi32, #tpu.memory_space<vmem>> -> memref<1x1x1x128xi32, #tpu.memory_space<vmem>>
      %dma_wait3A_313 = tpu.memref_squeeze %dma_wait3A_312 : memref<1x1x1x128xi32, #tpu.memory_space<vmem>> -> memref<128xi32, #tpu.memory_space<vmem>>
      %dma_wait3A_314 = arith.constant 0 : i32
      %dma_wait3A_315 = tpu.memref_slice %arg7[%dma_wait3A_314] : memref<10240xf32, #tpu.memory_space<vmem_shared>> -> memref<10240xf32, #tpu.memory_space<vmem_shared>>
      tpu.wait_indirect_dma semaphore(%arg8 : memref<!tpu.dma_semaphore, #tpu.memory_space<semaphore_mem>>) src(%arg5 : memref<128xf32, #tpu.memory_space<vmem>>) dst(%dma_wait3A_315 : memref<10240xf32, #tpu.memory_space<vmem_shared>>)
      %dma_wait3A_316 = arith.constant 12 : i32
      %dma_wait3A_317 = arith.constant 1 : i32
      %dma_wait3A_318 = arith.constant 0 : i32
      %dma_wait3A_319 = tpu.memref_slice %arg4[%rem3A_112, %dma_wait3A_316, %dma_wait3A_317, %dma_wait3A_318] : memref<2x13x2x128xi32, #tpu.memory_space<vmem>> -> memref<1x1x1x128xi32, #tpu.memory_space<vmem>>
      %dma_wait3A_320 = tpu.memref_squeeze %dma_wait3A_319 : memref<1x1x1x128xi32, #tpu.memory_space<vmem>> -> memref<128xi32, #tpu.memory_space<vmem>>
      %dma_wait3A_321 = arith.constant 0 : i32
      %dma_wait3A_322 = tpu.memref_slice %arg7[%dma_wait3A_321] : memref<10240xf32, #tpu.memory_space<vmem_shared>> -> memref<10240xf32, #tpu.memory_space<vmem_shared>>
      tpu.wait_indirect_dma semaphore(%arg8 : memref<!tpu.dma_semaphore, #tpu.memory_space<semaphore_mem>>) src(%arg5 : memref<128xf32, #tpu.memory_space<vmem>>) dst(%dma_wait3A_322 : memref<10240xf32, #tpu.memory_space<vmem_shared>>)
      %scan3A_323 = arith.constant 0 : i32
      scf.yield %scan3A_323 : i32
    }
    %scan3A_101 = arith.constant 6 : i32
    %lt3A = arith.constant 4 : i32
    %lt3A_102 = arith.cmpi slt, %add3A, %lt3A : i32
    %convert_element_type3A = arith.extui %lt3A_102 : i1 to i32
    %cond3A = arith.constant 0 : i32
    %cond3A_103 = arith.cmpi ne, %convert_element_type3A, %cond3A : i32
    scf.if %cond3A_103 {
      %add3A_110 = arith.constant 2496 : i32
      %add3A_111 = arith.addi %add3A_110, %add3A : i32
      %mul3A_112 = arith.constant 128 : i32
      %mul3A_113 = arith.muli %add3A_111, %mul3A_112 : i32
      %run_scoped3A_114 = arith.constant 0 : i32
      %run_scoped3A_115 = arith.constant 0 : i32
      "tpu.region"() ({
        %run_scoped3A_119 = tpu.sem_alloc : memref<!tpu.dma_semaphore, #tpu.memory_space<semaphore_mem>>
        %dma_start3A = arith.constant 0 : i32
        %dma_start3A_120 = arith.constant 0 : i32
        %dma_start3A_121 = tpu.memref_slice %arg4[%run_scoped3A_114, %run_scoped3A_115, %dma_start3A, %dma_start3A_120] : memref<2x13x2x128xi32, #tpu.memory_space<vmem>> -> memref<1x1x2x128xi32, #tpu.memory_space<vmem>>
        %dma_start3A_122 = tpu.memref_squeeze %dma_start3A_121 : memref<1x1x2x128xi32, #tpu.memory_space<vmem>> -> memref<2x128xi32, #tpu.memory_space<vmem>>
        %dma_start3A_123 = arith.constant 0 : i32
        %dma_start3A_124 = tpu.memref_slice %arg2[%dma_start3A_123, %mul3A_113] : memref<2x320000xi32, #tpu.memory_space<hbm>> -> memref<2x128xi32, #tpu.memory_space<hbm>>
        %dma_start3A_125 = arith.constant 0 : i32
        %dma_start3A_126 = arith.constant 0 : i32
        %dma_start3A_127 = tpu.memref_slice %arg4[%run_scoped3A_114, %run_scoped3A_115, %dma_start3A_125, %dma_start3A_126] : memref<2x13x2x128xi32, #tpu.memory_space<vmem>> -> memref<1x1x2x128xi32, #tpu.memory_space<vmem>>
        %dma_start3A_128 = tpu.memref_squeeze %dma_start3A_127 : memref<1x1x2x128xi32, #tpu.memory_space<vmem>> -> memref<2x128xi32, #tpu.memory_space<vmem>>
        %dma_start3A_129 = arith.constant 0 : i32
        %dma_start3A_130 = tpu.memref_slice %arg2[%dma_start3A_129, %mul3A_113] : memref<2x320000xi32, #tpu.memory_space<hbm>> -> memref<2x128xi32, #tpu.memory_space<hbm>>
        tpu.enqueue_dma source(%dma_start3A_130 : memref<2x128xi32, #tpu.memory_space<hbm>>) target(%dma_start3A_128 : memref<2x128xi32, #tpu.memory_space<vmem>>) target_semaphore(%run_scoped3A_119 : memref<!tpu.dma_semaphore, #tpu.memory_space<semaphore_mem>>)
        %dma_wait3A = arith.constant 0 : i32
        %dma_wait3A_131 = arith.constant 0 : i32
        %dma_wait3A_132 = tpu.memref_slice %arg4[%run_scoped3A_114, %run_scoped3A_115, %dma_wait3A, %dma_wait3A_131] : memref<2x13x2x128xi32, #tpu.memory_space<vmem>> -> memref<1x1x2x128xi32, #tpu.memory_space<vmem>>
        %dma_wait3A_133 = tpu.memref_squeeze %dma_wait3A_132 : memref<1x1x2x128xi32, #tpu.memory_space<vmem>> -> memref<2x128xi32, #tpu.memory_space<vmem>>
        %dma_wait3A_134 = arith.constant 0 : i32
        %dma_wait3A_135 = tpu.memref_slice %arg2[%dma_wait3A_134, %mul3A_113] : memref<2x320000xi32, #tpu.memory_space<hbm>> -> memref<2x128xi32, #tpu.memory_space<hbm>>
        %dma_wait3A_136 = arith.constant 0 : i32
        %dma_wait3A_137 = arith.constant 0 : i32
        %dma_wait3A_138 = tpu.memref_slice %arg4[%run_scoped3A_114, %run_scoped3A_115, %dma_wait3A_136, %dma_wait3A_137] : memref<2x13x2x128xi32, #tpu.memory_space<vmem>> -> memref<1x1x2x128xi32, #tpu.memory_space<vmem>>
        %dma_wait3A_139 = tpu.memref_squeeze %dma_wait3A_138 : memref<1x1x2x128xi32, #tpu.memory_space<vmem>> -> memref<2x128xi32, #tpu.memory_space<vmem>>
        %dma_wait3A_140 = arith.constant 0 : i32
        %dma_wait3A_141 = tpu.memref_slice %arg2[%dma_wait3A_140, %mul3A_113] : memref<2x320000xi32, #tpu.memory_space<hbm>> -> memref<2x128xi32, #tpu.memory_space<hbm>>
        tpu.wait_dma2 semaphore(%run_scoped3A_119 : memref<!tpu.dma_semaphore, #tpu.memory_space<semaphore_mem>>) src(%dma_wait3A_141 : memref<2x128xi32, #tpu.memory_space<hbm>>) dst(%dma_wait3A_139 : memref<2x128xi32, #tpu.memory_space<vmem>>)
        tpu.yield
      }) : () -> ()
      %run_scoped3A_116 = arith.constant 0 : i32
      %run_scoped3A_117 = arith.constant 0 : i32
      %run_scoped3A_118 = arith.constant 1 : i32
      "tpu.region"() ({
        %run_scoped3A_119 = tpu.sem_alloc : memref<!tpu.dma_semaphore, #tpu.memory_space<semaphore_mem>>
        %dma_start3A = arith.constant 0 : i32
        %dma_start3A_120 = tpu.memref_slice %arg4[%run_scoped3A_116, %run_scoped3A_117, %run_scoped3A_118, %dma_start3A] : memref<2x13x2x128xi32, #tpu.memory_space<vmem>> -> memref<1x1x1x128xi32, #tpu.memory_space<vmem>>
        %dma_start3A_121 = tpu.memref_squeeze %dma_start3A_120 : memref<1x1x1x128xi32, #tpu.memory_space<vmem>> -> memref<128xi32, #tpu.memory_space<vmem>>
        %dma_start3A_122 = arith.constant 0 : i32
        %dma_start3A_123 = tpu.memref_slice %arg7[%dma_start3A_122] : memref<10240xf32, #tpu.memory_space<vmem_shared>> -> memref<10240xf32, #tpu.memory_space<vmem_shared>>
        tpu.enqueue_indirect_dma source(%arg5 : memref<128xf32, #tpu.memory_space<vmem>>) target(%dma_start3A_123 : memref<10240xf32, #tpu.memory_space<vmem_shared>>) offsets(%dma_start3A_121 : memref<128xi32, #tpu.memory_space<vmem>>) semaphore(%run_scoped3A_119 : memref<!tpu.dma_semaphore, #tpu.memory_space<semaphore_mem>>) {add = true}
        %dma_wait3A = arith.constant 0 : i32
        %dma_wait3A_124 = tpu.memref_slice %arg4[%run_scoped3A_116, %run_scoped3A_117, %run_scoped3A_118, %dma_wait3A] : memref<2x13x2x128xi32, #tpu.memory_space<vmem>> -> memref<1x1x1x128xi32, #tpu.memory_space<vmem>>
        %dma_wait3A_125 = tpu.memref_squeeze %dma_wait3A_124 : memref<1x1x1x128xi32, #tpu.memory_space<vmem>> -> memref<128xi32, #tpu.memory_space<vmem>>
        %dma_wait3A_126 = arith.constant 0 : i32
        %dma_wait3A_127 = tpu.memref_slice %arg7[%dma_wait3A_126] : memref<10240xf32, #tpu.memory_space<vmem_shared>> -> memref<10240xf32, #tpu.memory_space<vmem_shared>>
        tpu.wait_indirect_dma semaphore(%run_scoped3A_119 : memref<!tpu.dma_semaphore, #tpu.memory_space<semaphore_mem>>) src(%arg5 : memref<128xf32, #tpu.memory_space<vmem>>) dst(%dma_wait3A_127 : memref<10240xf32, #tpu.memory_space<vmem_shared>>)
        tpu.yield
      }) : () -> ()
    } else {
    }
    %barrier3A_104 = arith.constant 0 : index
    tpu.barrier barrier_id(%barrier3A_104)
    %mul3A_105 = arith.constant 640 : i32
    %mul3A_106 = arith.muli %arg1, %mul3A_105 : i32
    "tpu.region"() ({
      %run_scoped3A_110 = tpu.sem_alloc : memref<!tpu.dma_semaphore, #tpu.memory_space<semaphore_mem>>
      %dma_start3A = tpu.memref_slice %arg7[%mul3A_106] : memref<10240xf32, #tpu.memory_space<vmem_shared>> -> memref<640xf32, #tpu.memory_space<vmem_shared>>
      %dma_start3A_111 = tpu.memref_slice %arg7[%mul3A_106] : memref<10240xf32, #tpu.memory_space<vmem_shared>> -> memref<640xf32, #tpu.memory_space<vmem_shared>>
      tpu.enqueue_dma source(%dma_start3A_111 : memref<640xf32, #tpu.memory_space<vmem_shared>>) target(%arg6 : memref<640xf32, #tpu.memory_space<vmem>>) target_semaphore(%run_scoped3A_110 : memref<!tpu.dma_semaphore, #tpu.memory_space<semaphore_mem>>)
      %dma_wait3A = tpu.memref_slice %arg7[%mul3A_106] : memref<10240xf32, #tpu.memory_space<vmem_shared>> -> memref<640xf32, #tpu.memory_space<vmem_shared>>
      %dma_wait3A_112 = tpu.memref_slice %arg7[%mul3A_106] : memref<10240xf32, #tpu.memory_space<vmem_shared>> -> memref<640xf32, #tpu.memory_space<vmem_shared>>
      tpu.wait_dma2 semaphore(%run_scoped3A_110 : memref<!tpu.dma_semaphore, #tpu.memory_space<semaphore_mem>>) src(%dma_wait3A_112 : memref<640xf32, #tpu.memory_space<vmem_shared>>) dst(%arg6 : memref<640xf32, #tpu.memory_space<vmem>>)
      tpu.yield
    }) : () -> ()
    %mul3A_107 = arith.constant 640 : i32
    %mul3A_108 = arith.muli %arg1, %mul3A_107 : i32
    %run_scoped3A_109 = arith.constant 0 : i32
    "tpu.region"() ({
      %run_scoped3A_110 = tpu.sem_alloc : memref<!tpu.dma_semaphore, #tpu.memory_space<semaphore_mem>>
      %dma_start3A = tpu.memref_slice %arg3[%arg0, %run_scoped3A_109, %mul3A_108] : memref<2x1x10240xf32, #tpu.memory_space<hbm>> -> memref<1x1x640xf32, #tpu.memory_space<hbm>>
      %dma_start3A_111 = tpu.memref_squeeze %dma_start3A : memref<1x1x640xf32, #tpu.memory_space<hbm>> -> memref<640xf32, #tpu.memory_space<hbm>>
      %dma_start3A_112 = tpu.memref_slice %arg3[%arg0, %run_scoped3A_109, %mul3A_108] : memref<2x1x10240xf32, #tpu.memory_space<hbm>> -> memref<1x1x640xf32, #tpu.memory_space<hbm>>
      %dma_start3A_113 = tpu.memref_squeeze %dma_start3A_112 : memref<1x1x640xf32, #tpu.memory_space<hbm>> -> memref<640xf32, #tpu.memory_space<hbm>>
      tpu.enqueue_dma source(%arg6 : memref<640xf32, #tpu.memory_space<vmem>>) target(%dma_start3A_113 : memref<640xf32, #tpu.memory_space<hbm>>) target_semaphore(%run_scoped3A_110 : memref<!tpu.dma_semaphore, #tpu.memory_space<semaphore_mem>>)
      %dma_wait3A = tpu.memref_slice %arg3[%arg0, %run_scoped3A_109, %mul3A_108] : memref<2x1x10240xf32, #tpu.memory_space<hbm>> -> memref<1x1x640xf32, #tpu.memory_space<hbm>>
      %dma_wait3A_114 = tpu.memref_squeeze %dma_wait3A : memref<1x1x640xf32, #tpu.memory_space<hbm>> -> memref<640xf32, #tpu.memory_space<hbm>>
      %dma_wait3A_115 = tpu.memref_slice %arg3[%arg0, %run_scoped3A_109, %mul3A_108] : memref<2x1x10240xf32, #tpu.memory_space<hbm>> -> memref<1x1x640xf32, #tpu.memory_space<hbm>>
      %dma_wait3A_116 = tpu.memref_squeeze %dma_wait3A_115 : memref<1x1x640xf32, #tpu.memory_space<hbm>> -> memref<640xf32, #tpu.memory_space<hbm>>
      tpu.wait_dma2 semaphore(%run_scoped3A_110 : memref<!tpu.dma_semaphore, #tpu.memory_space<semaphore_mem>>) src(%arg6 : memref<640xf32, #tpu.memory_space<vmem>>) dst(%dma_wait3A_116 : memref<640xf32, #tpu.memory_space<hbm>>)
      tpu.yield
    }) : () -> ()
    return
  }
}

#map = affine_map<(d0, d1) -> (0)>
#map1 = affine_map<(d0, d1) -> (0, 0)>
#map2 = affine_map<(d0, d1) -> (0, 0, 0)>
module attributes {stable_mosaic.version = 14 : i64} {
  func.func @k(%arg0: i32, %arg1: i32, %arg2: memref<320000xi32, #tpu.memory_space<hbm>>, %arg3: memref<320000xi32, #tpu.memory_space<hbm>>, %arg4: memref<10240x128xf32, #tpu.memory_space<hbm>>, %arg5: memref<640x128xf32, #tpu.memory_space<hbm>>, %arg6: memref<2x10240x128xf32, #tpu.memory_space<hbm>>, %arg7: memref<3x4x80xi32, #tpu.memory_space<vmem>>, %arg8: memref<3x4x80xi32, #tpu.memory_space<vmem>>, %arg9: memref<4x80x128xf32, #tpu.memory_space<vmem>>, %arg10: memref<10240x128xf32, #tpu.memory_space<vmem_shared>>, %arg11: memref<!tpu.dma_semaphore, #tpu.memory_space<semaphore_mem>>, %arg12: memref<!tpu.dma_semaphore, #tpu.memory_space<semaphore_mem>>, %arg13: memref<!tpu.dma_semaphore, #tpu.memory_space<semaphore_mem>>, %arg14: memref<!tpu.dma_semaphore, #tpu.memory_space<semaphore_mem>>, %arg15: memref<!tpu.dma_semaphore, #tpu.memory_space<semaphore_mem>>, %arg16: memref<!tpu.dma_semaphore, #tpu.memory_space<semaphore_mem>>, %arg17: memref<!tpu.dma_semaphore, #tpu.memory_space<semaphore_mem>>, %arg18: memref<!tpu.dma_semaphore, #tpu.memory_space<semaphore_mem>>, %arg19: memref<!tpu.dma_semaphore, #tpu.memory_space<semaphore_mem>>, %arg20: memref<!tpu.dma_semaphore, #tpu.memory_space<semaphore_mem>>) attributes {dimension_semantics = [#tpu.dimension_semantics<core_parallel>, #tpu.dimension_semantics<subcore_parallel>], iteration_bounds = array<i64: 2, 16>, scalar_prefetch = 0 : i64, scratch_operands = 14 : i64, tpu.core_type = #tpu.core_type<sc_vector_subcore>, window_params = [{transform_indices = #map}, {transform_indices = #map}, {transform_indices = #map1}, {transform_indices = #map1}, {transform_indices = #map2}]} {
    %mul3A = arith.constant 2 : i32
    %mul3A_0 = arith.muli %arg1, %mul3A : i32
    %add3A = arith.addi %mul3A_0, %arg0 : i32
    %mul3A_1 = arith.constant 10000 : i32
    %mul3A_2 = arith.muli %add3A, %mul3A_1 : i32
    %mul3A_3 = arith.constant 640 : i32
    %mul3A_4 = arith.muli %arg1, %mul3A_3 : i32
    "tpu.region"() ({
      %run_scoped3A_339 = tpu.sem_alloc : memref<!tpu.dma_semaphore, #tpu.memory_space<semaphore_mem>>
      %dma_start3A_340 = arith.constant 0 : i32
      %dma_start3A_341 = tpu.memref_slice %arg10[%mul3A_4, %dma_start3A_340] : memref<10240x128xf32, #tpu.memory_space<vmem_shared>> -> memref<640x128xf32, #tpu.memory_space<vmem_shared>>
      tpu.enqueue_dma source(%arg5 : memref<640x128xf32, #tpu.memory_space<hbm>>) target(%dma_start3A_341 : memref<640x128xf32, #tpu.memory_space<vmem_shared>>) target_semaphore(%run_scoped3A_339 : memref<!tpu.dma_semaphore, #tpu.memory_space<semaphore_mem>>)
      %dma_wait3A_342 = arith.constant 0 : i32
      %dma_wait3A_343 = tpu.memref_slice %arg10[%mul3A_4, %dma_wait3A_342] : memref<10240x128xf32, #tpu.memory_space<vmem_shared>> -> memref<640x128xf32, #tpu.memory_space<vmem_shared>>
      tpu.wait_dma2 semaphore(%run_scoped3A_339 : memref<!tpu.dma_semaphore, #tpu.memory_space<semaphore_mem>>) src(%arg5 : memref<640x128xf32, #tpu.memory_space<hbm>>) dst(%dma_wait3A_343 : memref<640x128xf32, #tpu.memory_space<vmem_shared>>)
      tpu.yield
    }) : () -> ()
    %add3A_5 = arith.constant 0 : i32
    %add3A_6 = arith.addi %mul3A_2, %add3A_5 : i32
    %run_scoped3A = arith.constant 0 : i32
    %run_scoped3A_7 = arith.constant 0 : i32
    "tpu.region"() ({
      %run_scoped3A_339 = tpu.sem_alloc : memref<!tpu.dma_semaphore, #tpu.memory_space<semaphore_mem>>
      %dma_start3A_340 = arith.constant 0 : i32
      %dma_start3A_341 = tpu.memref_slice %arg7[%run_scoped3A, %run_scoped3A_7, %dma_start3A_340] : memref<3x4x80xi32, #tpu.memory_space<vmem>> -> memref<1x1x80xi32, #tpu.memory_space<vmem>>
      %dma_start3A_342 = tpu.memref_squeeze %dma_start3A_341 : memref<1x1x80xi32, #tpu.memory_space<vmem>> -> memref<80xi32, #tpu.memory_space<vmem>>
      %dma_start3A_343 = tpu.memref_slice %arg2[%add3A_6] : memref<320000xi32, #tpu.memory_space<hbm>> -> memref<80xi32, #tpu.memory_space<hbm>>
      %dma_start3A_344 = arith.constant 0 : i32
      %dma_start3A_345 = tpu.memref_slice %arg7[%run_scoped3A, %run_scoped3A_7, %dma_start3A_344] : memref<3x4x80xi32, #tpu.memory_space<vmem>> -> memref<1x1x80xi32, #tpu.memory_space<vmem>>
      %dma_start3A_346 = tpu.memref_squeeze %dma_start3A_345 : memref<1x1x80xi32, #tpu.memory_space<vmem>> -> memref<80xi32, #tpu.memory_space<vmem>>
      %dma_start3A_347 = tpu.memref_slice %arg2[%add3A_6] : memref<320000xi32, #tpu.memory_space<hbm>> -> memref<80xi32, #tpu.memory_space<hbm>>
      tpu.enqueue_dma source(%dma_start3A_347 : memref<80xi32, #tpu.memory_space<hbm>>) target(%dma_start3A_346 : memref<80xi32, #tpu.memory_space<vmem>>) target_semaphore(%run_scoped3A_339 : memref<!tpu.dma_semaphore, #tpu.memory_space<semaphore_mem>>)
      %dma_wait3A_348 = arith.constant 0 : i32
      %dma_wait3A_349 = tpu.memref_slice %arg7[%run_scoped3A, %run_scoped3A_7, %dma_wait3A_348] : memref<3x4x80xi32, #tpu.memory_space<vmem>> -> memref<1x1x80xi32, #tpu.memory_space<vmem>>
      %dma_wait3A_350 = tpu.memref_squeeze %dma_wait3A_349 : memref<1x1x80xi32, #tpu.memory_space<vmem>> -> memref<80xi32, #tpu.memory_space<vmem>>
      %dma_wait3A_351 = tpu.memref_slice %arg2[%add3A_6] : memref<320000xi32, #tpu.memory_space<hbm>> -> memref<80xi32, #tpu.memory_space<hbm>>
      %dma_wait3A_352 = arith.constant 0 : i32
      %dma_wait3A_353 = tpu.memref_slice %arg7[%run_scoped3A, %run_scoped3A_7, %dma_wait3A_352] : memref<3x4x80xi32, #tpu.memory_space<vmem>> -> memref<1x1x80xi32, #tpu.memory_space<vmem>>
      %dma_wait3A_354 = tpu.memref_squeeze %dma_wait3A_353 : memref<1x1x80xi32, #tpu.memory_space<vmem>> -> memref<80xi32, #tpu.memory_space<vmem>>
      %dma_wait3A_355 = tpu.memref_slice %arg2[%add3A_6] : memref<320000xi32, #tpu.memory_space<hbm>> -> memref<80xi32, #tpu.memory_space<hbm>>
      tpu.wait_dma2 semaphore(%run_scoped3A_339 : memref<!tpu.dma_semaphore, #tpu.memory_space<semaphore_mem>>) src(%dma_wait3A_355 : memref<80xi32, #tpu.memory_space<hbm>>) dst(%dma_wait3A_354 : memref<80xi32, #tpu.memory_space<vmem>>)
      tpu.yield
    }) : () -> ()
    %add3A_8 = arith.constant 0 : i32
    %add3A_9 = arith.addi %mul3A_2, %add3A_8 : i32
    %run_scoped3A_10 = arith.constant 0 : i32
    %run_scoped3A_11 = arith.constant 0 : i32
    "tpu.region"() ({
      %run_scoped3A_339 = tpu.sem_alloc : memref<!tpu.dma_semaphore, #tpu.memory_space<semaphore_mem>>
      %dma_start3A_340 = arith.constant 0 : i32
      %dma_start3A_341 = tpu.memref_slice %arg8[%run_scoped3A_10, %run_scoped3A_11, %dma_start3A_340] : memref<3x4x80xi32, #tpu.memory_space<vmem>> -> memref<1x1x80xi32, #tpu.memory_space<vmem>>
      %dma_start3A_342 = tpu.memref_squeeze %dma_start3A_341 : memref<1x1x80xi32, #tpu.memory_space<vmem>> -> memref<80xi32, #tpu.memory_space<vmem>>
      %dma_start3A_343 = tpu.memref_slice %arg3[%add3A_9] : memref<320000xi32, #tpu.memory_space<hbm>> -> memref<80xi32, #tpu.memory_space<hbm>>
      %dma_start3A_344 = arith.constant 0 : i32
      %dma_start3A_345 = tpu.memref_slice %arg8[%run_scoped3A_10, %run_scoped3A_11, %dma_start3A_344] : memref<3x4x80xi32, #tpu.memory_space<vmem>> -> memref<1x1x80xi32, #tpu.memory_space<vmem>>
      %dma_start3A_346 = tpu.memref_squeeze %dma_start3A_345 : memref<1x1x80xi32, #tpu.memory_space<vmem>> -> memref<80xi32, #tpu.memory_space<vmem>>
      %dma_start3A_347 = tpu.memref_slice %arg3[%add3A_9] : memref<320000xi32, #tpu.memory_space<hbm>> -> memref<80xi32, #tpu.memory_space<hbm>>
      tpu.enqueue_dma source(%dma_start3A_347 : memref<80xi32, #tpu.memory_space<hbm>>) target(%dma_start3A_346 : memref<80xi32, #tpu.memory_space<vmem>>) target_semaphore(%run_scoped3A_339 : memref<!tpu.dma_semaphore, #tpu.memory_space<semaphore_mem>>)
      %dma_wait3A_348 = arith.constant 0 : i32
      %dma_wait3A_349 = tpu.memref_slice %arg8[%run_scoped3A_10, %run_scoped3A_11, %dma_wait3A_348] : memref<3x4x80xi32, #tpu.memory_space<vmem>> -> memref<1x1x80xi32, #tpu.memory_space<vmem>>
      %dma_wait3A_350 = tpu.memref_squeeze %dma_wait3A_349 : memref<1x1x80xi32, #tpu.memory_space<vmem>> -> memref<80xi32, #tpu.memory_space<vmem>>
      %dma_wait3A_351 = tpu.memref_slice %arg3[%add3A_9] : memref<320000xi32, #tpu.memory_space<hbm>> -> memref<80xi32, #tpu.memory_space<hbm>>
      %dma_wait3A_352 = arith.constant 0 : i32
      %dma_wait3A_353 = tpu.memref_slice %arg8[%run_scoped3A_10, %run_scoped3A_11, %dma_wait3A_352] : memref<3x4x80xi32, #tpu.memory_space<vmem>> -> memref<1x1x80xi32, #tpu.memory_space<vmem>>
      %dma_wait3A_354 = tpu.memref_squeeze %dma_wait3A_353 : memref<1x1x80xi32, #tpu.memory_space<vmem>> -> memref<80xi32, #tpu.memory_space<vmem>>
      %dma_wait3A_355 = tpu.memref_slice %arg3[%add3A_9] : memref<320000xi32, #tpu.memory_space<hbm>> -> memref<80xi32, #tpu.memory_space<hbm>>
      tpu.wait_dma2 semaphore(%run_scoped3A_339 : memref<!tpu.dma_semaphore, #tpu.memory_space<semaphore_mem>>) src(%dma_wait3A_355 : memref<80xi32, #tpu.memory_space<hbm>>) dst(%dma_wait3A_354 : memref<80xi32, #tpu.memory_space<vmem>>)
      tpu.yield
    }) : () -> ()
    %add3A_12 = arith.constant 80 : i32
    %add3A_13 = arith.addi %mul3A_2, %add3A_12 : i32
    %run_scoped3A_14 = arith.constant 0 : i32
    %run_scoped3A_15 = arith.constant 1 : i32
    "tpu.region"() ({
      %run_scoped3A_339 = tpu.sem_alloc : memref<!tpu.dma_semaphore, #tpu.memory_space<semaphore_mem>>
      %dma_start3A_340 = arith.constant 0 : i32
      %dma_start3A_341 = tpu.memref_slice %arg7[%run_scoped3A_14, %run_scoped3A_15, %dma_start3A_340] : memref<3x4x80xi32, #tpu.memory_space<vmem>> -> memref<1x1x80xi32, #tpu.memory_space<vmem>>
      %dma_start3A_342 = tpu.memref_squeeze %dma_start3A_341 : memref<1x1x80xi32, #tpu.memory_space<vmem>> -> memref<80xi32, #tpu.memory_space<vmem>>
      %dma_start3A_343 = tpu.memref_slice %arg2[%add3A_13] : memref<320000xi32, #tpu.memory_space<hbm>> -> memref<80xi32, #tpu.memory_space<hbm>>
      %dma_start3A_344 = arith.constant 0 : i32
      %dma_start3A_345 = tpu.memref_slice %arg7[%run_scoped3A_14, %run_scoped3A_15, %dma_start3A_344] : memref<3x4x80xi32, #tpu.memory_space<vmem>> -> memref<1x1x80xi32, #tpu.memory_space<vmem>>
      %dma_start3A_346 = tpu.memref_squeeze %dma_start3A_345 : memref<1x1x80xi32, #tpu.memory_space<vmem>> -> memref<80xi32, #tpu.memory_space<vmem>>
      %dma_start3A_347 = tpu.memref_slice %arg2[%add3A_13] : memref<320000xi32, #tpu.memory_space<hbm>> -> memref<80xi32, #tpu.memory_space<hbm>>
      tpu.enqueue_dma source(%dma_start3A_347 : memref<80xi32, #tpu.memory_space<hbm>>) target(%dma_start3A_346 : memref<80xi32, #tpu.memory_space<vmem>>) target_semaphore(%run_scoped3A_339 : memref<!tpu.dma_semaphore, #tpu.memory_space<semaphore_mem>>)
      %dma_wait3A_348 = arith.constant 0 : i32
      %dma_wait3A_349 = tpu.memref_slice %arg7[%run_scoped3A_14, %run_scoped3A_15, %dma_wait3A_348] : memref<3x4x80xi32, #tpu.memory_space<vmem>> -> memref<1x1x80xi32, #tpu.memory_space<vmem>>
      %dma_wait3A_350 = tpu.memref_squeeze %dma_wait3A_349 : memref<1x1x80xi32, #tpu.memory_space<vmem>> -> memref<80xi32, #tpu.memory_space<vmem>>
      %dma_wait3A_351 = tpu.memref_slice %arg2[%add3A_13] : memref<320000xi32, #tpu.memory_space<hbm>> -> memref<80xi32, #tpu.memory_space<hbm>>
      %dma_wait3A_352 = arith.constant 0 : i32
      %dma_wait3A_353 = tpu.memref_slice %arg7[%run_scoped3A_14, %run_scoped3A_15, %dma_wait3A_352] : memref<3x4x80xi32, #tpu.memory_space<vmem>> -> memref<1x1x80xi32, #tpu.memory_space<vmem>>
      %dma_wait3A_354 = tpu.memref_squeeze %dma_wait3A_353 : memref<1x1x80xi32, #tpu.memory_space<vmem>> -> memref<80xi32, #tpu.memory_space<vmem>>
      %dma_wait3A_355 = tpu.memref_slice %arg2[%add3A_13] : memref<320000xi32, #tpu.memory_space<hbm>> -> memref<80xi32, #tpu.memory_space<hbm>>
      tpu.wait_dma2 semaphore(%run_scoped3A_339 : memref<!tpu.dma_semaphore, #tpu.memory_space<semaphore_mem>>) src(%dma_wait3A_355 : memref<80xi32, #tpu.memory_space<hbm>>) dst(%dma_wait3A_354 : memref<80xi32, #tpu.memory_space<vmem>>)
      tpu.yield
    }) : () -> ()
    %add3A_16 = arith.constant 80 : i32
    %add3A_17 = arith.addi %mul3A_2, %add3A_16 : i32
    %run_scoped3A_18 = arith.constant 0 : i32
    %run_scoped3A_19 = arith.constant 1 : i32
    "tpu.region"() ({
      %run_scoped3A_339 = tpu.sem_alloc : memref<!tpu.dma_semaphore, #tpu.memory_space<semaphore_mem>>
      %dma_start3A_340 = arith.constant 0 : i32
      %dma_start3A_341 = tpu.memref_slice %arg8[%run_scoped3A_18, %run_scoped3A_19, %dma_start3A_340] : memref<3x4x80xi32, #tpu.memory_space<vmem>> -> memref<1x1x80xi32, #tpu.memory_space<vmem>>
      %dma_start3A_342 = tpu.memref_squeeze %dma_start3A_341 : memref<1x1x80xi32, #tpu.memory_space<vmem>> -> memref<80xi32, #tpu.memory_space<vmem>>
      %dma_start3A_343 = tpu.memref_slice %arg3[%add3A_17] : memref<320000xi32, #tpu.memory_space<hbm>> -> memref<80xi32, #tpu.memory_space<hbm>>
      %dma_start3A_344 = arith.constant 0 : i32
      %dma_start3A_345 = tpu.memref_slice %arg8[%run_scoped3A_18, %run_scoped3A_19, %dma_start3A_344] : memref<3x4x80xi32, #tpu.memory_space<vmem>> -> memref<1x1x80xi32, #tpu.memory_space<vmem>>
      %dma_start3A_346 = tpu.memref_squeeze %dma_start3A_345 : memref<1x1x80xi32, #tpu.memory_space<vmem>> -> memref<80xi32, #tpu.memory_space<vmem>>
      %dma_start3A_347 = tpu.memref_slice %arg3[%add3A_17] : memref<320000xi32, #tpu.memory_space<hbm>> -> memref<80xi32, #tpu.memory_space<hbm>>
      tpu.enqueue_dma source(%dma_start3A_347 : memref<80xi32, #tpu.memory_space<hbm>>) target(%dma_start3A_346 : memref<80xi32, #tpu.memory_space<vmem>>) target_semaphore(%run_scoped3A_339 : memref<!tpu.dma_semaphore, #tpu.memory_space<semaphore_mem>>)
      %dma_wait3A_348 = arith.constant 0 : i32
      %dma_wait3A_349 = tpu.memref_slice %arg8[%run_scoped3A_18, %run_scoped3A_19, %dma_wait3A_348] : memref<3x4x80xi32, #tpu.memory_space<vmem>> -> memref<1x1x80xi32, #tpu.memory_space<vmem>>
      %dma_wait3A_350 = tpu.memref_squeeze %dma_wait3A_349 : memref<1x1x80xi32, #tpu.memory_space<vmem>> -> memref<80xi32, #tpu.memory_space<vmem>>
      %dma_wait3A_351 = tpu.memref_slice %arg3[%add3A_17] : memref<320000xi32, #tpu.memory_space<hbm>> -> memref<80xi32, #tpu.memory_space<hbm>>
      %dma_wait3A_352 = arith.constant 0 : i32
      %dma_wait3A_353 = tpu.memref_slice %arg8[%run_scoped3A_18, %run_scoped3A_19, %dma_wait3A_352] : memref<3x4x80xi32, #tpu.memory_space<vmem>> -> memref<1x1x80xi32, #tpu.memory_space<vmem>>
      %dma_wait3A_354 = tpu.memref_squeeze %dma_wait3A_353 : memref<1x1x80xi32, #tpu.memory_space<vmem>> -> memref<80xi32, #tpu.memory_space<vmem>>
      %dma_wait3A_355 = tpu.memref_slice %arg3[%add3A_17] : memref<320000xi32, #tpu.memory_space<hbm>> -> memref<80xi32, #tpu.memory_space<hbm>>
      tpu.wait_dma2 semaphore(%run_scoped3A_339 : memref<!tpu.dma_semaphore, #tpu.memory_space<semaphore_mem>>) src(%dma_wait3A_355 : memref<80xi32, #tpu.memory_space<hbm>>) dst(%dma_wait3A_354 : memref<80xi32, #tpu.memory_space<vmem>>)
      tpu.yield
    }) : () -> ()
    %add3A_20 = arith.constant 160 : i32
    %add3A_21 = arith.addi %mul3A_2, %add3A_20 : i32
    %run_scoped3A_22 = arith.constant 0 : i32
    %run_scoped3A_23 = arith.constant 2 : i32
    "tpu.region"() ({
      %run_scoped3A_339 = tpu.sem_alloc : memref<!tpu.dma_semaphore, #tpu.memory_space<semaphore_mem>>
      %dma_start3A_340 = arith.constant 0 : i32
      %dma_start3A_341 = tpu.memref_slice %arg7[%run_scoped3A_22, %run_scoped3A_23, %dma_start3A_340] : memref<3x4x80xi32, #tpu.memory_space<vmem>> -> memref<1x1x80xi32, #tpu.memory_space<vmem>>
      %dma_start3A_342 = tpu.memref_squeeze %dma_start3A_341 : memref<1x1x80xi32, #tpu.memory_space<vmem>> -> memref<80xi32, #tpu.memory_space<vmem>>
      %dma_start3A_343 = tpu.memref_slice %arg2[%add3A_21] : memref<320000xi32, #tpu.memory_space<hbm>> -> memref<80xi32, #tpu.memory_space<hbm>>
      %dma_start3A_344 = arith.constant 0 : i32
      %dma_start3A_345 = tpu.memref_slice %arg7[%run_scoped3A_22, %run_scoped3A_23, %dma_start3A_344] : memref<3x4x80xi32, #tpu.memory_space<vmem>> -> memref<1x1x80xi32, #tpu.memory_space<vmem>>
      %dma_start3A_346 = tpu.memref_squeeze %dma_start3A_345 : memref<1x1x80xi32, #tpu.memory_space<vmem>> -> memref<80xi32, #tpu.memory_space<vmem>>
      %dma_start3A_347 = tpu.memref_slice %arg2[%add3A_21] : memref<320000xi32, #tpu.memory_space<hbm>> -> memref<80xi32, #tpu.memory_space<hbm>>
      tpu.enqueue_dma source(%dma_start3A_347 : memref<80xi32, #tpu.memory_space<hbm>>) target(%dma_start3A_346 : memref<80xi32, #tpu.memory_space<vmem>>) target_semaphore(%run_scoped3A_339 : memref<!tpu.dma_semaphore, #tpu.memory_space<semaphore_mem>>)
      %dma_wait3A_348 = arith.constant 0 : i32
      %dma_wait3A_349 = tpu.memref_slice %arg7[%run_scoped3A_22, %run_scoped3A_23, %dma_wait3A_348] : memref<3x4x80xi32, #tpu.memory_space<vmem>> -> memref<1x1x80xi32, #tpu.memory_space<vmem>>
      %dma_wait3A_350 = tpu.memref_squeeze %dma_wait3A_349 : memref<1x1x80xi32, #tpu.memory_space<vmem>> -> memref<80xi32, #tpu.memory_space<vmem>>
      %dma_wait3A_351 = tpu.memref_slice %arg2[%add3A_21] : memref<320000xi32, #tpu.memory_space<hbm>> -> memref<80xi32, #tpu.memory_space<hbm>>
      %dma_wait3A_352 = arith.constant 0 : i32
      %dma_wait3A_353 = tpu.memref_slice %arg7[%run_scoped3A_22, %run_scoped3A_23, %dma_wait3A_352] : memref<3x4x80xi32, #tpu.memory_space<vmem>> -> memref<1x1x80xi32, #tpu.memory_space<vmem>>
      %dma_wait3A_354 = tpu.memref_squeeze %dma_wait3A_353 : memref<1x1x80xi32, #tpu.memory_space<vmem>> -> memref<80xi32, #tpu.memory_space<vmem>>
      %dma_wait3A_355 = tpu.memref_slice %arg2[%add3A_21] : memref<320000xi32, #tpu.memory_space<hbm>> -> memref<80xi32, #tpu.memory_space<hbm>>
      tpu.wait_dma2 semaphore(%run_scoped3A_339 : memref<!tpu.dma_semaphore, #tpu.memory_space<semaphore_mem>>) src(%dma_wait3A_355 : memref<80xi32, #tpu.memory_space<hbm>>) dst(%dma_wait3A_354 : memref<80xi32, #tpu.memory_space<vmem>>)
      tpu.yield
    }) : () -> ()
    %add3A_24 = arith.constant 160 : i32
    %add3A_25 = arith.addi %mul3A_2, %add3A_24 : i32
    %run_scoped3A_26 = arith.constant 0 : i32
    %run_scoped3A_27 = arith.constant 2 : i32
    "tpu.region"() ({
      %run_scoped3A_339 = tpu.sem_alloc : memref<!tpu.dma_semaphore, #tpu.memory_space<semaphore_mem>>
      %dma_start3A_340 = arith.constant 0 : i32
      %dma_start3A_341 = tpu.memref_slice %arg8[%run_scoped3A_26, %run_scoped3A_27, %dma_start3A_340] : memref<3x4x80xi32, #tpu.memory_space<vmem>> -> memref<1x1x80xi32, #tpu.memory_space<vmem>>
      %dma_start3A_342 = tpu.memref_squeeze %dma_start3A_341 : memref<1x1x80xi32, #tpu.memory_space<vmem>> -> memref<80xi32, #tpu.memory_space<vmem>>
      %dma_start3A_343 = tpu.memref_slice %arg3[%add3A_25] : memref<320000xi32, #tpu.memory_space<hbm>> -> memref<80xi32, #tpu.memory_space<hbm>>
      %dma_start3A_344 = arith.constant 0 : i32
      %dma_start3A_345 = tpu.memref_slice %arg8[%run_scoped3A_26, %run_scoped3A_27, %dma_start3A_344] : memref<3x4x80xi32, #tpu.memory_space<vmem>> -> memref<1x1x80xi32, #tpu.memory_space<vmem>>
      %dma_start3A_346 = tpu.memref_squeeze %dma_start3A_345 : memref<1x1x80xi32, #tpu.memory_space<vmem>> -> memref<80xi32, #tpu.memory_space<vmem>>
      %dma_start3A_347 = tpu.memref_slice %arg3[%add3A_25] : memref<320000xi32, #tpu.memory_space<hbm>> -> memref<80xi32, #tpu.memory_space<hbm>>
      tpu.enqueue_dma source(%dma_start3A_347 : memref<80xi32, #tpu.memory_space<hbm>>) target(%dma_start3A_346 : memref<80xi32, #tpu.memory_space<vmem>>) target_semaphore(%run_scoped3A_339 : memref<!tpu.dma_semaphore, #tpu.memory_space<semaphore_mem>>)
      %dma_wait3A_348 = arith.constant 0 : i32
      %dma_wait3A_349 = tpu.memref_slice %arg8[%run_scoped3A_26, %run_scoped3A_27, %dma_wait3A_348] : memref<3x4x80xi32, #tpu.memory_space<vmem>> -> memref<1x1x80xi32, #tpu.memory_space<vmem>>
      %dma_wait3A_350 = tpu.memref_squeeze %dma_wait3A_349 : memref<1x1x80xi32, #tpu.memory_space<vmem>> -> memref<80xi32, #tpu.memory_space<vmem>>
      %dma_wait3A_351 = tpu.memref_slice %arg3[%add3A_25] : memref<320000xi32, #tpu.memory_space<hbm>> -> memref<80xi32, #tpu.memory_space<hbm>>
      %dma_wait3A_352 = arith.constant 0 : i32
      %dma_wait3A_353 = tpu.memref_slice %arg8[%run_scoped3A_26, %run_scoped3A_27, %dma_wait3A_352] : memref<3x4x80xi32, #tpu.memory_space<vmem>> -> memref<1x1x80xi32, #tpu.memory_space<vmem>>
      %dma_wait3A_354 = tpu.memref_squeeze %dma_wait3A_353 : memref<1x1x80xi32, #tpu.memory_space<vmem>> -> memref<80xi32, #tpu.memory_space<vmem>>
      %dma_wait3A_355 = tpu.memref_slice %arg3[%add3A_25] : memref<320000xi32, #tpu.memory_space<hbm>> -> memref<80xi32, #tpu.memory_space<hbm>>
      tpu.wait_dma2 semaphore(%run_scoped3A_339 : memref<!tpu.dma_semaphore, #tpu.memory_space<semaphore_mem>>) src(%dma_wait3A_355 : memref<80xi32, #tpu.memory_space<hbm>>) dst(%dma_wait3A_354 : memref<80xi32, #tpu.memory_space<vmem>>)
      tpu.yield
    }) : () -> ()
    %add3A_28 = arith.constant 240 : i32
    %add3A_29 = arith.addi %mul3A_2, %add3A_28 : i32
    %run_scoped3A_30 = arith.constant 0 : i32
    %run_scoped3A_31 = arith.constant 3 : i32
    "tpu.region"() ({
      %run_scoped3A_339 = tpu.sem_alloc : memref<!tpu.dma_semaphore, #tpu.memory_space<semaphore_mem>>
      %dma_start3A_340 = arith.constant 0 : i32
      %dma_start3A_341 = tpu.memref_slice %arg7[%run_scoped3A_30, %run_scoped3A_31, %dma_start3A_340] : memref<3x4x80xi32, #tpu.memory_space<vmem>> -> memref<1x1x80xi32, #tpu.memory_space<vmem>>
      %dma_start3A_342 = tpu.memref_squeeze %dma_start3A_341 : memref<1x1x80xi32, #tpu.memory_space<vmem>> -> memref<80xi32, #tpu.memory_space<vmem>>
      %dma_start3A_343 = tpu.memref_slice %arg2[%add3A_29] : memref<320000xi32, #tpu.memory_space<hbm>> -> memref<80xi32, #tpu.memory_space<hbm>>
      %dma_start3A_344 = arith.constant 0 : i32
      %dma_start3A_345 = tpu.memref_slice %arg7[%run_scoped3A_30, %run_scoped3A_31, %dma_start3A_344] : memref<3x4x80xi32, #tpu.memory_space<vmem>> -> memref<1x1x80xi32, #tpu.memory_space<vmem>>
      %dma_start3A_346 = tpu.memref_squeeze %dma_start3A_345 : memref<1x1x80xi32, #tpu.memory_space<vmem>> -> memref<80xi32, #tpu.memory_space<vmem>>
      %dma_start3A_347 = tpu.memref_slice %arg2[%add3A_29] : memref<320000xi32, #tpu.memory_space<hbm>> -> memref<80xi32, #tpu.memory_space<hbm>>
      tpu.enqueue_dma source(%dma_start3A_347 : memref<80xi32, #tpu.memory_space<hbm>>) target(%dma_start3A_346 : memref<80xi32, #tpu.memory_space<vmem>>) target_semaphore(%run_scoped3A_339 : memref<!tpu.dma_semaphore, #tpu.memory_space<semaphore_mem>>)
      %dma_wait3A_348 = arith.constant 0 : i32
      %dma_wait3A_349 = tpu.memref_slice %arg7[%run_scoped3A_30, %run_scoped3A_31, %dma_wait3A_348] : memref<3x4x80xi32, #tpu.memory_space<vmem>> -> memref<1x1x80xi32, #tpu.memory_space<vmem>>
      %dma_wait3A_350 = tpu.memref_squeeze %dma_wait3A_349 : memref<1x1x80xi32, #tpu.memory_space<vmem>> -> memref<80xi32, #tpu.memory_space<vmem>>
      %dma_wait3A_351 = tpu.memref_slice %arg2[%add3A_29] : memref<320000xi32, #tpu.memory_space<hbm>> -> memref<80xi32, #tpu.memory_space<hbm>>
      %dma_wait3A_352 = arith.constant 0 : i32
      %dma_wait3A_353 = tpu.memref_slice %arg7[%run_scoped3A_30, %run_scoped3A_31, %dma_wait3A_352] : memref<3x4x80xi32, #tpu.memory_space<vmem>> -> memref<1x1x80xi32, #tpu.memory_space<vmem>>
      %dma_wait3A_354 = tpu.memref_squeeze %dma_wait3A_353 : memref<1x1x80xi32, #tpu.memory_space<vmem>> -> memref<80xi32, #tpu.memory_space<vmem>>
      %dma_wait3A_355 = tpu.memref_slice %arg2[%add3A_29] : memref<320000xi32, #tpu.memory_space<hbm>> -> memref<80xi32, #tpu.memory_space<hbm>>
      tpu.wait_dma2 semaphore(%run_scoped3A_339 : memref<!tpu.dma_semaphore, #tpu.memory_space<semaphore_mem>>) src(%dma_wait3A_355 : memref<80xi32, #tpu.memory_space<hbm>>) dst(%dma_wait3A_354 : memref<80xi32, #tpu.memory_space<vmem>>)
      tpu.yield
    }) : () -> ()
    %add3A_32 = arith.constant 240 : i32
    %add3A_33 = arith.addi %mul3A_2, %add3A_32 : i32
    %run_scoped3A_34 = arith.constant 0 : i32
    %run_scoped3A_35 = arith.constant 3 : i32
    "tpu.region"() ({
      %run_scoped3A_339 = tpu.sem_alloc : memref<!tpu.dma_semaphore, #tpu.memory_space<semaphore_mem>>
      %dma_start3A_340 = arith.constant 0 : i32
      %dma_start3A_341 = tpu.memref_slice %arg8[%run_scoped3A_34, %run_scoped3A_35, %dma_start3A_340] : memref<3x4x80xi32, #tpu.memory_space<vmem>> -> memref<1x1x80xi32, #tpu.memory_space<vmem>>
      %dma_start3A_342 = tpu.memref_squeeze %dma_start3A_341 : memref<1x1x80xi32, #tpu.memory_space<vmem>> -> memref<80xi32, #tpu.memory_space<vmem>>
      %dma_start3A_343 = tpu.memref_slice %arg3[%add3A_33] : memref<320000xi32, #tpu.memory_space<hbm>> -> memref<80xi32, #tpu.memory_space<hbm>>
      %dma_start3A_344 = arith.constant 0 : i32
      %dma_start3A_345 = tpu.memref_slice %arg8[%run_scoped3A_34, %run_scoped3A_35, %dma_start3A_344] : memref<3x4x80xi32, #tpu.memory_space<vmem>> -> memref<1x1x80xi32, #tpu.memory_space<vmem>>
      %dma_start3A_346 = tpu.memref_squeeze %dma_start3A_345 : memref<1x1x80xi32, #tpu.memory_space<vmem>> -> memref<80xi32, #tpu.memory_space<vmem>>
      %dma_start3A_347 = tpu.memref_slice %arg3[%add3A_33] : memref<320000xi32, #tpu.memory_space<hbm>> -> memref<80xi32, #tpu.memory_space<hbm>>
      tpu.enqueue_dma source(%dma_start3A_347 : memref<80xi32, #tpu.memory_space<hbm>>) target(%dma_start3A_346 : memref<80xi32, #tpu.memory_space<vmem>>) target_semaphore(%run_scoped3A_339 : memref<!tpu.dma_semaphore, #tpu.memory_space<semaphore_mem>>)
      %dma_wait3A_348 = arith.constant 0 : i32
      %dma_wait3A_349 = tpu.memref_slice %arg8[%run_scoped3A_34, %run_scoped3A_35, %dma_wait3A_348] : memref<3x4x80xi32, #tpu.memory_space<vmem>> -> memref<1x1x80xi32, #tpu.memory_space<vmem>>
      %dma_wait3A_350 = tpu.memref_squeeze %dma_wait3A_349 : memref<1x1x80xi32, #tpu.memory_space<vmem>> -> memref<80xi32, #tpu.memory_space<vmem>>
      %dma_wait3A_351 = tpu.memref_slice %arg3[%add3A_33] : memref<320000xi32, #tpu.memory_space<hbm>> -> memref<80xi32, #tpu.memory_space<hbm>>
      %dma_wait3A_352 = arith.constant 0 : i32
      %dma_wait3A_353 = tpu.memref_slice %arg8[%run_scoped3A_34, %run_scoped3A_35, %dma_wait3A_352] : memref<3x4x80xi32, #tpu.memory_space<vmem>> -> memref<1x1x80xi32, #tpu.memory_space<vmem>>
      %dma_wait3A_354 = tpu.memref_squeeze %dma_wait3A_353 : memref<1x1x80xi32, #tpu.memory_space<vmem>> -> memref<80xi32, #tpu.memory_space<vmem>>
      %dma_wait3A_355 = tpu.memref_slice %arg3[%add3A_33] : memref<320000xi32, #tpu.memory_space<hbm>> -> memref<80xi32, #tpu.memory_space<hbm>>
      tpu.wait_dma2 semaphore(%run_scoped3A_339 : memref<!tpu.dma_semaphore, #tpu.memory_space<semaphore_mem>>) src(%dma_wait3A_355 : memref<80xi32, #tpu.memory_space<hbm>>) dst(%dma_wait3A_354 : memref<80xi32, #tpu.memory_space<vmem>>)
      tpu.yield
    }) : () -> ()
    %rem3A = arith.constant 1 : i32
    %rem3A_36 = arith.constant 3 : i32
    %rem3A_37 = arith.remsi %rem3A, %rem3A_36 : i32
    %add3A_38 = arith.constant 320 : i32
    %add3A_39 = arith.addi %mul3A_2, %add3A_38 : i32
    %add3A_40 = arith.constant 0 : i32
    %add3A_41 = arith.addi %add3A_39, %add3A_40 : i32
    %dma_start3A = arith.constant 0 : i32
    %dma_start3A_42 = arith.constant 0 : i32
    %dma_start3A_43 = tpu.memref_slice %arg7[%rem3A_37, %dma_start3A, %dma_start3A_42] : memref<3x4x80xi32, #tpu.memory_space<vmem>> -> memref<1x1x80xi32, #tpu.memory_space<vmem>>
    %dma_start3A_44 = tpu.memref_squeeze %dma_start3A_43 : memref<1x1x80xi32, #tpu.memory_space<vmem>> -> memref<80xi32, #tpu.memory_space<vmem>>
    %dma_start3A_45 = tpu.memref_slice %arg2[%add3A_41] : memref<320000xi32, #tpu.memory_space<hbm>> -> memref<80xi32, #tpu.memory_space<hbm>>
    %dma_start3A_46 = arith.constant 0 : i32
    %dma_start3A_47 = tpu.memref_slice %arg7[%rem3A_37, %dma_start3A, %dma_start3A_46] : memref<3x4x80xi32, #tpu.memory_space<vmem>> -> memref<1x1x80xi32, #tpu.memory_space<vmem>>
    %dma_start3A_48 = tpu.memref_squeeze %dma_start3A_47 : memref<1x1x80xi32, #tpu.memory_space<vmem>> -> memref<80xi32, #tpu.memory_space<vmem>>
    %dma_start3A_49 = tpu.memref_slice %arg2[%add3A_41] : memref<320000xi32, #tpu.memory_space<hbm>> -> memref<80xi32, #tpu.memory_space<hbm>>
    tpu.enqueue_dma source(%dma_start3A_49 : memref<80xi32, #tpu.memory_space<hbm>>) target(%dma_start3A_48 : memref<80xi32, #tpu.memory_space<vmem>>) target_semaphore(%arg20 : memref<!tpu.dma_semaphore, #tpu.memory_space<semaphore_mem>>)
    %add3A_50 = arith.constant 80 : i32
    %add3A_51 = arith.addi %add3A_39, %add3A_50 : i32
    %dma_start3A_52 = arith.constant 1 : i32
    %dma_start3A_53 = arith.constant 0 : i32
    %dma_start3A_54 = tpu.memref_slice %arg7[%rem3A_37, %dma_start3A_52, %dma_start3A_53] : memref<3x4x80xi32, #tpu.memory_space<vmem>> -> memref<1x1x80xi32, #tpu.memory_space<vmem>>
    %dma_start3A_55 = tpu.memref_squeeze %dma_start3A_54 : memref<1x1x80xi32, #tpu.memory_space<vmem>> -> memref<80xi32, #tpu.memory_space<vmem>>
    %dma_start3A_56 = tpu.memref_slice %arg2[%add3A_51] : memref<320000xi32, #tpu.memory_space<hbm>> -> memref<80xi32, #tpu.memory_space<hbm>>
    %dma_start3A_57 = arith.constant 0 : i32
    %dma_start3A_58 = tpu.memref_slice %arg7[%rem3A_37, %dma_start3A_52, %dma_start3A_57] : memref<3x4x80xi32, #tpu.memory_space<vmem>> -> memref<1x1x80xi32, #tpu.memory_space<vmem>>
    %dma_start3A_59 = tpu.memref_squeeze %dma_start3A_58 : memref<1x1x80xi32, #tpu.memory_space<vmem>> -> memref<80xi32, #tpu.memory_space<vmem>>
    %dma_start3A_60 = tpu.memref_slice %arg2[%add3A_51] : memref<320000xi32, #tpu.memory_space<hbm>> -> memref<80xi32, #tpu.memory_space<hbm>>
    tpu.enqueue_dma source(%dma_start3A_60 : memref<80xi32, #tpu.memory_space<hbm>>) target(%dma_start3A_59 : memref<80xi32, #tpu.memory_space<vmem>>) target_semaphore(%arg20 : memref<!tpu.dma_semaphore, #tpu.memory_space<semaphore_mem>>)
    %add3A_61 = arith.constant 160 : i32
    %add3A_62 = arith.addi %add3A_39, %add3A_61 : i32
    %dma_start3A_63 = arith.constant 2 : i32
    %dma_start3A_64 = arith.constant 0 : i32
    %dma_start3A_65 = tpu.memref_slice %arg7[%rem3A_37, %dma_start3A_63, %dma_start3A_64] : memref<3x4x80xi32, #tpu.memory_space<vmem>> -> memref<1x1x80xi32, #tpu.memory_space<vmem>>
    %dma_start3A_66 = tpu.memref_squeeze %dma_start3A_65 : memref<1x1x80xi32, #tpu.memory_space<vmem>> -> memref<80xi32, #tpu.memory_space<vmem>>
    %dma_start3A_67 = tpu.memref_slice %arg2[%add3A_62] : memref<320000xi32, #tpu.memory_space<hbm>> -> memref<80xi32, #tpu.memory_space<hbm>>
    %dma_start3A_68 = arith.constant 0 : i32
    %dma_start3A_69 = tpu.memref_slice %arg7[%rem3A_37, %dma_start3A_63, %dma_start3A_68] : memref<3x4x80xi32, #tpu.memory_space<vmem>> -> memref<1x1x80xi32, #tpu.memory_space<vmem>>
    %dma_start3A_70 = tpu.memref_squeeze %dma_start3A_69 : memref<1x1x80xi32, #tpu.memory_space<vmem>> -> memref<80xi32, #tpu.memory_space<vmem>>
    %dma_start3A_71 = tpu.memref_slice %arg2[%add3A_62] : memref<320000xi32, #tpu.memory_space<hbm>> -> memref<80xi32, #tpu.memory_space<hbm>>
    tpu.enqueue_dma source(%dma_start3A_71 : memref<80xi32, #tpu.memory_space<hbm>>) target(%dma_start3A_70 : memref<80xi32, #tpu.memory_space<vmem>>) target_semaphore(%arg20 : memref<!tpu.dma_semaphore, #tpu.memory_space<semaphore_mem>>)
    %add3A_72 = arith.constant 240 : i32
    %add3A_73 = arith.addi %add3A_39, %add3A_72 : i32
    %dma_start3A_74 = arith.constant 3 : i32
    %dma_start3A_75 = arith.constant 0 : i32
    %dma_start3A_76 = tpu.memref_slice %arg7[%rem3A_37, %dma_start3A_74, %dma_start3A_75] : memref<3x4x80xi32, #tpu.memory_space<vmem>> -> memref<1x1x80xi32, #tpu.memory_space<vmem>>
    %dma_start3A_77 = tpu.memref_squeeze %dma_start3A_76 : memref<1x1x80xi32, #tpu.memory_space<vmem>> -> memref<80xi32, #tpu.memory_space<vmem>>
    %dma_start3A_78 = tpu.memref_slice %arg2[%add3A_73] : memref<320000xi32, #tpu.memory_space<hbm>> -> memref<80xi32, #tpu.memory_space<hbm>>
    %dma_start3A_79 = arith.constant 0 : i32
    %dma_start3A_80 = tpu.memref_slice %arg7[%rem3A_37, %dma_start3A_74, %dma_start3A_79] : memref<3x4x80xi32, #tpu.memory_space<vmem>> -> memref<1x1x80xi32, #tpu.memory_space<vmem>>
    %dma_start3A_81 = tpu.memref_squeeze %dma_start3A_80 : memref<1x1x80xi32, #tpu.memory_space<vmem>> -> memref<80xi32, #tpu.memory_space<vmem>>
    %dma_start3A_82 = tpu.memref_slice %arg2[%add3A_73] : memref<320000xi32, #tpu.memory_space<hbm>> -> memref<80xi32, #tpu.memory_space<hbm>>
    tpu.enqueue_dma source(%dma_start3A_82 : memref<80xi32, #tpu.memory_space<hbm>>) target(%dma_start3A_81 : memref<80xi32, #tpu.memory_space<vmem>>) target_semaphore(%arg20 : memref<!tpu.dma_semaphore, #tpu.memory_space<semaphore_mem>>)
    %add3A_83 = arith.constant 0 : i32
    %add3A_84 = arith.addi %add3A_39, %add3A_83 : i32
    %dma_start3A_85 = arith.constant 0 : i32
    %dma_start3A_86 = arith.constant 0 : i32
    %dma_start3A_87 = tpu.memref_slice %arg8[%rem3A_37, %dma_start3A_85, %dma_start3A_86] : memref<3x4x80xi32, #tpu.memory_space<vmem>> -> memref<1x1x80xi32, #tpu.memory_space<vmem>>
    %dma_start3A_88 = tpu.memref_squeeze %dma_start3A_87 : memref<1x1x80xi32, #tpu.memory_space<vmem>> -> memref<80xi32, #tpu.memory_space<vmem>>
    %dma_start3A_89 = tpu.memref_slice %arg3[%add3A_84] : memref<320000xi32, #tpu.memory_space<hbm>> -> memref<80xi32, #tpu.memory_space<hbm>>
    %dma_start3A_90 = arith.constant 0 : i32
    %dma_start3A_91 = tpu.memref_slice %arg8[%rem3A_37, %dma_start3A_85, %dma_start3A_90] : memref<3x4x80xi32, #tpu.memory_space<vmem>> -> memref<1x1x80xi32, #tpu.memory_space<vmem>>
    %dma_start3A_92 = tpu.memref_squeeze %dma_start3A_91 : memref<1x1x80xi32, #tpu.memory_space<vmem>> -> memref<80xi32, #tpu.memory_space<vmem>>
    %dma_start3A_93 = tpu.memref_slice %arg3[%add3A_84] : memref<320000xi32, #tpu.memory_space<hbm>> -> memref<80xi32, #tpu.memory_space<hbm>>
    tpu.enqueue_dma source(%dma_start3A_93 : memref<80xi32, #tpu.memory_space<hbm>>) target(%dma_start3A_92 : memref<80xi32, #tpu.memory_space<vmem>>) target_semaphore(%arg20 : memref<!tpu.dma_semaphore, #tpu.memory_space<semaphore_mem>>)
    %add3A_94 = arith.constant 80 : i32
    %add3A_95 = arith.addi %add3A_39, %add3A_94 : i32
    %dma_start3A_96 = arith.constant 1 : i32
    %dma_start3A_97 = arith.constant 0 : i32
    %dma_start3A_98 = tpu.memref_slice %arg8[%rem3A_37, %dma_start3A_96, %dma_start3A_97] : memref<3x4x80xi32, #tpu.memory_space<vmem>> -> memref<1x1x80xi32, #tpu.memory_space<vmem>>
    %dma_start3A_99 = tpu.memref_squeeze %dma_start3A_98 : memref<1x1x80xi32, #tpu.memory_space<vmem>> -> memref<80xi32, #tpu.memory_space<vmem>>
    %dma_start3A_100 = tpu.memref_slice %arg3[%add3A_95] : memref<320000xi32, #tpu.memory_space<hbm>> -> memref<80xi32, #tpu.memory_space<hbm>>
    %dma_start3A_101 = arith.constant 0 : i32
    %dma_start3A_102 = tpu.memref_slice %arg8[%rem3A_37, %dma_start3A_96, %dma_start3A_101] : memref<3x4x80xi32, #tpu.memory_space<vmem>> -> memref<1x1x80xi32, #tpu.memory_space<vmem>>
    %dma_start3A_103 = tpu.memref_squeeze %dma_start3A_102 : memref<1x1x80xi32, #tpu.memory_space<vmem>> -> memref<80xi32, #tpu.memory_space<vmem>>
    %dma_start3A_104 = tpu.memref_slice %arg3[%add3A_95] : memref<320000xi32, #tpu.memory_space<hbm>> -> memref<80xi32, #tpu.memory_space<hbm>>
    tpu.enqueue_dma source(%dma_start3A_104 : memref<80xi32, #tpu.memory_space<hbm>>) target(%dma_start3A_103 : memref<80xi32, #tpu.memory_space<vmem>>) target_semaphore(%arg20 : memref<!tpu.dma_semaphore, #tpu.memory_space<semaphore_mem>>)
    %add3A_105 = arith.constant 160 : i32
    %add3A_106 = arith.addi %add3A_39, %add3A_105 : i32
    %dma_start3A_107 = arith.constant 2 : i32
    %dma_start3A_108 = arith.constant 0 : i32
    %dma_start3A_109 = tpu.memref_slice %arg8[%rem3A_37, %dma_start3A_107, %dma_start3A_108] : memref<3x4x80xi32, #tpu.memory_space<vmem>> -> memref<1x1x80xi32, #tpu.memory_space<vmem>>
    %dma_start3A_110 = tpu.memref_squeeze %dma_start3A_109 : memref<1x1x80xi32, #tpu.memory_space<vmem>> -> memref<80xi32, #tpu.memory_space<vmem>>
    %dma_start3A_111 = tpu.memref_slice %arg3[%add3A_106] : memref<320000xi32, #tpu.memory_space<hbm>> -> memref<80xi32, #tpu.memory_space<hbm>>
    %dma_start3A_112 = arith.constant 0 : i32
    %dma_start3A_113 = tpu.memref_slice %arg8[%rem3A_37, %dma_start3A_107, %dma_start3A_112] : memref<3x4x80xi32, #tpu.memory_space<vmem>> -> memref<1x1x80xi32, #tpu.memory_space<vmem>>
    %dma_start3A_114 = tpu.memref_squeeze %dma_start3A_113 : memref<1x1x80xi32, #tpu.memory_space<vmem>> -> memref<80xi32, #tpu.memory_space<vmem>>
    %dma_start3A_115 = tpu.memref_slice %arg3[%add3A_106] : memref<320000xi32, #tpu.memory_space<hbm>> -> memref<80xi32, #tpu.memory_space<hbm>>
    tpu.enqueue_dma source(%dma_start3A_115 : memref<80xi32, #tpu.memory_space<hbm>>) target(%dma_start3A_114 : memref<80xi32, #tpu.memory_space<vmem>>) target_semaphore(%arg20 : memref<!tpu.dma_semaphore, #tpu.memory_space<semaphore_mem>>)
    %add3A_116 = arith.constant 240 : i32
    %add3A_117 = arith.addi %add3A_39, %add3A_116 : i32
    %dma_start3A_118 = arith.constant 3 : i32
    %dma_start3A_119 = arith.constant 0 : i32
    %dma_start3A_120 = tpu.memref_slice %arg8[%rem3A_37, %dma_start3A_118, %dma_start3A_119] : memref<3x4x80xi32, #tpu.memory_space<vmem>> -> memref<1x1x80xi32, #tpu.memory_space<vmem>>
    %dma_start3A_121 = tpu.memref_squeeze %dma_start3A_120 : memref<1x1x80xi32, #tpu.memory_space<vmem>> -> memref<80xi32, #tpu.memory_space<vmem>>
    %dma_start3A_122 = tpu.memref_slice %arg3[%add3A_117] : memref<320000xi32, #tpu.memory_space<hbm>> -> memref<80xi32, #tpu.memory_space<hbm>>
    %dma_start3A_123 = arith.constant 0 : i32
    %dma_start3A_124 = tpu.memref_slice %arg8[%rem3A_37, %dma_start3A_118, %dma_start3A_123] : memref<3x4x80xi32, #tpu.memory_space<vmem>> -> memref<1x1x80xi32, #tpu.memory_space<vmem>>
    %dma_start3A_125 = tpu.memref_squeeze %dma_start3A_124 : memref<1x1x80xi32, #tpu.memory_space<vmem>> -> memref<80xi32, #tpu.memory_space<vmem>>
    %dma_start3A_126 = tpu.memref_slice %arg3[%add3A_117] : memref<320000xi32, #tpu.memory_space<hbm>> -> memref<80xi32, #tpu.memory_space<hbm>>
    tpu.enqueue_dma source(%dma_start3A_126 : memref<80xi32, #tpu.memory_space<hbm>>) target(%dma_start3A_125 : memref<80xi32, #tpu.memory_space<vmem>>) target_semaphore(%arg20 : memref<!tpu.dma_semaphore, #tpu.memory_space<semaphore_mem>>)
    %rem3A_127 = arith.constant 2 : i32
    %rem3A_128 = arith.constant 3 : i32
    %rem3A_129 = arith.remsi %rem3A_127, %rem3A_128 : i32
    %add3A_130 = arith.constant 640 : i32
    %add3A_131 = arith.addi %mul3A_2, %add3A_130 : i32
    %add3A_132 = arith.constant 0 : i32
    %add3A_133 = arith.addi %add3A_131, %add3A_132 : i32
    %dma_start3A_134 = arith.constant 0 : i32
    %dma_start3A_135 = arith.constant 0 : i32
    %dma_start3A_136 = tpu.memref_slice %arg7[%rem3A_129, %dma_start3A_134, %dma_start3A_135] : memref<3x4x80xi32, #tpu.memory_space<vmem>> -> memref<1x1x80xi32, #tpu.memory_space<vmem>>
    %dma_start3A_137 = tpu.memref_squeeze %dma_start3A_136 : memref<1x1x80xi32, #tpu.memory_space<vmem>> -> memref<80xi32, #tpu.memory_space<vmem>>
    %dma_start3A_138 = tpu.memref_slice %arg2[%add3A_133] : memref<320000xi32, #tpu.memory_space<hbm>> -> memref<80xi32, #tpu.memory_space<hbm>>
    %dma_start3A_139 = arith.constant 0 : i32
    %dma_start3A_140 = tpu.memref_slice %arg7[%rem3A_129, %dma_start3A_134, %dma_start3A_139] : memref<3x4x80xi32, #tpu.memory_space<vmem>> -> memref<1x1x80xi32, #tpu.memory_space<vmem>>
    %dma_start3A_141 = tpu.memref_squeeze %dma_start3A_140 : memref<1x1x80xi32, #tpu.memory_space<vmem>> -> memref<80xi32, #tpu.memory_space<vmem>>
    %dma_start3A_142 = tpu.memref_slice %arg2[%add3A_133] : memref<320000xi32, #tpu.memory_space<hbm>> -> memref<80xi32, #tpu.memory_space<hbm>>
    tpu.enqueue_dma source(%dma_start3A_142 : memref<80xi32, #tpu.memory_space<hbm>>) target(%dma_start3A_141 : memref<80xi32, #tpu.memory_space<vmem>>) target_semaphore(%arg19 : memref<!tpu.dma_semaphore, #tpu.memory_space<semaphore_mem>>)
    %add3A_143 = arith.constant 80 : i32
    %add3A_144 = arith.addi %add3A_131, %add3A_143 : i32
    %dma_start3A_145 = arith.constant 1 : i32
    %dma_start3A_146 = arith.constant 0 : i32
    %dma_start3A_147 = tpu.memref_slice %arg7[%rem3A_129, %dma_start3A_145, %dma_start3A_146] : memref<3x4x80xi32, #tpu.memory_space<vmem>> -> memref<1x1x80xi32, #tpu.memory_space<vmem>>
    %dma_start3A_148 = tpu.memref_squeeze %dma_start3A_147 : memref<1x1x80xi32, #tpu.memory_space<vmem>> -> memref<80xi32, #tpu.memory_space<vmem>>
    %dma_start3A_149 = tpu.memref_slice %arg2[%add3A_144] : memref<320000xi32, #tpu.memory_space<hbm>> -> memref<80xi32, #tpu.memory_space<hbm>>
    %dma_start3A_150 = arith.constant 0 : i32
    %dma_start3A_151 = tpu.memref_slice %arg7[%rem3A_129, %dma_start3A_145, %dma_start3A_150] : memref<3x4x80xi32, #tpu.memory_space<vmem>> -> memref<1x1x80xi32, #tpu.memory_space<vmem>>
    %dma_start3A_152 = tpu.memref_squeeze %dma_start3A_151 : memref<1x1x80xi32, #tpu.memory_space<vmem>> -> memref<80xi32, #tpu.memory_space<vmem>>
    %dma_start3A_153 = tpu.memref_slice %arg2[%add3A_144] : memref<320000xi32, #tpu.memory_space<hbm>> -> memref<80xi32, #tpu.memory_space<hbm>>
    tpu.enqueue_dma source(%dma_start3A_153 : memref<80xi32, #tpu.memory_space<hbm>>) target(%dma_start3A_152 : memref<80xi32, #tpu.memory_space<vmem>>) target_semaphore(%arg19 : memref<!tpu.dma_semaphore, #tpu.memory_space<semaphore_mem>>)
    %add3A_154 = arith.constant 160 : i32
    %add3A_155 = arith.addi %add3A_131, %add3A_154 : i32
    %dma_start3A_156 = arith.constant 2 : i32
    %dma_start3A_157 = arith.constant 0 : i32
    %dma_start3A_158 = tpu.memref_slice %arg7[%rem3A_129, %dma_start3A_156, %dma_start3A_157] : memref<3x4x80xi32, #tpu.memory_space<vmem>> -> memref<1x1x80xi32, #tpu.memory_space<vmem>>
    %dma_start3A_159 = tpu.memref_squeeze %dma_start3A_158 : memref<1x1x80xi32, #tpu.memory_space<vmem>> -> memref<80xi32, #tpu.memory_space<vmem>>
    %dma_start3A_160 = tpu.memref_slice %arg2[%add3A_155] : memref<320000xi32, #tpu.memory_space<hbm>> -> memref<80xi32, #tpu.memory_space<hbm>>
    %dma_start3A_161 = arith.constant 0 : i32
    %dma_start3A_162 = tpu.memref_slice %arg7[%rem3A_129, %dma_start3A_156, %dma_start3A_161] : memref<3x4x80xi32, #tpu.memory_space<vmem>> -> memref<1x1x80xi32, #tpu.memory_space<vmem>>
    %dma_start3A_163 = tpu.memref_squeeze %dma_start3A_162 : memref<1x1x80xi32, #tpu.memory_space<vmem>> -> memref<80xi32, #tpu.memory_space<vmem>>
    %dma_start3A_164 = tpu.memref_slice %arg2[%add3A_155] : memref<320000xi32, #tpu.memory_space<hbm>> -> memref<80xi32, #tpu.memory_space<hbm>>
    tpu.enqueue_dma source(%dma_start3A_164 : memref<80xi32, #tpu.memory_space<hbm>>) target(%dma_start3A_163 : memref<80xi32, #tpu.memory_space<vmem>>) target_semaphore(%arg19 : memref<!tpu.dma_semaphore, #tpu.memory_space<semaphore_mem>>)
    %add3A_165 = arith.constant 240 : i32
    %add3A_166 = arith.addi %add3A_131, %add3A_165 : i32
    %dma_start3A_167 = arith.constant 3 : i32
    %dma_start3A_168 = arith.constant 0 : i32
    %dma_start3A_169 = tpu.memref_slice %arg7[%rem3A_129, %dma_start3A_167, %dma_start3A_168] : memref<3x4x80xi32, #tpu.memory_space<vmem>> -> memref<1x1x80xi32, #tpu.memory_space<vmem>>
    %dma_start3A_170 = tpu.memref_squeeze %dma_start3A_169 : memref<1x1x80xi32, #tpu.memory_space<vmem>> -> memref<80xi32, #tpu.memory_space<vmem>>
    %dma_start3A_171 = tpu.memref_slice %arg2[%add3A_166] : memref<320000xi32, #tpu.memory_space<hbm>> -> memref<80xi32, #tpu.memory_space<hbm>>
    %dma_start3A_172 = arith.constant 0 : i32
    %dma_start3A_173 = tpu.memref_slice %arg7[%rem3A_129, %dma_start3A_167, %dma_start3A_172] : memref<3x4x80xi32, #tpu.memory_space<vmem>> -> memref<1x1x80xi32, #tpu.memory_space<vmem>>
    %dma_start3A_174 = tpu.memref_squeeze %dma_start3A_173 : memref<1x1x80xi32, #tpu.memory_space<vmem>> -> memref<80xi32, #tpu.memory_space<vmem>>
    %dma_start3A_175 = tpu.memref_slice %arg2[%add3A_166] : memref<320000xi32, #tpu.memory_space<hbm>> -> memref<80xi32, #tpu.memory_space<hbm>>
    tpu.enqueue_dma source(%dma_start3A_175 : memref<80xi32, #tpu.memory_space<hbm>>) target(%dma_start3A_174 : memref<80xi32, #tpu.memory_space<vmem>>) target_semaphore(%arg19 : memref<!tpu.dma_semaphore, #tpu.memory_space<semaphore_mem>>)
    %add3A_176 = arith.constant 0 : i32
    %add3A_177 = arith.addi %add3A_131, %add3A_176 : i32
    %dma_start3A_178 = arith.constant 0 : i32
    %dma_start3A_179 = arith.constant 0 : i32
    %dma_start3A_180 = tpu.memref_slice %arg8[%rem3A_129, %dma_start3A_178, %dma_start3A_179] : memref<3x4x80xi32, #tpu.memory_space<vmem>> -> memref<1x1x80xi32, #tpu.memory_space<vmem>>
    %dma_start3A_181 = tpu.memref_squeeze %dma_start3A_180 : memref<1x1x80xi32, #tpu.memory_space<vmem>> -> memref<80xi32, #tpu.memory_space<vmem>>
    %dma_start3A_182 = tpu.memref_slice %arg3[%add3A_177] : memref<320000xi32, #tpu.memory_space<hbm>> -> memref<80xi32, #tpu.memory_space<hbm>>
    %dma_start3A_183 = arith.constant 0 : i32
    %dma_start3A_184 = tpu.memref_slice %arg8[%rem3A_129, %dma_start3A_178, %dma_start3A_183] : memref<3x4x80xi32, #tpu.memory_space<vmem>> -> memref<1x1x80xi32, #tpu.memory_space<vmem>>
    %dma_start3A_185 = tpu.memref_squeeze %dma_start3A_184 : memref<1x1x80xi32, #tpu.memory_space<vmem>> -> memref<80xi32, #tpu.memory_space<vmem>>
    %dma_start3A_186 = tpu.memref_slice %arg3[%add3A_177] : memref<320000xi32, #tpu.memory_space<hbm>> -> memref<80xi32, #tpu.memory_space<hbm>>
    tpu.enqueue_dma source(%dma_start3A_186 : memref<80xi32, #tpu.memory_space<hbm>>) target(%dma_start3A_185 : memref<80xi32, #tpu.memory_space<vmem>>) target_semaphore(%arg19 : memref<!tpu.dma_semaphore, #tpu.memory_space<semaphore_mem>>)
    %add3A_187 = arith.constant 80 : i32
    %add3A_188 = arith.addi %add3A_131, %add3A_187 : i32
    %dma_start3A_189 = arith.constant 1 : i32
    %dma_start3A_190 = arith.constant 0 : i32
    %dma_start3A_191 = tpu.memref_slice %arg8[%rem3A_129, %dma_start3A_189, %dma_start3A_190] : memref<3x4x80xi32, #tpu.memory_space<vmem>> -> memref<1x1x80xi32, #tpu.memory_space<vmem>>
    %dma_start3A_192 = tpu.memref_squeeze %dma_start3A_191 : memref<1x1x80xi32, #tpu.memory_space<vmem>> -> memref<80xi32, #tpu.memory_space<vmem>>
    %dma_start3A_193 = tpu.memref_slice %arg3[%add3A_188] : memref<320000xi32, #tpu.memory_space<hbm>> -> memref<80xi32, #tpu.memory_space<hbm>>
    %dma_start3A_194 = arith.constant 0 : i32
    %dma_start3A_195 = tpu.memref_slice %arg8[%rem3A_129, %dma_start3A_189, %dma_start3A_194] : memref<3x4x80xi32, #tpu.memory_space<vmem>> -> memref<1x1x80xi32, #tpu.memory_space<vmem>>
    %dma_start3A_196 = tpu.memref_squeeze %dma_start3A_195 : memref<1x1x80xi32, #tpu.memory_space<vmem>> -> memref<80xi32, #tpu.memory_space<vmem>>
    %dma_start3A_197 = tpu.memref_slice %arg3[%add3A_188] : memref<320000xi32, #tpu.memory_space<hbm>> -> memref<80xi32, #tpu.memory_space<hbm>>
    tpu.enqueue_dma source(%dma_start3A_197 : memref<80xi32, #tpu.memory_space<hbm>>) target(%dma_start3A_196 : memref<80xi32, #tpu.memory_space<vmem>>) target_semaphore(%arg19 : memref<!tpu.dma_semaphore, #tpu.memory_space<semaphore_mem>>)
    %add3A_198 = arith.constant 160 : i32
    %add3A_199 = arith.addi %add3A_131, %add3A_198 : i32
    %dma_start3A_200 = arith.constant 2 : i32
    %dma_start3A_201 = arith.constant 0 : i32
    %dma_start3A_202 = tpu.memref_slice %arg8[%rem3A_129, %dma_start3A_200, %dma_start3A_201] : memref<3x4x80xi32, #tpu.memory_space<vmem>> -> memref<1x1x80xi32, #tpu.memory_space<vmem>>
    %dma_start3A_203 = tpu.memref_squeeze %dma_start3A_202 : memref<1x1x80xi32, #tpu.memory_space<vmem>> -> memref<80xi32, #tpu.memory_space<vmem>>
    %dma_start3A_204 = tpu.memref_slice %arg3[%add3A_199] : memref<320000xi32, #tpu.memory_space<hbm>> -> memref<80xi32, #tpu.memory_space<hbm>>
    %dma_start3A_205 = arith.constant 0 : i32
    %dma_start3A_206 = tpu.memref_slice %arg8[%rem3A_129, %dma_start3A_200, %dma_start3A_205] : memref<3x4x80xi32, #tpu.memory_space<vmem>> -> memref<1x1x80xi32, #tpu.memory_space<vmem>>
    %dma_start3A_207 = tpu.memref_squeeze %dma_start3A_206 : memref<1x1x80xi32, #tpu.memory_space<vmem>> -> memref<80xi32, #tpu.memory_space<vmem>>
    %dma_start3A_208 = tpu.memref_slice %arg3[%add3A_199] : memref<320000xi32, #tpu.memory_space<hbm>> -> memref<80xi32, #tpu.memory_space<hbm>>
    tpu.enqueue_dma source(%dma_start3A_208 : memref<80xi32, #tpu.memory_space<hbm>>) target(%dma_start3A_207 : memref<80xi32, #tpu.memory_space<vmem>>) target_semaphore(%arg19 : memref<!tpu.dma_semaphore, #tpu.memory_space<semaphore_mem>>)
    %add3A_209 = arith.constant 240 : i32
    %add3A_210 = arith.addi %add3A_131, %add3A_209 : i32
    %dma_start3A_211 = arith.constant 3 : i32
    %dma_start3A_212 = arith.constant 0 : i32
    %dma_start3A_213 = tpu.memref_slice %arg8[%rem3A_129, %dma_start3A_211, %dma_start3A_212] : memref<3x4x80xi32, #tpu.memory_space<vmem>> -> memref<1x1x80xi32, #tpu.memory_space<vmem>>
    %dma_start3A_214 = tpu.memref_squeeze %dma_start3A_213 : memref<1x1x80xi32, #tpu.memory_space<vmem>> -> memref<80xi32, #tpu.memory_space<vmem>>
    %dma_start3A_215 = tpu.memref_slice %arg3[%add3A_210] : memref<320000xi32, #tpu.memory_space<hbm>> -> memref<80xi32, #tpu.memory_space<hbm>>
    %dma_start3A_216 = arith.constant 0 : i32
    %dma_start3A_217 = tpu.memref_slice %arg8[%rem3A_129, %dma_start3A_211, %dma_start3A_216] : memref<3x4x80xi32, #tpu.memory_space<vmem>> -> memref<1x1x80xi32, #tpu.memory_space<vmem>>
    %dma_start3A_218 = tpu.memref_squeeze %dma_start3A_217 : memref<1x1x80xi32, #tpu.memory_space<vmem>> -> memref<80xi32, #tpu.memory_space<vmem>>
    %dma_start3A_219 = tpu.memref_slice %arg3[%add3A_210] : memref<320000xi32, #tpu.memory_space<hbm>> -> memref<80xi32, #tpu.memory_space<hbm>>
    tpu.enqueue_dma source(%dma_start3A_219 : memref<80xi32, #tpu.memory_space<hbm>>) target(%dma_start3A_218 : memref<80xi32, #tpu.memory_space<vmem>>) target_semaphore(%arg19 : memref<!tpu.dma_semaphore, #tpu.memory_space<semaphore_mem>>)
    %dma_start3A_220 = arith.constant 0 : i32
    %dma_start3A_221 = arith.constant 0 : i32
    %dma_start3A_222 = arith.constant 0 : i32
    %dma_start3A_223 = arith.constant 0 : i32
    %dma_start3A_224 = arith.constant 0 : i32
    %dma_start3A_225 = tpu.memref_slice %arg9[%dma_start3A_222, %dma_start3A_223, %dma_start3A_224] : memref<4x80x128xf32, #tpu.memory_space<vmem>> -> memref<1x80x128xf32, #tpu.memory_space<vmem>>
    %dma_start3A_226 = tpu.memref_squeeze %dma_start3A_225 : memref<1x80x128xf32, #tpu.memory_space<vmem>> -> memref<80x128xf32, #tpu.memory_space<vmem>>
    %dma_start3A_227 = arith.constant 0 : i32
    %dma_start3A_228 = tpu.memref_slice %arg7[%dma_start3A_220, %dma_start3A_221, %dma_start3A_227] : memref<3x4x80xi32, #tpu.memory_space<vmem>> -> memref<1x1x80xi32, #tpu.memory_space<vmem>>
    %dma_start3A_229 = tpu.memref_squeeze %dma_start3A_228 : memref<1x1x80xi32, #tpu.memory_space<vmem>> -> memref<80xi32, #tpu.memory_space<vmem>>
    %dma_start3A_230 = arith.constant 0 : i32
    %dma_start3A_231 = arith.constant 0 : i32
    %dma_start3A_232 = tpu.memref_slice %arg4[%dma_start3A_230, %dma_start3A_231] : memref<10240x128xf32, #tpu.memory_space<hbm>> -> memref<10240x128xf32, #tpu.memory_space<hbm>>
    tpu.enqueue_indirect_dma source(%dma_start3A_232 : memref<10240x128xf32, #tpu.memory_space<hbm>>) target(%dma_start3A_226 : memref<80x128xf32, #tpu.memory_space<vmem>>) offsets(%dma_start3A_229 : memref<80xi32, #tpu.memory_space<vmem>>) semaphore(%arg11 : memref<!tpu.dma_semaphore, #tpu.memory_space<semaphore_mem>>)
    %dma_start3A_233 = arith.constant 0 : i32
    %dma_start3A_234 = arith.constant 1 : i32
    %dma_start3A_235 = arith.constant 1 : i32
    %dma_start3A_236 = arith.constant 0 : i32
    %dma_start3A_237 = arith.constant 0 : i32
    %dma_start3A_238 = tpu.memref_slice %arg9[%dma_start3A_235, %dma_start3A_236, %dma_start3A_237] : memref<4x80x128xf32, #tpu.memory_space<vmem>> -> memref<1x80x128xf32, #tpu.memory_space<vmem>>
    %dma_start3A_239 = tpu.memref_squeeze %dma_start3A_238 : memref<1x80x128xf32, #tpu.memory_space<vmem>> -> memref<80x128xf32, #tpu.memory_space<vmem>>
    %dma_start3A_240 = arith.constant 0 : i32
    %dma_start3A_241 = tpu.memref_slice %arg7[%dma_start3A_233, %dma_start3A_234, %dma_start3A_240] : memref<3x4x80xi32, #tpu.memory_space<vmem>> -> memref<1x1x80xi32, #tpu.memory_space<vmem>>
    %dma_start3A_242 = tpu.memref_squeeze %dma_start3A_241 : memref<1x1x80xi32, #tpu.memory_space<vmem>> -> memref<80xi32, #tpu.memory_space<vmem>>
    %dma_start3A_243 = arith.constant 0 : i32
    %dma_start3A_244 = arith.constant 0 : i32
    %dma_start3A_245 = tpu.memref_slice %arg4[%dma_start3A_243, %dma_start3A_244] : memref<10240x128xf32, #tpu.memory_space<hbm>> -> memref<10240x128xf32, #tpu.memory_space<hbm>>
    tpu.enqueue_indirect_dma source(%dma_start3A_245 : memref<10240x128xf32, #tpu.memory_space<hbm>>) target(%dma_start3A_239 : memref<80x128xf32, #tpu.memory_space<vmem>>) offsets(%dma_start3A_242 : memref<80xi32, #tpu.memory_space<vmem>>) semaphore(%arg12 : memref<!tpu.dma_semaphore, #tpu.memory_space<semaphore_mem>>)
    %barrier3A = arith.constant 0 : index
    tpu.barrier barrier_id(%barrier3A)
    %scan3A = arith.constant 0 : i32
    %scan3A_246 = arith.constant 0 : i32
    %scan3A_247 = arith.constant 31 : i32
    %scan3A_248 = arith.addi %scan3A_246, %scan3A_247 : i32
    %scan3A_249 = arith.constant 1 : i32
    %scan3A_250 = scf.for %scan3A_339 = %scan3A_246 to %scan3A_248 step %scan3A_249 iter_args(%scan3A_340 = %scan3A) -> (i32)  : i32 {
      %rem3A_341 = arith.constant 3 : i32
      %rem3A_342 = arith.remsi %scan3A_339, %rem3A_341 : i32
      %add3A_343 = arith.constant 1 : i32
      %add3A_344 = arith.addi %scan3A_339, %add3A_343 : i32
      %rem3A_345 = arith.constant 3 : i32
      %rem3A_346 = arith.remsi %add3A_344, %rem3A_345 : i32
      %rem3A_347 = arith.constant 2 : i32
      %rem3A_348 = arith.remsi %scan3A_339, %rem3A_347 : i32
      %eq3A = arith.constant 0 : i32
      %eq3A_349 = arith.cmpi eq, %rem3A_348, %eq3A : i32
      %gt3A = arith.constant 0 : i32
      %gt3A_350 = arith.cmpi sgt, %scan3A_339, %gt3A : i32
      %and3A = arith.andi %gt3A_350, %eq3A_349 : i1
      %convert_element_type3A = arith.extui %and3A : i1 to i32
      %cond3A = arith.constant 0 : i32
      %cond3A_351 = arith.cmpi ne, %convert_element_type3A, %cond3A : i32
      scf.if %cond3A_351 {
        %dma_wait3A_561 = arith.constant 0 : i32
        %dma_wait3A_562 = arith.constant 0 : i32
        %dma_wait3A_563 = tpu.memref_slice %arg7[%rem3A_342, %dma_wait3A_561, %dma_wait3A_562] : memref<3x4x80xi32, #tpu.memory_space<vmem>> -> memref<1x1x80xi32, #tpu.memory_space<vmem>>
        %dma_wait3A_564 = tpu.memref_squeeze %dma_wait3A_563 : memref<1x1x80xi32, #tpu.memory_space<vmem>> -> memref<80xi32, #tpu.memory_space<vmem>>
        %dma_wait3A_565 = arith.constant 0 : i32
        %dma_wait3A_566 = tpu.memref_slice %arg2[%dma_wait3A_565] : memref<320000xi32, #tpu.memory_space<hbm>> -> memref<80xi32, #tpu.memory_space<hbm>>
        %dma_wait3A_567 = arith.constant 0 : i32
        %dma_wait3A_568 = tpu.memref_slice %arg7[%rem3A_342, %dma_wait3A_561, %dma_wait3A_567] : memref<3x4x80xi32, #tpu.memory_space<vmem>> -> memref<1x1x80xi32, #tpu.memory_space<vmem>>
        %dma_wait3A_569 = tpu.memref_squeeze %dma_wait3A_568 : memref<1x1x80xi32, #tpu.memory_space<vmem>> -> memref<80xi32, #tpu.memory_space<vmem>>
        %dma_wait3A_570 = arith.constant 0 : i32
        %dma_wait3A_571 = tpu.memref_slice %arg2[%dma_wait3A_570] : memref<320000xi32, #tpu.memory_space<hbm>> -> memref<80xi32, #tpu.memory_space<hbm>>
        tpu.wait_dma2 semaphore(%arg19 : memref<!tpu.dma_semaphore, #tpu.memory_space<semaphore_mem>>) src(%dma_wait3A_571 : memref<80xi32, #tpu.memory_space<hbm>>) dst(%dma_wait3A_569 : memref<80xi32, #tpu.memory_space<vmem>>)
        %dma_wait3A_572 = arith.constant 1 : i32
        %dma_wait3A_573 = arith.constant 0 : i32
        %dma_wait3A_574 = tpu.memref_slice %arg7[%rem3A_342, %dma_wait3A_572, %dma_wait3A_573] : memref<3x4x80xi32, #tpu.memory_space<vmem>> -> memref<1x1x80xi32, #tpu.memory_space<vmem>>
        %dma_wait3A_575 = tpu.memref_squeeze %dma_wait3A_574 : memref<1x1x80xi32, #tpu.memory_space<vmem>> -> memref<80xi32, #tpu.memory_space<vmem>>
        %dma_wait3A_576 = arith.constant 0 : i32
        %dma_wait3A_577 = tpu.memref_slice %arg2[%dma_wait3A_576] : memref<320000xi32, #tpu.memory_space<hbm>> -> memref<80xi32, #tpu.memory_space<hbm>>
        %dma_wait3A_578 = arith.constant 0 : i32
        %dma_wait3A_579 = tpu.memref_slice %arg7[%rem3A_342, %dma_wait3A_572, %dma_wait3A_578] : memref<3x4x80xi32, #tpu.memory_space<vmem>> -> memref<1x1x80xi32, #tpu.memory_space<vmem>>
        %dma_wait3A_580 = tpu.memref_squeeze %dma_wait3A_579 : memref<1x1x80xi32, #tpu.memory_space<vmem>> -> memref<80xi32, #tpu.memory_space<vmem>>
        %dma_wait3A_581 = arith.constant 0 : i32
        %dma_wait3A_582 = tpu.memref_slice %arg2[%dma_wait3A_581] : memref<320000xi32, #tpu.memory_space<hbm>> -> memref<80xi32, #tpu.memory_space<hbm>>
        tpu.wait_dma2 semaphore(%arg19 : memref<!tpu.dma_semaphore, #tpu.memory_space<semaphore_mem>>) src(%dma_wait3A_582 : memref<80xi32, #tpu.memory_space<hbm>>) dst(%dma_wait3A_580 : memref<80xi32, #tpu.memory_space<vmem>>)
        %dma_wait3A_583 = arith.constant 2 : i32
        %dma_wait3A_584 = arith.constant 0 : i32
        %dma_wait3A_585 = tpu.memref_slice %arg7[%rem3A_342, %dma_wait3A_583, %dma_wait3A_584] : memref<3x4x80xi32, #tpu.memory_space<vmem>> -> memref<1x1x80xi32, #tpu.memory_space<vmem>>
        %dma_wait3A_586 = tpu.memref_squeeze %dma_wait3A_585 : memref<1x1x80xi32, #tpu.memory_space<vmem>> -> memref<80xi32, #tpu.memory_space<vmem>>
        %dma_wait3A_587 = arith.constant 0 : i32
        %dma_wait3A_588 = tpu.memref_slice %arg2[%dma_wait3A_587] : memref<320000xi32, #tpu.memory_space<hbm>> -> memref<80xi32, #tpu.memory_space<hbm>>
        %dma_wait3A_589 = arith.constant 0 : i32
        %dma_wait3A_590 = tpu.memref_slice %arg7[%rem3A_342, %dma_wait3A_583, %dma_wait3A_589] : memref<3x4x80xi32, #tpu.memory_space<vmem>> -> memref<1x1x80xi32, #tpu.memory_space<vmem>>
        %dma_wait3A_591 = tpu.memref_squeeze %dma_wait3A_590 : memref<1x1x80xi32, #tpu.memory_space<vmem>> -> memref<80xi32, #tpu.memory_space<vmem>>
        %dma_wait3A_592 = arith.constant 0 : i32
        %dma_wait3A_593 = tpu.memref_slice %arg2[%dma_wait3A_592] : memref<320000xi32, #tpu.memory_space<hbm>> -> memref<80xi32, #tpu.memory_space<hbm>>
        tpu.wait_dma2 semaphore(%arg19 : memref<!tpu.dma_semaphore, #tpu.memory_space<semaphore_mem>>) src(%dma_wait3A_593 : memref<80xi32, #tpu.memory_space<hbm>>) dst(%dma_wait3A_591 : memref<80xi32, #tpu.memory_space<vmem>>)
        %dma_wait3A_594 = arith.constant 3 : i32
        %dma_wait3A_595 = arith.constant 0 : i32
        %dma_wait3A_596 = tpu.memref_slice %arg7[%rem3A_342, %dma_wait3A_594, %dma_wait3A_595] : memref<3x4x80xi32, #tpu.memory_space<vmem>> -> memref<1x1x80xi32, #tpu.memory_space<vmem>>
        %dma_wait3A_597 = tpu.memref_squeeze %dma_wait3A_596 : memref<1x1x80xi32, #tpu.memory_space<vmem>> -> memref<80xi32, #tpu.memory_space<vmem>>
        %dma_wait3A_598 = arith.constant 0 : i32
        %dma_wait3A_599 = tpu.memref_slice %arg2[%dma_wait3A_598] : memref<320000xi32, #tpu.memory_space<hbm>> -> memref<80xi32, #tpu.memory_space<hbm>>
        %dma_wait3A_600 = arith.constant 0 : i32
        %dma_wait3A_601 = tpu.memref_slice %arg7[%rem3A_342, %dma_wait3A_594, %dma_wait3A_600] : memref<3x4x80xi32, #tpu.memory_space<vmem>> -> memref<1x1x80xi32, #tpu.memory_space<vmem>>
        %dma_wait3A_602 = tpu.memref_squeeze %dma_wait3A_601 : memref<1x1x80xi32, #tpu.memory_space<vmem>> -> memref<80xi32, #tpu.memory_space<vmem>>
        %dma_wait3A_603 = arith.constant 0 : i32
        %dma_wait3A_604 = tpu.memref_slice %arg2[%dma_wait3A_603] : memref<320000xi32, #tpu.memory_space<hbm>> -> memref<80xi32, #tpu.memory_space<hbm>>
        tpu.wait_dma2 semaphore(%arg19 : memref<!tpu.dma_semaphore, #tpu.memory_space<semaphore_mem>>) src(%dma_wait3A_604 : memref<80xi32, #tpu.memory_space<hbm>>) dst(%dma_wait3A_602 : memref<80xi32, #tpu.memory_space<vmem>>)
        %dma_wait3A_605 = arith.constant 0 : i32
        %dma_wait3A_606 = arith.constant 0 : i32
        %dma_wait3A_607 = tpu.memref_slice %arg8[%rem3A_342, %dma_wait3A_605, %dma_wait3A_606] : memref<3x4x80xi32, #tpu.memory_space<vmem>> -> memref<1x1x80xi32, #tpu.memory_space<vmem>>
        %dma_wait3A_608 = tpu.memref_squeeze %dma_wait3A_607 : memref<1x1x80xi32, #tpu.memory_space<vmem>> -> memref<80xi32, #tpu.memory_space<vmem>>
        %dma_wait3A_609 = arith.constant 0 : i32
        %dma_wait3A_610 = tpu.memref_slice %arg3[%dma_wait3A_609] : memref<320000xi32, #tpu.memory_space<hbm>> -> memref<80xi32, #tpu.memory_space<hbm>>
        %dma_wait3A_611 = arith.constant 0 : i32
        %dma_wait3A_612 = tpu.memref_slice %arg8[%rem3A_342, %dma_wait3A_605, %dma_wait3A_611] : memref<3x4x80xi32, #tpu.memory_space<vmem>> -> memref<1x1x80xi32, #tpu.memory_space<vmem>>
        %dma_wait3A_613 = tpu.memref_squeeze %dma_wait3A_612 : memref<1x1x80xi32, #tpu.memory_space<vmem>> -> memref<80xi32, #tpu.memory_space<vmem>>
        %dma_wait3A_614 = arith.constant 0 : i32
        %dma_wait3A_615 = tpu.memref_slice %arg3[%dma_wait3A_614] : memref<320000xi32, #tpu.memory_space<hbm>> -> memref<80xi32, #tpu.memory_space<hbm>>
        tpu.wait_dma2 semaphore(%arg19 : memref<!tpu.dma_semaphore, #tpu.memory_space<semaphore_mem>>) src(%dma_wait3A_615 : memref<80xi32, #tpu.memory_space<hbm>>) dst(%dma_wait3A_613 : memref<80xi32, #tpu.memory_space<vmem>>)
        %dma_wait3A_616 = arith.constant 1 : i32
        %dma_wait3A_617 = arith.constant 0 : i32
        %dma_wait3A_618 = tpu.memref_slice %arg8[%rem3A_342, %dma_wait3A_616, %dma_wait3A_617] : memref<3x4x80xi32, #tpu.memory_space<vmem>> -> memref<1x1x80xi32, #tpu.memory_space<vmem>>
        %dma_wait3A_619 = tpu.memref_squeeze %dma_wait3A_618 : memref<1x1x80xi32, #tpu.memory_space<vmem>> -> memref<80xi32, #tpu.memory_space<vmem>>
        %dma_wait3A_620 = arith.constant 0 : i32
        %dma_wait3A_621 = tpu.memref_slice %arg3[%dma_wait3A_620] : memref<320000xi32, #tpu.memory_space<hbm>> -> memref<80xi32, #tpu.memory_space<hbm>>
        %dma_wait3A_622 = arith.constant 0 : i32
        %dma_wait3A_623 = tpu.memref_slice %arg8[%rem3A_342, %dma_wait3A_616, %dma_wait3A_622] : memref<3x4x80xi32, #tpu.memory_space<vmem>> -> memref<1x1x80xi32, #tpu.memory_space<vmem>>
        %dma_wait3A_624 = tpu.memref_squeeze %dma_wait3A_623 : memref<1x1x80xi32, #tpu.memory_space<vmem>> -> memref<80xi32, #tpu.memory_space<vmem>>
        %dma_wait3A_625 = arith.constant 0 : i32
        %dma_wait3A_626 = tpu.memref_slice %arg3[%dma_wait3A_625] : memref<320000xi32, #tpu.memory_space<hbm>> -> memref<80xi32, #tpu.memory_space<hbm>>
        tpu.wait_dma2 semaphore(%arg19 : memref<!tpu.dma_semaphore, #tpu.memory_space<semaphore_mem>>) src(%dma_wait3A_626 : memref<80xi32, #tpu.memory_space<hbm>>) dst(%dma_wait3A_624 : memref<80xi32, #tpu.memory_space<vmem>>)
        %dma_wait3A_627 = arith.constant 2 : i32
        %dma_wait3A_628 = arith.constant 0 : i32
        %dma_wait3A_629 = tpu.memref_slice %arg8[%rem3A_342, %dma_wait3A_627, %dma_wait3A_628] : memref<3x4x80xi32, #tpu.memory_space<vmem>> -> memref<1x1x80xi32, #tpu.memory_space<vmem>>
        %dma_wait3A_630 = tpu.memref_squeeze %dma_wait3A_629 : memref<1x1x80xi32, #tpu.memory_space<vmem>> -> memref<80xi32, #tpu.memory_space<vmem>>
        %dma_wait3A_631 = arith.constant 0 : i32
        %dma_wait3A_632 = tpu.memref_slice %arg3[%dma_wait3A_631] : memref<320000xi32, #tpu.memory_space<hbm>> -> memref<80xi32, #tpu.memory_space<hbm>>
        %dma_wait3A_633 = arith.constant 0 : i32
        %dma_wait3A_634 = tpu.memref_slice %arg8[%rem3A_342, %dma_wait3A_627, %dma_wait3A_633] : memref<3x4x80xi32, #tpu.memory_space<vmem>> -> memref<1x1x80xi32, #tpu.memory_space<vmem>>
        %dma_wait3A_635 = tpu.memref_squeeze %dma_wait3A_634 : memref<1x1x80xi32, #tpu.memory_space<vmem>> -> memref<80xi32, #tpu.memory_space<vmem>>
        %dma_wait3A_636 = arith.constant 0 : i32
        %dma_wait3A_637 = tpu.memref_slice %arg3[%dma_wait3A_636] : memref<320000xi32, #tpu.memory_space<hbm>> -> memref<80xi32, #tpu.memory_space<hbm>>
        tpu.wait_dma2 semaphore(%arg19 : memref<!tpu.dma_semaphore, #tpu.memory_space<semaphore_mem>>) src(%dma_wait3A_637 : memref<80xi32, #tpu.memory_space<hbm>>) dst(%dma_wait3A_635 : memref<80xi32, #tpu.memory_space<vmem>>)
        %dma_wait3A_638 = arith.constant 3 : i32
        %dma_wait3A_639 = arith.constant 0 : i32
        %dma_wait3A_640 = tpu.memref_slice %arg8[%rem3A_342, %dma_wait3A_638, %dma_wait3A_639] : memref<3x4x80xi32, #tpu.memory_space<vmem>> -> memref<1x1x80xi32, #tpu.memory_space<vmem>>
        %dma_wait3A_641 = tpu.memref_squeeze %dma_wait3A_640 : memref<1x1x80xi32, #tpu.memory_space<vmem>> -> memref<80xi32, #tpu.memory_space<vmem>>
        %dma_wait3A_642 = arith.constant 0 : i32
        %dma_wait3A_643 = tpu.memref_slice %arg3[%dma_wait3A_642] : memref<320000xi32, #tpu.memory_space<hbm>> -> memref<80xi32, #tpu.memory_space<hbm>>
        %dma_wait3A_644 = arith.constant 0 : i32
        %dma_wait3A_645 = tpu.memref_slice %arg8[%rem3A_342, %dma_wait3A_638, %dma_wait3A_644] : memref<3x4x80xi32, #tpu.memory_space<vmem>> -> memref<1x1x80xi32, #tpu.memory_space<vmem>>
        %dma_wait3A_646 = tpu.memref_squeeze %dma_wait3A_645 : memref<1x1x80xi32, #tpu.memory_space<vmem>> -> memref<80xi32, #tpu.memory_space<vmem>>
        %dma_wait3A_647 = arith.constant 0 : i32
        %dma_wait3A_648 = tpu.memref_slice %arg3[%dma_wait3A_647] : memref<320000xi32, #tpu.memory_space<hbm>> -> memref<80xi32, #tpu.memory_space<hbm>>
        tpu.wait_dma2 semaphore(%arg19 : memref<!tpu.dma_semaphore, #tpu.memory_space<semaphore_mem>>) src(%dma_wait3A_648 : memref<80xi32, #tpu.memory_space<hbm>>) dst(%dma_wait3A_646 : memref<80xi32, #tpu.memory_space<vmem>>)
      } else {
      }
      %gt3A_352 = arith.constant 0 : i32
      %gt3A_353 = arith.cmpi sgt, %scan3A_339, %gt3A_352 : i32
      %not3A = arith.constant true
      %not3A_354 = arith.xori %eq3A_349, %not3A : i1
      %and3A_355 = arith.andi %gt3A_353, %not3A_354 : i1
      %convert_element_type3A_356 = arith.extui %and3A_355 : i1 to i32
      %cond3A_357 = arith.constant 0 : i32
      %cond3A_358 = arith.cmpi ne, %convert_element_type3A_356, %cond3A_357 : i32
      scf.if %cond3A_358 {
        %dma_wait3A_561 = arith.constant 0 : i32
        %dma_wait3A_562 = arith.constant 0 : i32
        %dma_wait3A_563 = tpu.memref_slice %arg7[%rem3A_342, %dma_wait3A_561, %dma_wait3A_562] : memref<3x4x80xi32, #tpu.memory_space<vmem>> -> memref<1x1x80xi32, #tpu.memory_space<vmem>>
        %dma_wait3A_564 = tpu.memref_squeeze %dma_wait3A_563 : memref<1x1x80xi32, #tpu.memory_space<vmem>> -> memref<80xi32, #tpu.memory_space<vmem>>
        %dma_wait3A_565 = arith.constant 0 : i32
        %dma_wait3A_566 = tpu.memref_slice %arg2[%dma_wait3A_565] : memref<320000xi32, #tpu.memory_space<hbm>> -> memref<80xi32, #tpu.memory_space<hbm>>
        %dma_wait3A_567 = arith.constant 0 : i32
        %dma_wait3A_568 = tpu.memref_slice %arg7[%rem3A_342, %dma_wait3A_561, %dma_wait3A_567] : memref<3x4x80xi32, #tpu.memory_space<vmem>> -> memref<1x1x80xi32, #tpu.memory_space<vmem>>
        %dma_wait3A_569 = tpu.memref_squeeze %dma_wait3A_568 : memref<1x1x80xi32, #tpu.memory_space<vmem>> -> memref<80xi32, #tpu.memory_space<vmem>>
        %dma_wait3A_570 = arith.constant 0 : i32
        %dma_wait3A_571 = tpu.memref_slice %arg2[%dma_wait3A_570] : memref<320000xi32, #tpu.memory_space<hbm>> -> memref<80xi32, #tpu.memory_space<hbm>>
        tpu.wait_dma2 semaphore(%arg20 : memref<!tpu.dma_semaphore, #tpu.memory_space<semaphore_mem>>) src(%dma_wait3A_571 : memref<80xi32, #tpu.memory_space<hbm>>) dst(%dma_wait3A_569 : memref<80xi32, #tpu.memory_space<vmem>>)
        %dma_wait3A_572 = arith.constant 1 : i32
        %dma_wait3A_573 = arith.constant 0 : i32
        %dma_wait3A_574 = tpu.memref_slice %arg7[%rem3A_342, %dma_wait3A_572, %dma_wait3A_573] : memref<3x4x80xi32, #tpu.memory_space<vmem>> -> memref<1x1x80xi32, #tpu.memory_space<vmem>>
        %dma_wait3A_575 = tpu.memref_squeeze %dma_wait3A_574 : memref<1x1x80xi32, #tpu.memory_space<vmem>> -> memref<80xi32, #tpu.memory_space<vmem>>
        %dma_wait3A_576 = arith.constant 0 : i32
        %dma_wait3A_577 = tpu.memref_slice %arg2[%dma_wait3A_576] : memref<320000xi32, #tpu.memory_space<hbm>> -> memref<80xi32, #tpu.memory_space<hbm>>
        %dma_wait3A_578 = arith.constant 0 : i32
        %dma_wait3A_579 = tpu.memref_slice %arg7[%rem3A_342, %dma_wait3A_572, %dma_wait3A_578] : memref<3x4x80xi32, #tpu.memory_space<vmem>> -> memref<1x1x80xi32, #tpu.memory_space<vmem>>
        %dma_wait3A_580 = tpu.memref_squeeze %dma_wait3A_579 : memref<1x1x80xi32, #tpu.memory_space<vmem>> -> memref<80xi32, #tpu.memory_space<vmem>>
        %dma_wait3A_581 = arith.constant 0 : i32
        %dma_wait3A_582 = tpu.memref_slice %arg2[%dma_wait3A_581] : memref<320000xi32, #tpu.memory_space<hbm>> -> memref<80xi32, #tpu.memory_space<hbm>>
        tpu.wait_dma2 semaphore(%arg20 : memref<!tpu.dma_semaphore, #tpu.memory_space<semaphore_mem>>) src(%dma_wait3A_582 : memref<80xi32, #tpu.memory_space<hbm>>) dst(%dma_wait3A_580 : memref<80xi32, #tpu.memory_space<vmem>>)
        %dma_wait3A_583 = arith.constant 2 : i32
        %dma_wait3A_584 = arith.constant 0 : i32
        %dma_wait3A_585 = tpu.memref_slice %arg7[%rem3A_342, %dma_wait3A_583, %dma_wait3A_584] : memref<3x4x80xi32, #tpu.memory_space<vmem>> -> memref<1x1x80xi32, #tpu.memory_space<vmem>>
        %dma_wait3A_586 = tpu.memref_squeeze %dma_wait3A_585 : memref<1x1x80xi32, #tpu.memory_space<vmem>> -> memref<80xi32, #tpu.memory_space<vmem>>
        %dma_wait3A_587 = arith.constant 0 : i32
        %dma_wait3A_588 = tpu.memref_slice %arg2[%dma_wait3A_587] : memref<320000xi32, #tpu.memory_space<hbm>> -> memref<80xi32, #tpu.memory_space<hbm>>
        %dma_wait3A_589 = arith.constant 0 : i32
        %dma_wait3A_590 = tpu.memref_slice %arg7[%rem3A_342, %dma_wait3A_583, %dma_wait3A_589] : memref<3x4x80xi32, #tpu.memory_space<vmem>> -> memref<1x1x80xi32, #tpu.memory_space<vmem>>
        %dma_wait3A_591 = tpu.memref_squeeze %dma_wait3A_590 : memref<1x1x80xi32, #tpu.memory_space<vmem>> -> memref<80xi32, #tpu.memory_space<vmem>>
        %dma_wait3A_592 = arith.constant 0 : i32
        %dma_wait3A_593 = tpu.memref_slice %arg2[%dma_wait3A_592] : memref<320000xi32, #tpu.memory_space<hbm>> -> memref<80xi32, #tpu.memory_space<hbm>>
        tpu.wait_dma2 semaphore(%arg20 : memref<!tpu.dma_semaphore, #tpu.memory_space<semaphore_mem>>) src(%dma_wait3A_593 : memref<80xi32, #tpu.memory_space<hbm>>) dst(%dma_wait3A_591 : memref<80xi32, #tpu.memory_space<vmem>>)
        %dma_wait3A_594 = arith.constant 3 : i32
        %dma_wait3A_595 = arith.constant 0 : i32
        %dma_wait3A_596 = tpu.memref_slice %arg7[%rem3A_342, %dma_wait3A_594, %dma_wait3A_595] : memref<3x4x80xi32, #tpu.memory_space<vmem>> -> memref<1x1x80xi32, #tpu.memory_space<vmem>>
        %dma_wait3A_597 = tpu.memref_squeeze %dma_wait3A_596 : memref<1x1x80xi32, #tpu.memory_space<vmem>> -> memref<80xi32, #tpu.memory_space<vmem>>
        %dma_wait3A_598 = arith.constant 0 : i32
        %dma_wait3A_599 = tpu.memref_slice %arg2[%dma_wait3A_598] : memref<320000xi32, #tpu.memory_space<hbm>> -> memref<80xi32, #tpu.memory_space<hbm>>
        %dma_wait3A_600 = arith.constant 0 : i32
        %dma_wait3A_601 = tpu.memref_slice %arg7[%rem3A_342, %dma_wait3A_594, %dma_wait3A_600] : memref<3x4x80xi32, #tpu.memory_space<vmem>> -> memref<1x1x80xi32, #tpu.memory_space<vmem>>
        %dma_wait3A_602 = tpu.memref_squeeze %dma_wait3A_601 : memref<1x1x80xi32, #tpu.memory_space<vmem>> -> memref<80xi32, #tpu.memory_space<vmem>>
        %dma_wait3A_603 = arith.constant 0 : i32
        %dma_wait3A_604 = tpu.memref_slice %arg2[%dma_wait3A_603] : memref<320000xi32, #tpu.memory_space<hbm>> -> memref<80xi32, #tpu.memory_space<hbm>>
        tpu.wait_dma2 semaphore(%arg20 : memref<!tpu.dma_semaphore, #tpu.memory_space<semaphore_mem>>) src(%dma_wait3A_604 : memref<80xi32, #tpu.memory_space<hbm>>) dst(%dma_wait3A_602 : memref<80xi32, #tpu.memory_space<vmem>>)
        %dma_wait3A_605 = arith.constant 0 : i32
        %dma_wait3A_606 = arith.constant 0 : i32
        %dma_wait3A_607 = tpu.memref_slice %arg8[%rem3A_342, %dma_wait3A_605, %dma_wait3A_606] : memref<3x4x80xi32, #tpu.memory_space<vmem>> -> memref<1x1x80xi32, #tpu.memory_space<vmem>>
        %dma_wait3A_608 = tpu.memref_squeeze %dma_wait3A_607 : memref<1x1x80xi32, #tpu.memory_space<vmem>> -> memref<80xi32, #tpu.memory_space<vmem>>
        %dma_wait3A_609 = arith.constant 0 : i32
        %dma_wait3A_610 = tpu.memref_slice %arg3[%dma_wait3A_609] : memref<320000xi32, #tpu.memory_space<hbm>> -> memref<80xi32, #tpu.memory_space<hbm>>
        %dma_wait3A_611 = arith.constant 0 : i32
        %dma_wait3A_612 = tpu.memref_slice %arg8[%rem3A_342, %dma_wait3A_605, %dma_wait3A_611] : memref<3x4x80xi32, #tpu.memory_space<vmem>> -> memref<1x1x80xi32, #tpu.memory_space<vmem>>
        %dma_wait3A_613 = tpu.memref_squeeze %dma_wait3A_612 : memref<1x1x80xi32, #tpu.memory_space<vmem>> -> memref<80xi32, #tpu.memory_space<vmem>>
        %dma_wait3A_614 = arith.constant 0 : i32
        %dma_wait3A_615 = tpu.memref_slice %arg3[%dma_wait3A_614] : memref<320000xi32, #tpu.memory_space<hbm>> -> memref<80xi32, #tpu.memory_space<hbm>>
        tpu.wait_dma2 semaphore(%arg20 : memref<!tpu.dma_semaphore, #tpu.memory_space<semaphore_mem>>) src(%dma_wait3A_615 : memref<80xi32, #tpu.memory_space<hbm>>) dst(%dma_wait3A_613 : memref<80xi32, #tpu.memory_space<vmem>>)
        %dma_wait3A_616 = arith.constant 1 : i32
        %dma_wait3A_617 = arith.constant 0 : i32
        %dma_wait3A_618 = tpu.memref_slice %arg8[%rem3A_342, %dma_wait3A_616, %dma_wait3A_617] : memref<3x4x80xi32, #tpu.memory_space<vmem>> -> memref<1x1x80xi32, #tpu.memory_space<vmem>>
        %dma_wait3A_619 = tpu.memref_squeeze %dma_wait3A_618 : memref<1x1x80xi32, #tpu.memory_space<vmem>> -> memref<80xi32, #tpu.memory_space<vmem>>
        %dma_wait3A_620 = arith.constant 0 : i32
        %dma_wait3A_621 = tpu.memref_slice %arg3[%dma_wait3A_620] : memref<320000xi32, #tpu.memory_space<hbm>> -> memref<80xi32, #tpu.memory_space<hbm>>
        %dma_wait3A_622 = arith.constant 0 : i32
        %dma_wait3A_623 = tpu.memref_slice %arg8[%rem3A_342, %dma_wait3A_616, %dma_wait3A_622] : memref<3x4x80xi32, #tpu.memory_space<vmem>> -> memref<1x1x80xi32, #tpu.memory_space<vmem>>
        %dma_wait3A_624 = tpu.memref_squeeze %dma_wait3A_623 : memref<1x1x80xi32, #tpu.memory_space<vmem>> -> memref<80xi32, #tpu.memory_space<vmem>>
        %dma_wait3A_625 = arith.constant 0 : i32
        %dma_wait3A_626 = tpu.memref_slice %arg3[%dma_wait3A_625] : memref<320000xi32, #tpu.memory_space<hbm>> -> memref<80xi32, #tpu.memory_space<hbm>>
        tpu.wait_dma2 semaphore(%arg20 : memref<!tpu.dma_semaphore, #tpu.memory_space<semaphore_mem>>) src(%dma_wait3A_626 : memref<80xi32, #tpu.memory_space<hbm>>) dst(%dma_wait3A_624 : memref<80xi32, #tpu.memory_space<vmem>>)
        %dma_wait3A_627 = arith.constant 2 : i32
        %dma_wait3A_628 = arith.constant 0 : i32
        %dma_wait3A_629 = tpu.memref_slice %arg8[%rem3A_342, %dma_wait3A_627, %dma_wait3A_628] : memref<3x4x80xi32, #tpu.memory_space<vmem>> -> memref<1x1x80xi32, #tpu.memory_space<vmem>>
        %dma_wait3A_630 = tpu.memref_squeeze %dma_wait3A_629 : memref<1x1x80xi32, #tpu.memory_space<vmem>> -> memref<80xi32, #tpu.memory_space<vmem>>
        %dma_wait3A_631 = arith.constant 0 : i32
        %dma_wait3A_632 = tpu.memref_slice %arg3[%dma_wait3A_631] : memref<320000xi32, #tpu.memory_space<hbm>> -> memref<80xi32, #tpu.memory_space<hbm>>
        %dma_wait3A_633 = arith.constant 0 : i32
        %dma_wait3A_634 = tpu.memref_slice %arg8[%rem3A_342, %dma_wait3A_627, %dma_wait3A_633] : memref<3x4x80xi32, #tpu.memory_space<vmem>> -> memref<1x1x80xi32, #tpu.memory_space<vmem>>
        %dma_wait3A_635 = tpu.memref_squeeze %dma_wait3A_634 : memref<1x1x80xi32, #tpu.memory_space<vmem>> -> memref<80xi32, #tpu.memory_space<vmem>>
        %dma_wait3A_636 = arith.constant 0 : i32
        %dma_wait3A_637 = tpu.memref_slice %arg3[%dma_wait3A_636] : memref<320000xi32, #tpu.memory_space<hbm>> -> memref<80xi32, #tpu.memory_space<hbm>>
        tpu.wait_dma2 semaphore(%arg20 : memref<!tpu.dma_semaphore, #tpu.memory_space<semaphore_mem>>) src(%dma_wait3A_637 : memref<80xi32, #tpu.memory_space<hbm>>) dst(%dma_wait3A_635 : memref<80xi32, #tpu.memory_space<vmem>>)
        %dma_wait3A_638 = arith.constant 3 : i32
        %dma_wait3A_639 = arith.constant 0 : i32
        %dma_wait3A_640 = tpu.memref_slice %arg8[%rem3A_342, %dma_wait3A_638, %dma_wait3A_639] : memref<3x4x80xi32, #tpu.memory_space<vmem>> -> memref<1x1x80xi32, #tpu.memory_space<vmem>>
        %dma_wait3A_641 = tpu.memref_squeeze %dma_wait3A_640 : memref<1x1x80xi32, #tpu.memory_space<vmem>> -> memref<80xi32, #tpu.memory_space<vmem>>
        %dma_wait3A_642 = arith.constant 0 : i32
        %dma_wait3A_643 = tpu.memref_slice %arg3[%dma_wait3A_642] : memref<320000xi32, #tpu.memory_space<hbm>> -> memref<80xi32, #tpu.memory_space<hbm>>
        %dma_wait3A_644 = arith.constant 0 : i32
        %dma_wait3A_645 = tpu.memref_slice %arg8[%rem3A_342, %dma_wait3A_638, %dma_wait3A_644] : memref<3x4x80xi32, #tpu.memory_space<vmem>> -> memref<1x1x80xi32, #tpu.memory_space<vmem>>
        %dma_wait3A_646 = tpu.memref_squeeze %dma_wait3A_645 : memref<1x1x80xi32, #tpu.memory_space<vmem>> -> memref<80xi32, #tpu.memory_space<vmem>>
        %dma_wait3A_647 = arith.constant 0 : i32
        %dma_wait3A_648 = tpu.memref_slice %arg3[%dma_wait3A_647] : memref<320000xi32, #tpu.memory_space<hbm>> -> memref<80xi32, #tpu.memory_space<hbm>>
        tpu.wait_dma2 semaphore(%arg20 : memref<!tpu.dma_semaphore, #tpu.memory_space<semaphore_mem>>) src(%dma_wait3A_648 : memref<80xi32, #tpu.memory_space<hbm>>) dst(%dma_wait3A_646 : memref<80xi32, #tpu.memory_space<vmem>>)
      } else {
      }
      %gt3A_359 = arith.constant 0 : i32
      %gt3A_360 = arith.cmpi sgt, %scan3A_339, %gt3A_359 : i32
      %convert_element_type3A_361 = arith.extui %gt3A_360 : i1 to i32
      %cond3A_362 = arith.constant 0 : i32
      %cond3A_363 = arith.cmpi ne, %convert_element_type3A_361, %cond3A_362 : i32
      scf.if %cond3A_363 {
        %dma_wait3A_561 = arith.constant 2 : i32
        %dma_wait3A_562 = arith.constant 0 : i32
        %dma_wait3A_563 = arith.constant 0 : i32
        %dma_wait3A_564 = arith.constant 0 : i32
        %dma_wait3A_565 = arith.constant 0 : i32
        %dma_wait3A_566 = tpu.memref_slice %arg9[%dma_wait3A_561, %dma_wait3A_564, %dma_wait3A_565] : memref<4x80x128xf32, #tpu.memory_space<vmem>> -> memref<1x80x128xf32, #tpu.memory_space<vmem>>
        %dma_wait3A_567 = tpu.memref_squeeze %dma_wait3A_566 : memref<1x80x128xf32, #tpu.memory_space<vmem>> -> memref<80x128xf32, #tpu.memory_space<vmem>>
        %dma_wait3A_568 = arith.constant 0 : i32
        %dma_wait3A_569 = tpu.memref_slice %arg8[%dma_wait3A_562, %dma_wait3A_563, %dma_wait3A_568] : memref<3x4x80xi32, #tpu.memory_space<vmem>> -> memref<1x1x80xi32, #tpu.memory_space<vmem>>
        %dma_wait3A_570 = tpu.memref_squeeze %dma_wait3A_569 : memref<1x1x80xi32, #tpu.memory_space<vmem>> -> memref<80xi32, #tpu.memory_space<vmem>>
        %dma_wait3A_571 = arith.constant 0 : i32
        %dma_wait3A_572 = arith.constant 0 : i32
        %dma_wait3A_573 = tpu.memref_slice %arg10[%dma_wait3A_571, %dma_wait3A_572] : memref<10240x128xf32, #tpu.memory_space<vmem_shared>> -> memref<10240x128xf32, #tpu.memory_space<vmem_shared>>
        tpu.wait_indirect_dma semaphore(%arg17 : memref<!tpu.dma_semaphore, #tpu.memory_space<semaphore_mem>>) src(%dma_wait3A_567 : memref<80x128xf32, #tpu.memory_space<vmem>>) dst(%dma_wait3A_573 : memref<10240x128xf32, #tpu.memory_space<vmem_shared>>)
      } else {
      }
      %dma_start3A_364 = arith.constant 2 : i32
      %dma_start3A_365 = arith.constant 2 : i32
      %dma_start3A_366 = arith.constant 0 : i32
      %dma_start3A_367 = arith.constant 0 : i32
      %dma_start3A_368 = tpu.memref_slice %arg9[%dma_start3A_365, %dma_start3A_366, %dma_start3A_367] : memref<4x80x128xf32, #tpu.memory_space<vmem>> -> memref<1x80x128xf32, #tpu.memory_space<vmem>>
      %dma_start3A_369 = tpu.memref_squeeze %dma_start3A_368 : memref<1x80x128xf32, #tpu.memory_space<vmem>> -> memref<80x128xf32, #tpu.memory_space<vmem>>
      %dma_start3A_370 = arith.constant 0 : i32
      %dma_start3A_371 = tpu.memref_slice %arg7[%rem3A_342, %dma_start3A_364, %dma_start3A_370] : memref<3x4x80xi32, #tpu.memory_space<vmem>> -> memref<1x1x80xi32, #tpu.memory_space<vmem>>
      %dma_start3A_372 = tpu.memref_squeeze %dma_start3A_371 : memref<1x1x80xi32, #tpu.memory_space<vmem>> -> memref<80xi32, #tpu.memory_space<vmem>>
      %dma_start3A_373 = arith.constant 0 : i32
      %dma_start3A_374 = arith.constant 0 : i32
      %dma_start3A_375 = tpu.memref_slice %arg4[%dma_start3A_373, %dma_start3A_374] : memref<10240x128xf32, #tpu.memory_space<hbm>> -> memref<10240x128xf32, #tpu.memory_space<hbm>>
      tpu.enqueue_indirect_dma source(%dma_start3A_375 : memref<10240x128xf32, #tpu.memory_space<hbm>>) target(%dma_start3A_369 : memref<80x128xf32, #tpu.memory_space<vmem>>) offsets(%dma_start3A_372 : memref<80xi32, #tpu.memory_space<vmem>>) semaphore(%arg13 : memref<!tpu.dma_semaphore, #tpu.memory_space<semaphore_mem>>)
      %dma_wait3A_376 = arith.constant 0 : i32
      %dma_wait3A_377 = arith.constant 0 : i32
      %dma_wait3A_378 = arith.constant 0 : i32
      %dma_wait3A_379 = arith.constant 0 : i32
      %dma_wait3A_380 = arith.constant 0 : i32
      %dma_wait3A_381 = tpu.memref_slice %arg9[%dma_wait3A_378, %dma_wait3A_379, %dma_wait3A_380] : memref<4x80x128xf32, #tpu.memory_space<vmem>> -> memref<1x80x128xf32, #tpu.memory_space<vmem>>
      %dma_wait3A_382 = tpu.memref_squeeze %dma_wait3A_381 : memref<1x80x128xf32, #tpu.memory_space<vmem>> -> memref<80x128xf32, #tpu.memory_space<vmem>>
      %dma_wait3A_383 = arith.constant 0 : i32
      %dma_wait3A_384 = tpu.memref_slice %arg7[%dma_wait3A_376, %dma_wait3A_377, %dma_wait3A_383] : memref<3x4x80xi32, #tpu.memory_space<vmem>> -> memref<1x1x80xi32, #tpu.memory_space<vmem>>
      %dma_wait3A_385 = tpu.memref_squeeze %dma_wait3A_384 : memref<1x1x80xi32, #tpu.memory_space<vmem>> -> memref<80xi32, #tpu.memory_space<vmem>>
      %dma_wait3A_386 = arith.constant 0 : i32
      %dma_wait3A_387 = arith.constant 0 : i32
      %dma_wait3A_388 = tpu.memref_slice %arg4[%dma_wait3A_386, %dma_wait3A_387] : memref<10240x128xf32, #tpu.memory_space<hbm>> -> memref<10240x128xf32, #tpu.memory_space<hbm>>
      tpu.wait_indirect_dma semaphore(%arg11 : memref<!tpu.dma_semaphore, #tpu.memory_space<semaphore_mem>>) src(%dma_wait3A_388 : memref<10240x128xf32, #tpu.memory_space<hbm>>) dst(%dma_wait3A_382 : memref<80x128xf32, #tpu.memory_space<vmem>>)
      %dma_start3A_389 = arith.constant 0 : i32
      %dma_start3A_390 = arith.constant 0 : i32
      %dma_start3A_391 = arith.constant 0 : i32
      %dma_start3A_392 = arith.constant 0 : i32
      %dma_start3A_393 = tpu.memref_slice %arg9[%dma_start3A_389, %dma_start3A_391, %dma_start3A_392] : memref<4x80x128xf32, #tpu.memory_space<vmem>> -> memref<1x80x128xf32, #tpu.memory_space<vmem>>
      %dma_start3A_394 = tpu.memref_squeeze %dma_start3A_393 : memref<1x80x128xf32, #tpu.memory_space<vmem>> -> memref<80x128xf32, #tpu.memory_space<vmem>>
      %dma_start3A_395 = arith.constant 0 : i32
      %dma_start3A_396 = tpu.memref_slice %arg8[%rem3A_342, %dma_start3A_390, %dma_start3A_395] : memref<3x4x80xi32, #tpu.memory_space<vmem>> -> memref<1x1x80xi32, #tpu.memory_space<vmem>>
      %dma_start3A_397 = tpu.memref_squeeze %dma_start3A_396 : memref<1x1x80xi32, #tpu.memory_space<vmem>> -> memref<80xi32, #tpu.memory_space<vmem>>
      %dma_start3A_398 = arith.constant 0 : i32
      %dma_start3A_399 = arith.constant 0 : i32
      %dma_start3A_400 = tpu.memref_slice %arg10[%dma_start3A_398, %dma_start3A_399] : memref<10240x128xf32, #tpu.memory_space<vmem_shared>> -> memref<10240x128xf32, #tpu.memory_space<vmem_shared>>
      tpu.enqueue_indirect_dma source(%dma_start3A_394 : memref<80x128xf32, #tpu.memory_space<vmem>>) target(%dma_start3A_400 : memref<10240x128xf32, #tpu.memory_space<vmem_shared>>) offsets(%dma_start3A_397 : memref<80xi32, #tpu.memory_space<vmem>>) semaphore(%arg15 : memref<!tpu.dma_semaphore, #tpu.memory_space<semaphore_mem>>) {add = true}
      %gt3A_401 = arith.constant 0 : i32
      %gt3A_402 = arith.cmpi sgt, %scan3A_339, %gt3A_401 : i32
      %convert_element_type3A_403 = arith.extui %gt3A_402 : i1 to i32
      %cond3A_404 = arith.constant 0 : i32
      %cond3A_405 = arith.cmpi ne, %convert_element_type3A_403, %cond3A_404 : i32
      scf.if %cond3A_405 {
        %dma_wait3A_561 = arith.constant 3 : i32
        %dma_wait3A_562 = arith.constant 0 : i32
        %dma_wait3A_563 = arith.constant 0 : i32
        %dma_wait3A_564 = arith.constant 0 : i32
        %dma_wait3A_565 = arith.constant 0 : i32
        %dma_wait3A_566 = tpu.memref_slice %arg9[%dma_wait3A_561, %dma_wait3A_564, %dma_wait3A_565] : memref<4x80x128xf32, #tpu.memory_space<vmem>> -> memref<1x80x128xf32, #tpu.memory_space<vmem>>
        %dma_wait3A_567 = tpu.memref_squeeze %dma_wait3A_566 : memref<1x80x128xf32, #tpu.memory_space<vmem>> -> memref<80x128xf32, #tpu.memory_space<vmem>>
        %dma_wait3A_568 = arith.constant 0 : i32
        %dma_wait3A_569 = tpu.memref_slice %arg8[%dma_wait3A_562, %dma_wait3A_563, %dma_wait3A_568] : memref<3x4x80xi32, #tpu.memory_space<vmem>> -> memref<1x1x80xi32, #tpu.memory_space<vmem>>
        %dma_wait3A_570 = tpu.memref_squeeze %dma_wait3A_569 : memref<1x1x80xi32, #tpu.memory_space<vmem>> -> memref<80xi32, #tpu.memory_space<vmem>>
        %dma_wait3A_571 = arith.constant 0 : i32
        %dma_wait3A_572 = arith.constant 0 : i32
        %dma_wait3A_573 = tpu.memref_slice %arg10[%dma_wait3A_571, %dma_wait3A_572] : memref<10240x128xf32, #tpu.memory_space<vmem_shared>> -> memref<10240x128xf32, #tpu.memory_space<vmem_shared>>
        tpu.wait_indirect_dma semaphore(%arg18 : memref<!tpu.dma_semaphore, #tpu.memory_space<semaphore_mem>>) src(%dma_wait3A_567 : memref<80x128xf32, #tpu.memory_space<vmem>>) dst(%dma_wait3A_573 : memref<10240x128xf32, #tpu.memory_space<vmem_shared>>)
      } else {
      }
      %dma_start3A_406 = arith.constant 3 : i32
      %dma_start3A_407 = arith.constant 3 : i32
      %dma_start3A_408 = arith.constant 0 : i32
      %dma_start3A_409 = arith.constant 0 : i32
      %dma_start3A_410 = tpu.memref_slice %arg9[%dma_start3A_407, %dma_start3A_408, %dma_start3A_409] : memref<4x80x128xf32, #tpu.memory_space<vmem>> -> memref<1x80x128xf32, #tpu.memory_space<vmem>>
      %dma_start3A_411 = tpu.memref_squeeze %dma_start3A_410 : memref<1x80x128xf32, #tpu.memory_space<vmem>> -> memref<80x128xf32, #tpu.memory_space<vmem>>
      %dma_start3A_412 = arith.constant 0 : i32
      %dma_start3A_413 = tpu.memref_slice %arg7[%rem3A_342, %dma_start3A_406, %dma_start3A_412] : memref<3x4x80xi32, #tpu.memory_space<vmem>> -> memref<1x1x80xi32, #tpu.memory_space<vmem>>
      %dma_start3A_414 = tpu.memref_squeeze %dma_start3A_413 : memref<1x1x80xi32, #tpu.memory_space<vmem>> -> memref<80xi32, #tpu.memory_space<vmem>>
      %dma_start3A_415 = arith.constant 0 : i32
      %dma_start3A_416 = arith.constant 0 : i32
      %dma_start3A_417 = tpu.memref_slice %arg4[%dma_start3A_415, %dma_start3A_416] : memref<10240x128xf32, #tpu.memory_space<hbm>> -> memref<10240x128xf32, #tpu.memory_space<hbm>>
      tpu.enqueue_indirect_dma source(%dma_start3A_417 : memref<10240x128xf32, #tpu.memory_space<hbm>>) target(%dma_start3A_411 : memref<80x128xf32, #tpu.memory_space<vmem>>) offsets(%dma_start3A_414 : memref<80xi32, #tpu.memory_space<vmem>>) semaphore(%arg14 : memref<!tpu.dma_semaphore, #tpu.memory_space<semaphore_mem>>)
      %dma_wait3A_418 = arith.constant 0 : i32
      %dma_wait3A_419 = arith.constant 0 : i32
      %dma_wait3A_420 = arith.constant 1 : i32
      %dma_wait3A_421 = arith.constant 0 : i32
      %dma_wait3A_422 = arith.constant 0 : i32
      %dma_wait3A_423 = tpu.memref_slice %arg9[%dma_wait3A_420, %dma_wait3A_421, %dma_wait3A_422] : memref<4x80x128xf32, #tpu.memory_space<vmem>> -> memref<1x80x128xf32, #tpu.memory_space<vmem>>
      %dma_wait3A_424 = tpu.memref_squeeze %dma_wait3A_423 : memref<1x80x128xf32, #tpu.memory_space<vmem>> -> memref<80x128xf32, #tpu.memory_space<vmem>>
      %dma_wait3A_425 = arith.constant 0 : i32
      %dma_wait3A_426 = tpu.memref_slice %arg7[%dma_wait3A_418, %dma_wait3A_419, %dma_wait3A_425] : memref<3x4x80xi32, #tpu.memory_space<vmem>> -> memref<1x1x80xi32, #tpu.memory_space<vmem>>
      %dma_wait3A_427 = tpu.memref_squeeze %dma_wait3A_426 : memref<1x1x80xi32, #tpu.memory_space<vmem>> -> memref<80xi32, #tpu.memory_space<vmem>>
      %dma_wait3A_428 = arith.constant 0 : i32
      %dma_wait3A_429 = arith.constant 0 : i32
      %dma_wait3A_430 = tpu.memref_slice %arg4[%dma_wait3A_428, %dma_wait3A_429] : memref<10240x128xf32, #tpu.memory_space<hbm>> -> memref<10240x128xf32, #tpu.memory_space<hbm>>
      tpu.wait_indirect_dma semaphore(%arg12 : memref<!tpu.dma_semaphore, #tpu.memory_space<semaphore_mem>>) src(%dma_wait3A_430 : memref<10240x128xf32, #tpu.memory_space<hbm>>) dst(%dma_wait3A_424 : memref<80x128xf32, #tpu.memory_space<vmem>>)
      %dma_start3A_431 = arith.constant 1 : i32
      %dma_start3A_432 = arith.constant 1 : i32
      %dma_start3A_433 = arith.constant 0 : i32
      %dma_start3A_434 = arith.constant 0 : i32
      %dma_start3A_435 = tpu.memref_slice %arg9[%dma_start3A_431, %dma_start3A_433, %dma_start3A_434] : memref<4x80x128xf32, #tpu.memory_space<vmem>> -> memref<1x80x128xf32, #tpu.memory_space<vmem>>
      %dma_start3A_436 = tpu.memref_squeeze %dma_start3A_435 : memref<1x80x128xf32, #tpu.memory_space<vmem>> -> memref<80x128xf32, #tpu.memory_space<vmem>>
      %dma_start3A_437 = arith.constant 0 : i32
      %dma_start3A_438 = tpu.memref_slice %arg8[%rem3A_342, %dma_start3A_432, %dma_start3A_437] : memref<3x4x80xi32, #tpu.memory_space<vmem>> -> memref<1x1x80xi32, #tpu.memory_space<vmem>>
      %dma_start3A_439 = tpu.memref_squeeze %dma_start3A_438 : memref<1x1x80xi32, #tpu.memory_space<vmem>> -> memref<80xi32, #tpu.memory_space<vmem>>
      %dma_start3A_440 = arith.constant 0 : i32
      %dma_start3A_441 = arith.constant 0 : i32
      %dma_start3A_442 = tpu.memref_slice %arg10[%dma_start3A_440, %dma_start3A_441] : memref<10240x128xf32, #tpu.memory_space<vmem_shared>> -> memref<10240x128xf32, #tpu.memory_space<vmem_shared>>
      tpu.enqueue_indirect_dma source(%dma_start3A_436 : memref<80x128xf32, #tpu.memory_space<vmem>>) target(%dma_start3A_442 : memref<10240x128xf32, #tpu.memory_space<vmem_shared>>) offsets(%dma_start3A_439 : memref<80xi32, #tpu.memory_space<vmem>>) semaphore(%arg16 : memref<!tpu.dma_semaphore, #tpu.memory_space<semaphore_mem>>) {add = true}
      %dma_wait3A_443 = arith.constant 0 : i32
      %dma_wait3A_444 = arith.constant 0 : i32
      %dma_wait3A_445 = arith.constant 0 : i32
      %dma_wait3A_446 = arith.constant 0 : i32
      %dma_wait3A_447 = arith.constant 0 : i32
      %dma_wait3A_448 = tpu.memref_slice %arg9[%dma_wait3A_443, %dma_wait3A_446, %dma_wait3A_447] : memref<4x80x128xf32, #tpu.memory_space<vmem>> -> memref<1x80x128xf32, #tpu.memory_space<vmem>>
      %dma_wait3A_449 = tpu.memref_squeeze %dma_wait3A_448 : memref<1x80x128xf32, #tpu.memory_space<vmem>> -> memref<80x128xf32, #tpu.memory_space<vmem>>
      %dma_wait3A_450 = arith.constant 0 : i32
      %dma_wait3A_451 = tpu.memref_slice %arg8[%dma_wait3A_444, %dma_wait3A_445, %dma_wait3A_450] : memref<3x4x80xi32, #tpu.memory_space<vmem>> -> memref<1x1x80xi32, #tpu.memory_space<vmem>>
      %dma_wait3A_452 = tpu.memref_squeeze %dma_wait3A_451 : memref<1x1x80xi32, #tpu.memory_space<vmem>> -> memref<80xi32, #tpu.memory_space<vmem>>
      %dma_wait3A_453 = arith.constant 0 : i32
      %dma_wait3A_454 = arith.constant 0 : i32
      %dma_wait3A_455 = tpu.memref_slice %arg10[%dma_wait3A_453, %dma_wait3A_454] : memref<10240x128xf32, #tpu.memory_space<vmem_shared>> -> memref<10240x128xf32, #tpu.memory_space<vmem_shared>>
      tpu.wait_indirect_dma semaphore(%arg15 : memref<!tpu.dma_semaphore, #tpu.memory_space<semaphore_mem>>) src(%dma_wait3A_449 : memref<80x128xf32, #tpu.memory_space<vmem>>) dst(%dma_wait3A_455 : memref<10240x128xf32, #tpu.memory_space<vmem_shared>>)
      %add3A_456 = arith.constant 2 : i32
      %add3A_457 = arith.addi %scan3A_339, %add3A_456 : i32
      %lt3A = arith.constant 31 : i32
      %lt3A_458 = arith.cmpi slt, %add3A_457, %lt3A : i32
      %and3A_459 = arith.andi %lt3A_458, %eq3A_349 : i1
      %convert_element_type3A_460 = arith.extui %and3A_459 : i1 to i32
      %cond3A_461 = arith.constant 0 : i32
      %cond3A_462 = arith.cmpi ne, %convert_element_type3A_460, %cond3A_461 : i32
      scf.if %cond3A_462 {
        %add3A_561 = arith.constant 2 : i32
        %add3A_562 = arith.addi %scan3A_339, %add3A_561 : i32
        %rem3A_563 = arith.constant 3 : i32
        %rem3A_564 = arith.remsi %add3A_562, %rem3A_563 : i32
        %mul3A_565 = arith.constant 320 : i32
        %mul3A_566 = arith.muli %add3A_562, %mul3A_565 : i32
        %add3A_567 = arith.addi %mul3A_2, %mul3A_566 : i32
        %add3A_568 = arith.constant 0 : i32
        %add3A_569 = arith.addi %add3A_567, %add3A_568 : i32
        %dma_start3A_570 = arith.constant 0 : i32
        %dma_start3A_571 = arith.constant 0 : i32
        %dma_start3A_572 = tpu.memref_slice %arg7[%rem3A_564, %dma_start3A_570, %dma_start3A_571] : memref<3x4x80xi32, #tpu.memory_space<vmem>> -> memref<1x1x80xi32, #tpu.memory_space<vmem>>
        %dma_start3A_573 = tpu.memref_squeeze %dma_start3A_572 : memref<1x1x80xi32, #tpu.memory_space<vmem>> -> memref<80xi32, #tpu.memory_space<vmem>>
        %dma_start3A_574 = tpu.memref_slice %arg2[%add3A_569] : memref<320000xi32, #tpu.memory_space<hbm>> -> memref<80xi32, #tpu.memory_space<hbm>>
        %dma_start3A_575 = arith.constant 0 : i32
        %dma_start3A_576 = tpu.memref_slice %arg7[%rem3A_564, %dma_start3A_570, %dma_start3A_575] : memref<3x4x80xi32, #tpu.memory_space<vmem>> -> memref<1x1x80xi32, #tpu.memory_space<vmem>>
        %dma_start3A_577 = tpu.memref_squeeze %dma_start3A_576 : memref<1x1x80xi32, #tpu.memory_space<vmem>> -> memref<80xi32, #tpu.memory_space<vmem>>
        %dma_start3A_578 = tpu.memref_slice %arg2[%add3A_569] : memref<320000xi32, #tpu.memory_space<hbm>> -> memref<80xi32, #tpu.memory_space<hbm>>
        tpu.enqueue_dma source(%dma_start3A_578 : memref<80xi32, #tpu.memory_space<hbm>>) target(%dma_start3A_577 : memref<80xi32, #tpu.memory_space<vmem>>) target_semaphore(%arg19 : memref<!tpu.dma_semaphore, #tpu.memory_space<semaphore_mem>>)
        %add3A_579 = arith.constant 80 : i32
        %add3A_580 = arith.addi %add3A_567, %add3A_579 : i32
        %dma_start3A_581 = arith.constant 1 : i32
        %dma_start3A_582 = arith.constant 0 : i32
        %dma_start3A_583 = tpu.memref_slice %arg7[%rem3A_564, %dma_start3A_581, %dma_start3A_582] : memref<3x4x80xi32, #tpu.memory_space<vmem>> -> memref<1x1x80xi32, #tpu.memory_space<vmem>>
        %dma_start3A_584 = tpu.memref_squeeze %dma_start3A_583 : memref<1x1x80xi32, #tpu.memory_space<vmem>> -> memref<80xi32, #tpu.memory_space<vmem>>
        %dma_start3A_585 = tpu.memref_slice %arg2[%add3A_580] : memref<320000xi32, #tpu.memory_space<hbm>> -> memref<80xi32, #tpu.memory_space<hbm>>
        %dma_start3A_586 = arith.constant 0 : i32
        %dma_start3A_587 = tpu.memref_slice %arg7[%rem3A_564, %dma_start3A_581, %dma_start3A_586] : memref<3x4x80xi32, #tpu.memory_space<vmem>> -> memref<1x1x80xi32, #tpu.memory_space<vmem>>
        %dma_start3A_588 = tpu.memref_squeeze %dma_start3A_587 : memref<1x1x80xi32, #tpu.memory_space<vmem>> -> memref<80xi32, #tpu.memory_space<vmem>>
        %dma_start3A_589 = tpu.memref_slice %arg2[%add3A_580] : memref<320000xi32, #tpu.memory_space<hbm>> -> memref<80xi32, #tpu.memory_space<hbm>>
        tpu.enqueue_dma source(%dma_start3A_589 : memref<80xi32, #tpu.memory_space<hbm>>) target(%dma_start3A_588 : memref<80xi32, #tpu.memory_space<vmem>>) target_semaphore(%arg19 : memref<!tpu.dma_semaphore, #tpu.memory_space<semaphore_mem>>)
        %add3A_590 = arith.constant 160 : i32
        %add3A_591 = arith.addi %add3A_567, %add3A_590 : i32
        %dma_start3A_592 = arith.constant 2 : i32
        %dma_start3A_593 = arith.constant 0 : i32
        %dma_start3A_594 = tpu.memref_slice %arg7[%rem3A_564, %dma_start3A_592, %dma_start3A_593] : memref<3x4x80xi32, #tpu.memory_space<vmem>> -> memref<1x1x80xi32, #tpu.memory_space<vmem>>
        %dma_start3A_595 = tpu.memref_squeeze %dma_start3A_594 : memref<1x1x80xi32, #tpu.memory_space<vmem>> -> memref<80xi32, #tpu.memory_space<vmem>>
        %dma_start3A_596 = tpu.memref_slice %arg2[%add3A_591] : memref<320000xi32, #tpu.memory_space<hbm>> -> memref<80xi32, #tpu.memory_space<hbm>>
        %dma_start3A_597 = arith.constant 0 : i32
        %dma_start3A_598 = tpu.memref_slice %arg7[%rem3A_564, %dma_start3A_592, %dma_start3A_597] : memref<3x4x80xi32, #tpu.memory_space<vmem>> -> memref<1x1x80xi32, #tpu.memory_space<vmem>>
        %dma_start3A_599 = tpu.memref_squeeze %dma_start3A_598 : memref<1x1x80xi32, #tpu.memory_space<vmem>> -> memref<80xi32, #tpu.memory_space<vmem>>
        %dma_start3A_600 = tpu.memref_slice %arg2[%add3A_591] : memref<320000xi32, #tpu.memory_space<hbm>> -> memref<80xi32, #tpu.memory_space<hbm>>
        tpu.enqueue_dma source(%dma_start3A_600 : memref<80xi32, #tpu.memory_space<hbm>>) target(%dma_start3A_599 : memref<80xi32, #tpu.memory_space<vmem>>) target_semaphore(%arg19 : memref<!tpu.dma_semaphore, #tpu.memory_space<semaphore_mem>>)
        %add3A_601 = arith.constant 240 : i32
        %add3A_602 = arith.addi %add3A_567, %add3A_601 : i32
        %dma_start3A_603 = arith.constant 3 : i32
        %dma_start3A_604 = arith.constant 0 : i32
        %dma_start3A_605 = tpu.memref_slice %arg7[%rem3A_564, %dma_start3A_603, %dma_start3A_604] : memref<3x4x80xi32, #tpu.memory_space<vmem>> -> memref<1x1x80xi32, #tpu.memory_space<vmem>>
        %dma_start3A_606 = tpu.memref_squeeze %dma_start3A_605 : memref<1x1x80xi32, #tpu.memory_space<vmem>> -> memref<80xi32, #tpu.memory_space<vmem>>
        %dma_start3A_607 = tpu.memref_slice %arg2[%add3A_602] : memref<320000xi32, #tpu.memory_space<hbm>> -> memref<80xi32, #tpu.memory_space<hbm>>
        %dma_start3A_608 = arith.constant 0 : i32
        %dma_start3A_609 = tpu.memref_slice %arg7[%rem3A_564, %dma_start3A_603, %dma_start3A_608] : memref<3x4x80xi32, #tpu.memory_space<vmem>> -> memref<1x1x80xi32, #tpu.memory_space<vmem>>
        %dma_start3A_610 = tpu.memref_squeeze %dma_start3A_609 : memref<1x1x80xi32, #tpu.memory_space<vmem>> -> memref<80xi32, #tpu.memory_space<vmem>>
        %dma_start3A_611 = tpu.memref_slice %arg2[%add3A_602] : memref<320000xi32, #tpu.memory_space<hbm>> -> memref<80xi32, #tpu.memory_space<hbm>>
        tpu.enqueue_dma source(%dma_start3A_611 : memref<80xi32, #tpu.memory_space<hbm>>) target(%dma_start3A_610 : memref<80xi32, #tpu.memory_space<vmem>>) target_semaphore(%arg19 : memref<!tpu.dma_semaphore, #tpu.memory_space<semaphore_mem>>)
        %add3A_612 = arith.constant 0 : i32
        %add3A_613 = arith.addi %add3A_567, %add3A_612 : i32
        %dma_start3A_614 = arith.constant 0 : i32
        %dma_start3A_615 = arith.constant 0 : i32
        %dma_start3A_616 = tpu.memref_slice %arg8[%rem3A_564, %dma_start3A_614, %dma_start3A_615] : memref<3x4x80xi32, #tpu.memory_space<vmem>> -> memref<1x1x80xi32, #tpu.memory_space<vmem>>
        %dma_start3A_617 = tpu.memref_squeeze %dma_start3A_616 : memref<1x1x80xi32, #tpu.memory_space<vmem>> -> memref<80xi32, #tpu.memory_space<vmem>>
        %dma_start3A_618 = tpu.memref_slice %arg3[%add3A_613] : memref<320000xi32, #tpu.memory_space<hbm>> -> memref<80xi32, #tpu.memory_space<hbm>>
        %dma_start3A_619 = arith.constant 0 : i32
        %dma_start3A_620 = tpu.memref_slice %arg8[%rem3A_564, %dma_start3A_614, %dma_start3A_619] : memref<3x4x80xi32, #tpu.memory_space<vmem>> -> memref<1x1x80xi32, #tpu.memory_space<vmem>>
        %dma_start3A_621 = tpu.memref_squeeze %dma_start3A_620 : memref<1x1x80xi32, #tpu.memory_space<vmem>> -> memref<80xi32, #tpu.memory_space<vmem>>
        %dma_start3A_622 = tpu.memref_slice %arg3[%add3A_613] : memref<320000xi32, #tpu.memory_space<hbm>> -> memref<80xi32, #tpu.memory_space<hbm>>
        tpu.enqueue_dma source(%dma_start3A_622 : memref<80xi32, #tpu.memory_space<hbm>>) target(%dma_start3A_621 : memref<80xi32, #tpu.memory_space<vmem>>) target_semaphore(%arg19 : memref<!tpu.dma_semaphore, #tpu.memory_space<semaphore_mem>>)
        %add3A_623 = arith.constant 80 : i32
        %add3A_624 = arith.addi %add3A_567, %add3A_623 : i32
        %dma_start3A_625 = arith.constant 1 : i32
        %dma_start3A_626 = arith.constant 0 : i32
        %dma_start3A_627 = tpu.memref_slice %arg8[%rem3A_564, %dma_start3A_625, %dma_start3A_626] : memref<3x4x80xi32, #tpu.memory_space<vmem>> -> memref<1x1x80xi32, #tpu.memory_space<vmem>>
        %dma_start3A_628 = tpu.memref_squeeze %dma_start3A_627 : memref<1x1x80xi32, #tpu.memory_space<vmem>> -> memref<80xi32, #tpu.memory_space<vmem>>
        %dma_start3A_629 = tpu.memref_slice %arg3[%add3A_624] : memref<320000xi32, #tpu.memory_space<hbm>> -> memref<80xi32, #tpu.memory_space<hbm>>
        %dma_start3A_630 = arith.constant 0 : i32
        %dma_start3A_631 = tpu.memref_slice %arg8[%rem3A_564, %dma_start3A_625, %dma_start3A_630] : memref<3x4x80xi32, #tpu.memory_space<vmem>> -> memref<1x1x80xi32, #tpu.memory_space<vmem>>
        %dma_start3A_632 = tpu.memref_squeeze %dma_start3A_631 : memref<1x1x80xi32, #tpu.memory_space<vmem>> -> memref<80xi32, #tpu.memory_space<vmem>>
        %dma_start3A_633 = tpu.memref_slice %arg3[%add3A_624] : memref<320000xi32, #tpu.memory_space<hbm>> -> memref<80xi32, #tpu.memory_space<hbm>>
        tpu.enqueue_dma source(%dma_start3A_633 : memref<80xi32, #tpu.memory_space<hbm>>) target(%dma_start3A_632 : memref<80xi32, #tpu.memory_space<vmem>>) target_semaphore(%arg19 : memref<!tpu.dma_semaphore, #tpu.memory_space<semaphore_mem>>)
        %add3A_634 = arith.constant 160 : i32
        %add3A_635 = arith.addi %add3A_567, %add3A_634 : i32
        %dma_start3A_636 = arith.constant 2 : i32
        %dma_start3A_637 = arith.constant 0 : i32
        %dma_start3A_638 = tpu.memref_slice %arg8[%rem3A_564, %dma_start3A_636, %dma_start3A_637] : memref<3x4x80xi32, #tpu.memory_space<vmem>> -> memref<1x1x80xi32, #tpu.memory_space<vmem>>
        %dma_start3A_639 = tpu.memref_squeeze %dma_start3A_638 : memref<1x1x80xi32, #tpu.memory_space<vmem>> -> memref<80xi32, #tpu.memory_space<vmem>>
        %dma_start3A_640 = tpu.memref_slice %arg3[%add3A_635] : memref<320000xi32, #tpu.memory_space<hbm>> -> memref<80xi32, #tpu.memory_space<hbm>>
        %dma_start3A_641 = arith.constant 0 : i32
        %dma_start3A_642 = tpu.memref_slice %arg8[%rem3A_564, %dma_start3A_636, %dma_start3A_641] : memref<3x4x80xi32, #tpu.memory_space<vmem>> -> memref<1x1x80xi32, #tpu.memory_space<vmem>>
        %dma_start3A_643 = tpu.memref_squeeze %dma_start3A_642 : memref<1x1x80xi32, #tpu.memory_space<vmem>> -> memref<80xi32, #tpu.memory_space<vmem>>
        %dma_start3A_644 = tpu.memref_slice %arg3[%add3A_635] : memref<320000xi32, #tpu.memory_space<hbm>> -> memref<80xi32, #tpu.memory_space<hbm>>
        tpu.enqueue_dma source(%dma_start3A_644 : memref<80xi32, #tpu.memory_space<hbm>>) target(%dma_start3A_643 : memref<80xi32, #tpu.memory_space<vmem>>) target_semaphore(%arg19 : memref<!tpu.dma_semaphore, #tpu.memory_space<semaphore_mem>>)
        %add3A_645 = arith.constant 240 : i32
        %add3A_646 = arith.addi %add3A_567, %add3A_645 : i32
        %dma_start3A_647 = arith.constant 3 : i32
        %dma_start3A_648 = arith.constant 0 : i32
        %dma_start3A_649 = tpu.memref_slice %arg8[%rem3A_564, %dma_start3A_647, %dma_start3A_648] : memref<3x4x80xi32, #tpu.memory_space<vmem>> -> memref<1x1x80xi32, #tpu.memory_space<vmem>>
        %dma_start3A_650 = tpu.memref_squeeze %dma_start3A_649 : memref<1x1x80xi32, #tpu.memory_space<vmem>> -> memref<80xi32, #tpu.memory_space<vmem>>
        %dma_start3A_651 = tpu.memref_slice %arg3[%add3A_646] : memref<320000xi32, #tpu.memory_space<hbm>> -> memref<80xi32, #tpu.memory_space<hbm>>
        %dma_start3A_652 = arith.constant 0 : i32
        %dma_start3A_653 = tpu.memref_slice %arg8[%rem3A_564, %dma_start3A_647, %dma_start3A_652] : memref<3x4x80xi32, #tpu.memory_space<vmem>> -> memref<1x1x80xi32, #tpu.memory_space<vmem>>
        %dma_start3A_654 = tpu.memref_squeeze %dma_start3A_653 : memref<1x1x80xi32, #tpu.memory_space<vmem>> -> memref<80xi32, #tpu.memory_space<vmem>>
        %dma_start3A_655 = tpu.memref_slice %arg3[%add3A_646] : memref<320000xi32, #tpu.memory_space<hbm>> -> memref<80xi32, #tpu.memory_space<hbm>>
        tpu.enqueue_dma source(%dma_start3A_655 : memref<80xi32, #tpu.memory_space<hbm>>) target(%dma_start3A_654 : memref<80xi32, #tpu.memory_space<vmem>>) target_semaphore(%arg19 : memref<!tpu.dma_semaphore, #tpu.memory_space<semaphore_mem>>)
      } else {
      }
      %add3A_463 = arith.constant 2 : i32
      %add3A_464 = arith.addi %scan3A_339, %add3A_463 : i32
      %lt3A_465 = arith.constant 31 : i32
      %lt3A_466 = arith.cmpi slt, %add3A_464, %lt3A_465 : i32
      %not3A_467 = arith.constant true
      %not3A_468 = arith.xori %eq3A_349, %not3A_467 : i1
      %and3A_469 = arith.andi %lt3A_466, %not3A_468 : i1
      %convert_element_type3A_470 = arith.extui %and3A_469 : i1 to i32
      %cond3A_471 = arith.constant 0 : i32
      %cond3A_472 = arith.cmpi ne, %convert_element_type3A_470, %cond3A_471 : i32
      scf.if %cond3A_472 {
        %add3A_561 = arith.constant 2 : i32
        %add3A_562 = arith.addi %scan3A_339, %add3A_561 : i32
        %rem3A_563 = arith.constant 3 : i32
        %rem3A_564 = arith.remsi %add3A_562, %rem3A_563 : i32
        %mul3A_565 = arith.constant 320 : i32
        %mul3A_566 = arith.muli %add3A_562, %mul3A_565 : i32
        %add3A_567 = arith.addi %mul3A_2, %mul3A_566 : i32
        %add3A_568 = arith.constant 0 : i32
        %add3A_569 = arith.addi %add3A_567, %add3A_568 : i32
        %dma_start3A_570 = arith.constant 0 : i32
        %dma_start3A_571 = arith.constant 0 : i32
        %dma_start3A_572 = tpu.memref_slice %arg7[%rem3A_564, %dma_start3A_570, %dma_start3A_571] : memref<3x4x80xi32, #tpu.memory_space<vmem>> -> memref<1x1x80xi32, #tpu.memory_space<vmem>>
        %dma_start3A_573 = tpu.memref_squeeze %dma_start3A_572 : memref<1x1x80xi32, #tpu.memory_space<vmem>> -> memref<80xi32, #tpu.memory_space<vmem>>
        %dma_start3A_574 = tpu.memref_slice %arg2[%add3A_569] : memref<320000xi32, #tpu.memory_space<hbm>> -> memref<80xi32, #tpu.memory_space<hbm>>
        %dma_start3A_575 = arith.constant 0 : i32
        %dma_start3A_576 = tpu.memref_slice %arg7[%rem3A_564, %dma_start3A_570, %dma_start3A_575] : memref<3x4x80xi32, #tpu.memory_space<vmem>> -> memref<1x1x80xi32, #tpu.memory_space<vmem>>
        %dma_start3A_577 = tpu.memref_squeeze %dma_start3A_576 : memref<1x1x80xi32, #tpu.memory_space<vmem>> -> memref<80xi32, #tpu.memory_space<vmem>>
        %dma_start3A_578 = tpu.memref_slice %arg2[%add3A_569] : memref<320000xi32, #tpu.memory_space<hbm>> -> memref<80xi32, #tpu.memory_space<hbm>>
        tpu.enqueue_dma source(%dma_start3A_578 : memref<80xi32, #tpu.memory_space<hbm>>) target(%dma_start3A_577 : memref<80xi32, #tpu.memory_space<vmem>>) target_semaphore(%arg20 : memref<!tpu.dma_semaphore, #tpu.memory_space<semaphore_mem>>)
        %add3A_579 = arith.constant 80 : i32
        %add3A_580 = arith.addi %add3A_567, %add3A_579 : i32
        %dma_start3A_581 = arith.constant 1 : i32
        %dma_start3A_582 = arith.constant 0 : i32
        %dma_start3A_583 = tpu.memref_slice %arg7[%rem3A_564, %dma_start3A_581, %dma_start3A_582] : memref<3x4x80xi32, #tpu.memory_space<vmem>> -> memref<1x1x80xi32, #tpu.memory_space<vmem>>
        %dma_start3A_584 = tpu.memref_squeeze %dma_start3A_583 : memref<1x1x80xi32, #tpu.memory_space<vmem>> -> memref<80xi32, #tpu.memory_space<vmem>>
        %dma_start3A_585 = tpu.memref_slice %arg2[%add3A_580] : memref<320000xi32, #tpu.memory_space<hbm>> -> memref<80xi32, #tpu.memory_space<hbm>>
        %dma_start3A_586 = arith.constant 0 : i32
        %dma_start3A_587 = tpu.memref_slice %arg7[%rem3A_564, %dma_start3A_581, %dma_start3A_586] : memref<3x4x80xi32, #tpu.memory_space<vmem>> -> memref<1x1x80xi32, #tpu.memory_space<vmem>>
        %dma_start3A_588 = tpu.memref_squeeze %dma_start3A_587 : memref<1x1x80xi32, #tpu.memory_space<vmem>> -> memref<80xi32, #tpu.memory_space<vmem>>
        %dma_start3A_589 = tpu.memref_slice %arg2[%add3A_580] : memref<320000xi32, #tpu.memory_space<hbm>> -> memref<80xi32, #tpu.memory_space<hbm>>
        tpu.enqueue_dma source(%dma_start3A_589 : memref<80xi32, #tpu.memory_space<hbm>>) target(%dma_start3A_588 : memref<80xi32, #tpu.memory_space<vmem>>) target_semaphore(%arg20 : memref<!tpu.dma_semaphore, #tpu.memory_space<semaphore_mem>>)
        %add3A_590 = arith.constant 160 : i32
        %add3A_591 = arith.addi %add3A_567, %add3A_590 : i32
        %dma_start3A_592 = arith.constant 2 : i32
        %dma_start3A_593 = arith.constant 0 : i32
        %dma_start3A_594 = tpu.memref_slice %arg7[%rem3A_564, %dma_start3A_592, %dma_start3A_593] : memref<3x4x80xi32, #tpu.memory_space<vmem>> -> memref<1x1x80xi32, #tpu.memory_space<vmem>>
        %dma_start3A_595 = tpu.memref_squeeze %dma_start3A_594 : memref<1x1x80xi32, #tpu.memory_space<vmem>> -> memref<80xi32, #tpu.memory_space<vmem>>
        %dma_start3A_596 = tpu.memref_slice %arg2[%add3A_591] : memref<320000xi32, #tpu.memory_space<hbm>> -> memref<80xi32, #tpu.memory_space<hbm>>
        %dma_start3A_597 = arith.constant 0 : i32
        %dma_start3A_598 = tpu.memref_slice %arg7[%rem3A_564, %dma_start3A_592, %dma_start3A_597] : memref<3x4x80xi32, #tpu.memory_space<vmem>> -> memref<1x1x80xi32, #tpu.memory_space<vmem>>
        %dma_start3A_599 = tpu.memref_squeeze %dma_start3A_598 : memref<1x1x80xi32, #tpu.memory_space<vmem>> -> memref<80xi32, #tpu.memory_space<vmem>>
        %dma_start3A_600 = tpu.memref_slice %arg2[%add3A_591] : memref<320000xi32, #tpu.memory_space<hbm>> -> memref<80xi32, #tpu.memory_space<hbm>>
        tpu.enqueue_dma source(%dma_start3A_600 : memref<80xi32, #tpu.memory_space<hbm>>) target(%dma_start3A_599 : memref<80xi32, #tpu.memory_space<vmem>>) target_semaphore(%arg20 : memref<!tpu.dma_semaphore, #tpu.memory_space<semaphore_mem>>)
        %add3A_601 = arith.constant 240 : i32
        %add3A_602 = arith.addi %add3A_567, %add3A_601 : i32
        %dma_start3A_603 = arith.constant 3 : i32
        %dma_start3A_604 = arith.constant 0 : i32
        %dma_start3A_605 = tpu.memref_slice %arg7[%rem3A_564, %dma_start3A_603, %dma_start3A_604] : memref<3x4x80xi32, #tpu.memory_space<vmem>> -> memref<1x1x80xi32, #tpu.memory_space<vmem>>
        %dma_start3A_606 = tpu.memref_squeeze %dma_start3A_605 : memref<1x1x80xi32, #tpu.memory_space<vmem>> -> memref<80xi32, #tpu.memory_space<vmem>>
        %dma_start3A_607 = tpu.memref_slice %arg2[%add3A_602] : memref<320000xi32, #tpu.memory_space<hbm>> -> memref<80xi32, #tpu.memory_space<hbm>>
        %dma_start3A_608 = arith.constant 0 : i32
        %dma_start3A_609 = tpu.memref_slice %arg7[%rem3A_564, %dma_start3A_603, %dma_start3A_608] : memref<3x4x80xi32, #tpu.memory_space<vmem>> -> memref<1x1x80xi32, #tpu.memory_space<vmem>>
        %dma_start3A_610 = tpu.memref_squeeze %dma_start3A_609 : memref<1x1x80xi32, #tpu.memory_space<vmem>> -> memref<80xi32, #tpu.memory_space<vmem>>
        %dma_start3A_611 = tpu.memref_slice %arg2[%add3A_602] : memref<320000xi32, #tpu.memory_space<hbm>> -> memref<80xi32, #tpu.memory_space<hbm>>
        tpu.enqueue_dma source(%dma_start3A_611 : memref<80xi32, #tpu.memory_space<hbm>>) target(%dma_start3A_610 : memref<80xi32, #tpu.memory_space<vmem>>) target_semaphore(%arg20 : memref<!tpu.dma_semaphore, #tpu.memory_space<semaphore_mem>>)
        %add3A_612 = arith.constant 0 : i32
        %add3A_613 = arith.addi %add3A_567, %add3A_612 : i32
        %dma_start3A_614 = arith.constant 0 : i32
        %dma_start3A_615 = arith.constant 0 : i32
        %dma_start3A_616 = tpu.memref_slice %arg8[%rem3A_564, %dma_start3A_614, %dma_start3A_615] : memref<3x4x80xi32, #tpu.memory_space<vmem>> -> memref<1x1x80xi32, #tpu.memory_space<vmem>>
        %dma_start3A_617 = tpu.memref_squeeze %dma_start3A_616 : memref<1x1x80xi32, #tpu.memory_space<vmem>> -> memref<80xi32, #tpu.memory_space<vmem>>
        %dma_start3A_618 = tpu.memref_slice %arg3[%add3A_613] : memref<320000xi32, #tpu.memory_space<hbm>> -> memref<80xi32, #tpu.memory_space<hbm>>
        %dma_start3A_619 = arith.constant 0 : i32
        %dma_start3A_620 = tpu.memref_slice %arg8[%rem3A_564, %dma_start3A_614, %dma_start3A_619] : memref<3x4x80xi32, #tpu.memory_space<vmem>> -> memref<1x1x80xi32, #tpu.memory_space<vmem>>
        %dma_start3A_621 = tpu.memref_squeeze %dma_start3A_620 : memref<1x1x80xi32, #tpu.memory_space<vmem>> -> memref<80xi32, #tpu.memory_space<vmem>>
        %dma_start3A_622 = tpu.memref_slice %arg3[%add3A_613] : memref<320000xi32, #tpu.memory_space<hbm>> -> memref<80xi32, #tpu.memory_space<hbm>>
        tpu.enqueue_dma source(%dma_start3A_622 : memref<80xi32, #tpu.memory_space<hbm>>) target(%dma_start3A_621 : memref<80xi32, #tpu.memory_space<vmem>>) target_semaphore(%arg20 : memref<!tpu.dma_semaphore, #tpu.memory_space<semaphore_mem>>)
        %add3A_623 = arith.constant 80 : i32
        %add3A_624 = arith.addi %add3A_567, %add3A_623 : i32
        %dma_start3A_625 = arith.constant 1 : i32
        %dma_start3A_626 = arith.constant 0 : i32
        %dma_start3A_627 = tpu.memref_slice %arg8[%rem3A_564, %dma_start3A_625, %dma_start3A_626] : memref<3x4x80xi32, #tpu.memory_space<vmem>> -> memref<1x1x80xi32, #tpu.memory_space<vmem>>
        %dma_start3A_628 = tpu.memref_squeeze %dma_start3A_627 : memref<1x1x80xi32, #tpu.memory_space<vmem>> -> memref<80xi32, #tpu.memory_space<vmem>>
        %dma_start3A_629 = tpu.memref_slice %arg3[%add3A_624] : memref<320000xi32, #tpu.memory_space<hbm>> -> memref<80xi32, #tpu.memory_space<hbm>>
        %dma_start3A_630 = arith.constant 0 : i32
        %dma_start3A_631 = tpu.memref_slice %arg8[%rem3A_564, %dma_start3A_625, %dma_start3A_630] : memref<3x4x80xi32, #tpu.memory_space<vmem>> -> memref<1x1x80xi32, #tpu.memory_space<vmem>>
        %dma_start3A_632 = tpu.memref_squeeze %dma_start3A_631 : memref<1x1x80xi32, #tpu.memory_space<vmem>> -> memref<80xi32, #tpu.memory_space<vmem>>
        %dma_start3A_633 = tpu.memref_slice %arg3[%add3A_624] : memref<320000xi32, #tpu.memory_space<hbm>> -> memref<80xi32, #tpu.memory_space<hbm>>
        tpu.enqueue_dma source(%dma_start3A_633 : memref<80xi32, #tpu.memory_space<hbm>>) target(%dma_start3A_632 : memref<80xi32, #tpu.memory_space<vmem>>) target_semaphore(%arg20 : memref<!tpu.dma_semaphore, #tpu.memory_space<semaphore_mem>>)
        %add3A_634 = arith.constant 160 : i32
        %add3A_635 = arith.addi %add3A_567, %add3A_634 : i32
        %dma_start3A_636 = arith.constant 2 : i32
        %dma_start3A_637 = arith.constant 0 : i32
        %dma_start3A_638 = tpu.memref_slice %arg8[%rem3A_564, %dma_start3A_636, %dma_start3A_637] : memref<3x4x80xi32, #tpu.memory_space<vmem>> -> memref<1x1x80xi32, #tpu.memory_space<vmem>>
        %dma_start3A_639 = tpu.memref_squeeze %dma_start3A_638 : memref<1x1x80xi32, #tpu.memory_space<vmem>> -> memref<80xi32, #tpu.memory_space<vmem>>
        %dma_start3A_640 = tpu.memref_slice %arg3[%add3A_635] : memref<320000xi32, #tpu.memory_space<hbm>> -> memref<80xi32, #tpu.memory_space<hbm>>
        %dma_start3A_641 = arith.constant 0 : i32
        %dma_start3A_642 = tpu.memref_slice %arg8[%rem3A_564, %dma_start3A_636, %dma_start3A_641] : memref<3x4x80xi32, #tpu.memory_space<vmem>> -> memref<1x1x80xi32, #tpu.memory_space<vmem>>
        %dma_start3A_643 = tpu.memref_squeeze %dma_start3A_642 : memref<1x1x80xi32, #tpu.memory_space<vmem>> -> memref<80xi32, #tpu.memory_space<vmem>>
        %dma_start3A_644 = tpu.memref_slice %arg3[%add3A_635] : memref<320000xi32, #tpu.memory_space<hbm>> -> memref<80xi32, #tpu.memory_space<hbm>>
        tpu.enqueue_dma source(%dma_start3A_644 : memref<80xi32, #tpu.memory_space<hbm>>) target(%dma_start3A_643 : memref<80xi32, #tpu.memory_space<vmem>>) target_semaphore(%arg20 : memref<!tpu.dma_semaphore, #tpu.memory_space<semaphore_mem>>)
        %add3A_645 = arith.constant 240 : i32
        %add3A_646 = arith.addi %add3A_567, %add3A_645 : i32
        %dma_start3A_647 = arith.constant 3 : i32
        %dma_start3A_648 = arith.constant 0 : i32
        %dma_start3A_649 = tpu.memref_slice %arg8[%rem3A_564, %dma_start3A_647, %dma_start3A_648] : memref<3x4x80xi32, #tpu.memory_space<vmem>> -> memref<1x1x80xi32, #tpu.memory_space<vmem>>
        %dma_start3A_650 = tpu.memref_squeeze %dma_start3A_649 : memref<1x1x80xi32, #tpu.memory_space<vmem>> -> memref<80xi32, #tpu.memory_space<vmem>>
        %dma_start3A_651 = tpu.memref_slice %arg3[%add3A_646] : memref<320000xi32, #tpu.memory_space<hbm>> -> memref<80xi32, #tpu.memory_space<hbm>>
        %dma_start3A_652 = arith.constant 0 : i32
        %dma_start3A_653 = tpu.memref_slice %arg8[%rem3A_564, %dma_start3A_647, %dma_start3A_652] : memref<3x4x80xi32, #tpu.memory_space<vmem>> -> memref<1x1x80xi32, #tpu.memory_space<vmem>>
        %dma_start3A_654 = tpu.memref_squeeze %dma_start3A_653 : memref<1x1x80xi32, #tpu.memory_space<vmem>> -> memref<80xi32, #tpu.memory_space<vmem>>
        %dma_start3A_655 = tpu.memref_slice %arg3[%add3A_646] : memref<320000xi32, #tpu.memory_space<hbm>> -> memref<80xi32, #tpu.memory_space<hbm>>
        tpu.enqueue_dma source(%dma_start3A_655 : memref<80xi32, #tpu.memory_space<hbm>>) target(%dma_start3A_654 : memref<80xi32, #tpu.memory_space<vmem>>) target_semaphore(%arg20 : memref<!tpu.dma_semaphore, #tpu.memory_space<semaphore_mem>>)
      } else {
      }
      %dma_start3A_473 = arith.constant 0 : i32
      %dma_start3A_474 = arith.constant 0 : i32
      %dma_start3A_475 = arith.constant 0 : i32
      %dma_start3A_476 = arith.constant 0 : i32
      %dma_start3A_477 = tpu.memref_slice %arg9[%dma_start3A_474, %dma_start3A_475, %dma_start3A_476] : memref<4x80x128xf32, #tpu.memory_space<vmem>> -> memref<1x80x128xf32, #tpu.memory_space<vmem>>
      %dma_start3A_478 = tpu.memref_squeeze %dma_start3A_477 : memref<1x80x128xf32, #tpu.memory_space<vmem>> -> memref<80x128xf32, #tpu.memory_space<vmem>>
      %dma_start3A_479 = arith.constant 0 : i32
      %dma_start3A_480 = tpu.memref_slice %arg7[%rem3A_346, %dma_start3A_473, %dma_start3A_479] : memref<3x4x80xi32, #tpu.memory_space<vmem>> -> memref<1x1x80xi32, #tpu.memory_space<vmem>>
      %dma_start3A_481 = tpu.memref_squeeze %dma_start3A_480 : memref<1x1x80xi32, #tpu.memory_space<vmem>> -> memref<80xi32, #tpu.memory_space<vmem>>
      %dma_start3A_482 = arith.constant 0 : i32
      %dma_start3A_483 = arith.constant 0 : i32
      %dma_start3A_484 = tpu.memref_slice %arg4[%dma_start3A_482, %dma_start3A_483] : memref<10240x128xf32, #tpu.memory_space<hbm>> -> memref<10240x128xf32, #tpu.memory_space<hbm>>
      tpu.enqueue_indirect_dma source(%dma_start3A_484 : memref<10240x128xf32, #tpu.memory_space<hbm>>) target(%dma_start3A_478 : memref<80x128xf32, #tpu.memory_space<vmem>>) offsets(%dma_start3A_481 : memref<80xi32, #tpu.memory_space<vmem>>) semaphore(%arg11 : memref<!tpu.dma_semaphore, #tpu.memory_space<semaphore_mem>>)
      %dma_wait3A_485 = arith.constant 0 : i32
      %dma_wait3A_486 = arith.constant 0 : i32
      %dma_wait3A_487 = arith.constant 2 : i32
      %dma_wait3A_488 = arith.constant 0 : i32
      %dma_wait3A_489 = arith.constant 0 : i32
      %dma_wait3A_490 = tpu.memref_slice %arg9[%dma_wait3A_487, %dma_wait3A_488, %dma_wait3A_489] : memref<4x80x128xf32, #tpu.memory_space<vmem>> -> memref<1x80x128xf32, #tpu.memory_space<vmem>>
      %dma_wait3A_491 = tpu.memref_squeeze %dma_wait3A_490 : memref<1x80x128xf32, #tpu.memory_space<vmem>> -> memref<80x128xf32, #tpu.memory_space<vmem>>
      %dma_wait3A_492 = arith.constant 0 : i32
      %dma_wait3A_493 = tpu.memref_slice %arg7[%dma_wait3A_485, %dma_wait3A_486, %dma_wait3A_492] : memref<3x4x80xi32, #tpu.memory_space<vmem>> -> memref<1x1x80xi32, #tpu.memory_space<vmem>>
      %dma_wait3A_494 = tpu.memref_squeeze %dma_wait3A_493 : memref<1x1x80xi32, #tpu.memory_space<vmem>> -> memref<80xi32, #tpu.memory_space<vmem>>
      %dma_wait3A_495 = arith.constant 0 : i32
      %dma_wait3A_496 = arith.constant 0 : i32
      %dma_wait3A_497 = tpu.memref_slice %arg4[%dma_wait3A_495, %dma_wait3A_496] : memref<10240x128xf32, #tpu.memory_space<hbm>> -> memref<10240x128xf32, #tpu.memory_space<hbm>>
      tpu.wait_indirect_dma semaphore(%arg13 : memref<!tpu.dma_semaphore, #tpu.memory_space<semaphore_mem>>) src(%dma_wait3A_497 : memref<10240x128xf32, #tpu.memory_space<hbm>>) dst(%dma_wait3A_491 : memref<80x128xf32, #tpu.memory_space<vmem>>)
      %dma_start3A_498 = arith.constant 2 : i32
      %dma_start3A_499 = arith.constant 2 : i32
      %dma_start3A_500 = arith.constant 0 : i32
      %dma_start3A_501 = arith.constant 0 : i32
      %dma_start3A_502 = tpu.memref_slice %arg9[%dma_start3A_498, %dma_start3A_500, %dma_start3A_501] : memref<4x80x128xf32, #tpu.memory_space<vmem>> -> memref<1x80x128xf32, #tpu.memory_space<vmem>>
      %dma_start3A_503 = tpu.memref_squeeze %dma_start3A_502 : memref<1x80x128xf32, #tpu.memory_space<vmem>> -> memref<80x128xf32, #tpu.memory_space<vmem>>
      %dma_start3A_504 = arith.constant 0 : i32
      %dma_start3A_505 = tpu.memref_slice %arg8[%rem3A_342, %dma_start3A_499, %dma_start3A_504] : memref<3x4x80xi32, #tpu.memory_space<vmem>> -> memref<1x1x80xi32, #tpu.memory_space<vmem>>
      %dma_start3A_506 = tpu.memref_squeeze %dma_start3A_505 : memref<1x1x80xi32, #tpu.memory_space<vmem>> -> memref<80xi32, #tpu.memory_space<vmem>>
      %dma_start3A_507 = arith.constant 0 : i32
      %dma_start3A_508 = arith.constant 0 : i32
      %dma_start3A_509 = tpu.memref_slice %arg10[%dma_start3A_507, %dma_start3A_508] : memref<10240x128xf32, #tpu.memory_space<vmem_shared>> -> memref<10240x128xf32, #tpu.memory_space<vmem_shared>>
      tpu.enqueue_indirect_dma source(%dma_start3A_503 : memref<80x128xf32, #tpu.memory_space<vmem>>) target(%dma_start3A_509 : memref<10240x128xf32, #tpu.memory_space<vmem_shared>>) offsets(%dma_start3A_506 : memref<80xi32, #tpu.memory_space<vmem>>) semaphore(%arg17 : memref<!tpu.dma_semaphore, #tpu.memory_space<semaphore_mem>>) {add = true}
      %dma_wait3A_510 = arith.constant 1 : i32
      %dma_wait3A_511 = arith.constant 0 : i32
      %dma_wait3A_512 = arith.constant 0 : i32
      %dma_wait3A_513 = arith.constant 0 : i32
      %dma_wait3A_514 = arith.constant 0 : i32
      %dma_wait3A_515 = tpu.memref_slice %arg9[%dma_wait3A_510, %dma_wait3A_513, %dma_wait3A_514] : memref<4x80x128xf32, #tpu.memory_space<vmem>> -> memref<1x80x128xf32, #tpu.memory_space<vmem>>
      %dma_wait3A_516 = tpu.memref_squeeze %dma_wait3A_515 : memref<1x80x128xf32, #tpu.memory_space<vmem>> -> memref<80x128xf32, #tpu.memory_space<vmem>>
      %dma_wait3A_517 = arith.constant 0 : i32
      %dma_wait3A_518 = tpu.memref_slice %arg8[%dma_wait3A_511, %dma_wait3A_512, %dma_wait3A_517] : memref<3x4x80xi32, #tpu.memory_space<vmem>> -> memref<1x1x80xi32, #tpu.memory_space<vmem>>
      %dma_wait3A_519 = tpu.memref_squeeze %dma_wait3A_518 : memref<1x1x80xi32, #tpu.memory_space<vmem>> -> memref<80xi32, #tpu.memory_space<vmem>>
      %dma_wait3A_520 = arith.constant 0 : i32
      %dma_wait3A_521 = arith.constant 0 : i32
      %dma_wait3A_522 = tpu.memref_slice %arg10[%dma_wait3A_520, %dma_wait3A_521] : memref<10240x128xf32, #tpu.memory_space<vmem_shared>> -> memref<10240x128xf32, #tpu.memory_space<vmem_shared>>
      tpu.wait_indirect_dma semaphore(%arg16 : memref<!tpu.dma_semaphore, #tpu.memory_space<semaphore_mem>>) src(%dma_wait3A_516 : memref<80x128xf32, #tpu.memory_space<vmem>>) dst(%dma_wait3A_522 : memref<10240x128xf32, #tpu.memory_space<vmem_shared>>)
      %dma_start3A_523 = arith.constant 1 : i32
      %dma_start3A_524 = arith.constant 1 : i32
      %dma_start3A_525 = arith.constant 0 : i32
      %dma_start3A_526 = arith.constant 0 : i32
      %dma_start3A_527 = tpu.memref_slice %arg9[%dma_start3A_524, %dma_start3A_525, %dma_start3A_526] : memref<4x80x128xf32, #tpu.memory_space<vmem>> -> memref<1x80x128xf32, #tpu.memory_space<vmem>>
      %dma_start3A_528 = tpu.memref_squeeze %dma_start3A_527 : memref<1x80x128xf32, #tpu.memory_space<vmem>> -> memref<80x128xf32, #tpu.memory_space<vmem>>
      %dma_start3A_529 = arith.constant 0 : i32
      %dma_start3A_530 = tpu.memref_slice %arg7[%rem3A_346, %dma_start3A_523, %dma_start3A_529] : memref<3x4x80xi32, #tpu.memory_space<vmem>> -> memref<1x1x80xi32, #tpu.memory_space<vmem>>
      %dma_start3A_531 = tpu.memref_squeeze %dma_start3A_530 : memref<1x1x80xi32, #tpu.memory_space<vmem>> -> memref<80xi32, #tpu.memory_space<vmem>>
      %dma_start3A_532 = arith.constant 0 : i32
      %dma_start3A_533 = arith.constant 0 : i32
      %dma_start3A_534 = tpu.memref_slice %arg4[%dma_start3A_532, %dma_start3A_533] : memref<10240x128xf32, #tpu.memory_space<hbm>> -> memref<10240x128xf32, #tpu.memory_space<hbm>>
      tpu.enqueue_indirect_dma source(%dma_start3A_534 : memref<10240x128xf32, #tpu.memory_space<hbm>>) target(%dma_start3A_528 : memref<80x128xf32, #tpu.memory_space<vmem>>) offsets(%dma_start3A_531 : memref<80xi32, #tpu.memory_space<vmem>>) semaphore(%arg12 : memref<!tpu.dma_semaphore, #tpu.memory_space<semaphore_mem>>)
      %dma_wait3A_535 = arith.constant 0 : i32
      %dma_wait3A_536 = arith.constant 0 : i32
      %dma_wait3A_537 = arith.constant 3 : i32
      %dma_wait3A_538 = arith.constant 0 : i32
      %dma_wait3A_539 = arith.constant 0 : i32
      %dma_wait3A_540 = tpu.memref_slice %arg9[%dma_wait3A_537, %dma_wait3A_538, %dma_wait3A_539] : memref<4x80x128xf32, #tpu.memory_space<vmem>> -> memref<1x80x128xf32, #tpu.memory_space<vmem>>
      %dma_wait3A_541 = tpu.memref_squeeze %dma_wait3A_540 : memref<1x80x128xf32, #tpu.memory_space<vmem>> -> memref<80x128xf32, #tpu.memory_space<vmem>>
      %dma_wait3A_542 = arith.constant 0 : i32
      %dma_wait3A_543 = tpu.memref_slice %arg7[%dma_wait3A_535, %dma_wait3A_536, %dma_wait3A_542] : memref<3x4x80xi32, #tpu.memory_space<vmem>> -> memref<1x1x80xi32, #tpu.memory_space<vmem>>
      %dma_wait3A_544 = tpu.memref_squeeze %dma_wait3A_543 : memref<1x1x80xi32, #tpu.memory_space<vmem>> -> memref<80xi32, #tpu.memory_space<vmem>>
      %dma_wait3A_545 = arith.constant 0 : i32
      %dma_wait3A_546 = arith.constant 0 : i32
      %dma_wait3A_547 = tpu.memref_slice %arg4[%dma_wait3A_545, %dma_wait3A_546] : memref<10240x128xf32, #tpu.memory_space<hbm>> -> memref<10240x128xf32, #tpu.memory_space<hbm>>
      tpu.wait_indirect_dma semaphore(%arg14 : memref<!tpu.dma_semaphore, #tpu.memory_space<semaphore_mem>>) src(%dma_wait3A_547 : memref<10240x128xf32, #tpu.memory_space<hbm>>) dst(%dma_wait3A_541 : memref<80x128xf32, #tpu.memory_space<vmem>>)
      %dma_start3A_548 = arith.constant 3 : i32
      %dma_start3A_549 = arith.constant 3 : i32
      %dma_start3A_550 = arith.constant 0 : i32
      %dma_start3A_551 = arith.constant 0 : i32
      %dma_start3A_552 = tpu.memref_slice %arg9[%dma_start3A_548, %dma_start3A_550, %dma_start3A_551] : memref<4x80x128xf32, #tpu.memory_space<vmem>> -> memref<1x80x128xf32, #tpu.memory_space<vmem>>
      %dma_start3A_553 = tpu.memref_squeeze %dma_start3A_552 : memref<1x80x128xf32, #tpu.memory_space<vmem>> -> memref<80x128xf32, #tpu.memory_space<vmem>>
      %dma_start3A_554 = arith.constant 0 : i32
      %dma_start3A_555 = tpu.memref_slice %arg8[%rem3A_342, %dma_start3A_549, %dma_start3A_554] : memref<3x4x80xi32, #tpu.memory_space<vmem>> -> memref<1x1x80xi32, #tpu.memory_space<vmem>>
      %dma_start3A_556 = tpu.memref_squeeze %dma_start3A_555 : memref<1x1x80xi32, #tpu.memory_space<vmem>> -> memref<80xi32, #tpu.memory_space<vmem>>
      %dma_start3A_557 = arith.constant 0 : i32
      %dma_start3A_558 = arith.constant 0 : i32
      %dma_start3A_559 = tpu.memref_slice %arg10[%dma_start3A_557, %dma_start3A_558] : memref<10240x128xf32, #tpu.memory_space<vmem_shared>> -> memref<10240x128xf32, #tpu.memory_space<vmem_shared>>
      tpu.enqueue_indirect_dma source(%dma_start3A_553 : memref<80x128xf32, #tpu.memory_space<vmem>>) target(%dma_start3A_559 : memref<10240x128xf32, #tpu.memory_space<vmem_shared>>) offsets(%dma_start3A_556 : memref<80xi32, #tpu.memory_space<vmem>>) semaphore(%arg18 : memref<!tpu.dma_semaphore, #tpu.memory_space<semaphore_mem>>) {add = true}
      %scan3A_560 = arith.constant 0 : i32
      scf.yield %scan3A_560 : i32
    }
    %scan3A_251 = arith.constant 31 : i32
    %dma_wait3A = arith.constant 2 : i32
    %dma_wait3A_252 = arith.constant 0 : i32
    %dma_wait3A_253 = arith.constant 0 : i32
    %dma_wait3A_254 = arith.constant 0 : i32
    %dma_wait3A_255 = arith.constant 0 : i32
    %dma_wait3A_256 = tpu.memref_slice %arg9[%dma_wait3A, %dma_wait3A_254, %dma_wait3A_255] : memref<4x80x128xf32, #tpu.memory_space<vmem>> -> memref<1x80x128xf32, #tpu.memory_space<vmem>>
    %dma_wait3A_257 = tpu.memref_squeeze %dma_wait3A_256 : memref<1x80x128xf32, #tpu.memory_space<vmem>> -> memref<80x128xf32, #tpu.memory_space<vmem>>
    %dma_wait3A_258 = arith.constant 0 : i32
    %dma_wait3A_259 = tpu.memref_slice %arg8[%dma_wait3A_252, %dma_wait3A_253, %dma_wait3A_258] : memref<3x4x80xi32, #tpu.memory_space<vmem>> -> memref<1x1x80xi32, #tpu.memory_space<vmem>>
    %dma_wait3A_260 = tpu.memref_squeeze %dma_wait3A_259 : memref<1x1x80xi32, #tpu.memory_space<vmem>> -> memref<80xi32, #tpu.memory_space<vmem>>
    %dma_wait3A_261 = arith.constant 0 : i32
    %dma_wait3A_262 = arith.constant 0 : i32
    %dma_wait3A_263 = tpu.memref_slice %arg10[%dma_wait3A_261, %dma_wait3A_262] : memref<10240x128xf32, #tpu.memory_space<vmem_shared>> -> memref<10240x128xf32, #tpu.memory_space<vmem_shared>>
    tpu.wait_indirect_dma semaphore(%arg17 : memref<!tpu.dma_semaphore, #tpu.memory_space<semaphore_mem>>) src(%dma_wait3A_257 : memref<80x128xf32, #tpu.memory_space<vmem>>) dst(%dma_wait3A_263 : memref<10240x128xf32, #tpu.memory_space<vmem_shared>>)
    %dma_wait3A_264 = arith.constant 3 : i32
    %dma_wait3A_265 = arith.constant 0 : i32
    %dma_wait3A_266 = arith.constant 0 : i32
    %dma_wait3A_267 = arith.constant 0 : i32
    %dma_wait3A_268 = arith.constant 0 : i32
    %dma_wait3A_269 = tpu.memref_slice %arg9[%dma_wait3A_264, %dma_wait3A_267, %dma_wait3A_268] : memref<4x80x128xf32, #tpu.memory_space<vmem>> -> memref<1x80x128xf32, #tpu.memory_space<vmem>>
    %dma_wait3A_270 = tpu.memref_squeeze %dma_wait3A_269 : memref<1x80x128xf32, #tpu.memory_space<vmem>> -> memref<80x128xf32, #tpu.memory_space<vmem>>
    %dma_wait3A_271 = arith.constant 0 : i32
    %dma_wait3A_272 = tpu.memref_slice %arg8[%dma_wait3A_265, %dma_wait3A_266, %dma_wait3A_271] : memref<3x4x80xi32, #tpu.memory_space<vmem>> -> memref<1x1x80xi32, #tpu.memory_space<vmem>>
    %dma_wait3A_273 = tpu.memref_squeeze %dma_wait3A_272 : memref<1x1x80xi32, #tpu.memory_space<vmem>> -> memref<80xi32, #tpu.memory_space<vmem>>
    %dma_wait3A_274 = arith.constant 0 : i32
    %dma_wait3A_275 = arith.constant 0 : i32
    %dma_wait3A_276 = tpu.memref_slice %arg10[%dma_wait3A_274, %dma_wait3A_275] : memref<10240x128xf32, #tpu.memory_space<vmem_shared>> -> memref<10240x128xf32, #tpu.memory_space<vmem_shared>>
    tpu.wait_indirect_dma semaphore(%arg18 : memref<!tpu.dma_semaphore, #tpu.memory_space<semaphore_mem>>) src(%dma_wait3A_270 : memref<80x128xf32, #tpu.memory_space<vmem>>) dst(%dma_wait3A_276 : memref<10240x128xf32, #tpu.memory_space<vmem_shared>>)
    %dma_wait3A_277 = arith.constant 0 : i32
    %dma_wait3A_278 = arith.constant 0 : i32
    %dma_wait3A_279 = arith.constant 0 : i32
    %dma_wait3A_280 = arith.constant 0 : i32
    %dma_wait3A_281 = arith.constant 0 : i32
    %dma_wait3A_282 = tpu.memref_slice %arg9[%dma_wait3A_279, %dma_wait3A_280, %dma_wait3A_281] : memref<4x80x128xf32, #tpu.memory_space<vmem>> -> memref<1x80x128xf32, #tpu.memory_space<vmem>>
    %dma_wait3A_283 = tpu.memref_squeeze %dma_wait3A_282 : memref<1x80x128xf32, #tpu.memory_space<vmem>> -> memref<80x128xf32, #tpu.memory_space<vmem>>
    %dma_wait3A_284 = arith.constant 0 : i32
    %dma_wait3A_285 = tpu.memref_slice %arg7[%dma_wait3A_277, %dma_wait3A_278, %dma_wait3A_284] : memref<3x4x80xi32, #tpu.memory_space<vmem>> -> memref<1x1x80xi32, #tpu.memory_space<vmem>>
    %dma_wait3A_286 = tpu.memref_squeeze %dma_wait3A_285 : memref<1x1x80xi32, #tpu.memory_space<vmem>> -> memref<80xi32, #tpu.memory_space<vmem>>
    %dma_wait3A_287 = arith.constant 0 : i32
    %dma_wait3A_288 = arith.constant 0 : i32
    %dma_wait3A_289 = tpu.memref_slice %arg4[%dma_wait3A_287, %dma_wait3A_288] : memref<10240x128xf32, #tpu.memory_space<hbm>> -> memref<10240x128xf32, #tpu.memory_space<hbm>>
    tpu.wait_indirect_dma semaphore(%arg11 : memref<!tpu.dma_semaphore, #tpu.memory_space<semaphore_mem>>) src(%dma_wait3A_289 : memref<10240x128xf32, #tpu.memory_space<hbm>>) dst(%dma_wait3A_283 : memref<80x128xf32, #tpu.memory_space<vmem>>)
    %dma_wait3A_290 = arith.constant 0 : i32
    %dma_wait3A_291 = arith.constant 0 : i32
    %dma_wait3A_292 = arith.constant 1 : i32
    %dma_wait3A_293 = arith.constant 0 : i32
    %dma_wait3A_294 = arith.constant 0 : i32
    %dma_wait3A_295 = tpu.memref_slice %arg9[%dma_wait3A_292, %dma_wait3A_293, %dma_wait3A_294] : memref<4x80x128xf32, #tpu.memory_space<vmem>> -> memref<1x80x128xf32, #tpu.memory_space<vmem>>
    %dma_wait3A_296 = tpu.memref_squeeze %dma_wait3A_295 : memref<1x80x128xf32, #tpu.memory_space<vmem>> -> memref<80x128xf32, #tpu.memory_space<vmem>>
    %dma_wait3A_297 = arith.constant 0 : i32
    %dma_wait3A_298 = tpu.memref_slice %arg7[%dma_wait3A_290, %dma_wait3A_291, %dma_wait3A_297] : memref<3x4x80xi32, #tpu.memory_space<vmem>> -> memref<1x1x80xi32, #tpu.memory_space<vmem>>
    %dma_wait3A_299 = tpu.memref_squeeze %dma_wait3A_298 : memref<1x1x80xi32, #tpu.memory_space<vmem>> -> memref<80xi32, #tpu.memory_space<vmem>>
    %dma_wait3A_300 = arith.constant 0 : i32
    %dma_wait3A_301 = arith.constant 0 : i32
    %dma_wait3A_302 = tpu.memref_slice %arg4[%dma_wait3A_300, %dma_wait3A_301] : memref<10240x128xf32, #tpu.memory_space<hbm>> -> memref<10240x128xf32, #tpu.memory_space<hbm>>
    tpu.wait_indirect_dma semaphore(%arg12 : memref<!tpu.dma_semaphore, #tpu.memory_space<semaphore_mem>>) src(%dma_wait3A_302 : memref<10240x128xf32, #tpu.memory_space<hbm>>) dst(%dma_wait3A_296 : memref<80x128xf32, #tpu.memory_space<vmem>>)
    %add3A_303 = arith.constant 9920 : i32
    %add3A_304 = arith.addi %mul3A_2, %add3A_303 : i32
    %run_scoped3A_305 = arith.constant 0 : i32
    %run_scoped3A_306 = arith.constant 0 : i32
    "tpu.region"() ({
      %run_scoped3A_339 = tpu.sem_alloc : memref<!tpu.dma_semaphore, #tpu.memory_space<semaphore_mem>>
      %dma_start3A_340 = arith.constant 0 : i32
      %dma_start3A_341 = tpu.memref_slice %arg7[%run_scoped3A_305, %run_scoped3A_306, %dma_start3A_340] : memref<3x4x80xi32, #tpu.memory_space<vmem>> -> memref<1x1x80xi32, #tpu.memory_space<vmem>>
      %dma_start3A_342 = tpu.memref_squeeze %dma_start3A_341 : memref<1x1x80xi32, #tpu.memory_space<vmem>> -> memref<80xi32, #tpu.memory_space<vmem>>
      %dma_start3A_343 = tpu.memref_slice %arg2[%add3A_304] : memref<320000xi32, #tpu.memory_space<hbm>> -> memref<80xi32, #tpu.memory_space<hbm>>
      %dma_start3A_344 = arith.constant 0 : i32
      %dma_start3A_345 = tpu.memref_slice %arg7[%run_scoped3A_305, %run_scoped3A_306, %dma_start3A_344] : memref<3x4x80xi32, #tpu.memory_space<vmem>> -> memref<1x1x80xi32, #tpu.memory_space<vmem>>
      %dma_start3A_346 = tpu.memref_squeeze %dma_start3A_345 : memref<1x1x80xi32, #tpu.memory_space<vmem>> -> memref<80xi32, #tpu.memory_space<vmem>>
      %dma_start3A_347 = tpu.memref_slice %arg2[%add3A_304] : memref<320000xi32, #tpu.memory_space<hbm>> -> memref<80xi32, #tpu.memory_space<hbm>>
      tpu.enqueue_dma source(%dma_start3A_347 : memref<80xi32, #tpu.memory_space<hbm>>) target(%dma_start3A_346 : memref<80xi32, #tpu.memory_space<vmem>>) target_semaphore(%run_scoped3A_339 : memref<!tpu.dma_semaphore, #tpu.memory_space<semaphore_mem>>)
      %dma_wait3A_348 = arith.constant 0 : i32
      %dma_wait3A_349 = tpu.memref_slice %arg7[%run_scoped3A_305, %run_scoped3A_306, %dma_wait3A_348] : memref<3x4x80xi32, #tpu.memory_space<vmem>> -> memref<1x1x80xi32, #tpu.memory_space<vmem>>
      %dma_wait3A_350 = tpu.memref_squeeze %dma_wait3A_349 : memref<1x1x80xi32, #tpu.memory_space<vmem>> -> memref<80xi32, #tpu.memory_space<vmem>>
      %dma_wait3A_351 = tpu.memref_slice %arg2[%add3A_304] : memref<320000xi32, #tpu.memory_space<hbm>> -> memref<80xi32, #tpu.memory_space<hbm>>
      %dma_wait3A_352 = arith.constant 0 : i32
      %dma_wait3A_353 = tpu.memref_slice %arg7[%run_scoped3A_305, %run_scoped3A_306, %dma_wait3A_352] : memref<3x4x80xi32, #tpu.memory_space<vmem>> -> memref<1x1x80xi32, #tpu.memory_space<vmem>>
      %dma_wait3A_354 = tpu.memref_squeeze %dma_wait3A_353 : memref<1x1x80xi32, #tpu.memory_space<vmem>> -> memref<80xi32, #tpu.memory_space<vmem>>
      %dma_wait3A_355 = tpu.memref_slice %arg2[%add3A_304] : memref<320000xi32, #tpu.memory_space<hbm>> -> memref<80xi32, #tpu.memory_space<hbm>>
      tpu.wait_dma2 semaphore(%run_scoped3A_339 : memref<!tpu.dma_semaphore, #tpu.memory_space<semaphore_mem>>) src(%dma_wait3A_355 : memref<80xi32, #tpu.memory_space<hbm>>) dst(%dma_wait3A_354 : memref<80xi32, #tpu.memory_space<vmem>>)
      tpu.yield
    }) : () -> ()
    %run_scoped3A_307 = arith.constant 0 : i32
    %run_scoped3A_308 = arith.constant 0 : i32
    "tpu.region"() ({
      %run_scoped3A_339 = tpu.sem_alloc : memref<!tpu.dma_semaphore, #tpu.memory_space<semaphore_mem>>
      %dma_start3A_340 = arith.constant 0 : i32
      %dma_start3A_341 = tpu.memref_slice %arg8[%run_scoped3A_307, %run_scoped3A_308, %dma_start3A_340] : memref<3x4x80xi32, #tpu.memory_space<vmem>> -> memref<1x1x80xi32, #tpu.memory_space<vmem>>
      %dma_start3A_342 = tpu.memref_squeeze %dma_start3A_341 : memref<1x1x80xi32, #tpu.memory_space<vmem>> -> memref<80xi32, #tpu.memory_space<vmem>>
      %dma_start3A_343 = tpu.memref_slice %arg3[%add3A_304] : memref<320000xi32, #tpu.memory_space<hbm>> -> memref<80xi32, #tpu.memory_space<hbm>>
      %dma_start3A_344 = arith.constant 0 : i32
      %dma_start3A_345 = tpu.memref_slice %arg8[%run_scoped3A_307, %run_scoped3A_308, %dma_start3A_344] : memref<3x4x80xi32, #tpu.memory_space<vmem>> -> memref<1x1x80xi32, #tpu.memory_space<vmem>>
      %dma_start3A_346 = tpu.memref_squeeze %dma_start3A_345 : memref<1x1x80xi32, #tpu.memory_space<vmem>> -> memref<80xi32, #tpu.memory_space<vmem>>
      %dma_start3A_347 = tpu.memref_slice %arg3[%add3A_304] : memref<320000xi32, #tpu.memory_space<hbm>> -> memref<80xi32, #tpu.memory_space<hbm>>
      tpu.enqueue_dma source(%dma_start3A_347 : memref<80xi32, #tpu.memory_space<hbm>>) target(%dma_start3A_346 : memref<80xi32, #tpu.memory_space<vmem>>) target_semaphore(%run_scoped3A_339 : memref<!tpu.dma_semaphore, #tpu.memory_space<semaphore_mem>>)
      %dma_wait3A_348 = arith.constant 0 : i32
      %dma_wait3A_349 = tpu.memref_slice %arg8[%run_scoped3A_307, %run_scoped3A_308, %dma_wait3A_348] : memref<3x4x80xi32, #tpu.memory_space<vmem>> -> memref<1x1x80xi32, #tpu.memory_space<vmem>>
      %dma_wait3A_350 = tpu.memref_squeeze %dma_wait3A_349 : memref<1x1x80xi32, #tpu.memory_space<vmem>> -> memref<80xi32, #tpu.memory_space<vmem>>
      %dma_wait3A_351 = tpu.memref_slice %arg3[%add3A_304] : memref<320000xi32, #tpu.memory_space<hbm>> -> memref<80xi32, #tpu.memory_space<hbm>>
      %dma_wait3A_352 = arith.constant 0 : i32
      %dma_wait3A_353 = tpu.memref_slice %arg8[%run_scoped3A_307, %run_scoped3A_308, %dma_wait3A_352] : memref<3x4x80xi32, #tpu.memory_space<vmem>> -> memref<1x1x80xi32, #tpu.memory_space<vmem>>
      %dma_wait3A_354 = tpu.memref_squeeze %dma_wait3A_353 : memref<1x1x80xi32, #tpu.memory_space<vmem>> -> memref<80xi32, #tpu.memory_space<vmem>>
      %dma_wait3A_355 = tpu.memref_slice %arg3[%add3A_304] : memref<320000xi32, #tpu.memory_space<hbm>> -> memref<80xi32, #tpu.memory_space<hbm>>
      tpu.wait_dma2 semaphore(%run_scoped3A_339 : memref<!tpu.dma_semaphore, #tpu.memory_space<semaphore_mem>>) src(%dma_wait3A_355 : memref<80xi32, #tpu.memory_space<hbm>>) dst(%dma_wait3A_354 : memref<80xi32, #tpu.memory_space<vmem>>)
      tpu.yield
    }) : () -> ()
    %dma_start3A_309 = arith.constant 0 : i32
    %dma_start3A_310 = arith.constant 0 : i32
    %dma_start3A_311 = arith.constant 0 : i32
    %dma_start3A_312 = arith.constant 0 : i32
    %dma_start3A_313 = arith.constant 0 : i32
    %dma_start3A_314 = tpu.memref_slice %arg9[%dma_start3A_311, %dma_start3A_312, %dma_start3A_313] : memref<4x80x128xf32, #tpu.memory_space<vmem>> -> memref<1x80x128xf32, #tpu.memory_space<vmem>>
    %dma_start3A_315 = tpu.memref_squeeze %dma_start3A_314 : memref<1x80x128xf32, #tpu.memory_space<vmem>> -> memref<80x128xf32, #tpu.memory_space<vmem>>
    %dma_start3A_316 = arith.constant 0 : i32
    %dma_start3A_317 = tpu.memref_slice %arg7[%dma_start3A_309, %dma_start3A_310, %dma_start3A_316] : memref<3x4x80xi32, #tpu.memory_space<vmem>> -> memref<1x1x80xi32, #tpu.memory_space<vmem>>
    %dma_start3A_318 = tpu.memref_squeeze %dma_start3A_317 : memref<1x1x80xi32, #tpu.memory_space<vmem>> -> memref<80xi32, #tpu.memory_space<vmem>>
    %dma_start3A_319 = arith.constant 0 : i32
    %dma_start3A_320 = arith.constant 0 : i32
    %dma_start3A_321 = tpu.memref_slice %arg4[%dma_start3A_319, %dma_start3A_320] : memref<10240x128xf32, #tpu.memory_space<hbm>> -> memref<10240x128xf32, #tpu.memory_space<hbm>>
    tpu.enqueue_indirect_dma source(%dma_start3A_321 : memref<10240x128xf32, #tpu.memory_space<hbm>>) target(%dma_start3A_315 : memref<80x128xf32, #tpu.memory_space<vmem>>) offsets(%dma_start3A_318 : memref<80xi32, #tpu.memory_space<vmem>>) semaphore(%arg11 : memref<!tpu.dma_semaphore, #tpu.memory_space<semaphore_mem>>)
    %dma_wait3A_322 = arith.constant 0 : i32
    %dma_wait3A_323 = arith.constant 0 : i32
    %dma_wait3A_324 = arith.constant 0 : i32
    %dma_wait3A_325 = arith.constant 0 : i32
    %dma_wait3A_326 = arith.constant 0 : i32
    %dma_wait3A_327 = tpu.memref_slice %arg9[%dma_wait3A_324, %dma_wait3A_325, %dma_wait3A_326] : memref<4x80x128xf32, #tpu.memory_space<vmem>> -> memref<1x80x128xf32, #tpu.memory_space<vmem>>
    %dma_wait3A_328 = tpu.memref_squeeze %dma_wait3A_327 : memref<1x80x128xf32, #tpu.memory_space<vmem>> -> memref<80x128xf32, #tpu.memory_space<vmem>>
    %dma_wait3A_329 = arith.constant 0 : i32
    %dma_wait3A_330 = tpu.memref_slice %arg7[%dma_wait3A_322, %dma_wait3A_323, %dma_wait3A_329] : memref<3x4x80xi32, #tpu.memory_space<vmem>> -> memref<1x1x80xi32, #tpu.memory_space<vmem>>
    %dma_wait3A_331 = tpu.memref_squeeze %dma_wait3A_330 : memref<1x1x80xi32, #tpu.memory_space<vmem>> -> memref<80xi32, #tpu.memory_space<vmem>>
    %dma_wait3A_332 = arith.constant 0 : i32
    %dma_wait3A_333 = arith.constant 0 : i32
    %dma_wait3A_334 = tpu.memref_slice %arg4[%dma_wait3A_332, %dma_wait3A_333] : memref<10240x128xf32, #tpu.memory_space<hbm>> -> memref<10240x128xf32, #tpu.memory_space<hbm>>
    tpu.wait_indirect_dma semaphore(%arg11 : memref<!tpu.dma_semaphore, #tpu.memory_space<semaphore_mem>>) src(%dma_wait3A_334 : memref<10240x128xf32, #tpu.memory_space<hbm>>) dst(%dma_wait3A_328 : memref<80x128xf32, #tpu.memory_space<vmem>>)
    %run_scoped3A_335 = arith.constant 0 : i32
    %run_scoped3A_336 = arith.constant 0 : i32
    %run_scoped3A_337 = arith.constant 0 : i32
    "tpu.region"() ({
      %run_scoped3A_339 = tpu.sem_alloc : memref<!tpu.dma_semaphore, #tpu.memory_space<semaphore_mem>>
      %dma_start3A_340 = arith.constant 0 : i32
      %dma_start3A_341 = arith.constant 0 : i32
      %dma_start3A_342 = tpu.memref_slice %arg9[%run_scoped3A_335, %dma_start3A_340, %dma_start3A_341] : memref<4x80x128xf32, #tpu.memory_space<vmem>> -> memref<1x80x128xf32, #tpu.memory_space<vmem>>
      %dma_start3A_343 = tpu.memref_squeeze %dma_start3A_342 : memref<1x80x128xf32, #tpu.memory_space<vmem>> -> memref<80x128xf32, #tpu.memory_space<vmem>>
      %dma_start3A_344 = arith.constant 0 : i32
      %dma_start3A_345 = tpu.memref_slice %arg8[%run_scoped3A_336, %run_scoped3A_337, %dma_start3A_344] : memref<3x4x80xi32, #tpu.memory_space<vmem>> -> memref<1x1x80xi32, #tpu.memory_space<vmem>>
      %dma_start3A_346 = tpu.memref_squeeze %dma_start3A_345 : memref<1x1x80xi32, #tpu.memory_space<vmem>> -> memref<80xi32, #tpu.memory_space<vmem>>
      %dma_start3A_347 = arith.constant 0 : i32
      %dma_start3A_348 = arith.constant 0 : i32
      %dma_start3A_349 = tpu.memref_slice %arg10[%dma_start3A_347, %dma_start3A_348] : memref<10240x128xf32, #tpu.memory_space<vmem_shared>> -> memref<10240x128xf32, #tpu.memory_space<vmem_shared>>
      tpu.enqueue_indirect_dma source(%dma_start3A_343 : memref<80x128xf32, #tpu.memory_space<vmem>>) target(%dma_start3A_349 : memref<10240x128xf32, #tpu.memory_space<vmem_shared>>) offsets(%dma_start3A_346 : memref<80xi32, #tpu.memory_space<vmem>>) semaphore(%run_scoped3A_339 : memref<!tpu.dma_semaphore, #tpu.memory_space<semaphore_mem>>) {add = true}
      %dma_wait3A_350 = arith.constant 0 : i32
      %dma_wait3A_351 = arith.constant 0 : i32
      %dma_wait3A_352 = tpu.memref_slice %arg9[%run_scoped3A_335, %dma_wait3A_350, %dma_wait3A_351] : memref<4x80x128xf32, #tpu.memory_space<vmem>> -> memref<1x80x128xf32, #tpu.memory_space<vmem>>
      %dma_wait3A_353 = tpu.memref_squeeze %dma_wait3A_352 : memref<1x80x128xf32, #tpu.memory_space<vmem>> -> memref<80x128xf32, #tpu.memory_space<vmem>>
      %dma_wait3A_354 = arith.constant 0 : i32
      %dma_wait3A_355 = tpu.memref_slice %arg8[%run_scoped3A_336, %run_scoped3A_337, %dma_wait3A_354] : memref<3x4x80xi32, #tpu.memory_space<vmem>> -> memref<1x1x80xi32, #tpu.memory_space<vmem>>
      %dma_wait3A_356 = tpu.memref_squeeze %dma_wait3A_355 : memref<1x1x80xi32, #tpu.memory_space<vmem>> -> memref<80xi32, #tpu.memory_space<vmem>>
      %dma_wait3A_357 = arith.constant 0 : i32
      %dma_wait3A_358 = arith.constant 0 : i32
      %dma_wait3A_359 = tpu.memref_slice %arg10[%dma_wait3A_357, %dma_wait3A_358] : memref<10240x128xf32, #tpu.memory_space<vmem_shared>> -> memref<10240x128xf32, #tpu.memory_space<vmem_shared>>
      tpu.wait_indirect_dma semaphore(%run_scoped3A_339 : memref<!tpu.dma_semaphore, #tpu.memory_space<semaphore_mem>>) src(%dma_wait3A_353 : memref<80x128xf32, #tpu.memory_space<vmem>>) dst(%dma_wait3A_359 : memref<10240x128xf32, #tpu.memory_space<vmem_shared>>)
      tpu.yield
    }) : () -> ()
    %barrier3A_338 = arith.constant 0 : index
    tpu.barrier barrier_id(%barrier3A_338)
    "tpu.region"() ({
      %run_scoped3A_339 = tpu.sem_alloc : memref<!tpu.dma_semaphore, #tpu.memory_space<semaphore_mem>>
      %dma_start3A_340 = arith.constant 0 : i32
      %dma_start3A_341 = tpu.memref_slice %arg6[%arg0, %mul3A_4, %dma_start3A_340] : memref<2x10240x128xf32, #tpu.memory_space<hbm>> -> memref<1x640x128xf32, #tpu.memory_space<hbm>>
      %dma_start3A_342 = tpu.memref_squeeze %dma_start3A_341 : memref<1x640x128xf32, #tpu.memory_space<hbm>> -> memref<640x128xf32, #tpu.memory_space<hbm>>
      %dma_start3A_343 = arith.constant 0 : i32
      %dma_start3A_344 = tpu.memref_slice %arg10[%mul3A_4, %dma_start3A_343] : memref<10240x128xf32, #tpu.memory_space<vmem_shared>> -> memref<640x128xf32, #tpu.memory_space<vmem_shared>>
      tpu.enqueue_dma source(%dma_start3A_344 : memref<640x128xf32, #tpu.memory_space<vmem_shared>>) target(%dma_start3A_342 : memref<640x128xf32, #tpu.memory_space<hbm>>) target_semaphore(%run_scoped3A_339 : memref<!tpu.dma_semaphore, #tpu.memory_space<semaphore_mem>>)
      %dma_wait3A_345 = arith.constant 0 : i32
      %dma_wait3A_346 = tpu.memref_slice %arg6[%arg0, %mul3A_4, %dma_wait3A_345] : memref<2x10240x128xf32, #tpu.memory_space<hbm>> -> memref<1x640x128xf32, #tpu.memory_space<hbm>>
      %dma_wait3A_347 = tpu.memref_squeeze %dma_wait3A_346 : memref<1x640x128xf32, #tpu.memory_space<hbm>> -> memref<640x128xf32, #tpu.memory_space<hbm>>
      %dma_wait3A_348 = arith.constant 0 : i32
      %dma_wait3A_349 = tpu.memref_slice %arg10[%mul3A_4, %dma_wait3A_348] : memref<10240x128xf32, #tpu.memory_space<vmem_shared>> -> memref<640x128xf32, #tpu.memory_space<vmem_shared>>
      tpu.wait_dma2 semaphore(%run_scoped3A_339 : memref<!tpu.dma_semaphore, #tpu.memory_space<semaphore_mem>>) src(%dma_wait3A_349 : memref<640x128xf32, #tpu.memory_space<vmem_shared>>) dst(%dma_wait3A_347 : memref<640x128xf32, #tpu.memory_space<hbm>>)
      tpu.yield
    }) : () -> ()
    return
  }
}

module attributes {stable_mosaic.version = 14 : i64} {
  func.func @body(%arg0: memref<2x320000xi32, #tpu.memory_space<vmem>>, %arg1: memref<320000xi32, #tpu.memory_space<vmem>>, %arg2: memref<320000xi32, #tpu.memory_space<vmem>>) attributes {dimension_semantics = [], scalar_prefetch = 0 : i64, scratch_operands = 0 : i64, tpu.core_type = #tpu.core_type<tc>} {
    %get3A = arith.constant 0 : index
    %get3A_0 = arith.constant 0 : index
    %get3A_1 = vector.load %arg0[%get3A, %get3A_0] : memref<2x320000xi32, #tpu.memory_space<vmem>>, vector<1x320000xi32>
    %get3A_2 = vector.shape_cast %get3A_1 : vector<1x320000xi32> to vector<320000xi32>
    %swap3A = arith.constant 0 : index
    %swap3A_3 = vector.load %arg1[%swap3A] : memref<320000xi32, #tpu.memory_space<vmem>>, vector<320000xi32>
    tpu.vector_store %arg1[%swap3A], %get3A_2 {strides = array<i32>} : memref<320000xi32, #tpu.memory_space<vmem>>, vector<320000xi32>,
    %get3A_4 = arith.constant 1 : index
    %get3A_5 = arith.constant 0 : index
    %get3A_6 = vector.load %arg0[%get3A_4, %get3A_5] : memref<2x320000xi32, #tpu.memory_space<vmem>>, vector<1x320000xi32>
    %get3A_7 = vector.shape_cast %get3A_6 : vector<1x320000xi32> to vector<320000xi32>
    %swap3A_8 = arith.constant 0 : index
    %swap3A_9 = vector.load %arg2[%swap3A_8] : memref<320000xi32, #tpu.memory_space<vmem>>, vector<320000xi32>
    tpu.vector_store %arg2[%swap3A_8], %get3A_7 {strides = array<i32>} : memref<320000xi32, #tpu.memory_space<vmem>>, vector<320000xi32>,
    return
  }
}

module attributes {stable_mosaic.version = 14 : i64} {
  func.func @body(%arg0: memref<10000x128xf32, #tpu.memory_space<vmem>>, %arg1: memref<128x128xf32, #tpu.memory_space<vmem>>, %arg2: memref<384x128xf32, #tpu.memory_space<vmem>>, %arg3: memref<384x128xf32, #tpu.memory_space<vmem>>, %arg4: memref<1x384xf32, #tpu.memory_space<vmem>>, %arg5: memref<1x384xf32, #tpu.memory_space<vmem>>, %arg6: memref<10000x128xf32, #tpu.memory_space<vmem>>) attributes {dimension_semantics = [], scalar_prefetch = 0 : i64, scratch_operands = 0 : i64, tpu.core_type = #tpu.core_type<tc>} {
    %get3A = arith.constant 0 : index
    %get3A_0 = arith.constant 0 : index
    %get3A_1 = vector.load %arg1[%get3A, %get3A_0] : memref<128x128xf32, #tpu.memory_space<vmem>>, vector<128x128xf32>
    %get3A_2 = arith.constant 0 : index
    %get3A_3 = arith.constant 0 : index
    %get3A_4 = vector.load %arg2[%get3A_2, %get3A_3] : memref<384x128xf32, #tpu.memory_space<vmem>>, vector<384x128xf32>
    %dot_general3A = arith.constant dense<0.000000e+00> : vector<128x384xf32>
    %dot_general3A_5 = tpu.matmul %get3A_1, %get3A_4, %dot_general3A {dimension_numbers = #tpu.dot_dimension_numbers<[1], [1], [0], [0], [0, 0, 1, 0], [], []>, transpose_lhs_hint = false} : vector<128x128xf32>, vector<384x128xf32>, vector<128x384xf32> -> vector<128x384xf32>
    %get3A_6 = arith.constant 0 : index
    %get3A_7 = arith.constant 0 : index
    %get3A_8 = vector.load %arg4[%get3A_6, %get3A_7] : memref<1x384xf32, #tpu.memory_space<vmem>>, vector<1x384xf32>
    %add3A = vector.broadcast %get3A_8 : vector<1x384xf32> to vector<128x384xf32>
    %add3A_9 = arith.addf %dot_general3A_5, %add3A : vector<128x384xf32>
    %get3A_10 = arith.constant 0 : index
    %get3A_11 = arith.constant 0 : index
    %get3A_12 = vector.load %arg3[%get3A_10, %get3A_11] : memref<384x128xf32, #tpu.memory_space<vmem>>, vector<384x128xf32>
    %dot_general3A_13 = arith.constant dense<0.000000e+00> : vector<128x384xf32>
    %dot_general3A_14 = tpu.matmul %get3A_1, %get3A_12, %dot_general3A_13 {dimension_numbers = #tpu.dot_dimension_numbers<[1], [1], [0], [0], [0, 0, 1, 0], [], []>, transpose_lhs_hint = false} : vector<128x128xf32>, vector<384x128xf32>, vector<128x384xf32> -> vector<128x384xf32>
    %get3A_15 = arith.constant 0 : index
    %get3A_16 = arith.constant 0 : index
    %get3A_17 = vector.load %arg5[%get3A_15, %get3A_16] : memref<1x384xf32, #tpu.memory_space<vmem>>, vector<1x384xf32>
    %add3A_18 = vector.broadcast %get3A_17 : vector<1x384xf32> to vector<128x384xf32>
    %add3A_19 = arith.addf %dot_general3A_14, %add3A_18 : vector<128x384xf32>
    %slice3A = vector.extract_strided_slice %add3A_9 {offsets = [0, 0], sizes = [128, 128], strides = [1, 1]} : vector<128x384xf32> to vector<128x128xf32>
    %slice3A_20 = vector.extract_strided_slice %add3A_19 {offsets = [0, 0], sizes = [128, 128], strides = [1, 1]} : vector<128x384xf32> to vector<128x128xf32>
    %add3A_21 = arith.addf %slice3A, %slice3A_20 : vector<128x128xf32>
    %logistic3A = arith.negf %add3A_21 : vector<128x128xf32>
    %logistic3A_22 = math.exp %logistic3A : vector<128x128xf32>
    %logistic3A_23 = arith.constant 1.000000e+00 : f32
    %logistic3A_24 = vector.broadcast %logistic3A_23 : f32 to vector<128x128xf32>
    %logistic3A_25 = arith.addf %logistic3A_24, %logistic3A_22 : vector<128x128xf32>
    %logistic3A_26 = arith.divf %logistic3A_24, %logistic3A_25 : vector<128x128xf32>
    %slice3A_27 = vector.extract_strided_slice %add3A_9 {offsets = [0, 128], sizes = [128, 128], strides = [1, 1]} : vector<128x384xf32> to vector<128x128xf32>
    %slice3A_28 = vector.extract_strided_slice %add3A_19 {offsets = [0, 128], sizes = [128, 128], strides = [1, 1]} : vector<128x384xf32> to vector<128x128xf32>
    %add3A_29 = arith.addf %slice3A_27, %slice3A_28 : vector<128x128xf32>
    %logistic3A_30 = arith.negf %add3A_29 : vector<128x128xf32>
    %logistic3A_31 = math.exp %logistic3A_30 : vector<128x128xf32>
    %logistic3A_32 = arith.constant 1.000000e+00 : f32
    %logistic3A_33 = vector.broadcast %logistic3A_32 : f32 to vector<128x128xf32>
    %logistic3A_34 = arith.addf %logistic3A_33, %logistic3A_31 : vector<128x128xf32>
    %logistic3A_35 = arith.divf %logistic3A_33, %logistic3A_34 : vector<128x128xf32>
    %slice3A_36 = vector.extract_strided_slice %add3A_9 {offsets = [0, 256], sizes = [128, 128], strides = [1, 1]} : vector<128x384xf32> to vector<128x128xf32>
    %slice3A_37 = vector.extract_strided_slice %add3A_19 {offsets = [0, 256], sizes = [128, 128], strides = [1, 1]} : vector<128x384xf32> to vector<128x128xf32>
    %mul3A = arith.mulf %logistic3A_26, %slice3A_37 : vector<128x128xf32>
    %add3A_38 = arith.addf %slice3A_36, %mul3A : vector<128x128xf32>
    %tanh3A = math.tanh %add3A_38 : vector<128x128xf32>
    %sub3A = arith.constant 1.000000e+00 : f32
    %sub3A_39 = vector.broadcast %sub3A : f32 to vector<128x128xf32>
    %sub3A_40 = arith.subf %sub3A_39, %logistic3A_35 : vector<128x128xf32>
    %mul3A_41 = arith.mulf %sub3A_40, %tanh3A : vector<128x128xf32>
    %mul3A_42 = arith.mulf %logistic3A_35, %get3A_1 : vector<128x128xf32>
    %add3A_43 = arith.addf %mul3A_41, %mul3A_42 : vector<128x128xf32>
    %get3A_44 = arith.constant 0 : index
    %get3A_45 = arith.constant 0 : index
    %get3A_46 = vector.load %arg0[%get3A_44, %get3A_45] : memref<10000x128xf32, #tpu.memory_space<vmem>>, vector<10000x128xf32>
    %dot_general3A_47 = arith.constant dense<0.000000e+00> : vector<10000x128xf32>
    %dot_general3A_48 = tpu.matmul %get3A_46, %add3A_43, %dot_general3A_47 {dimension_numbers = #tpu.dot_dimension_numbers<[1], [0], [0], [1], [0, 0, 1, 1], [], []>, transpose_lhs_hint = false} : vector<10000x128xf32>, vector<128x128xf32>, vector<10000x128xf32> -> vector<10000x128xf32>
    %swap3A = arith.constant 0 : index
    %swap3A_49 = arith.constant 0 : index
    %swap3A_50 = vector.load %arg6[%swap3A, %swap3A_49] : memref<10000x128xf32, #tpu.memory_space<vmem>>, vector<10000x128xf32>
    tpu.vector_store %arg6[%swap3A, %swap3A_49], %dot_general3A_48 {strides = array<i32>} : memref<10000x128xf32, #tpu.memory_space<vmem>>, vector<10000x128xf32>,
    return
  }
}

module attributes {stable_mosaic.version = 14 : i64} {
  func.func @body(%arg0: memref<10000x128xf32, #tpu.memory_space<vmem>>, %arg1: memref<2x1x10240xf32, #tpu.memory_space<vmem>>, %arg2: memref<10240x128xf32, #tpu.memory_space<vmem>>) attributes {dimension_semantics = [], scalar_prefetch = 0 : i64, scratch_operands = 0 : i64, tpu.core_type = #tpu.core_type<tc>} {
    %get3A = arith.constant 0 : index
    %get3A_0 = arith.constant 0 : index
    %get3A_1 = arith.constant 0 : index
    %get3A_2 = vector.load %arg1[%get3A, %get3A_0, %get3A_1] : memref<2x1x10240xf32, #tpu.memory_space<vmem>>, vector<1x1x10240xf32>
    %get3A_3 = vector.shape_cast %get3A_2 : vector<1x1x10240xf32> to vector<10240xf32>
    %get3A_4 = arith.constant 1 : index
    %get3A_5 = arith.constant 0 : index
    %get3A_6 = arith.constant 0 : index
    %get3A_7 = vector.load %arg1[%get3A_4, %get3A_5, %get3A_6] : memref<2x1x10240xf32, #tpu.memory_space<vmem>>, vector<1x1x10240xf32>
    %get3A_8 = vector.shape_cast %get3A_7 : vector<1x1x10240xf32> to vector<10240xf32>
    %add3A = arith.addf %get3A_3, %get3A_8 : vector<10240xf32>
    %add3A_9 = arith.constant 1.000000e+00 : f32
    %add3A_10 = vector.broadcast %add3A_9 : f32 to vector<10240xf32>
    %add3A_11 = arith.addf %add3A, %add3A_10 : vector<10240xf32>
    %rsqrt3A = math.rsqrt %add3A_11 : vector<10240xf32>
    %get3A_12 = arith.constant 0 : index
    %get3A_13 = arith.constant 0 : index
    %get3A_14 = vector.load %arg0[%get3A_12, %get3A_13] : memref<10000x128xf32, #tpu.memory_space<vmem>>, vector<10000x128xf32>
    %slice3A = vector.extract_strided_slice %rsqrt3A {offsets = [0], sizes = [10000], strides = [1]} : vector<10240xf32> to vector<10000xf32>
    %broadcast_in_dim3A = vector.shape_cast %slice3A : vector<10000xf32> to vector<10000x1xf32>
    %mul3A = vector.broadcast %broadcast_in_dim3A : vector<10000x1xf32> to vector<10000x128xf32>
    %mul3A_15 = arith.mulf %get3A_14, %mul3A : vector<10000x128xf32>
    %swap3A = arith.constant 0 : index
    %swap3A_16 = arith.constant 0 : index
    %swap3A_17 = vector.load %arg2[%swap3A, %swap3A_16] : memref<10240x128xf32, #tpu.memory_space<vmem>>, vector<10000x128xf32>
    tpu.vector_store %arg2[%swap3A, %swap3A_16], %mul3A_15 {strides = array<i32>} : memref<10240x128xf32, #tpu.memory_space<vmem>>, vector<10000x128xf32>,
    %broadcast_in_dim3A_18 = arith.constant 0.000000e+00 : f32
    %broadcast_in_dim3A_19 = vector.broadcast %broadcast_in_dim3A_18 : f32 to vector<240x128xf32>
    %swap3A_20 = arith.constant 10000 : index
    %swap3A_21 = arith.constant 0 : index
    %swap3A_22 = vector.load %arg2[%swap3A_20, %swap3A_21] : memref<10240x128xf32, #tpu.memory_space<vmem>>, vector<240x128xf32>
    tpu.vector_store %arg2[%swap3A_20, %swap3A_21], %broadcast_in_dim3A_19 {strides = array<i32>} : memref<10240x128xf32, #tpu.memory_space<vmem>>, vector<240x128xf32>,
    return
  }
}

module attributes {stable_mosaic.version = 14 : i64} {
  func.func @body(%arg0: memref<2x10240x128xf32, #tpu.memory_space<vmem>>, %arg1: memref<10240x128xf32, #tpu.memory_space<vmem>>, %arg2: memref<2x1x10240xf32, #tpu.memory_space<vmem>>, %arg3: memref<10000x128xf32, #tpu.memory_space<vmem>>) attributes {dimension_semantics = [], scalar_prefetch = 0 : i64, scratch_operands = 0 : i64, tpu.core_type = #tpu.core_type<tc>} {
    %get3A = arith.constant 0 : index
    %get3A_0 = arith.constant 0 : index
    %get3A_1 = arith.constant 0 : index
    %get3A_2 = vector.load %arg2[%get3A, %get3A_0, %get3A_1] : memref<2x1x10240xf32, #tpu.memory_space<vmem>>, vector<1x1x10240xf32>
    %get3A_3 = vector.shape_cast %get3A_2 : vector<1x1x10240xf32> to vector<10240xf32>
    %get3A_4 = arith.constant 1 : index
    %get3A_5 = arith.constant 0 : index
    %get3A_6 = arith.constant 0 : index
    %get3A_7 = vector.load %arg2[%get3A_4, %get3A_5, %get3A_6] : memref<2x1x10240xf32, #tpu.memory_space<vmem>>, vector<1x1x10240xf32>
    %get3A_8 = vector.shape_cast %get3A_7 : vector<1x1x10240xf32> to vector<10240xf32>
    %add3A = arith.addf %get3A_3, %get3A_8 : vector<10240xf32>
    %add3A_9 = arith.constant 1.000000e+00 : f32
    %add3A_10 = vector.broadcast %add3A_9 : f32 to vector<10240xf32>
    %add3A_11 = arith.addf %add3A, %add3A_10 : vector<10240xf32>
    %rsqrt3A = math.rsqrt %add3A_11 : vector<10240xf32>
    %get3A_12 = arith.constant 0 : index
    %get3A_13 = arith.constant 0 : index
    %get3A_14 = arith.constant 0 : index
    %get3A_15 = vector.load %arg0[%get3A_12, %get3A_13, %get3A_14] : memref<2x10240x128xf32, #tpu.memory_space<vmem>>, vector<1x10240x128xf32>
    %get3A_16 = vector.shape_cast %get3A_15 : vector<1x10240x128xf32> to vector<10240x128xf32>
    %slice3A = vector.extract_strided_slice %get3A_16 {offsets = [0, 0], sizes = [10000, 128], strides = [1, 1]} : vector<10240x128xf32> to vector<10000x128xf32>
    %get3A_17 = arith.constant 1 : index
    %get3A_18 = arith.constant 0 : index
    %get3A_19 = arith.constant 0 : index
    %get3A_20 = vector.load %arg0[%get3A_17, %get3A_18, %get3A_19] : memref<2x10240x128xf32, #tpu.memory_space<vmem>>, vector<1x10240x128xf32>
    %get3A_21 = vector.shape_cast %get3A_20 : vector<1x10240x128xf32> to vector<10240x128xf32>
    %slice3A_22 = vector.extract_strided_slice %get3A_21 {offsets = [0, 0], sizes = [10000, 128], strides = [1, 1]} : vector<10240x128xf32> to vector<10000x128xf32>
    %add3A_23 = arith.addf %slice3A, %slice3A_22 : vector<10000x128xf32>
    %get3A_24 = arith.constant 0 : index
    %get3A_25 = arith.constant 0 : index
    %get3A_26 = vector.load %arg1[%get3A_24, %get3A_25] : memref<10240x128xf32, #tpu.memory_space<vmem>>, vector<10000x128xf32>
    %add3A_27 = arith.addf %add3A_23, %get3A_26 : vector<10000x128xf32>
    %slice3A_28 = vector.extract_strided_slice %rsqrt3A {offsets = [0], sizes = [10000], strides = [1]} : vector<10240xf32> to vector<10000xf32>
    %broadcast_in_dim3A = vector.shape_cast %slice3A_28 : vector<10000xf32> to vector<10000x1xf32>
    %mul3A = vector.broadcast %broadcast_in_dim3A : vector<10000x1xf32> to vector<10000x128xf32>
    %mul3A_29 = arith.mulf %add3A_27, %mul3A : vector<10000x128xf32>
    %swap3A = arith.constant 0 : index
    %swap3A_30 = arith.constant 0 : index
    %swap3A_31 = vector.load %arg3[%swap3A, %swap3A_30] : memref<10000x128xf32, #tpu.memory_space<vmem>>, vector<10000x128xf32>
    tpu.vector_store %arg3[%swap3A, %swap3A_30], %mul3A_29 {strides = array<i32>} : memref<10000x128xf32, #tpu.memory_space<vmem>>, vector<10000x128xf32>,
    return
  }
}

</mosaic_0001>

<sc_bundles>
// kernel: kernel.11.cloned.1.call-start
scs
__scs_entry_jumppad:
0x0: {  	(pc) =	sbr.rel $0x88, $3  }
0x1: {  	(tag) =	ssettag $0x0;
	lr =	simm.s32 $0x1  }
0x2: {  	[smem:$0x3F9A] =	sst lr;
	_ =	strace $0xD0000000  }
0x3: {  	_ = 	snop  }
0x4: {  	_ = 	snop  }
0x5: {  	_ = 	snop  }
0x6: {  	_ = 	snop  }
0x7: {  	_ = 	snop  }
__scs_overlays_trampoline_lowered:
0x8: {  	[smem:$0x3FA9] =	sst s0  }
0x9: {  	[smem:$0x3FAA] =	sst s1  }
0xa: {  	[smem:$0x3FAB] =	sst s2  }
0xb: {  	[smem:$0x3FAC] =	sst s3  }
0xc: {  	[smem:$0x3FAD] =	sst s4  }
0xd: {  	[smem:$0x3FAE] =	sst s5  }
0xe: {  	[smem:$0x3FAF] =	sst s6  }
0xf: {  	[smem:$0x3FB0] =	sst s7  }
0x10: {  	[smem:$0x3FB1] =	sst s8  }
0x11: {  	[smem:$0x3FB2] =	sst s9;
	s0 =	simm.s32 @!p0 $0x0  }
0x12: {  	s1 =	sld [smem:$0x3F98];
	s0 =	simm.s32 @p0 $0x1  }
0x13: {  	[smem:$0x3FB3] =	sst s0;
	s0 =	simm.s32 @!p1 $0x0  }
0x14: {  	s2 =	sld [smem:$0x3F97];
	s0 =	simm.s32 @p1 $0x1  }
0x15: {  	[smem:$0x3FB4] =	sst s0;
	s0 =	simm.s32 @!p2 $0x0  }
0x16: {  	s3 =	sld [smem:$0x3FDB];
	s0 =	simm.s32 @p2 $0x1  }
0x17: {  	s4 =	simm.s32 $0x1BF5;
	[smem:$0x3FB6] =	sst s0  }
0x18: {  	s0 =	sld [smem:$0x3F99];
	_ =	swait.ge [sflag:s4], $0x0  }
0x19: {  	s7 =	sld [smem:$0x3F9A]  }
0x1a: {  	s8 =	sadd.s32 $0xFFFFE003, lr  }
0x1b: {  	s9 =	sadd.s32 $0xFFFFFEF7, lr;
	s5 =	simm.s32 $0xFFFFFFFF;
	p2 =	slt.u32 s8, $0xFFFFF086  }
0x1c: {  	p1 =	slt.u32 s9, $0xF7A;
	s5 =	simm.s32 @!p2 $0x0  }
0x1d: {  	s5 =	simm.s32 @p1 $0x1;
	p0 =	seq.s32 s7, s2  }
0x1e: {  	s7 =	smul.u32 @!p0 $0xF7A, s2;
	p2 =	seq.s32 @!p0 s5, $0x0  }
0x1f: {  	s9 =	smul.u32 $0xF7A, s1;
	s8 =	simm.s32 @!p0 $0x1BF5;
	p2 =	por !p2, p0  }
0x20: {  	[sflag:s8] =	ssyncset.s32 @!p0 $0xFFFFF086;
	s6 =	sadd.s32 @!p0 s3, s7;
	s7 =	simm.s32 @!p0 $0x108  }
0x21: {  	s3 =	sadd.s32 s3, s9;
	s6 =	sadd.s32 @!p0 $0x88, s6;
	s7 =	simm.s32 @p2 $0x1082  }
0x22: {  	[simem:s7], [sflag:s8] =	dma.local @!p0 [hbm:s6], $0xF7A  }
0x23: {  	s9 =	sor.u32 $0xD0000000, s2;
	s6 =	simm.s32 $0x108;
	_ =	swait.ge @!p0 [sflag:s8], $0x0  }
0x24: {  	s3 =	sadd.s32 $0x88, s3;
	s6 =	simm.s32 @!p1 $0x1082;
	[sflag:s4] =	ssyncset.s32 $0xFFFFF086  }
0x25: {  	[simem:s6], [sflag:s4] =	dma.local [hbm:s3], $0xF7A  }
0x26: {  	[smem:$0x3F9A] =	sst s1;
	(tag) =	ssettag s2;
	_ =	strace s9  }
0x27: {  	s1 =	sld [smem:$0x3FAA]  }
0x28: {  	s2 =	sld [smem:$0x3FAB]  }
0x29: {  	s4 =	sld [smem:$0x3FAD]  }
0x2a: {  	p0 =	seq.s32 s5, $0x0;
	s5 =	sld [smem:$0x3FAE]  }
0x2b: {  	s6 =	sld [smem:$0x3FAF]  }
0x2c: {  	s7 =	sld [smem:$0x3FB0]  }
0x2d: {  	s3 =	simm.s32 $0x108;
	s8 =	sld [smem:$0x3FB1]  }
0x2e: {  	s3 =	simm.s32 @!p0 $0x1082;
	s9 =	sld [smem:$0x3FB2]  }
0x2f: {  	lr =	sadd.s32 s0, s3;
	s0 =	sld [smem:$0x3FA9]  }
0x30: {  	s3 =	sld [smem:$0x3FAC]  }
0x31: {  	[smem:$0x3FB5] =	sst s10  }
0x32: {  	s10 =	sld [smem:$0x3FB3];
	_ =	sdelay $0x3  }
0x33: {  	p0 =	seq.s32 s10, $0x1;
	s10 =	sld [smem:$0x3FB5];
	_ =	sdelay $0x3  }
0x34: {  	[smem:$0x3FB5] =	sst s10  }
0x35: {  	s10 =	sld [smem:$0x3FB4];
	_ =	sdelay $0x3  }
0x36: {  	p1 =	seq.s32 s10, $0x1;
	s10 =	sld [smem:$0x3FB5];
	_ =	sdelay $0x3  }
0x37: {  	[smem:$0x3FB5] =	sst s10  }
0x38: {  	s10 =	sld [smem:$0x3FB6]  }
0x39: {  	_ = 	snop;
	(pc) =	sbr.ind lr, $3  }
0x3a: {  	_ = 	snop  }
0x3b: {  	_ = 	snop  }
0x3c: {  	p2 =	seq.s32 s10, $0x1;
	s10 =	sld [smem:$0x3FB5]  }
0x3d: {  	_ =	shalt  }
0x3e: {  	_ =	shalt  }
0x3f: {  	_ =	shalt  }
0x40: {  	_ =	shalt  }
0x41: {  	_ =	shalt  }
0x42: {  	_ =	shalt  }
0x43: {  	_ =	shalt  }
0x44: {  	_ =	shalt  }
0x45: {  	_ =	shalt  }
0x46: {  	_ =	shalt  }
0x47: {  	_ =	shalt  }
0x48: {  	_ =	shalt  }
0x49: {  	_ =	shalt  }
0x4a: {  	_ =	shalt  }
0x4b: {  	_ =	shalt  }
0x4c: {  	_ =	shalt  }
0x4d: {  	_ =	shalt  }
0x4e: {  	_ =	shalt  }
0x4f: {  	_ =	shalt  }
0x50: {  	_ =	shalt  }
0x51: {  	_ =	shalt  }
0x52: {  	_ =	shalt  }
0x53: {  	_ =	shalt  }
0x54: {  	_ =	shalt  }
0x55: {  	_ =	shalt  }
0x56: {  	_ =	shalt  }
0x57: {  	_ =	shalt  }
0x58: {  	_ =	shalt  }
0x59: {  	_ =	shalt  }
0x5a: {  	_ =	shalt  }
0x5b: {  	_ =	shalt  }
0x5c: {  	_ =	shalt  }
0x5d: {  	_ =	shalt  }
0x5e: {  	_ =	shalt  }
0x5f: {  	_ =	shalt  }
0x60: {  	_ =	shalt  }
0x61: {  	_ =	shalt  }
0x62: {  	_ =	shalt  }
0x63: {  	_ =	shalt  }
0x64: {  	_ =	shalt  }
0x65: {  	_ =	shalt  }
0x66: {  	_ =	shalt  }
0x67: {  	_ =	shalt  }
0x68: {  	_ =	shalt  }
0x69: {  	_ =	shalt  }
0x6a: {  	_ =	shalt  }
0x6b: {  	_ =	shalt  }
0x6c: {  	_ =	shalt  }
0x6d: {  	_ =	shalt  }
0x6e: {  	_ =	shalt  }
0x6f: {  	_ =	shalt  }
0x70: {  	_ =	shalt  }
0x71: {  	_ =	shalt  }
0x72: {  	_ =	shalt  }
0x73: {  	_ =	shalt  }
0x74: {  	_ =	shalt  }
0x75: {  	_ =	shalt  }
0x76: {  	_ =	shalt  }
0x77: {  	_ =	shalt  }
0x78: {  	_ =	shalt  }
0x79: {  	_ =	shalt  }
0x7a: {  	_ =	shalt  }
0x7b: {  	_ =	shalt  }
0x7c: {  	_ =	shalt  }
0x7d: {  	_ =	shalt  }
0x7e: {  	_ =	shalt  }
0x7f: {  	_ =	shalt  }
0x80: {  	_ =	shalt  }
0x81: {  	_ =	shalt  }
0x82: {  	_ =	shalt  }
0x83: {  	_ =	shalt  }
0x84: {  	_ =	shalt  }
0x85: {  	_ =	shalt  }
0x86: {  	_ =	shalt  }
0x87: {  	_ =	shalt  }
.Lfunc_end0:
.L_simem_size_0:
called_computation.1_lowered:
.L_overlay_start_0:
0x88: {  	s2 =	sld [smem:$0x3FD9]  }
0x89: {  	s3 =	sld [smem:$0x3FFE];
	_ =	sdelay $0x1  }
0x8a: {  	s1 =	srdreg.scid  }
0x8b: {  	s0 =	sand.u32 $0x1, s1  }
0x8c: {  	s17 =	sshll.u32 s0, $0xA;
	s2 =	sadd.s32 s3, s2  }
0x8d: {  	s2 =	sadd.s32 s2, s17  }
0x8e: {  	[smem:$0x3FC1] =	sst s2  }
0x8f: {  	_ = 	snop  }
0x90: {  	s2 =	sld [smem:$0x3FD0];
	(tm) =	ssettm $0x1  }
0x91: {  	s18 =	sld [smem:$0x3FFB];
	_ =	sdelay $0x3  }
0x92: {  	_ =	strace s18  }
0x93: {  	s3 =	sld [smem:$0x3FFC];
	_ =	sdelay $0x3  }
0x94: {  	_ =	strace s3  }
0x95: {  	s3 =	sld [smem:$0x3FFD];
	_ =	sdelay $0x3  }
0x96: {  	_ =	strace s3  }
0x97: {  	_ =	strace $0x8FFFFFFF  }
0x98: {  	s19 =	sld [smem:$0x3FDB];
	_ =	sdelay $0x1  }
0x99: {  	s4 =	simm.s32 $_scs_section_size  }
0x9a: {  	s5 =	simm.s32 $_size__tile_overlayer_lowered;
	s6 =	simm.s32 $_tile_overlayer_lowered  }
0x9b: {  	s22 =	simm.s32 $0x1BFF;
	s21 =	sshll.u32 s6, $0x1;
	s3 =	sadd.s32 s4, s19  }
0x9c: {  	s7 =	simm.s32 $0x0;
	s20 =	sshll.u32 s5, $0x1;
	s5 =	sadd.s32 s21, s3  }
0x9d: {  	[timem:s7], [sflag:s22] =	dma.local [hbm:s5], s20  }
0x9e: {  	_ =	swait.ge [sflag:s22], s20  }
0x9f: {  	s4 =	ssub.s32 $0x0, s20;
	[sflag:s22] =	ssyncset.done $0x0  }
0xa0: {  	[sflag:s22] =	ssyncadd.s32 s4;
	_ =	sdelay $0x1  }
0xa1: {  	s23 =	simm.s32 $0x1B8B  }
0xa2: {  	_ =	swait.ge [sflag:s23], $0x1  }
0xa3: {  	[sflag:s23] =	ssyncset.done $0x0  }
0xa4: {  	s25 =	simm.s32 $0x1B8E;
	s24 =	sld [smem:$0x3FFE];
	[sflag:s23] =	ssyncadd.s32 $0xFFFFFFFF  }
0xa5: {  	s26 =	simm.s32 $execute0_lowered;
	[smem:$0x3FD2] =	sst s25  }
0xa6: {  	s5 =	sshll.u32 s26, $0x1;
	_ =	strace $0x80000049;
	[dreg:$0x1] =	wrdreg $0xFFFFFFFF  }
0xa7: {  	s28 =	simm.s32 $_size_execute0_lowered;
	s3 =	sadd.s32 s3, s5;
	[dreg:$0x0] =	wrdreg $0x0  }
0xa8: {  	s5 =	sshll.u32 s28, $0x1;
	[dreg:$0x2] =	wrdreg s3  }
0xa9: {  	[dreg:$0x3] =	wrdreg s5  }
0xaa: {  	[dreg:$0x4] =	wrdreg $0xC0  }
0xab: {  	_ =	task [dreg:s7], $0x5FFFF  }
0xac: {  	[dreg:$0x1] =	wrdreg $0xFFFFFFFF  }
0xad: {  	[dreg:$0x0] =	wrdreg $0x60  }
0xae: {  	[dreg:$0x2] =	wrdreg s2  }
0xaf: {  	[dreg:$0x3] =	wrdreg s24  }
0xb0: {  	[dreg:$0x4] =	wrdreg $0xAC000  }
0xb1: {  	[dreg:$0x5] =	wrdreg $0x9  }
0xb2: {  	_ =	task.clear_ibuf [dreg:s7], $0x6FFFF;
	_ =	strace $0x90000049  }
0xb3: {  	s29 =	simm.s32 $0x9;
	_ =	strace $0x8000004B  }
0xb4: {  	_ =	swait.ge [sflag:s29], $0x1  }
0xb5: {  	[sflag:s29] =	ssyncadd.s32 $0xFFFFFFFF  }
0xb6: {  	_ =	strace $0x9000004B  }
0xb7: {  	_ =	sfence  }
0xb8: {  	s30 =	sld [smem:$0x0];
	_ =	sdelay $0x2  }
0xb9: {  	s31 =	sshll.u32 s1, $0xD;
	s1 =	sshrl.u32 s1, $0x2  }
0xba: {  	s3 =	sand.u32 $0x4000, s31;
	s1 =	sadd.s32 s1, s30  }
0xbb: {  	s0 =	sor.u32 s3, s0;
	s1 =	sshll.u32 s1, $0x11  }
0xbc: {  	s0 =	sor.u32 s1, s0  }
0xbd: {  	s0 =	sadd.s32 $0x8F2B, s0  }
0xbe: {  	[sflag:s0] =	ssyncadd.remote.s32 $0x1  }
0xbf: {  	_ =	sfence.sel $0xFFFF  }
0xc0: {  	[dreg:$0x0] =	wrdreg $0xFFFFFFFF;
	(pc) =	sbr.abs _section_cstart, $3  }
0xc1: {  	[dreg:$0x1] =	wrdreg $0xFFFFFFFF  }
0xc2: {  	_ =	task.clear_ibuf [dreg:s7], $0x2FFFF;
	_ =	strace $0x9FFFFFFF  }
0xc3: {  	(tm) =	ssettm $0x7FFFFFFF  }
tec
execute0_lowered:
.L_overlay_start_1:
0x0: {  	(tag) =	ssettag $0x1  }
0x1: {  	s0 =	srdreg.scid;
	s12 =	stileid.u32  }
0x2: {  	s0 =	sand.u32 $0x1, s0;
	s1 =	sshll.u32 s12, $0x1  }
0x3: {  	s6 =	rddreg [dreg:$0x0];
	s13 =	simm.s32 $0x0;
	s2 =	sor.u32 s0, s1  }
0x4: {  	s28 =	simm.s32 $0x6;
	[smem:$0x7FF] =	sst s13;
	s2 =	smul.u32 $0x2710, s2  }
0x5: {  	s4 =	smul.u32 $0x14000, s12;
	s1 =	rddreg [dreg:$0x1];
	s5 =	ssub.s32 $0x2, s0  }
0x6: {  	s3 =	smul.u32 $0x140000, s0;
	s8 =	sshrl.u32 s5, $0x1;
	s2 =	sshrl.u32 s2, $0x3  }
0x7: {  	s8 =	ssub.s32 s5, s8;
	s9 =	sadd.s32 $0xA, s2;
	s5 =	sadd.s32 s6, s2  }
0x8: {  	s7 =	sadd.s32 $0x2E00, s1;
	s15 =	sadd.s32 s6, s9;
	[dreg:$0x18] =	wrdreg s5  }
0x9: {  	s17 =	sadd.s32 $0x14, s2;
	s16 =	sadd.s32 s7, s9;
	[dreg:$0x4] =	wrdreg s15  }
0xa: {  	s10 =	sadd.s32 s4, s3;
	s19 =	sadd.s32 s6, s17;
	[dreg:$0x5] =	wrdreg s16  }
0xb: {  	s18 =	sadd.s32 $0x1E, s2;
	s3 =	sadd.s32 s7, s17;
	[dreg:$0x6] =	wrdreg s19  }
0xc: {  	s11 =	smul.u32 $0x4E20, s12;
	s20 =	sadd.s32 s6, s18;
	[dreg:$0x7] =	wrdreg s3  }
0xd: {  	s22 =	sadd.s32 $0x28, s2;
	s21 =	sadd.s32 s7, s18;
	[dreg:$0x8] =	wrdreg s20  }
0xe: {  	s23 =	sadd.s32 $0x32, s2;
	s24 =	sadd.s32 s6, s22;
	[dreg:$0x9] =	wrdreg s21  }
0xf: {  	s0 =	smul.u32 $0x2710, s0;
	s25 =	sadd.s32 s6, s23;
	[dreg:$0xa] =	wrdreg s24  }
0x10: {  	s26 =	sadd.s32 $0x3C, s2;
	s17 =	sadd.s32 s7, s23;
	[dreg:$0xb] =	wrdreg s25  }
0x11: {  	s18 =	sadd.s32 s7, s26;
	s23 =	sadd.s32 $0x5A, s2;
	[dreg:$0xf] =	wrdreg s17  }
0x12: {  	s9 =	sadd.s32 $0x6E, s2;
	s15 =	sadd.s32 s6, s26;
	[dreg:$0x10] =	wrdreg s18  }
0x13: {  	s16 =	sadd.s32 $0x46, s2;
	s3 =	sadd.s32 s7, s22;
	[dreg:$0xc] =	wrdreg s15  }
0x14: {  	s19 =	sadd.s32 $0x50, s2;
	s25 =	sadd.s32 s6, s23;
	[dreg:$0xe] =	wrdreg s3  }
0x15: {  	s22 =	sadd.s32 s0, s11;
	s0 =	sadd.s32 s7, s23;
	[dreg:$0x14] =	wrdreg s25  }
0x16: {  	s24 =	sadd.s32 $0x64, s2;
	s11 =	sadd.s32 s7, s2;
	[dreg:$0x15] =	wrdreg s0  }
0x17: {  	s2 =	sadd.s32 $0x4D8, s2;
	s14 =	sadd.s32 s6, s16;
	[dreg:$0x19] =	wrdreg s11  }
0x18: {  	s20 =	sadd.s32 s7, s16;
	s21 =	sadd.s32 s6, s19;
	[dreg:$0xd] =	wrdreg s14  }
0x19: {  	s3 =	sadd.s32 s7, s19;
	s26 =	sadd.s32 s6, s24;
	[dreg:$0x11] =	wrdreg s20  }
0x1a: {  	s0 =	sadd.s32 s7, s9;
	s15 =	sadd.s32 s6, s2;
	[dreg:$0x12] =	wrdreg s21  }
0x1b: {  	s16 =	sadd.s32 $0x280, s22;
	s2 =	sadd.s32 s7, s2;
	[dreg:$0x13] =	wrdreg s3  }
0x1c: {  	s17 =	sadd.s32 $0x370, s22;
	s18 =	sadd.s32 $0x320, s22;
	[dreg:$0x16] =	wrdreg s26  }
0x1d: {  	s4 =	sadd.s32 $0x2D0, s22;
	s11 =	simm.s32 $0x600;
	[dreg:$0x1b] =	wrdreg s0  }
0x1e: {  	s3 =	sadd.s32 s7, s24;
	s14 =	sadd.s32 s6, s9;
	[dreg:$0x1c] =	wrdreg s15  }
0x1f: {  	[dreg:$0x1d] =	wrdreg s2;
	s0 =	sshrl.u32 s16, $0x3;
	s2 =	sshrl.u32 s17, $0x3  }
0x20: {  	s19 =	sshrl.u32 s4, $0x3;
	s4 =	rddreg [dreg:$0x2];
	s20 =	smul.u32 $0x50000, s12  }
0x21: {  	s21 =	sshrl.u32 s10, $0x3;
	s24 =	sshll.u32 s12, $0x6;
	s26 =	smax.u32 s8, $0x1  }
0x22: {  	s16 =	simm.s32 $0x50;
	s15 =	simm.s32 $0x3400;
	s8 =	simm.s32 $0x4  }
0x23: {  	s12 =	simm.s32 $0x0;
	s17 =	simm.s32 $0x3400;
	[dreg:$0x17] =	wrdreg s3  }
0x24: {  	[dreg:$0x1a] =	wrdreg s14;
	s29 =	sadd.s32 s0, s7;
	s30 =	sadd.s32 s0, s6  }
0x25: {  	s3 =	sshrl.u32 s18, $0x3;
	s31 =	sadd.s32 s2, s7;
	s0 =	sadd.s32 s2, s6  }
0x26: {  	s5 =	sadd.s32 s19, s7;
	s9 =	sadd.s32 s21, s1;
	s10 =	sor.u32 $0x1C0B, s24  }
0x27: {  	s21 =	simm.s32 $0xC00;
	s24 =	simm.s32 $0x2;
	s18 =	simm.s32 $0x5C00  }
0x28: {  	s2 =	sadd.s32 s3, s7;
	s3 =	sadd.s32 s3, s6;
	s6 =	sadd.s32 s19, s6  }
0x29: {  	_ =	strace $0x8000004A;
	s22 =	sshrl.u32 s20, $0x2;
	s7 =	sadd.s32 $0xCC00, s1  }
.Ltmp0:
0x2a: {  	s1 =	sadd.s32 $0x34C00, s1;
	[smem:$0x7FC] =	sst s26;
	(pc) =	sbr.rel .LBB2_1-.Ltmp0, $4  }
0x2b: {  	s25 =	sadd.s32 $0x37400, s9;
	s9 =	simm.s32 $0xB;
	[smem:$0x7FD] =	sst s10  }
0x2c: {  	s19 =	simm.s32 $0xA;
	s26 =	simm.s32 $0x3;
	[dreg:$0x1e] =	wrdreg s1  }
0x2d: {  	s20 =	simm.s32 $0x8400;
	s23 =	sadd.s32 s22, s4;
	[smem:$0x7FB] =	sst s25  }
0x2e: {  	s22 =	simm.s32 $0x1;
	s25 =	simm.s32 $0x5;
	[dreg:$0x1f] =	wrdreg s23  }
.LBB2_7:
0x2f: {  	s1 =	simm.s32 $0x7  }
0x30: {  	_ =	swait.ge [sflag:s1], $0x2800  }
0x31: {  	[sflag:s1] =	ssyncset.done $0x0  }
0x32: {  	s11 =	simm.s32 $0x8;
	[sflag:s1] =	ssyncadd.s32 $0xFFFFD800  }
0x33: {  	_ =	swait.ge [sflag:s11], $0x2800  }
0x34: {  	[sflag:s11] =	ssyncset.done $0x0  }
0x35: {  	[sflag:s11] =	ssyncadd.s32 $0xFFFFD800  }
0x36: {  	_ =	swait.ge [sflag:s22], $0x2800  }
0x37: {  	[sflag:s22] =	ssyncset.done $0x0  }
0x38: {  	[sflag:s22] =	ssyncadd.s32 $0xFFFFD800  }
0x39: {  	_ =	swait.ge [sflag:s24], $0x2800  }
0x3a: {  	s13 =	simm.s32 $0x0;
	[sflag:s24] =	ssyncset.done $0x0  }
0x3b: {  	s9 =	simm.s32 $0xB;
	s12 =	rddreg [dreg:$0x1c];
	[sflag:s24] =	ssyncadd.s32 $0xFFFFD800  }
0x3c: {  	[tilespmem:s13], [sflag:$0xB] =	stream.linear.gather [hbm4b:s12+s13], $0x50, $0x38;
	[tilespmem:$0x1EC00] =	vst v63  }
0x3d: {  	_ =	swait.ge [sflag:s9], $0x50  }
0x3e: {  	[sflag:s9] =	ssyncset.done $0x0  }
0x3f: {  	s11 =	simm.s32 $0x600;
	s14 =	rddreg [dreg:$0x1d];
	[sflag:s9] =	ssyncadd.s32 $0xFFFFFFB0  }
0x40: {  	[tilespmem:s11], [sflag:$0xB] =	stream.linear.gather [hbm4b:s14+s13], $0x50, $0x38;
	[tilespmem:$0x1EC00] =	vst v63  }
0x41: {  	_ =	swait.ge [sflag:s9], $0x50  }
0x42: {  	[sflag:s9] =	ssyncset.done $0x0  }
0x43: {  	[sflag:s9] =	ssyncadd.s32 $0xFFFFFFB0  }
0x44: {  	[tilespmem:s21], [sflag:$0x1] =	stream.indirect.gather [hbm4b:s7+s16], $0x80, s13, s16, $0xb8;
	[tilespmem:$0x1EC00] =	vst v63  }
0x45: {  	_ =	swait.ge [sflag:s22], $0x2800  }
0x46: {  	[sflag:s22] =	ssyncset.done $0x0  }
0x47: {  	[sflag:s22] =	ssyncadd.s32 $0xFFFFD800  }
0x48: {  	[spmem:s4] =	stream.indirect.scatter.add.f32 [tilespmem:s21], [sflag:$0xB], $0x80, s11, s16, $0xb8;
	[tilespmem:$0x1EC00] =	vst v63  }
0x49: {  	_ =	swait.ge [sflag:s9], $0x2800  }
0x4a: {  	[sflag:s9] =	ssyncset.done $0x0  }
0x4b: {  	[sflag:s9] =	ssyncadd.s32 $0xFFFFD800  }
0x4c: {  	[bflag:$0x0] =	sbarrier.arrive $0xFFFF  }
0x4d: {  	s10 =	sld [smem:$0x7FD]  }
0x4e: {  	s23 =	sld [smem:$0x7FB]  }
0x4f: {  	s12 =	sld [smem:$0x7FA];
	_ =	sdelay $0x2  }
0x50: {  	[hbm:s23], [sflag:s10] =	dma.local [spmem:s12], $0x2800  }
0x51: {  	_ =	swait.ge [sflag:s9], $0x2800  }
0x52: {  	s14 =	sld [smem:$0x7F9]  }
0x53: {  	s23 =	sld [smem:$0x7FC];
	_ =	sdelay $0x1  }
0x54: {  	s12 =	sadd.s32 $0x1, s14  }
0x55: {  	p0 =	sne.s32 s12, s23  }
.Ltmp1:
0x56: {  	_ = 	snop;
	(pc) =	sbr.rel @!p0 .LBB2_8-.Ltmp1, $3  }
0x57: {  	_ =	sdelay $0x1  }
0x58: {  	[sflag:s9] =	ssyncset.done $0x0  }
0x59: {  	[sflag:s9] =	ssyncadd.s32 $0xFFFFD800  }
.LBB2_1:
0x5a: {  	[smem:$0x7F9] =	sst s12  }
0x5b: {  	s1 =	rddreg [dreg:$0x1f]  }
0x5c: {  	s14 =	rddreg [dreg:$0x1e];
	s1 =	sshrl.u32 s1, $0x3  }
0x5d: {  	[smem:$0x7FA] =	sst s1  }
0x5e: {  	[spmem:s1], [sflag:s10] =	dma.local [hbm:s14], $0x2800  }
0x5f: {  	_ =	swait.ge [sflag:s9], $0x2800  }
0x60: {  	[sflag:s9] =	ssyncset.done $0x0  }
0x61: {  	s23 =	rddreg [dreg:$0x18];
	[sflag:s9] =	ssyncadd.s32 $0xFFFFD800  }
0x62: {  	[tilespmem:s13], [sflag:$0xB] =	stream.linear.gather [hbm4b:s23+s13], $0x50, $0x38;
	[tilespmem:$0x1EC00] =	vst v63  }
0x63: {  	_ =	swait.ge [sflag:s9], $0x50  }
0x64: {  	[sflag:s9] =	ssyncset.done $0x0  }
0x65: {  	s10 =	rddreg [dreg:$0x19];
	[sflag:s9] =	ssyncadd.s32 $0xFFFFFFB0  }
0x66: {  	[tilespmem:s11], [sflag:$0xB] =	stream.linear.gather [hbm4b:s10+s13], $0x50, $0x38;
	[tilespmem:$0x1EC00] =	vst v63  }
0x67: {  	_ =	swait.ge [sflag:s9], $0x50  }
0x68: {  	[sflag:s9] =	ssyncset.done $0x0  }
0x69: {  	s10 =	simm.s32 $0x80;
	s12 =	rddreg [dreg:$0x4];
	[sflag:s9] =	ssyncadd.s32 $0xFFFFFFB0  }
0x6a: {  	[tilespmem:s10], [sflag:$0xB] =	stream.linear.gather [hbm4b:s12+s13], $0x50, $0x38;
	[tilespmem:$0x1EC00] =	vst v63  }
0x6b: {  	_ =	swait.ge [sflag:s9], $0x50  }
0x6c: {  	[sflag:s9] =	ssyncset.done $0x0  }
0x6d: {  	s23 =	simm.s32 $0x680;
	s14 =	rddreg [dreg:$0x5];
	[sflag:s9] =	ssyncadd.s32 $0xFFFFFFB0  }
0x6e: {  	[tilespmem:s23], [sflag:$0xB] =	stream.linear.gather [hbm4b:s14+s13], $0x50, $0x38;
	[tilespmem:$0x1EC00] =	vst v63  }
0x6f: {  	_ =	swait.ge [sflag:s9], $0x50  }
0x70: {  	[sflag:s9] =	ssyncset.done $0x0  }
0x71: {  	s12 =	simm.s32 $0x100;
	s11 =	rddreg [dreg:$0x6];
	[sflag:s9] =	ssyncadd.s32 $0xFFFFFFB0  }
0x72: {  	[tilespmem:s12], [sflag:$0xB] =	stream.linear.gather [hbm4b:s11+s13], $0x50, $0x38;
	[tilespmem:$0x1EC00] =	vst v63  }
0x73: {  	_ =	swait.ge [sflag:s9], $0x50  }
0x74: {  	[sflag:s9] =	ssyncset.done $0x0  }
0x75: {  	s23 =	simm.s32 $0x700;
	s14 =	rddreg [dreg:$0x7];
	[sflag:s9] =	ssyncadd.s32 $0xFFFFFFB0  }
0x76: {  	[tilespmem:s23], [sflag:$0xB] =	stream.linear.gather [hbm4b:s14+s13], $0x50, $0x38;
	[tilespmem:$0x1EC00] =	vst v63  }
0x77: {  	_ =	swait.ge [sflag:s9], $0x50  }
0x78: {  	[sflag:s9] =	ssyncset.done $0x0  }
0x79: {  	s12 =	simm.s32 $0x180;
	s11 =	rddreg [dreg:$0x8];
	[sflag:s9] =	ssyncadd.s32 $0xFFFFFFB0  }
0x7a: {  	[tilespmem:s12], [sflag:$0xB] =	stream.linear.gather [hbm4b:s11+s13], $0x50, $0x38;
	[tilespmem:$0x1EC00] =	vst v63  }
0x7b: {  	_ =	swait.ge [sflag:s9], $0x50  }
0x7c: {  	[sflag:s9] =	ssyncset.done $0x0  }
0x7d: {  	s23 =	simm.s32 $0x780;
	s14 =	rddreg [dreg:$0x9];
	[sflag:s9] =	ssyncadd.s32 $0xFFFFFFB0  }
0x7e: {  	[tilespmem:s23], [sflag:$0xB] =	stream.linear.gather [hbm4b:s14+s13], $0x50, $0x38;
	[tilespmem:$0x1EC00] =	vst v63  }
0x7f: {  	_ =	swait.ge [sflag:s9], $0x50  }
0x80: {  	[sflag:s9] =	ssyncset.done $0x0  }
0x81: {  	s12 =	simm.s32 $0x200;
	s11 =	rddreg [dreg:$0xa];
	[sflag:s9] =	ssyncadd.s32 $0xFFFFFFB0  }
0x82: {  	[tilespmem:s12], [sflag:$0xA] =	stream.linear.gather [hbm4b:s11+s13], $0x50, $0x38;
	[tilespmem:$0x1EC00] =	vst v63  }
0x83: {  	s23 =	simm.s32 $0x280;
	s14 =	rddreg [dreg:$0xb]  }
0x84: {  	[tilespmem:s23], [sflag:$0xA] =	stream.linear.gather [hbm4b:s14+s13], $0x50, $0x38;
	[tilespmem:$0x1EC00] =	vst v63  }
0x85: {  	s11 =	rddreg [dreg:$0xc];
	s12 =	simm.s32 $0x300  }
0x86: {  	[tilespmem:s12], [sflag:$0xA] =	stream.linear.gather [hbm4b:s11+s13], $0x50, $0x38;
	[tilespmem:$0x1EC00] =	vst v63  }
0x87: {  	s14 =	rddreg [dreg:$0xd];
	s23 =	simm.s32 $0x380  }
0x88: {  	[tilespmem:s23], [sflag:$0xA] =	stream.linear.gather [hbm4b:s14+s13], $0x50, $0x38;
	[tilespmem:$0x1EC00] =	vst v63  }
0x89: {  	s11 =	rddreg [dreg:$0xe];
	s12 =	simm.s32 $0x800  }
0x8a: {  	[tilespmem:s12], [sflag:$0xA] =	stream.linear.gather [hbm4b:s11+s13], $0x50, $0x38;
	[tilespmem:$0x1EC00] =	vst v63  }
0x8b: {  	s14 =	rddreg [dreg:$0xf];
	s23 =	simm.s32 $0x880  }
0x8c: {  	[tilespmem:s23], [sflag:$0xA] =	stream.linear.gather [hbm4b:s14+s13], $0x50, $0x38;
	[tilespmem:$0x1EC00] =	vst v63  }
0x8d: {  	s11 =	rddreg [dreg:$0x10];
	s12 =	simm.s32 $0x900  }
0x8e: {  	[tilespmem:s12], [sflag:$0xA] =	stream.linear.gather [hbm4b:s11+s13], $0x50, $0x38;
	[tilespmem:$0x1EC00] =	vst v63  }
0x8f: {  	s14 =	rddreg [dreg:$0x11];
	s23 =	simm.s32 $0x980  }
0x90: {  	[tilespmem:s23], [sflag:$0xA] =	stream.linear.gather [hbm4b:s14+s13], $0x50, $0x38;
	[tilespmem:$0x1EC00] =	vst v63  }
0x91: {  	s11 =	rddreg [dreg:$0x12];
	s12 =	simm.s32 $0x400  }
0x92: {  	[tilespmem:s12], [sflag:$0x9] =	stream.linear.gather [hbm4b:s11+s13], $0x50, $0x38;
	[tilespmem:$0x1EC00] =	vst v63  }
0x93: {  	s14 =	rddreg [dreg:$0x14];
	s23 =	simm.s32 $0x480  }
0x94: {  	[tilespmem:s23], [sflag:$0x9] =	stream.linear.gather [hbm4b:s14+s13], $0x50, $0x38;
	[tilespmem:$0x1EC00] =	vst v63  }
0x95: {  	s11 =	rddreg [dreg:$0x16];
	s12 =	simm.s32 $0x500  }
0x96: {  	[tilespmem:s12], [sflag:$0x9] =	stream.linear.gather [hbm4b:s11+s13], $0x50, $0x38;
	[tilespmem:$0x1EC00] =	vst v63  }
0x97: {  	s14 =	rddreg [dreg:$0x1a];
	s23 =	simm.s32 $0x580  }
0x98: {  	[tilespmem:s23], [sflag:$0x9] =	stream.linear.gather [hbm4b:s14+s13], $0x50, $0x38;
	[tilespmem:$0x1EC00] =	vst v63  }
0x99: {  	s11 =	rddreg [dreg:$0x13];
	s12 =	simm.s32 $0xA00  }
0x9a: {  	[tilespmem:s12], [sflag:$0x9] =	stream.linear.gather [hbm4b:s11+s13], $0x50, $0x38;
	[tilespmem:$0x1EC00] =	vst v63  }
0x9b: {  	s14 =	rddreg [dreg:$0x15];
	s23 =	simm.s32 $0xA80  }
0x9c: {  	[tilespmem:s23], [sflag:$0x9] =	stream.linear.gather [hbm4b:s14+s13], $0x50, $0x38;
	[tilespmem:$0x1EC00] =	vst v63  }
0x9d: {  	s11 =	rddreg [dreg:$0x17];
	s12 =	simm.s32 $0xB00  }
0x9e: {  	[tilespmem:s12], [sflag:$0x9] =	stream.linear.gather [hbm4b:s11+s13], $0x50, $0x38;
	[tilespmem:$0x1EC00] =	vst v63  }
0x9f: {  	s14 =	rddreg [dreg:$0x1b];
	s23 =	simm.s32 $0xB80  }
0xa0: {  	[tilespmem:s23], [sflag:$0x9] =	stream.linear.gather [hbm4b:s14+s13], $0x50, $0x38;
	[tilespmem:$0x1EC00] =	vst v63  }
0xa1: {  	_ = 	snop  }
0xa2: {  	[tilespmem:s21], [sflag:$0x1] =	stream.indirect.gather [hbm4b:s7+s16], $0x80, s13, s16, $0xb8;
	[tilespmem:$0x1EC00] =	vst v63  }
.Ltmp2:
0xa3: {  	_ = 	snop;
	(pc) =	sbr.rel .LBB2_2-.Ltmp2, $4  }
0xa4: {  	_ = 	snop  }
0xa5: {  	[tilespmem:s15], [sflag:$0x2] =	stream.indirect.gather [hbm4b:s7+s16], $0x80, s10, s16, $0xb8;
	[tilespmem:$0x1EC00] =	vst v63  }
0xa6: {  	[bflag:$0x0] =	sbarrier.arrive $0xFFFF  }
0xa7: {  	s12 =	simm.s32 $0x0;
	s14 =	simm.s32 $0x2  }
.LBB2_3:
0xa8: {  	_ =	swait.ge [sflag:s19], $0x50  }
0xa9: {  	[sflag:s19] =	ssyncset.done $0x0  }
0xaa: {  	[sflag:s19] =	ssyncadd.s32 $0xFFFFFFB0  }
0xab: {  	_ =	swait.ge [sflag:s19], $0x50  }
0xac: {  	[sflag:s19] =	ssyncset.done $0x0  }
0xad: {  	[sflag:s19] =	ssyncadd.s32 $0xFFFFFFB0  }
0xae: {  	_ =	swait.ge [sflag:s19], $0x50  }
0xaf: {  	[sflag:s19] =	ssyncset.done $0x0  }
0xb0: {  	[sflag:s19] =	ssyncadd.s32 $0xFFFFFFB0  }
0xb1: {  	_ =	swait.ge [sflag:s19], $0x50  }
0xb2: {  	[sflag:s19] =	ssyncset.done $0x0  }
0xb3: {  	[sflag:s19] =	ssyncadd.s32 $0xFFFFFFB0  }
0xb4: {  	_ =	swait.ge [sflag:s19], $0x50  }
0xb5: {  	[sflag:s19] =	ssyncset.done $0x0  }
0xb6: {  	[sflag:s19] =	ssyncadd.s32 $0xFFFFFFB0  }
0xb7: {  	_ =	swait.ge [sflag:s19], $0x50  }
0xb8: {  	[sflag:s19] =	ssyncset.done $0x0  }
0xb9: {  	[sflag:s19] =	ssyncadd.s32 $0xFFFFFFB0  }
0xba: {  	_ =	swait.ge [sflag:s19], $0x50  }
0xbb: {  	[sflag:s19] =	ssyncset.done $0x0  }
0xbc: {  	[sflag:s19] =	ssyncadd.s32 $0xFFFFFFB0  }
0xbd: {  	_ =	swait.ge [sflag:s19], $0x50  }
0xbe: {  	[sflag:s19] =	ssyncset.done $0x0  }
0xbf: {  	[sflag:s19] =	ssyncadd.s32 $0xFFFFFFB0  }
.LBB2_5:
0xc0: {  	s13 =	simm.s32 $0x7  }
0xc1: {  	_ =	swait.ge [sflag:s13], $0x2800  }
0xc2: {  	[sflag:s13] =	ssyncset.done $0x0  }
0xc3: {  	[sflag:s13] =	ssyncadd.s32 $0xFFFFD800  }
.LBB2_6:
0xc4: {  	s13 =	sshll.u32 s1, $0x9  }
0xc5: {  	s15 =	sor.u32 $0x100, s13  }
0xc6: {  	[tilespmem:s18], [sflag:$0x3] =	stream.indirect.gather [hbm4b:s7+s16], $0x80, s15, s16, $0xb8;
	[tilespmem:$0x1EC00] =	vst v63  }
0xc7: {  	_ =	swait.ge [sflag:s22], $0x2800  }
0xc8: {  	[sflag:s22] =	ssyncset.done $0x0  }
0xc9: {  	s1 =	sadd.s32 $0x600, s13;
	[sflag:s22] =	ssyncadd.s32 $0xFFFFD800  }
0xca: {  	[spmem:s4] =	stream.indirect.scatter.add.f32 [tilespmem:s21], [sflag:$0x5], $0x80, s1, s16, $0xb8;
	[tilespmem:$0x1EC00] =	vst v63  }
0xcb: {  	s1 =	simm.s32 @!p0 $0x8  }
0xcc: {  	_ =	swait.ge @!p0 [sflag:s1], $0x2800  }
0xcd: {  	p2 =	sgt.u32 s11, $0x1C;
	[sflag:s1] =	ssyncset.done @!p0 $0x0  }
0xce: {  	[sflag:s1] =	ssyncadd.s32 @!p0 $0xFFFFD800;
	p0 =	sne.s32 @!p2 s10, $0x0  }
0xcf: {  	p0 =	por p0, p2  }
0xd0: {  	s1 =	sor.u32 $0x180, s13;
	s11 =	smul.u32 @!p0 $0xAB, s14  }
0xd1: {  	[tilespmem:s20], [sflag:$0x4] =	stream.indirect.gather [hbm4b:s7+s16], $0x80, s1, s16, $0xb8;
	[tilespmem:$0x1EC00] =	vst v63  }
0xd2: {  	_ =	swait.ge [sflag:s24], $0x2800;
	s10 =	sshrl.u32 @!p0 s11, $0x9  }
0xd3: {  	[sflag:s24] =	ssyncset.done $0x0;
	s10 =	sand.u32 @!p0 $0x7F, s10  }
0xd4: {  	s21 =	sadd.s32 $0x680, s13;
	[sflag:s24] =	ssyncadd.s32 $0xFFFFD800;
	s10 =	smul.u32 @!p0 $0x3, s10  }
0xd5: {  	[spmem:s4] =	stream.indirect.scatter.add.f32 [tilespmem:s17], [sflag:$0x6], $0x80, s21, s16, $0xb8;
	[tilespmem:$0x1EC00] =	vst v63  }
0xd6: {  	_ =	swait.ge [sflag:s25], $0x2800;
	s10 =	ssub.s32 @!p0 s14, s10  }
0xd7: {  	s13 =	simm.s32 @!p0 $0x0;
	[sflag:s25] =	ssyncset.done $0x0;
	s10 =	sand.u32 @!p0 $0xFF, s10  }
0xd8: {  	s11 =	sadd.s32 @!p0 s12, s30;
	[sflag:s25] =	ssyncadd.s32 $0xFFFFD800;
	s10 =	sshll.u32 @!p0 s10, $0x9  }
0xd9: {  	[tilespmem:s10], [sflag:$0x9] =	stream.linear.gather @!p0 [hbm4b:s11+s13], $0x50, $0x38;
	[tilespmem:$0x1EC00] =	vst v63  }
0xda: {  	s21 =	sadd.s32 @!p0 s12, s6;
	s11 =	sor.u32 @!p0 $0x80, s10  }
0xdb: {  	[tilespmem:s11], [sflag:$0x9] =	stream.linear.gather @!p0 [hbm4b:s21+s13], $0x50, $0x38;
	[tilespmem:$0x1EC00] =	vst v63  }
0xdc: {  	s11 =	sor.u32 @!p0 $0x100, s10;
	s21 =	sadd.s32 @!p0 s12, s3  }
0xdd: {  	[tilespmem:s11], [sflag:$0x9] =	stream.linear.gather @!p0 [hbm4b:s21+s13], $0x50, $0x38;
	[tilespmem:$0x1EC00] =	vst v63  }
0xde: {  	s11 =	sor.u32 @!p0 $0x180, s10;
	s21 =	sadd.s32 @!p0 s12, s0  }
0xdf: {  	[tilespmem:s11], [sflag:$0x9] =	stream.linear.gather @!p0 [hbm4b:s21+s13], $0x50, $0x38;
	[tilespmem:$0x1EC00] =	vst v63  }
0xe0: {  	p1 =	por !p1, !p1;
	s11 =	sadd.s32 @!p0 $0x600, s10;
	s21 =	sadd.s32 @!p0 s12, s29  }
0xe1: {  	[tilespmem:s11], [sflag:$0x9] =	stream.linear.gather @!p0 [hbm4b:s21+s13], $0x50, $0x38;
	[tilespmem:$0x1EC00] =	vst v63  }
0xe2: {  	p1 =	por p2, p1;
	s11 =	sadd.s32 @!p0 $0x680, s10;
	s21 =	sadd.s32 @!p0 s12, s5  }
0xe3: {  	[tilespmem:s11], [sflag:$0x9] =	stream.linear.gather @!p0 [hbm4b:s21+s13], $0x50, $0x38;
	[tilespmem:$0x1EC00] =	vst v63  }
0xe4: {  	s23 =	smul.u32 @!p1 $0xAB, s14;
	s11 =	sadd.s32 @!p0 $0x700, s10;
	s21 =	sadd.s32 @!p0 s12, s2  }
0xe5: {  	[tilespmem:s11], [sflag:$0x9] =	stream.linear.gather @!p0 [hbm4b:s21+s13], $0x50, $0x38;
	[tilespmem:$0x1EC00] =	vst v63  }
0xe6: {  	s11 =	sshrl.u32 @!p1 s23, $0x9  }
0xe7: {  	s11 =	sand.u32 @!p1 $0x7F, s11  }
0xe8: {  	s10 =	sadd.s32 @!p0 $0x780, s10;
	s21 =	sadd.s32 @!p0 s12, s31;
	s11 =	smul.u32 @!p1 $0x3, s11  }
0xe9: {  	[tilespmem:s10], [sflag:$0x9] =	stream.linear.gather @!p0 [hbm4b:s21+s13], $0x50, $0x38;
	[tilespmem:$0x1EC00] =	vst v63  }
0xea: {  	s10 =	ssub.s32 @!p1 s14, s11  }
0xeb: {  	s10 =	sand.u32 @!p1 $0xFF, s10  }
0xec: {  	s13 =	simm.s32 @!p1 $0x0;
	s11 =	sadd.s32 @!p1 s12, s30;
	s10 =	sshll.u32 @!p1 s10, $0x9  }
0xed: {  	[tilespmem:s10], [sflag:$0xA] =	stream.linear.gather @!p1 [hbm4b:s11+s13], $0x50, $0x38;
	[tilespmem:$0x1EC00] =	vst v63  }
0xee: {  	s21 =	sadd.s32 @!p1 s12, s6;
	s11 =	sor.u32 @!p1 $0x80, s10  }
0xef: {  	[tilespmem:s11], [sflag:$0xA] =	stream.linear.gather @!p1 [hbm4b:s21+s13], $0x50, $0x38;
	[tilespmem:$0x1EC00] =	vst v63  }
0xf0: {  	s11 =	sor.u32 @!p1 $0x100, s10;
	s21 =	sadd.s32 @!p1 s12, s3  }
0xf1: {  	[tilespmem:s11], [sflag:$0xA] =	stream.linear.gather @!p1 [hbm4b:s21+s13], $0x50, $0x38;
	[tilespmem:$0x1EC00] =	vst v63  }
0xf2: {  	s11 =	sor.u32 @!p1 $0x180, s10;
	s21 =	sadd.s32 @!p1 s12, s0  }
0xf3: {  	[tilespmem:s11], [sflag:$0xA] =	stream.linear.gather @!p1 [hbm4b:s21+s13], $0x50, $0x38;
	[tilespmem:$0x1EC00] =	vst v63  }
0xf4: {  	s11 =	sadd.s32 @!p1 $0x600, s10;
	s21 =	sadd.s32 @!p1 s12, s29  }
0xf5: {  	[tilespmem:s11], [sflag:$0xA] =	stream.linear.gather @!p1 [hbm4b:s21+s13], $0x50, $0x38;
	[tilespmem:$0x1EC00] =	vst v63  }
0xf6: {  	s11 =	sadd.s32 @!p1 $0x680, s10;
	s21 =	sadd.s32 @!p1 s12, s5  }
0xf7: {  	[tilespmem:s11], [sflag:$0xA] =	stream.linear.gather @!p1 [hbm4b:s21+s13], $0x50, $0x38;
	[tilespmem:$0x1EC00] =	vst v63  }
0xf8: {  	s11 =	sadd.s32 @!p1 $0x700, s10;
	s21 =	sadd.s32 @!p1 s12, s2  }
0xf9: {  	[tilespmem:s11], [sflag:$0xA] =	stream.linear.gather @!p1 [hbm4b:s21+s13], $0x50, $0x38;
	[tilespmem:$0x1EC00] =	vst v63  }
0xfa: {  	s10 =	sadd.s32 @!p1 $0x780, s10;
	s11 =	sadd.s32 @!p1 s12, s31  }
0xfb: {  	[tilespmem:s10], [sflag:$0xA] =	stream.linear.gather @!p1 [hbm4b:s11+s13], $0x50, $0x38;
	[tilespmem:$0x1EC00] =	vst v63  }
0xfc: {  	s9 =	sshll.u32 s9, $0x9;
	s21 =	simm.s32 $0xC00  }
0xfd: {  	[tilespmem:s21], [sflag:$0x1] =	stream.indirect.gather [hbm4b:s7+s16], $0x80, s9, s16, $0xb8;
	[tilespmem:$0x1EC00] =	vst v63  }
0xfe: {  	_ =	swait.ge [sflag:s26], $0x2800  }
0xff: {  	[sflag:s26] =	ssyncset.done $0x0  }
0x100: {  	s23 =	sadd.s32 $0x600, s15;
	[sflag:s26] =	ssyncadd.s32 $0xFFFFD800  }
0x101: {  	[spmem:s4] =	stream.indirect.scatter.add.f32 [tilespmem:s18], [sflag:$0x7], $0x80, s23, s16, $0xb8;
	[tilespmem:$0x1EC00] =	vst v63  }
0x102: {  	_ =	swait.ge [sflag:s28], $0x2800  }
0x103: {  	s12 =	sadd.s32 $0x28, s12;
	[sflag:s28] =	ssyncset.done $0x0  }
0x104: {  	p0 =	sne.s32 s12, $0x4D8;
	s9 =	sor.u32 $0x80, s9;
	[sflag:s28] =	ssyncadd.s32 $0xFFFFD800  }
0x105: {  	[tilespmem:s17], [sflag:$0x2] =	stream.indirect.gather [hbm4b:s7+s16], $0x80, s9, s16, $0xb8;
	[tilespmem:$0x1EC00] =	vst v63  }
.Ltmp3:
0x106: {  	_ = 	snop;
	(pc) =	sbr.rel @!p0 .LBB2_7-.Ltmp3, $4  }
0x107: {  	_ =	swait.ge [sflag:s8], $0x2800  }
0x108: {  	s1 =	sadd.s32 $0x600, s1;
	[sflag:s8] =	ssyncset.done $0x0  }
0x109: {  	s15 =	simm.s32 $0x3400;
	s14 =	sadd.s32 $0x1, s14;
	[sflag:s8] =	ssyncadd.s32 $0xFFFFD800  }
0x10a: {  	[spmem:s4] =	stream.indirect.scatter.add.f32 [tilespmem:s20], [sflag:$0x8], $0x80, s1, s16, $0xb8;
	[tilespmem:$0x1EC00] =	vst v63  }
.LBB2_2:
0x10b: {  	s11 =	sadd.s32 $0xFFFFFFFE, s14  }
0x10c: {  	p0 =	seq.s32 s12, $0x0;
	s10 =	sand.u32 $0x1, s11  }
0x10d: {  	p1 =	sne.s32 @!p0 s10, $0x0  }
0x10e: {  	p1 =	por p1, p0  }
0x10f: {  	s15 =	simm.s32 @!p1 $0x9  }
0x110: {  	_ =	swait.ge @!p1 [sflag:s15], $0x50  }
0x111: {  	[sflag:s15] =	ssyncset.done @!p1 $0x0  }
0x112: {  	[sflag:s15] =	ssyncadd.s32 @!p1 $0xFFFFFFB0  }
0x113: {  	_ =	swait.ge @!p1 [sflag:s15], $0x50  }
0x114: {  	[sflag:s15] =	ssyncset.done @!p1 $0x0  }
0x115: {  	[sflag:s15] =	ssyncadd.s32 @!p1 $0xFFFFFFB0  }
0x116: {  	_ =	swait.ge @!p1 [sflag:s15], $0x50  }
0x117: {  	[sflag:s15] =	ssyncset.done @!p1 $0x0  }
0x118: {  	[sflag:s15] =	ssyncadd.s32 @!p1 $0xFFFFFFB0  }
0x119: {  	_ =	swait.ge @!p1 [sflag:s15], $0x50  }
0x11a: {  	[sflag:s15] =	ssyncset.done @!p1 $0x0  }
0x11b: {  	[sflag:s15] =	ssyncadd.s32 @!p1 $0xFFFFFFB0  }
0x11c: {  	s1 =	smul.u32 $0xAB, s14;
	_ =	swait.ge @!p1 [sflag:s15], $0x50  }
0x11d: {  	[sflag:s15] =	ssyncset.done @!p1 $0x0  }
0x11e: {  	s9 =	sadd.s32 $0xFFFFFEAA, s1;
	[sflag:s15] =	ssyncadd.s32 @!p1 $0xFFFFFFB0  }
0x11f: {  	s1 =	sadd.s32 $0xFFFFFF55, s1;
	s9 =	sshrl.u32 s9, $0x9;
	_ =	swait.ge @!p1 [sflag:s15], $0x50  }
0x120: {  	s1 =	sshrl.u32 s1, $0x9;
	s9 =	sand.u32 $0x7F, s9;
	[sflag:s15] =	ssyncset.done @!p1 $0x0  }
0x121: {  	s1 =	sand.u32 $0x7F, s1;
	s9 =	smul.u32 $0x3, s9;
	[sflag:s15] =	ssyncadd.s32 @!p1 $0xFFFFFFB0  }
0x122: {  	p2 =	seq.s32 s10, $0x0;
	s13 =	smul.u32 $0x3, s1;
	_ =	swait.ge @!p1 [sflag:s15], $0x50  }
.Ltmp4:
0x123: {  	[sflag:s15] =	ssyncset.done @!p1 $0x0;
	(pc) =	sbr.rel @!p2 .LBB2_3-.Ltmp4, $4  }
0x124: {  	[sflag:s15] =	ssyncadd.s32 @!p1 $0xFFFFFFB0  }
0x125: {  	s9 =	ssub.s32 s11, s9;
	s23 =	sxor.u32 $0xFFFFFFFF, s13;
	_ =	swait.ge @!p1 [sflag:s15], $0x50  }
0x126: {  	s1 =	sand.u32 $0xFF, s9;
	s9 =	sadd.s32 s14, s23;
	[sflag:s15] =	ssyncset.done @!p1 $0x0  }
0x127: {  	s9 =	sand.u32 $0xFF, s9;
	[sflag:s15] =	ssyncadd.s32 @!p1 $0xFFFFFFB0;
	p1 =	seq.s32 s10, $0x1  }
.Ltmp5:
0x128: {  	(pc) =	sbr.rel @!p0 .LBB2_5-.Ltmp5, $4  }
.Ltmp6:
0x129: {  	(pc) =	sbr.rel @p0 .LBB2_6-.Ltmp6, $4  }
0x12a: {  	_ = 	snop  }
0x12b: {  	_ = 	snop  }
0x12c: {  	_ = 	snop  }
0x12d: {  	_ = 	snop  }
.LBB2_8:
0x12e: {  	_ =	sfence.sel $0x180000  }
0x12f: {  	[bflag:$0x0] =	sbarrier.arrive $0xFFFF  }
0x130: {  	_ =	strace $0x9000004A  }
0x131: {  	s0 =	stileid.u32;
	[bflag:$0x2] =	sbarrier.arrive $0xFFFF  }
0x132: {  	p0 =	sne.s32 s0, $0x0;
	s0 =	rddreg [dreg:$0x3]  }
0x133: {  	s0 =	sadd.s32 @!p0 $0x100000, s0  }
0x134: {  	[sflag:s0] =	ssyncadd.tile.s32 @!p0 $0x1;
	_ =	shalt  }
.Lfunc_end2:
_tile_overlayer_lowered:
.L_overlay_start_2:
0x135: {  	(tag) =	ssettag $0x2  }
0x136: {  	s0 =	rddreg [dreg:$0x0];
	s2 =	stileid.u32  }
0x137: {  	s1 =	rddreg [dreg:$0x1];
	p0 =	sne.s32 s2, $0x0  }
0x138: {  	s3 =	rddreg [dreg:$0x2];
	[bflag:$0x3] =	sbarrier.arrive $0xFFFF;
	s2 =	simm.s32 @!p0 $0x1C0B  }
0x139: {  	[timem:s3], [sflag:s2] =	dma.local @!p0 [hbm:s0], s1  }
0x13a: {  	s0 =	simm.s32 @!p0 $0xB  }
0x13b: {  	_ =	swait.ge @!p0 [sflag:s0], s1  }
0x13c: {  	s1 =	ssub.s32 @!p0 $0x0, s1;
	[sflag:s0] =	ssyncset.done @!p0 $0x0  }
0x13d: {  	[sflag:s0] =	ssyncadd.s32 @!p0 s1  }
0x13e: {  	[bflag:$0x3] =	sbarrier.arrive $0xFFFF  }
0x13f: {  	_ =	shalt  }

// kernel: kernel.8.cloned.1.call-start
scs
__scs_entry_jumppad:
0x0: {  	(pc) =	sbr.rel $0x88, $3  }
0x1: {  	(tag) =	ssettag $0x0;
	lr =	simm.s32 $0x1  }
0x2: {  	[smem:$0x3F9A] =	sst lr;
	_ =	strace $0xD0000000  }
0x3: {  	_ = 	snop  }
0x4: {  	_ = 	snop  }
0x5: {  	_ = 	snop  }
0x6: {  	_ = 	snop  }
0x7: {  	_ = 	snop  }
__scs_overlays_trampoline_lowered:
0x8: {  	[smem:$0x3FA9] =	sst s0  }
0x9: {  	[smem:$0x3FAA] =	sst s1  }
0xa: {  	[smem:$0x3FAB] =	sst s2  }
0xb: {  	[smem:$0x3FAC] =	sst s3  }
0xc: {  	[smem:$0x3FAD] =	sst s4  }
0xd: {  	[smem:$0x3FAE] =	sst s5  }
0xe: {  	[smem:$0x3FAF] =	sst s6  }
0xf: {  	[smem:$0x3FB0] =	sst s7  }
0x10: {  	[smem:$0x3FB1] =	sst s8  }
0x11: {  	[smem:$0x3FB2] =	sst s9;
	s0 =	simm.s32 @!p0 $0x0  }
0x12: {  	s1 =	sld [smem:$0x3F98];
	s0 =	simm.s32 @p0 $0x1  }
0x13: {  	[smem:$0x3FB3] =	sst s0;
	s0 =	simm.s32 @!p1 $0x0  }
0x14: {  	s2 =	sld [smem:$0x3F97];
	s0 =	simm.s32 @p1 $0x1  }
0x15: {  	[smem:$0x3FB4] =	sst s0;
	s0 =	simm.s32 @!p2 $0x0  }
0x16: {  	s3 =	sld [smem:$0x3FDB];
	s0 =	simm.s32 @p2 $0x1  }
0x17: {  	s4 =	simm.s32 $0x1BF5;
	[smem:$0x3FB6] =	sst s0  }
0x18: {  	s0 =	sld [smem:$0x3F99];
	_ =	swait.ge [sflag:s4], $0x0  }
0x19: {  	s7 =	sld [smem:$0x3F9A]  }
0x1a: {  	s8 =	sadd.s32 $0xFFFFE003, lr  }
0x1b: {  	s9 =	sadd.s32 $0xFFFFFEF7, lr;
	s5 =	simm.s32 $0xFFFFFFFF;
	p2 =	slt.u32 s8, $0xFFFFF086  }
0x1c: {  	p1 =	slt.u32 s9, $0xF7A;
	s5 =	simm.s32 @!p2 $0x0  }
0x1d: {  	s5 =	simm.s32 @p1 $0x1;
	p0 =	seq.s32 s7, s2  }
0x1e: {  	s7 =	smul.u32 @!p0 $0xF7A, s2;
	p2 =	seq.s32 @!p0 s5, $0x0  }
0x1f: {  	s9 =	smul.u32 $0xF7A, s1;
	s8 =	simm.s32 @!p0 $0x1BF5;
	p2 =	por !p2, p0  }
0x20: {  	[sflag:s8] =	ssyncset.s32 @!p0 $0xFFFFF086;
	s6 =	sadd.s32 @!p0 s3, s7;
	s7 =	simm.s32 @!p0 $0x108  }
0x21: {  	s3 =	sadd.s32 s3, s9;
	s6 =	sadd.s32 @!p0 $0x88, s6;
	s7 =	simm.s32 @p2 $0x1082  }
0x22: {  	[simem:s7], [sflag:s8] =	dma.local @!p0 [hbm:s6], $0xF7A  }
0x23: {  	s9 =	sor.u32 $0xD0000000, s2;
	s6 =	simm.s32 $0x108;
	_ =	swait.ge @!p0 [sflag:s8], $0x0  }
0x24: {  	s3 =	sadd.s32 $0x88, s3;
	s6 =	simm.s32 @!p1 $0x1082;
	[sflag:s4] =	ssyncset.s32 $0xFFFFF086  }
0x25: {  	[simem:s6], [sflag:s4] =	dma.local [hbm:s3], $0xF7A  }
0x26: {  	[smem:$0x3F9A] =	sst s1;
	(tag) =	ssettag s2;
	_ =	strace s9  }
0x27: {  	s1 =	sld [smem:$0x3FAA]  }
0x28: {  	s2 =	sld [smem:$0x3FAB]  }
0x29: {  	s4 =	sld [smem:$0x3FAD]  }
0x2a: {  	p0 =	seq.s32 s5, $0x0;
	s5 =	sld [smem:$0x3FAE]  }
0x2b: {  	s6 =	sld [smem:$0x3FAF]  }
0x2c: {  	s7 =	sld [smem:$0x3FB0]  }
0x2d: {  	s3 =	simm.s32 $0x108;
	s8 =	sld [smem:$0x3FB1]  }
0x2e: {  	s3 =	simm.s32 @!p0 $0x1082;
	s9 =	sld [smem:$0x3FB2]  }
0x2f: {  	lr =	sadd.s32 s0, s3;
	s0 =	sld [smem:$0x3FA9]  }
0x30: {  	s3 =	sld [smem:$0x3FAC]  }
0x31: {  	[smem:$0x3FB5] =	sst s10  }
0x32: {  	s10 =	sld [smem:$0x3FB3];
	_ =	sdelay $0x3  }
0x33: {  	p0 =	seq.s32 s10, $0x1;
	s10 =	sld [smem:$0x3FB5];
	_ =	sdelay $0x3  }
0x34: {  	[smem:$0x3FB5] =	sst s10  }
0x35: {  	s10 =	sld [smem:$0x3FB4];
	_ =	sdelay $0x3  }
0x36: {  	p1 =	seq.s32 s10, $0x1;
	s10 =	sld [smem:$0x3FB5];
	_ =	sdelay $0x3  }
0x37: {  	[smem:$0x3FB5] =	sst s10  }
0x38: {  	s10 =	sld [smem:$0x3FB6]  }
0x39: {  	_ = 	snop;
	(pc) =	sbr.ind lr, $3  }
0x3a: {  	_ = 	snop  }
0x3b: {  	_ = 	snop  }
0x3c: {  	p2 =	seq.s32 s10, $0x1;
	s10 =	sld [smem:$0x3FB5]  }
0x3d: {  	_ =	shalt  }
0x3e: {  	_ =	shalt  }
0x3f: {  	_ =	shalt  }
0x40: {  	_ =	shalt  }
0x41: {  	_ =	shalt  }
0x42: {  	_ =	shalt  }
0x43: {  	_ =	shalt  }
0x44: {  	_ =	shalt  }
0x45: {  	_ =	shalt  }
0x46: {  	_ =	shalt  }
0x47: {  	_ =	shalt  }
0x48: {  	_ =	shalt  }
0x49: {  	_ =	shalt  }
0x4a: {  	_ =	shalt  }
0x4b: {  	_ =	shalt  }
0x4c: {  	_ =	shalt  }
0x4d: {  	_ =	shalt  }
0x4e: {  	_ =	shalt  }
0x4f: {  	_ =	shalt  }
0x50: {  	_ =	shalt  }
0x51: {  	_ =	shalt  }
0x52: {  	_ =	shalt  }
0x53: {  	_ =	shalt  }
0x54: {  	_ =	shalt  }
0x55: {  	_ =	shalt  }
0x56: {  	_ =	shalt  }
0x57: {  	_ =	shalt  }
0x58: {  	_ =	shalt  }
0x59: {  	_ =	shalt  }
0x5a: {  	_ =	shalt  }
0x5b: {  	_ =	shalt  }
0x5c: {  	_ =	shalt  }
0x5d: {  	_ =	shalt  }
0x5e: {  	_ =	shalt  }
0x5f: {  	_ =	shalt  }
0x60: {  	_ =	shalt  }
0x61: {  	_ =	shalt  }
0x62: {  	_ =	shalt  }
0x63: {  	_ =	shalt  }
0x64: {  	_ =	shalt  }
0x65: {  	_ =	shalt  }
0x66: {  	_ =	shalt  }
0x67: {  	_ =	shalt  }
0x68: {  	_ =	shalt  }
0x69: {  	_ =	shalt  }
0x6a: {  	_ =	shalt  }
0x6b: {  	_ =	shalt  }
0x6c: {  	_ =	shalt  }
0x6d: {  	_ =	shalt  }
0x6e: {  	_ =	shalt  }
0x6f: {  	_ =	shalt  }
0x70: {  	_ =	shalt  }
0x71: {  	_ =	shalt  }
0x72: {  	_ =	shalt  }
0x73: {  	_ =	shalt  }
0x74: {  	_ =	shalt  }
0x75: {  	_ =	shalt  }
0x76: {  	_ =	shalt  }
0x77: {  	_ =	shalt  }
0x78: {  	_ =	shalt  }
0x79: {  	_ =	shalt  }
0x7a: {  	_ =	shalt  }
0x7b: {  	_ =	shalt  }
0x7c: {  	_ =	shalt  }
0x7d: {  	_ =	shalt  }
0x7e: {  	_ =	shalt  }
0x7f: {  	_ =	shalt  }
0x80: {  	_ =	shalt  }
0x81: {  	_ =	shalt  }
0x82: {  	_ =	shalt  }
0x83: {  	_ =	shalt  }
0x84: {  	_ =	shalt  }
0x85: {  	_ =	shalt  }
0x86: {  	_ =	shalt  }
0x87: {  	_ =	shalt  }
.Lfunc_end0:
.L_simem_size_0:
called_computation_lowered:
.L_overlay_start_0:
0x88: {  	s2 =	sld [smem:$0x3FD9]  }
0x89: {  	s3 =	sld [smem:$0x3FFE];
	_ =	sdelay $0x1  }
0x8a: {  	s1 =	srdreg.scid  }
0x8b: {  	s0 =	sand.u32 $0x1, s1  }
0x8c: {  	s17 =	sshll.u32 s0, $0xA;
	s2 =	sadd.s32 s3, s2  }
0x8d: {  	s2 =	sadd.s32 s2, s17  }
0x8e: {  	[smem:$0x3FC1] =	sst s2  }
0x8f: {  	_ = 	snop  }
0x90: {  	s2 =	sld [smem:$0x3FC8];
	(tm) =	ssettm $0x1  }
0x91: {  	s18 =	sld [smem:$0x3FFB];
	_ =	sdelay $0x3  }
0x92: {  	_ =	strace s18  }
0x93: {  	s3 =	sld [smem:$0x3FFC];
	_ =	sdelay $0x3  }
0x94: {  	_ =	strace s3  }
0x95: {  	s3 =	sld [smem:$0x3FFD];
	_ =	sdelay $0x3  }
0x96: {  	_ =	strace s3  }
0x97: {  	_ =	strace $0x8FFFFFFF  }
0x98: {  	s19 =	sld [smem:$0x3FDB];
	_ =	sdelay $0x1  }
0x99: {  	s4 =	simm.s32 $_scs_section_size  }
0x9a: {  	s5 =	simm.s32 $_size__tile_overlayer_lowered;
	s6 =	simm.s32 $_tile_overlayer_lowered  }
0x9b: {  	s22 =	simm.s32 $0x1BFF;
	s21 =	sshll.u32 s6, $0x1;
	s3 =	sadd.s32 s4, s19  }
0x9c: {  	s7 =	simm.s32 $0x0;
	s20 =	sshll.u32 s5, $0x1;
	s5 =	sadd.s32 s21, s3  }
0x9d: {  	[timem:s7], [sflag:s22] =	dma.local [hbm:s5], s20  }
0x9e: {  	_ =	swait.ge [sflag:s22], s20  }
0x9f: {  	s4 =	ssub.s32 $0x0, s20;
	[sflag:s22] =	ssyncset.done $0x0  }
0xa0: {  	[sflag:s22] =	ssyncadd.s32 s4;
	_ =	sdelay $0x1  }
0xa1: {  	s23 =	simm.s32 $0x1B8B  }
0xa2: {  	_ =	swait.ge [sflag:s23], $0x1  }
0xa3: {  	[sflag:s23] =	ssyncset.done $0x0  }
0xa4: {  	s25 =	simm.s32 $0x1B8E;
	s24 =	sld [smem:$0x3FFE];
	[sflag:s23] =	ssyncadd.s32 $0xFFFFFFFF  }
0xa5: {  	s26 =	simm.s32 $execute0_lowered;
	[smem:$0x3FD2] =	sst s25  }
0xa6: {  	s5 =	sshll.u32 s26, $0x1;
	_ =	strace $0x80000046;
	[dreg:$0x1] =	wrdreg $0xFFFFFFFF  }
0xa7: {  	s28 =	simm.s32 $_size_execute0_lowered;
	s3 =	sadd.s32 s3, s5;
	[dreg:$0x0] =	wrdreg $0x0  }
0xa8: {  	s5 =	sshll.u32 s28, $0x1;
	[dreg:$0x2] =	wrdreg s3  }
0xa9: {  	[dreg:$0x3] =	wrdreg s5  }
0xaa: {  	[dreg:$0x4] =	wrdreg $0xC0  }
0xab: {  	_ =	task [dreg:s7], $0x5FFFF  }
0xac: {  	[dreg:$0x1] =	wrdreg $0xFFFFFFFF  }
0xad: {  	[dreg:$0x0] =	wrdreg $0x60  }
0xae: {  	[dreg:$0x2] =	wrdreg s2  }
0xaf: {  	[dreg:$0x3] =	wrdreg s24  }
0xb0: {  	[dreg:$0x4] =	wrdreg $0x1D000  }
0xb1: {  	[dreg:$0x5] =	wrdreg $0x9  }
0xb2: {  	_ =	task.clear_ibuf [dreg:s7], $0x6FFFF;
	_ =	strace $0x90000046  }
0xb3: {  	s29 =	simm.s32 $0x9;
	_ =	strace $0x80000048  }
0xb4: {  	_ =	swait.ge [sflag:s29], $0x1  }
0xb5: {  	[sflag:s29] =	ssyncadd.s32 $0xFFFFFFFF  }
0xb6: {  	_ =	strace $0x90000048  }
0xb7: {  	_ =	sfence  }
0xb8: {  	s30 =	sld [smem:$0x0];
	_ =	sdelay $0x2  }
0xb9: {  	s31 =	sshll.u32 s1, $0xD;
	s1 =	sshrl.u32 s1, $0x2  }
0xba: {  	s3 =	sand.u32 $0x4000, s31;
	s1 =	sadd.s32 s1, s30  }
0xbb: {  	s0 =	sor.u32 s3, s0;
	s1 =	sshll.u32 s1, $0x11  }
0xbc: {  	s0 =	sor.u32 s1, s0  }
0xbd: {  	s0 =	sadd.s32 $0x8F2B, s0  }
0xbe: {  	[sflag:s0] =	ssyncadd.remote.s32 $0x1  }
0xbf: {  	_ =	sfence.sel $0xFFFF  }
0xc0: {  	[dreg:$0x0] =	wrdreg $0xFFFFFFFF;
	(pc) =	sbr.abs _section_cstart, $3  }
0xc1: {  	[dreg:$0x1] =	wrdreg $0xFFFFFFFF  }
0xc2: {  	_ =	task.clear_ibuf [dreg:s7], $0x2FFFF;
	_ =	strace $0x9FFFFFFF  }
0xc3: {  	(tm) =	ssettm $0x7FFFFFFF  }
tec
execute0_lowered:
.L_overlay_start_1:
0x0: {  	(tag) =	ssettag $0x1  }
0x1: {  	s2 =	rddreg [dreg:$0x0]  }
0x2: {  	s0 =	rddreg [dreg:$0x1]  }
0x3: {  	s3 =	rddreg [dreg:$0x2]  }
0x4: {  	s1 =	srdreg.scid;
	s4 =	stileid.u32  }
0x5: {  	s1 =	sand.u32 $0x1, s1;
	s6 =	smul.u32 $0x280, s4;
	s7 =	sshll.u32 s4, $0x1  }
0x6: {  	s12 =	simm.s32 $0x0;
	s5 =	smul.u32 $0x2800, s1;
	s7 =	sor.u32 s1, s7  }
0x7: {  	[smem:$0x7FF] =	sst s12;
	s8 =	smul.u32 $0x4E00, s7  }
0x8: {  	_ =	strace $0x80000047;
	s9 =	ssub.s32 $0x2, s1;
	s10 =	smul.u32 $0x9C0, s7  }
0x9: {  	s13 =	sshrl.u32 s9, $0x1;
	s7 =	sshll.u32 s7, $0x5;
	s5 =	sadd.s32 s6, s5  }
0xa: {  	s9 =	ssub.s32 s9, s13;
	s6 =	sadd.s32 s6, s3;
	s7 =	sadd.s32 s7, s2  }
0xb: {  	s5 =	sshrl.u32 s5, $0x3;
	s14 =	sadd.s32 s2, s10;
	[dreg:$0x6] =	wrdreg s6  }
0xc: {  	s8 =	sshrl.u32 s8, $0x3;
	s29 =	sadd.s32 $0x13800, s7;
	[dreg:$0x5] =	wrdreg s14  }
0xd: {  	s31 =	smax.u32 s9, $0x1;
	s0 =	sadd.s32 s5, s0;
	[dreg:$0x13] =	wrdreg s29  }
0xe: {  	s8 =	sadd.s32 s2, s8;
	s5 =	sadd.s32 $0x20, s14;
	[dreg:$0x15] =	wrdreg s31  }
0xf: {  	[dreg:$0x7] =	wrdreg s5;
	s15 =	sadd.s32 $0x40, s8  }
0x10: {  	s16 =	sadd.s32 $0x60, s8;
	[dreg:$0x8] =	wrdreg s15  }
0x11: {  	s21 =	smul.u32 $0x9C, s4;
	s17 =	sadd.s32 $0x80, s8;
	[dreg:$0x9] =	wrdreg s16  }
0x12: {  	s28 =	smul.u32 $0x1380, s4;
	s18 =	sadd.s32 $0xA0, s8;
	[dreg:$0xa] =	wrdreg s17  }
0x13: {  	p0 =	sgt.u32 s4, $0x1;
	s19 =	sadd.s32 $0xC0, s8;
	[dreg:$0xb] =	wrdreg s18  }
0x14: {  	s11 =	smul.u32 $0x4E, s1;
	s20 =	sadd.s32 $0xE0, s8;
	[dreg:$0xc] =	wrdreg s19  }
0x15: {  	s1 =	smul.u32 $0x9C0, s1;
	s22 =	sadd.s32 $0x100, s8;
	[dreg:$0xd] =	wrdreg s20  }
0x16: {  	s10 =	sadd.s32 s11, s21;
	s23 =	sadd.s32 $0x120, s8;
	[dreg:$0xe] =	wrdreg s22  }
0x17: {  	s7 =	simm.s32 $0x0;
	s24 =	sadd.s32 $0x140, s8;
	[dreg:$0xf] =	wrdreg s23  }
0x18: {  	s10 =	sshll.u32 s10, $0x5;
	s25 =	sadd.s32 $0x160, s8;
	[dreg:$0x10] =	wrdreg s24  }
0x19: {  	s26 =	sadd.s32 $0x180, s8;
	s0 =	sadd.s32 $0x2400, s0;
	[dreg:$0x11] =	wrdreg s25  }
0x1a: {  	s30 =	sadd.s32 s10, s2;
	s5 =	simm.s32 $0x1A80;
	[dreg:$0x12] =	wrdreg s26  }
0x1b: {  	[dreg:$0x14] =	wrdreg s0;
	s22 =	sadd.s32 s1, s28;
	s0 =	sadd.s32 $0x1A0, s30  }
0x1c: {  	s25 =	simm.s32 $0x4;
	s1 =	simm.s32 $0x1A00;
	s26 =	simm.s32 $0x1  }
0x1d: {  	v0 =	vimm.f32 $0.0e+00;
	v1 =	vimm.f32 $1.000000000e+00;
	s23 =	sadd.s32 s2, s22;
	[dreg:$0x4] =	wrdreg s0;
	s0 =	simm.s32 $0x80  }
.LBB2_1:
0x1e: {  	[tilespmem:$0x1A80] =	vst v0  }
0x1f: {  	[tilespmem:$0x1A90] =	vst v0  }
0x20: {  	[tilespmem:$0x1AA0] =	vst v0  }
0x21: {  	[tilespmem:$0x1AB0] =	vst v0  }
0x22: {  	[tilespmem:$0x1AC0] =	vst v0  }
0x23: {  	[tilespmem:$0x1AD0] =	vst v0  }
0x24: {  	[tilespmem:$0x1AE0] =	vst v0  }
0x25: {  	[tilespmem:$0x1AF0] =	vst v0  }
0x26: {  	[tilespmem:$0x1B00] =	vst v0  }
0x27: {  	[tilespmem:$0x1B10] =	vst v0  }
0x28: {  	[tilespmem:$0x1B20] =	vst v0  }
0x29: {  	[tilespmem:$0x1B30] =	vst v0  }
0x2a: {  	[tilespmem:$0x1B40] =	vst v0  }
0x2b: {  	[tilespmem:$0x1B50] =	vst v0  }
0x2c: {  	[tilespmem:$0x1B60] =	vst v0  }
0x2d: {  	[tilespmem:$0x1B70] =	vst v0  }
0x2e: {  	[tilespmem:$0x1B80] =	vst v0  }
0x2f: {  	[tilespmem:$0x1B90] =	vst v0  }
0x30: {  	[tilespmem:$0x1BA0] =	vst v0  }
0x31: {  	[tilespmem:$0x1BB0] =	vst v0  }
0x32: {  	[tilespmem:$0x1BC0] =	vst v0  }
0x33: {  	[tilespmem:$0x1BD0] =	vst v0  }
0x34: {  	[tilespmem:$0x1BE0] =	vst v0  }
0x35: {  	[tilespmem:$0x1BF0] =	vst v0  }
0x36: {  	[tilespmem:$0x1C00] =	vst v0  }
0x37: {  	[tilespmem:$0x1C10] =	vst v0  }
0x38: {  	[tilespmem:$0x1C20] =	vst v0  }
0x39: {  	[tilespmem:$0x1C30] =	vst v0  }
0x3a: {  	[tilespmem:$0x1C40] =	vst v0  }
0x3b: {  	[tilespmem:$0x1C50] =	vst v0  }
0x3c: {  	[tilespmem:$0x1C60] =	vst v0  }
0x3d: {  	[tilespmem:$0x1C70] =	vst v0  }
0x3e: {  	[tilespmem:$0x1C80] =	vst v0  }
0x3f: {  	[tilespmem:$0x1C90] =	vst v0  }
0x40: {  	[tilespmem:$0x1CA0] =	vst v0  }
0x41: {  	[tilespmem:$0x1CB0] =	vst v0  }
0x42: {  	[tilespmem:$0x1CC0] =	vst v0  }
0x43: {  	[tilespmem:$0x1CD0] =	vst v0  }
0x44: {  	[tilespmem:$0x1CE0] =	vst v0  }
0x45: {  	[tilespmem:$0x1CF0] =	vst v0  }
0x46: {  	[tilespmem:$0x1A00] =	vst v1  }
0x47: {  	[tilespmem:$0x1A10] =	vst v1  }
0x48: {  	[tilespmem:$0x1A20] =	vst v1  }
0x49: {  	[tilespmem:$0x1A30] =	vst v1  }
0x4a: {  	[tilespmem:$0x1A40] =	vst v1  }
0x4b: {  	[tilespmem:$0x1A50] =	vst v1  }
0x4c: {  	[tilespmem:$0x1A60] =	vst v1  }
0x4d: {  	[dreg:$0x16] =	wrdreg s7;
	[tilespmem:$0x1A70] =	vst v1  }
0x4e: {  	[spmem:s6] =	stream.linear.scatter [tilespmem:s5], [sflag:$0x4], $0x280, $0x38;
	[tilespmem:$0x1F80] =	vst v63  }
0x4f: {  	_ =	swait.ge [sflag:s25], $0x280  }
0x50: {  	[sflag:s25] =	ssyncset.done $0x0  }
0x51: {  	s4 =	rddreg [dreg:$0x5];
	[sflag:s25] =	ssyncadd.s32 $0xFFFFFD80  }
0x52: {  	[tilespmem:s12], [sflag:$0x4] =	stream.linear.gather [hbm4b:s4+s12], $0x100, $0x38;
	[tilespmem:$0x1F80] =	vst v63  }
0x53: {  	_ =	swait.ge [sflag:s25], $0x100  }
0x54: {  	[sflag:s25] =	ssyncset.done $0x0  }
0x55: {  	s6 =	simm.s32 $0x100;
	s5 =	rddreg [dreg:$0x7];
	[sflag:s25] =	ssyncadd.s32 $0xFFFFFF00  }
0x56: {  	[tilespmem:s6], [sflag:$0x4] =	stream.linear.gather [hbm4b:s5+s12], $0x100, $0x38;
	[tilespmem:$0x1F80] =	vst v63  }
0x57: {  	_ =	swait.ge [sflag:s25], $0x100  }
0x58: {  	[sflag:s25] =	ssyncset.done $0x0  }
0x59: {  	s8 =	simm.s32 $0x200;
	s7 =	rddreg [dreg:$0x8];
	[sflag:s25] =	ssyncadd.s32 $0xFFFFFF00  }
0x5a: {  	[tilespmem:s8], [sflag:$0x4] =	stream.linear.gather [hbm4b:s7+s12], $0x100, $0x38;
	[tilespmem:$0x1F80] =	vst v63  }
0x5b: {  	_ =	swait.ge [sflag:s25], $0x100  }
0x5c: {  	[sflag:s25] =	ssyncset.done $0x0  }
0x5d: {  	s10 =	simm.s32 $0x300;
	s9 =	rddreg [dreg:$0x9];
	[sflag:s25] =	ssyncadd.s32 $0xFFFFFF00  }
0x5e: {  	[tilespmem:s10], [sflag:$0x4] =	stream.linear.gather [hbm4b:s9+s12], $0x100, $0x38;
	[tilespmem:$0x1F80] =	vst v63  }
0x5f: {  	_ =	swait.ge [sflag:s25], $0x100  }
0x60: {  	[sflag:s25] =	ssyncset.done $0x0  }
0x61: {  	s13 =	simm.s32 $0x400;
	s11 =	rddreg [dreg:$0xa];
	[sflag:s25] =	ssyncadd.s32 $0xFFFFFF00  }
0x62: {  	[tilespmem:s13], [sflag:$0x4] =	stream.linear.gather [hbm4b:s11+s12], $0x100, $0x38;
	[tilespmem:$0x1F80] =	vst v63  }
0x63: {  	_ =	swait.ge [sflag:s25], $0x100  }
0x64: {  	[sflag:s25] =	ssyncset.done $0x0  }
0x65: {  	s15 =	simm.s32 $0x500;
	s14 =	rddreg [dreg:$0xb];
	[sflag:s25] =	ssyncadd.s32 $0xFFFFFF00  }
0x66: {  	[tilespmem:s15], [sflag:$0x4] =	stream.linear.gather [hbm4b:s14+s12], $0x100, $0x38;
	[tilespmem:$0x1F80] =	vst v63  }
0x67: {  	_ =	swait.ge [sflag:s25], $0x100  }
0x68: {  	[sflag:s25] =	ssyncset.done $0x0  }
0x69: {  	s17 =	simm.s32 $0x600;
	s16 =	rddreg [dreg:$0xc];
	[sflag:s25] =	ssyncadd.s32 $0xFFFFFF00  }
0x6a: {  	[tilespmem:s17], [sflag:$0x4] =	stream.linear.gather [hbm4b:s16+s12], $0x100, $0x38;
	[tilespmem:$0x1F80] =	vst v63  }
0x6b: {  	_ =	swait.ge [sflag:s25], $0x100  }
0x6c: {  	[sflag:s25] =	ssyncset.done $0x0  }
0x6d: {  	s19 =	simm.s32 $0x700;
	s18 =	rddreg [dreg:$0xd];
	[sflag:s25] =	ssyncadd.s32 $0xFFFFFF00  }
0x6e: {  	[tilespmem:s19], [sflag:$0x4] =	stream.linear.gather [hbm4b:s18+s12], $0x100, $0x38;
	[tilespmem:$0x1F80] =	vst v63  }
0x6f: {  	_ =	swait.ge [sflag:s25], $0x100  }
0x70: {  	[sflag:s25] =	ssyncset.done $0x0  }
0x71: {  	s21 =	simm.s32 $0x800;
	s20 =	rddreg [dreg:$0xe];
	[sflag:s25] =	ssyncadd.s32 $0xFFFFFF00  }
0x72: {  	[tilespmem:s21], [sflag:$0x4] =	stream.linear.gather [hbm4b:s20+s12], $0x100, $0x38;
	[tilespmem:$0x1F80] =	vst v63  }
0x73: {  	_ =	swait.ge [sflag:s25], $0x100  }
0x74: {  	[sflag:s25] =	ssyncset.done $0x0  }
0x75: {  	s28 =	simm.s32 $0x900;
	s24 =	rddreg [dreg:$0xf];
	[sflag:s25] =	ssyncadd.s32 $0xFFFFFF00  }
0x76: {  	[tilespmem:s28], [sflag:$0x4] =	stream.linear.gather [hbm4b:s24+s12], $0x100, $0x38;
	[tilespmem:$0x1F80] =	vst v63  }
0x77: {  	_ =	swait.ge [sflag:s25], $0x100  }
0x78: {  	[sflag:s25] =	ssyncset.done $0x0  }
0x79: {  	s7 =	simm.s32 $0xA00;
	s6 =	rddreg [dreg:$0x10];
	[sflag:s25] =	ssyncadd.s32 $0xFFFFFF00  }
0x7a: {  	[tilespmem:s7], [sflag:$0x4] =	stream.linear.gather [hbm4b:s6+s12], $0x100, $0x38;
	[tilespmem:$0x1F80] =	vst v63  }
0x7b: {  	_ =	swait.ge [sflag:s25], $0x100  }
0x7c: {  	[sflag:s25] =	ssyncset.done $0x0  }
0x7d: {  	s9 =	simm.s32 $0xB00;
	s8 =	rddreg [dreg:$0x11];
	[sflag:s25] =	ssyncadd.s32 $0xFFFFFF00  }
0x7e: {  	[tilespmem:s9], [sflag:$0x4] =	stream.linear.gather [hbm4b:s8+s12], $0x100, $0x38;
	[tilespmem:$0x1F80] =	vst v63  }
0x7f: {  	_ =	swait.ge [sflag:s25], $0x100  }
0x80: {  	[sflag:s25] =	ssyncset.done $0x0  }
0x81: {  	s11 =	simm.s32 $0xC00;
	s10 =	rddreg [dreg:$0x12];
	[sflag:s25] =	ssyncadd.s32 $0xFFFFFF00  }
0x82: {  	[tilespmem:s11], [sflag:$0x4] =	stream.linear.gather [hbm4b:s10+s12], $0x100, $0x38;
	[tilespmem:$0x1F80] =	vst v63  }
0x83: {  	p1 =	por $0x1, $0x1;
	s7 =	sand.u32 $0x1, s12;
	_ =	swait.ge [sflag:s25], $0x100  }
0x84: {  	p2 =	sne.s32 @!p1 s7, $0x0;
	[sflag:s25] =	ssyncset.done $0x0  }
0x85: {  	p1 =	por p2, p1;
	[sflag:s25] =	ssyncadd.s32 $0xFFFFFF00  }
0x86: {  	s8 =	simm.s32 @!p1 $0x2;
	[bflag:$0x0] =	sbarrier.arrive $0xFFFF  }
0x87: {  	_ =	swait.ge @!p1 [sflag:s8], $0x100  }
0x88: {  	[sflag:s8] =	ssyncset.done @!p1 $0x0  }
0x89: {  	[sflag:s8] =	ssyncadd.s32 @!p1 $0xFFFFFF00  }
0x8a: {  	_ =	swait.ge @!p1 [sflag:s8], $0x100  }
0x8b: {  	[sflag:s8] =	ssyncset.done @!p1 $0x0  }
0x8c: {  	[sflag:s8] =	ssyncadd.s32 @!p1 $0xFFFFFF00  }
0x8d: {  	_ =	swait.ge @!p1 [sflag:s8], $0x100  }
0x8e: {  	[sflag:s8] =	ssyncset.done @!p1 $0x0  }
0x8f: {  	[sflag:s8] =	ssyncadd.s32 @!p1 $0xFFFFFF00  }
0x90: {  	_ =	swait.ge @!p1 [sflag:s8], $0x100  }
0x91: {  	[sflag:s8] =	ssyncset.done @!p1 $0x0  }
0x92: {  	[sflag:s8] =	ssyncadd.s32 @!p1 $0xFFFFFF00  }
0x93: {  	_ =	swait.ge @!p1 [sflag:s8], $0x100  }
0x94: {  	[sflag:s8] =	ssyncset.done @!p1 $0x0  }
0x95: {  	[sflag:s8] =	ssyncadd.s32 @!p1 $0xFFFFFF00  }
0x96: {  	_ =	swait.ge @!p1 [sflag:s8], $0x100  }
0x97: {  	[sflag:s8] =	ssyncset.done @!p1 $0x0  }
0x98: {  	[sflag:s8] =	ssyncadd.s32 @!p1 $0xFFFFFF00  }
0x99: {  	_ =	swait.ge @!p1 [sflag:s8], $0x100  }
0x9a: {  	[sflag:s8] =	ssyncset.done @!p1 $0x0  }
0x9b: {  	[sflag:s8] =	ssyncadd.s32 @!p1 $0xFFFFFF00  }
0x9c: {  	_ =	swait.ge @!p1 [sflag:s8], $0x100  }
0x9d: {  	[sflag:s8] =	ssyncset.done @!p1 $0x0  }
0x9e: {  	[sflag:s8] =	ssyncadd.s32 @!p1 $0xFFFFFF00  }
0x9f: {  	_ =	swait.ge @!p1 [sflag:s8], $0x100  }
0xa0: {  	[sflag:s8] =	ssyncset.done @!p1 $0x0  }
0xa1: {  	[sflag:s8] =	ssyncadd.s32 @!p1 $0xFFFFFF00  }
0xa2: {  	_ =	swait.ge @!p1 [sflag:s8], $0x100  }
0xa3: {  	[sflag:s8] =	ssyncset.done @!p1 $0x0  }
0xa4: {  	[sflag:s8] =	ssyncadd.s32 @!p1 $0xFFFFFF00  }
0xa5: {  	_ =	swait.ge @!p1 [sflag:s8], $0x100  }
0xa6: {  	[sflag:s8] =	ssyncset.done @!p1 $0x0  }
0xa7: {  	[sflag:s8] =	ssyncadd.s32 @!p1 $0xFFFFFF00  }
0xa8: {  	_ =	swait.ge @!p1 [sflag:s8], $0x100  }
0xa9: {  	[sflag:s8] =	ssyncset.done @!p1 $0x0  }
0xaa: {  	[sflag:s8] =	ssyncadd.s32 @!p1 $0xFFFFFF00  }
0xab: {  	_ =	swait.ge @!p1 [sflag:s8], $0x100  }
0xac: {  	p2 =	seq.s32 s7, $0x0;
	[sflag:s8] =	ssyncset.done @!p1 $0x0  }
0xad: {  	s9 =	simm.s32 @!p2 $0x3;
	[sflag:s8] =	ssyncadd.s32 @!p1 $0xFFFFFF00  }
0xae: {  	_ =	swait.ge @!p2 [sflag:s9], $0x100  }
0xaf: {  	[sflag:s9] =	ssyncset.done @!p2 $0x0  }
0xb0: {  	[sflag:s9] =	ssyncadd.s32 @!p2 $0xFFFFFF00  }
0xb1: {  	_ =	swait.ge @!p2 [sflag:s9], $0x100  }
0xb2: {  	[sflag:s9] =	ssyncset.done @!p2 $0x0  }
0xb3: {  	[sflag:s9] =	ssyncadd.s32 @!p2 $0xFFFFFF00  }
0xb4: {  	_ =	swait.ge @!p2 [sflag:s9], $0x100  }
0xb5: {  	[sflag:s9] =	ssyncset.done @!p2 $0x0  }
0xb6: {  	[sflag:s9] =	ssyncadd.s32 @!p2 $0xFFFFFF00  }
0xb7: {  	_ =	swait.ge @!p2 [sflag:s9], $0x100  }
0xb8: {  	[sflag:s9] =	ssyncset.done @!p2 $0x0  }
0xb9: {  	[sflag:s9] =	ssyncadd.s32 @!p2 $0xFFFFFF00  }
0xba: {  	_ =	swait.ge @!p2 [sflag:s9], $0x100  }
0xbb: {  	[sflag:s9] =	ssyncset.done @!p2 $0x0  }
0xbc: {  	[sflag:s9] =	ssyncadd.s32 @!p2 $0xFFFFFF00  }
0xbd: {  	_ =	swait.ge @!p2 [sflag:s9], $0x100  }
0xbe: {  	[sflag:s9] =	ssyncset.done @!p2 $0x0  }
0xbf: {  	[sflag:s9] =	ssyncadd.s32 @!p2 $0xFFFFFF00  }
0xc0: {  	_ =	swait.ge @!p2 [sflag:s9], $0x100  }
0xc1: {  	[sflag:s9] =	ssyncset.done @!p2 $0x0  }
0xc2: {  	[sflag:s9] =	ssyncadd.s32 @!p2 $0xFFFFFF00  }
0xc3: {  	_ =	swait.ge @!p2 [sflag:s9], $0x100  }
0xc4: {  	[sflag:s9] =	ssyncset.done @!p2 $0x0  }
0xc5: {  	[sflag:s9] =	ssyncadd.s32 @!p2 $0xFFFFFF00  }
0xc6: {  	_ =	swait.ge @!p2 [sflag:s9], $0x100  }
0xc7: {  	[sflag:s9] =	ssyncset.done @!p2 $0x0  }
0xc8: {  	[sflag:s9] =	ssyncadd.s32 @!p2 $0xFFFFFF00  }
0xc9: {  	_ =	swait.ge @!p2 [sflag:s9], $0x100  }
0xca: {  	[sflag:s9] =	ssyncset.done @!p2 $0x0  }
0xcb: {  	[sflag:s9] =	ssyncadd.s32 @!p2 $0xFFFFFF00  }
0xcc: {  	_ =	swait.ge @!p2 [sflag:s9], $0x100  }
0xcd: {  	[sflag:s9] =	ssyncset.done @!p2 $0x0  }
0xce: {  	[sflag:s9] =	ssyncadd.s32 @!p2 $0xFFFFFF00  }
0xcf: {  	_ =	swait.ge @!p2 [sflag:s9], $0x100  }
0xd0: {  	[sflag:s9] =	ssyncset.done @!p2 $0x0  }
0xd1: {  	p1 =	sne.s32 s7, $0x0;
	[sflag:s9] =	ssyncadd.s32 @!p2 $0xFFFFFF00  }
0xd2: {  	s10 =	simm.s32 @!p1 $0x0;
	_ =	swait.ge @!p2 [sflag:s9], $0x100  }
0xd3: {  	s11 =	simm.s32 @!p1 $0xD00;
	s8 =	rddreg [dreg:$0x4];
	[sflag:s9] =	ssyncset.done @!p2 $0x0  }
0xd4: {  	[sflag:s9] =	ssyncadd.s32 @!p2 $0xFFFFFF00;
	s9 =	sadd.s32 @!p1 $0x0, s23;
	s8 =	sadd.s32 @!p1 $0x0, s8  }
0xd5: {  	[tilespmem:s11], [sflag:$0x3] =	stream.linear.gather @!p1 [hbm4b:s8+s10], $0x100, $0x38;
	[tilespmem:$0x1F80] =	vst v63  }
0xd6: {  	s8 =	sadd.s32 @!p1 $0x1C0, s9;
	s11 =	simm.s32 @!p1 $0xE00  }
0xd7: {  	[tilespmem:s11], [sflag:$0x3] =	stream.linear.gather @!p1 [hbm4b:s8+s10], $0x100, $0x38;
	[tilespmem:$0x1F80] =	vst v63  }
0xd8: {  	s8 =	sadd.s32 @!p1 $0x1E0, s9;
	s11 =	simm.s32 @!p1 $0xF00  }
0xd9: {  	[tilespmem:s11], [sflag:$0x3] =	stream.linear.gather @!p1 [hbm4b:s8+s10], $0x100, $0x38;
	[tilespmem:$0x1F80] =	vst v63  }
0xda: {  	s8 =	sadd.s32 @!p1 $0x200, s9;
	s11 =	simm.s32 @!p1 $0x1000  }
0xdb: {  	[tilespmem:s11], [sflag:$0x3] =	stream.linear.gather @!p1 [hbm4b:s8+s10], $0x100, $0x38;
	[tilespmem:$0x1F80] =	vst v63  }
0xdc: {  	s8 =	sadd.s32 @!p1 $0x220, s9;
	s11 =	simm.s32 @!p1 $0x1100  }
0xdd: {  	[tilespmem:s11], [sflag:$0x3] =	stream.linear.gather @!p1 [hbm4b:s8+s10], $0x100, $0x38;
	[tilespmem:$0x1F80] =	vst v63  }
0xde: {  	s8 =	sadd.s32 @!p1 $0x240, s9;
	s11 =	simm.s32 @!p1 $0x1200  }
0xdf: {  	[tilespmem:s11], [sflag:$0x3] =	stream.linear.gather @!p1 [hbm4b:s8+s10], $0x100, $0x38;
	[tilespmem:$0x1F80] =	vst v63  }
0xe0: {  	s8 =	sadd.s32 @!p1 $0x260, s9;
	s11 =	simm.s32 @!p1 $0x1300  }
0xe1: {  	[tilespmem:s11], [sflag:$0x3] =	stream.linear.gather @!p1 [hbm4b:s8+s10], $0x100, $0x38;
	[tilespmem:$0x1F80] =	vst v63  }
0xe2: {  	s8 =	sadd.s32 @!p1 $0x280, s9;
	s11 =	simm.s32 @!p1 $0x1400  }
0xe3: {  	[tilespmem:s11], [sflag:$0x3] =	stream.linear.gather @!p1 [hbm4b:s8+s10], $0x100, $0x38;
	[tilespmem:$0x1F80] =	vst v63  }
0xe4: {  	p3 =	por $0x0, $0x0;
	s8 =	sadd.s32 @!p1 $0x2A0, s9;
	s11 =	simm.s32 @!p1 $0x1500  }
0xe5: {  	[tilespmem:s11], [sflag:$0x3] =	stream.linear.gather @!p1 [hbm4b:s8+s10], $0x100, $0x38;
	[tilespmem:$0x1F80] =	vst v63  }
0xe6: {  	p6 =	seq.s32 s7, $0x1;
	s8 =	sadd.s32 @!p1 $0x2C0, s9;
	s11 =	simm.s32 @!p1 $0x1600  }
0xe7: {  	[tilespmem:s11], [sflag:$0x3] =	stream.linear.gather @!p1 [hbm4b:s8+s10], $0x100, $0x38;
	[tilespmem:$0x1F80] =	vst v63  }
0xe8: {  	p2 =	por !p6, !p6;
	s8 =	sadd.s32 @!p1 $0x2E0, s9;
	s11 =	simm.s32 @!p1 $0x1700  }
0xe9: {  	[tilespmem:s11], [sflag:$0x3] =	stream.linear.gather @!p1 [hbm4b:s8+s10], $0x100, $0x38;
	[tilespmem:$0x1F80] =	vst v63  }
0xea: {  	p2 =	por p3, p2;
	s8 =	sadd.s32 @!p1 $0x300, s9;
	s11 =	simm.s32 @!p1 $0x1800  }
0xeb: {  	[tilespmem:s11], [sflag:$0x3] =	stream.linear.gather @!p1 [hbm4b:s8+s10], $0x100, $0x38;
	[tilespmem:$0x1F80] =	vst v63  }
0xec: {  	s8 =	sadd.s32 @!p2 $0x0, s22  }
0xed: {  	s9 =	sadd.s32 @!p1 $0x320, s9;
	s11 =	simm.s32 @!p1 $0x1900;
	s8 =	sadd.s32 @!p2 $0x1A0, s8  }
0xee: {  	[tilespmem:s11], [sflag:$0x3] =	stream.linear.gather @!p1 [hbm4b:s9+s10], $0x100, $0x38;
	[tilespmem:$0x1F80] =	vst v63  }
0xef: {  	s8 =	sand.u32 @!p2 $0x1FFFFFC0, s8  }
0xf0: {  	s9 =	sadd.s32 @!p2 $0x0, s23;
	s10 =	simm.s32 @!p2 $0x0;
	s8 =	sadd.s32 @!p2 s2, s8  }
0xf1: {  	[tilespmem:s10], [sflag:$0x2] =	stream.linear.gather @!p2 [hbm4b:s8+s10], $0x100, $0x38;
	[tilespmem:$0x1F80] =	vst v63  }
0xf2: {  	s11 =	simm.s32 @!p2 $0x100;
	s8 =	sadd.s32 @!p2 $0x1C0, s9  }
0xf3: {  	[tilespmem:s11], [sflag:$0x2] =	stream.linear.gather @!p2 [hbm4b:s8+s10], $0x100, $0x38;
	[tilespmem:$0x1F80] =	vst v63  }
0xf4: {  	s8 =	sadd.s32 @!p2 $0x1E0, s9;
	s11 =	simm.s32 @!p2 $0x200  }
0xf5: {  	[tilespmem:s11], [sflag:$0x2] =	stream.linear.gather @!p2 [hbm4b:s8+s10], $0x100, $0x38;
	[tilespmem:$0x1F80] =	vst v63  }
0xf6: {  	s8 =	sadd.s32 @!p2 $0x200, s9;
	s11 =	simm.s32 @!p2 $0x300  }
0xf7: {  	[tilespmem:s11], [sflag:$0x2] =	stream.linear.gather @!p2 [hbm4b:s8+s10], $0x100, $0x38;
	[tilespmem:$0x1F80] =	vst v63  }
0xf8: {  	s8 =	sadd.s32 @!p2 $0x220, s9;
	s11 =	simm.s32 @!p2 $0x400  }
0xf9: {  	[tilespmem:s11], [sflag:$0x2] =	stream.linear.gather @!p2 [hbm4b:s8+s10], $0x100, $0x38;
	[tilespmem:$0x1F80] =	vst v63  }
0xfa: {  	s8 =	sadd.s32 @!p2 $0x240, s9;
	s11 =	simm.s32 @!p2 $0x500  }
0xfb: {  	[tilespmem:s11], [sflag:$0x2] =	stream.linear.gather @!p2 [hbm4b:s8+s10], $0x100, $0x38;
	[tilespmem:$0x1F80] =	vst v63  }
0xfc: {  	s8 =	sadd.s32 @!p2 $0x260, s9;
	s11 =	simm.s32 @!p2 $0x600  }
0xfd: {  	[tilespmem:s11], [sflag:$0x2] =	stream.linear.gather @!p2 [hbm4b:s8+s10], $0x100, $0x38;
	[tilespmem:$0x1F80] =	vst v63  }
0xfe: {  	s8 =	sadd.s32 @!p2 $0x280, s9;
	s11 =	simm.s32 @!p2 $0x700  }
0xff: {  	[tilespmem:s11], [sflag:$0x2] =	stream.linear.gather @!p2 [hbm4b:s8+s10], $0x100, $0x38;
	[tilespmem:$0x1F80] =	vst v63  }
0x100: {  	s8 =	sadd.s32 @!p2 $0x2A0, s9;
	s11 =	simm.s32 @!p2 $0x800  }
0x101: {  	[tilespmem:s11], [sflag:$0x2] =	stream.linear.gather @!p2 [hbm4b:s8+s10], $0x100, $0x38;
	[tilespmem:$0x1F80] =	vst v63  }
0x102: {  	s8 =	sadd.s32 @!p2 $0x2C0, s9;
	s11 =	simm.s32 @!p2 $0x900  }
0x103: {  	[tilespmem:s11], [sflag:$0x2] =	stream.linear.gather @!p2 [hbm4b:s8+s10], $0x100, $0x38;
	[tilespmem:$0x1F80] =	vst v63  }
0x104: {  	s8 =	sadd.s32 @!p2 $0x2E0, s9;
	s11 =	simm.s32 @!p2 $0xA00  }
0x105: {  	[tilespmem:s11], [sflag:$0x2] =	stream.linear.gather @!p2 [hbm4b:s8+s10], $0x100, $0x38;
	[tilespmem:$0x1F80] =	vst v63  }
0x106: {  	s7 =	smul.u32 $0x3400, s7;
	s8 =	sadd.s32 @!p2 $0x300, s9;
	s11 =	simm.s32 @!p2 $0xB00  }
0x107: {  	[tilespmem:s11], [sflag:$0x2] =	stream.linear.gather @!p2 [hbm4b:s8+s10], $0x100, $0x38;
	[tilespmem:$0x1F80] =	vst v63  }
0x108: {  	s7 =	sshrl.u32 s7, $0x2;
	s8 =	sadd.s32 @!p2 $0x320, s9;
	s9 =	simm.s32 @!p2 $0xC00  }
0x109: {  	[tilespmem:s9], [sflag:$0x2] =	stream.linear.gather @!p2 [hbm4b:s8+s10], $0x100, $0x38;
	[tilespmem:$0x1F80] =	vst v63  }
0x10a: {  	s12 =	sor.u32 $0x80, s7  }
0x10b: {  	[spmem:s3] =	stream.indirect.scatter.add.f32 [tilespmem:s1], [sflag:$0x1], $0x1, s12, s0, $0xb8;
	[tilespmem:$0x1F80] =	vst v63  }
0x10c: {  	s13 =	sadd.s32 $0x180, s7  }
0x10d: {  	[spmem:s3] =	stream.indirect.scatter.add.f32 [tilespmem:s1], [sflag:$0x1], $0x1, s13, s0, $0xb8;
	[tilespmem:$0x1F80] =	vst v63  }
0x10e: {  	s14 =	sadd.s32 $0x280, s7  }
0x10f: {  	[spmem:s3] =	stream.indirect.scatter.add.f32 [tilespmem:s1], [sflag:$0x1], $0x1, s14, s0, $0xb8;
	[tilespmem:$0x1F80] =	vst v63  }
0x110: {  	s15 =	sadd.s32 $0x380, s7  }
0x111: {  	[spmem:s3] =	stream.indirect.scatter.add.f32 [tilespmem:s1], [sflag:$0x1], $0x1, s15, s0, $0xb8;
	[tilespmem:$0x1F80] =	vst v63  }
0x112: {  	s16 =	sadd.s32 $0x480, s7  }
0x113: {  	[spmem:s3] =	stream.indirect.scatter.add.f32 [tilespmem:s1], [sflag:$0x1], $0x1, s16, s0, $0xb8;
	[tilespmem:$0x1F80] =	vst v63  }
0x114: {  	s17 =	sadd.s32 $0x580, s7  }
0x115: {  	[spmem:s3] =	stream.indirect.scatter.add.f32 [tilespmem:s1], [sflag:$0x1], $0x1, s17, s0, $0xb8;
	[tilespmem:$0x1F80] =	vst v63  }
0x116: {  	s18 =	sadd.s32 $0x680, s7  }
0x117: {  	[spmem:s3] =	stream.indirect.scatter.add.f32 [tilespmem:s1], [sflag:$0x1], $0x1, s18, s0, $0xb8;
	[tilespmem:$0x1F80] =	vst v63  }
0x118: {  	s19 =	sadd.s32 $0x780, s7  }
0x119: {  	[spmem:s3] =	stream.indirect.scatter.add.f32 [tilespmem:s1], [sflag:$0x1], $0x1, s19, s0, $0xb8;
	[tilespmem:$0x1F80] =	vst v63  }
0x11a: {  	s20 =	sadd.s32 $0x880, s7  }
0x11b: {  	[spmem:s3] =	stream.indirect.scatter.add.f32 [tilespmem:s1], [sflag:$0x1], $0x1, s20, s0, $0xb8;
	[tilespmem:$0x1F80] =	vst v63  }
0x11c: {  	s21 =	sadd.s32 $0x980, s7  }
0x11d: {  	[spmem:s3] =	stream.indirect.scatter.add.f32 [tilespmem:s1], [sflag:$0x1], $0x1, s21, s0, $0xb8;
	[tilespmem:$0x1F80] =	vst v63  }
0x11e: {  	s24 =	sadd.s32 $0xA80, s7  }
0x11f: {  	[spmem:s3] =	stream.indirect.scatter.add.f32 [tilespmem:s1], [sflag:$0x1], $0x1, s24, s0, $0xb8;
	[tilespmem:$0x1F80] =	vst v63  }
0x120: {  	s28 =	sadd.s32 $0xB80, s7  }
0x121: {  	[spmem:s3] =	stream.indirect.scatter.add.f32 [tilespmem:s1], [sflag:$0x1], $0x1, s28, s0, $0xb8;
	[tilespmem:$0x1F80] =	vst v63  }
0x122: {  	s7 =	sadd.s32 $0xC80, s7  }
0x123: {  	[spmem:s3] =	stream.indirect.scatter.add.f32 [tilespmem:s1], [sflag:$0x1], $0x1, s7, s0, $0xb8;
	[tilespmem:$0x1F80] =	vst v63  }
0x124: {  	_ =	swait.ge [sflag:s26], $0x80  }
0x125: {  	[sflag:s26] =	ssyncset.done $0x0  }
0x126: {  	[sflag:s26] =	ssyncadd.s32 $0xFFFFFF80  }
0x127: {  	_ =	swait.ge [sflag:s26], $0x80  }
0x128: {  	[sflag:s26] =	ssyncset.done $0x0  }
0x129: {  	[sflag:s26] =	ssyncadd.s32 $0xFFFFFF80  }
0x12a: {  	_ =	swait.ge [sflag:s26], $0x80  }
0x12b: {  	[sflag:s26] =	ssyncset.done $0x0  }
0x12c: {  	[sflag:s26] =	ssyncadd.s32 $0xFFFFFF80  }
0x12d: {  	_ =	swait.ge [sflag:s26], $0x80  }
0x12e: {  	[sflag:s26] =	ssyncset.done $0x0  }
0x12f: {  	[sflag:s26] =	ssyncadd.s32 $0xFFFFFF80  }
0x130: {  	_ =	swait.ge [sflag:s26], $0x80  }
0x131: {  	[sflag:s26] =	ssyncset.done $0x0  }
0x132: {  	[sflag:s26] =	ssyncadd.s32 $0xFFFFFF80  }
0x133: {  	_ =	swait.ge [sflag:s26], $0x80  }
0x134: {  	[sflag:s26] =	ssyncset.done $0x0  }
0x135: {  	[sflag:s26] =	ssyncadd.s32 $0xFFFFFF80  }
0x136: {  	_ =	swait.ge [sflag:s26], $0x80  }
0x137: {  	[sflag:s26] =	ssyncset.done $0x0  }
0x138: {  	[sflag:s26] =	ssyncadd.s32 $0xFFFFFF80  }
0x139: {  	_ =	swait.ge [sflag:s26], $0x80  }
0x13a: {  	[sflag:s26] =	ssyncset.done $0x0  }
0x13b: {  	[sflag:s26] =	ssyncadd.s32 $0xFFFFFF80  }
0x13c: {  	s29 =	simm.s32 $0x1A0;
	_ =	swait.ge [sflag:s26], $0x80  }
0x13d: {  	s30 =	simm.s32 $0x340;
	s31 =	simm.s32 $0x1;
	[sflag:s26] =	ssyncset.done $0x0  }
0x13e: {  	p3 =	por $0x0, $0x0;
	s7 =	sand.u32 $0x1, s31;
	[sflag:s26] =	ssyncadd.s32 $0xFFFFFF80  }
0x13f: {  	p4 =	sne.s32 @!p3 s7, $0x0;
	p2 =	seq.s32 s7, $0x1;
	_ =	swait.ge [sflag:s26], $0x80  }
.LBB2_2:
0x140: {  	[sflag:s26] =	ssyncset.done $0x0  }
0x141: {  	[sflag:s26] =	ssyncadd.s32 $0xFFFFFF80  }
0x142: {  	_ =	swait.ge [sflag:s26], $0x80  }
0x143: {  	[sflag:s26] =	ssyncset.done $0x0  }
0x144: {  	[sflag:s26] =	ssyncadd.s32 $0xFFFFFF80  }
0x145: {  	_ =	swait.ge [sflag:s26], $0x80  }
0x146: {  	[sflag:s26] =	ssyncset.done $0x0  }
0x147: {  	[sflag:s26] =	ssyncadd.s32 $0xFFFFFF80  }
0x148: {  	_ =	swait.ge [sflag:s26], $0x80  }
0x149: {  	p4 =	por p4, p3;
	[sflag:s26] =	ssyncset.done $0x0  }
0x14a: {  	s11 =	simm.s32 @!p4 $0x2;
	[sflag:s26] =	ssyncadd.s32 $0xFFFFFF80  }
0x14b: {  	_ =	swait.ge @!p4 [sflag:s11], $0x100  }
0x14c: {  	[sflag:s11] =	ssyncset.done @!p4 $0x0  }
0x14d: {  	[sflag:s11] =	ssyncadd.s32 @!p4 $0xFFFFFF00  }
0x14e: {  	_ =	swait.ge @!p4 [sflag:s11], $0x100  }
0x14f: {  	[sflag:s11] =	ssyncset.done @!p4 $0x0  }
0x150: {  	[sflag:s11] =	ssyncadd.s32 @!p4 $0xFFFFFF00  }
0x151: {  	_ =	swait.ge @!p4 [sflag:s11], $0x100  }
0x152: {  	[sflag:s11] =	ssyncset.done @!p4 $0x0  }
0x153: {  	[sflag:s11] =	ssyncadd.s32 @!p4 $0xFFFFFF00  }
0x154: {  	_ =	swait.ge @!p4 [sflag:s11], $0x100  }
0x155: {  	[sflag:s11] =	ssyncset.done @!p4 $0x0  }
0x156: {  	[sflag:s11] =	ssyncadd.s32 @!p4 $0xFFFFFF00  }
0x157: {  	_ =	swait.ge @!p4 [sflag:s11], $0x100  }
0x158: {  	[sflag:s11] =	ssyncset.done @!p4 $0x0  }
0x159: {  	[sflag:s11] =	ssyncadd.s32 @!p4 $0xFFFFFF00  }
0x15a: {  	_ =	swait.ge @!p4 [sflag:s11], $0x100  }
0x15b: {  	[sflag:s11] =	ssyncset.done @!p4 $0x0  }
0x15c: {  	[sflag:s11] =	ssyncadd.s32 @!p4 $0xFFFFFF00  }
0x15d: {  	_ =	swait.ge @!p4 [sflag:s11], $0x100  }
0x15e: {  	[sflag:s11] =	ssyncset.done @!p4 $0x0  }
0x15f: {  	[sflag:s11] =	ssyncadd.s32 @!p4 $0xFFFFFF00  }
0x160: {  	_ =	swait.ge @!p4 [sflag:s11], $0x100  }
0x161: {  	[sflag:s11] =	ssyncset.done @!p4 $0x0  }
0x162: {  	[sflag:s11] =	ssyncadd.s32 @!p4 $0xFFFFFF00  }
0x163: {  	_ =	swait.ge @!p4 [sflag:s11], $0x100  }
0x164: {  	[sflag:s11] =	ssyncset.done @!p4 $0x0  }
0x165: {  	[sflag:s11] =	ssyncadd.s32 @!p4 $0xFFFFFF00  }
0x166: {  	_ =	swait.ge @!p4 [sflag:s11], $0x100  }
0x167: {  	[sflag:s11] =	ssyncset.done @!p4 $0x0  }
0x168: {  	[sflag:s11] =	ssyncadd.s32 @!p4 $0xFFFFFF00  }
0x169: {  	_ =	swait.ge @!p4 [sflag:s11], $0x100  }
0x16a: {  	[sflag:s11] =	ssyncset.done @!p4 $0x0  }
0x16b: {  	[sflag:s11] =	ssyncadd.s32 @!p4 $0xFFFFFF00  }
0x16c: {  	_ =	swait.ge @!p4 [sflag:s11], $0x100  }
0x16d: {  	[sflag:s11] =	ssyncset.done @!p4 $0x0  }
0x16e: {  	[sflag:s11] =	ssyncadd.s32 @!p4 $0xFFFFFF00  }
0x16f: {  	_ =	swait.ge @!p4 [sflag:s11], $0x100  }
0x170: {  	p3 =	seq.s32 s7, $0x0;
	[sflag:s11] =	ssyncset.done @!p4 $0x0  }
0x171: {  	s10 =	simm.s32 @!p3 $0x3;
	[sflag:s11] =	ssyncadd.s32 @!p4 $0xFFFFFF00  }
0x172: {  	_ =	swait.ge @!p3 [sflag:s10], $0x100  }
0x173: {  	[sflag:s10] =	ssyncset.done @!p3 $0x0  }
0x174: {  	[sflag:s10] =	ssyncadd.s32 @!p3 $0xFFFFFF00  }
0x175: {  	_ =	swait.ge @!p3 [sflag:s10], $0x100  }
0x176: {  	[sflag:s10] =	ssyncset.done @!p3 $0x0  }
0x177: {  	[sflag:s10] =	ssyncadd.s32 @!p3 $0xFFFFFF00  }
0x178: {  	_ =	swait.ge @!p3 [sflag:s10], $0x100  }
0x179: {  	[sflag:s10] =	ssyncset.done @!p3 $0x0  }
0x17a: {  	[sflag:s10] =	ssyncadd.s32 @!p3 $0xFFFFFF00  }
0x17b: {  	_ =	swait.ge @!p3 [sflag:s10], $0x100  }
0x17c: {  	[sflag:s10] =	ssyncset.done @!p3 $0x0  }
0x17d: {  	[sflag:s10] =	ssyncadd.s32 @!p3 $0xFFFFFF00  }
0x17e: {  	_ =	swait.ge @!p3 [sflag:s10], $0x100  }
0x17f: {  	[sflag:s10] =	ssyncset.done @!p3 $0x0  }
0x180: {  	[sflag:s10] =	ssyncadd.s32 @!p3 $0xFFFFFF00  }
0x181: {  	_ =	swait.ge @!p3 [sflag:s10], $0x100  }
0x182: {  	[sflag:s10] =	ssyncset.done @!p3 $0x0  }
0x183: {  	[sflag:s10] =	ssyncadd.s32 @!p3 $0xFFFFFF00  }
0x184: {  	_ =	swait.ge @!p3 [sflag:s10], $0x100  }
0x185: {  	[sflag:s10] =	ssyncset.done @!p3 $0x0  }
0x186: {  	[sflag:s10] =	ssyncadd.s32 @!p3 $0xFFFFFF00  }
0x187: {  	_ =	swait.ge @!p3 [sflag:s10], $0x100  }
0x188: {  	[sflag:s10] =	ssyncset.done @!p3 $0x0  }
0x189: {  	[sflag:s10] =	ssyncadd.s32 @!p3 $0xFFFFFF00  }
0x18a: {  	_ =	swait.ge @!p3 [sflag:s10], $0x100  }
0x18b: {  	[sflag:s10] =	ssyncset.done @!p3 $0x0  }
0x18c: {  	[sflag:s10] =	ssyncadd.s32 @!p3 $0xFFFFFF00  }
0x18d: {  	_ =	swait.ge @!p3 [sflag:s10], $0x100  }
0x18e: {  	[sflag:s10] =	ssyncset.done @!p3 $0x0  }
0x18f: {  	[sflag:s10] =	ssyncadd.s32 @!p3 $0xFFFFFF00  }
0x190: {  	_ =	swait.ge @!p3 [sflag:s10], $0x100  }
0x191: {  	[sflag:s10] =	ssyncset.done @!p3 $0x0  }
0x192: {  	[sflag:s10] =	ssyncadd.s32 @!p3 $0xFFFFFF00  }
0x193: {  	_ =	swait.ge @!p3 [sflag:s10], $0x100  }
0x194: {  	[sflag:s10] =	ssyncset.done @!p3 $0x0  }
0x195: {  	p4 =	sne.s32 s7, $0x0;
	[sflag:s10] =	ssyncadd.s32 @!p3 $0xFFFFFF00  }
0x196: {  	s8 =	smul.u32 $0x3400, s7;
	s7 =	simm.s32 @!p4 $0x0;
	_ =	swait.ge @!p3 [sflag:s10], $0x100  }
0x197: {  	s11 =	simm.s32 @!p4 $0xD00;
	s21 =	rddreg [dreg:$0x4];
	[sflag:s10] =	ssyncset.done @!p3 $0x0  }
0x198: {  	s12 =	sadd.s32 @!p4 s29, s23;
	[sflag:s10] =	ssyncadd.s32 @!p3 $0xFFFFFF00;
	s10 =	sadd.s32 @!p4 s29, s21  }
0x199: {  	[tilespmem:s11], [sflag:$0x3] =	stream.linear.gather @!p4 [hbm4b:s10+s7], $0x100, $0x38;
	[tilespmem:$0x1F80] =	vst v63  }
0x19a: {  	s17 =	simm.s32 @!p4 $0xE00;
	s13 =	sadd.s32 @!p4 $0x1C0, s12  }
0x19b: {  	[tilespmem:s17], [sflag:$0x3] =	stream.linear.gather @!p4 [hbm4b:s13+s7], $0x100, $0x38;
	[tilespmem:$0x1F80] =	vst v63  }
0x19c: {  	s5 =	simm.s32 @!p4 $0xF00;
	s14 =	sadd.s32 @!p4 $0x1E0, s12  }
0x19d: {  	[tilespmem:s5], [sflag:$0x3] =	stream.linear.gather @!p4 [hbm4b:s14+s7], $0x100, $0x38;
	[tilespmem:$0x1F80] =	vst v63  }
0x19e: {  	s18 =	sadd.s32 @!p4 $0x200, s12;
	s10 =	simm.s32 @!p4 $0x1000  }
0x19f: {  	[tilespmem:s10], [sflag:$0x3] =	stream.linear.gather @!p4 [hbm4b:s18+s7], $0x100, $0x38;
	[tilespmem:$0x1F80] =	vst v63  }
0x1a0: {  	s15 =	sadd.s32 @!p4 $0x220, s12;
	s5 =	simm.s32 @!p4 $0x1100  }
0x1a1: {  	[tilespmem:s5], [sflag:$0x3] =	stream.linear.gather @!p4 [hbm4b:s15+s7], $0x100, $0x38;
	[tilespmem:$0x1F80] =	vst v63  }
0x1a2: {  	s24 =	sadd.s32 @!p4 $0x240, s12;
	s10 =	simm.s32 @!p4 $0x1200  }
0x1a3: {  	[tilespmem:s10], [sflag:$0x3] =	stream.linear.gather @!p4 [hbm4b:s24+s7], $0x100, $0x38;
	[tilespmem:$0x1F80] =	vst v63  }
0x1a4: {  	s16 =	sadd.s32 @!p4 $0x260, s12;
	s5 =	simm.s32 @!p4 $0x1300  }
0x1a5: {  	[tilespmem:s5], [sflag:$0x3] =	stream.linear.gather @!p4 [hbm4b:s16+s7], $0x100, $0x38;
	[tilespmem:$0x1F80] =	vst v63  }
0x1a6: {  	s19 =	sadd.s32 @!p4 $0x280, s12;
	s10 =	simm.s32 @!p4 $0x1400  }
0x1a7: {  	[tilespmem:s10], [sflag:$0x3] =	stream.linear.gather @!p4 [hbm4b:s19+s7], $0x100, $0x38;
	[tilespmem:$0x1F80] =	vst v63  }
0x1a8: {  	p6 =	seq.s32 s29, $0x820;
	s20 =	sadd.s32 @!p4 $0x2A0, s12;
	s5 =	simm.s32 @!p4 $0x1500  }
0x1a9: {  	[tilespmem:s5], [sflag:$0x3] =	stream.linear.gather @!p4 [hbm4b:s20+s7], $0x100, $0x38;
	[tilespmem:$0x1F80] =	vst v63  }
0x1aa: {  	p2 =	por !p2, !p2;
	s6 =	sadd.s32 @!p4 $0x2C0, s12;
	s10 =	simm.s32 @!p4 $0x1600  }
0x1ab: {  	[tilespmem:s10], [sflag:$0x3] =	stream.linear.gather @!p4 [hbm4b:s6+s7], $0x100, $0x38;
	[tilespmem:$0x1F80] =	vst v63  }
0x1ac: {  	p2 =	por p6, p2;
	s28 =	sadd.s32 @!p4 $0x2E0, s12;
	s5 =	simm.s32 @!p4 $0x1700  }
0x1ad: {  	[tilespmem:s5], [sflag:$0x3] =	stream.linear.gather @!p4 [hbm4b:s28+s7], $0x100, $0x38;
	[tilespmem:$0x1F80] =	vst v63  }
0x1ae: {  	s4 =	sadd.s32 @!p4 $0x300, s12;
	s6 =	simm.s32 @!p4 $0x1800;
	s10 =	sadd.s32 @!p2 s29, s22  }
0x1af: {  	[tilespmem:s6], [sflag:$0x3] =	stream.linear.gather @!p4 [hbm4b:s4+s7], $0x100, $0x38;
	[tilespmem:$0x1F80] =	vst v63  }
0x1b0: {  	s4 =	sadd.s32 @!p2 $0x1A0, s10  }
0x1b1: {  	s12 =	sadd.s32 @!p4 $0x320, s12;
	s5 =	simm.s32 @!p4 $0x1900;
	s4 =	sand.u32 @!p2 $0x1FFFFFC0, s4  }
0x1b2: {  	[tilespmem:s5], [sflag:$0x3] =	stream.linear.gather @!p4 [hbm4b:s12+s7], $0x100, $0x38;
	[tilespmem:$0x1F80] =	vst v63  }
0x1b3: {  	s11 =	sadd.s32 @!p2 s29, s23;
	s7 =	simm.s32 @!p2 $0x0;
	s4 =	sadd.s32 @!p2 s2, s4  }
0x1b4: {  	[tilespmem:s7], [sflag:$0x2] =	stream.linear.gather @!p2 [hbm4b:s4+s7], $0x100, $0x38;
	[tilespmem:$0x1F80] =	vst v63  }
0x1b5: {  	s6 =	sadd.s32 @!p2 $0x1C0, s11;
	s12 =	simm.s32 @!p2 $0x100  }
0x1b6: {  	[tilespmem:s12], [sflag:$0x2] =	stream.linear.gather @!p2 [hbm4b:s6+s7], $0x100, $0x38;
	[tilespmem:$0x1F80] =	vst v63  }
0x1b7: {  	s10 =	sadd.s32 @!p2 $0x1E0, s11;
	s4 =	simm.s32 @!p2 $0x200  }
0x1b8: {  	[tilespmem:s4], [sflag:$0x2] =	stream.linear.gather @!p2 [hbm4b:s10+s7], $0x100, $0x38;
	[tilespmem:$0x1F80] =	vst v63  }
0x1b9: {  	s5 =	sadd.s32 @!p2 $0x200, s11;
	s6 =	simm.s32 @!p2 $0x300  }
0x1ba: {  	[tilespmem:s6], [sflag:$0x2] =	stream.linear.gather @!p2 [hbm4b:s5+s7], $0x100, $0x38;
	[tilespmem:$0x1F80] =	vst v63  }
0x1bb: {  	s13 =	sadd.s32 @!p2 $0x220, s11;
	s4 =	simm.s32 @!p2 $0x400  }
0x1bc: {  	[tilespmem:s4], [sflag:$0x2] =	stream.linear.gather @!p2 [hbm4b:s13+s7], $0x100, $0x38;
	[tilespmem:$0x1F80] =	vst v63  }
0x1bd: {  	s14 =	sadd.s32 @!p2 $0x240, s11;
	s5 =	simm.s32 @!p2 $0x500  }
0x1be: {  	[tilespmem:s5], [sflag:$0x2] =	stream.linear.gather @!p2 [hbm4b:s14+s7], $0x100, $0x38;
	[tilespmem:$0x1F80] =	vst v63  }
0x1bf: {  	s15 =	sadd.s32 @!p2 $0x260, s11;
	s4 =	simm.s32 @!p2 $0x600  }
0x1c0: {  	[tilespmem:s4], [sflag:$0x2] =	stream.linear.gather @!p2 [hbm4b:s15+s7], $0x100, $0x38;
	[tilespmem:$0x1F80] =	vst v63  }
0x1c1: {  	s12 =	sadd.s32 @!p2 $0x280, s11;
	s5 =	simm.s32 @!p2 $0x700  }
0x1c2: {  	[tilespmem:s5], [sflag:$0x2] =	stream.linear.gather @!p2 [hbm4b:s12+s7], $0x100, $0x38;
	[tilespmem:$0x1F80] =	vst v63  }
0x1c3: {  	s16 =	sadd.s32 @!p2 $0x2A0, s11;
	s4 =	simm.s32 @!p2 $0x800  }
0x1c4: {  	[tilespmem:s4], [sflag:$0x2] =	stream.linear.gather @!p2 [hbm4b:s16+s7], $0x100, $0x38;
	[tilespmem:$0x1F80] =	vst v63  }
0x1c5: {  	s10 =	sadd.s32 @!p2 $0x2C0, s11;
	s5 =	simm.s32 @!p2 $0x900  }
0x1c6: {  	[tilespmem:s5], [sflag:$0x2] =	stream.linear.gather @!p2 [hbm4b:s10+s7], $0x100, $0x38;
	[tilespmem:$0x1F80] =	vst v63  }
0x1c7: {  	s17 =	sadd.s32 @!p2 $0x2E0, s11;
	s4 =	simm.s32 @!p2 $0xA00  }
0x1c8: {  	[tilespmem:s4], [sflag:$0x2] =	stream.linear.gather @!p2 [hbm4b:s17+s7], $0x100, $0x38;
	[tilespmem:$0x1F80] =	vst v63  }
0x1c9: {  	s6 =	sadd.s32 @!p2 $0x300, s11;
	s5 =	simm.s32 @!p2 $0xB00  }
0x1ca: {  	[tilespmem:s5], [sflag:$0x2] =	stream.linear.gather @!p2 [hbm4b:s6+s7], $0x100, $0x38;
	[tilespmem:$0x1F80] =	vst v63  }
0x1cb: {  	s8 =	sshrl.u32 s8, $0x2;
	s11 =	sadd.s32 @!p2 $0x320, s11;
	s4 =	simm.s32 @!p2 $0xC00  }
0x1cc: {  	[tilespmem:s4], [sflag:$0x2] =	stream.linear.gather @!p2 [hbm4b:s11+s7], $0x100, $0x38;
	[tilespmem:$0x1F80] =	vst v63  }
0x1cd: {  	s10 =	sor.u32 $0x80, s8  }
0x1ce: {  	[spmem:s3] =	stream.indirect.scatter.add.f32 [tilespmem:s1], [sflag:$0x1], $0x1, s10, s0, $0xb8;
	[tilespmem:$0x1F80] =	vst v63  }
0x1cf: {  	s12 =	sadd.s32 $0x180, s8  }
0x1d0: {  	[spmem:s3] =	stream.indirect.scatter.add.f32 [tilespmem:s1], [sflag:$0x1], $0x1, s12, s0, $0xb8;
	[tilespmem:$0x1F80] =	vst v63  }
0x1d1: {  	s13 =	sadd.s32 $0x280, s8  }
0x1d2: {  	[spmem:s3] =	stream.indirect.scatter.add.f32 [tilespmem:s1], [sflag:$0x1], $0x1, s13, s0, $0xb8;
	[tilespmem:$0x1F80] =	vst v63  }
0x1d3: {  	s14 =	sadd.s32 $0x380, s8  }
0x1d4: {  	[spmem:s3] =	stream.indirect.scatter.add.f32 [tilespmem:s1], [sflag:$0x1], $0x1, s14, s0, $0xb8;
	[tilespmem:$0x1F80] =	vst v63  }
0x1d5: {  	s15 =	sadd.s32 $0x480, s8  }
0x1d6: {  	[spmem:s3] =	stream.indirect.scatter.add.f32 [tilespmem:s1], [sflag:$0x1], $0x1, s15, s0, $0xb8;
	[tilespmem:$0x1F80] =	vst v63  }
0x1d7: {  	s16 =	sadd.s32 $0x580, s8  }
0x1d8: {  	[spmem:s3] =	stream.indirect.scatter.add.f32 [tilespmem:s1], [sflag:$0x1], $0x1, s16, s0, $0xb8;
	[tilespmem:$0x1F80] =	vst v63  }
0x1d9: {  	s17 =	sadd.s32 $0x680, s8  }
0x1da: {  	[spmem:s3] =	stream.indirect.scatter.add.f32 [tilespmem:s1], [sflag:$0x1], $0x1, s17, s0, $0xb8;
	[tilespmem:$0x1F80] =	vst v63  }
0x1db: {  	s18 =	sadd.s32 $0x780, s8  }
0x1dc: {  	[spmem:s3] =	stream.indirect.scatter.add.f32 [tilespmem:s1], [sflag:$0x1], $0x1, s18, s0, $0xb8;
	[tilespmem:$0x1F80] =	vst v63  }
0x1dd: {  	s19 =	sadd.s32 $0x880, s8  }
0x1de: {  	[spmem:s3] =	stream.indirect.scatter.add.f32 [tilespmem:s1], [sflag:$0x1], $0x1, s19, s0, $0xb8;
	[tilespmem:$0x1F80] =	vst v63  }
0x1df: {  	s20 =	sadd.s32 $0x980, s8  }
0x1e0: {  	[spmem:s3] =	stream.indirect.scatter.add.f32 [tilespmem:s1], [sflag:$0x1], $0x1, s20, s0, $0xb8;
	[tilespmem:$0x1F80] =	vst v63  }
0x1e1: {  	s21 =	sadd.s32 $0xA80, s8  }
0x1e2: {  	[spmem:s3] =	stream.indirect.scatter.add.f32 [tilespmem:s1], [sflag:$0x1], $0x1, s21, s0, $0xb8;
	[tilespmem:$0x1F80] =	vst v63  }
0x1e3: {  	s24 =	sadd.s32 $0xB80, s8  }
0x1e4: {  	[spmem:s3] =	stream.indirect.scatter.add.f32 [tilespmem:s1], [sflag:$0x1], $0x1, s24, s0, $0xb8;
	[tilespmem:$0x1F80] =	vst v63  }
0x1e5: {  	s28 =	sadd.s32 $0xC80, s8  }
0x1e6: {  	[spmem:s3] =	stream.indirect.scatter.add.f32 [tilespmem:s1], [sflag:$0x1], $0x1, s28, s0, $0xb8;
	[tilespmem:$0x1F80] =	vst v63  }
0x1e7: {  	_ =	swait.ge [sflag:s26], $0x80  }
0x1e8: {  	[sflag:s26] =	ssyncset.done $0x0  }
0x1e9: {  	[sflag:s26] =	ssyncadd.s32 $0xFFFFFF80  }
0x1ea: {  	_ =	swait.ge [sflag:s26], $0x80  }
0x1eb: {  	[sflag:s26] =	ssyncset.done $0x0  }
0x1ec: {  	[sflag:s26] =	ssyncadd.s32 $0xFFFFFF80  }
0x1ed: {  	_ =	swait.ge [sflag:s26], $0x80  }
0x1ee: {  	[sflag:s26] =	ssyncset.done $0x0  }
0x1ef: {  	[sflag:s26] =	ssyncadd.s32 $0xFFFFFF80  }
0x1f0: {  	_ =	swait.ge [sflag:s26], $0x80  }
0x1f1: {  	[sflag:s26] =	ssyncset.done $0x0  }
0x1f2: {  	[sflag:s26] =	ssyncadd.s32 $0xFFFFFF80  }
0x1f3: {  	_ =	swait.ge [sflag:s26], $0x80  }
0x1f4: {  	[sflag:s26] =	ssyncset.done $0x0  }
0x1f5: {  	[sflag:s26] =	ssyncadd.s32 $0xFFFFFF80  }
0x1f6: {  	_ =	swait.ge [sflag:s26], $0x80  }
0x1f7: {  	[sflag:s26] =	ssyncset.done $0x0  }
0x1f8: {  	[sflag:s26] =	ssyncadd.s32 $0xFFFFFF80  }
0x1f9: {  	_ =	swait.ge [sflag:s26], $0x80  }
0x1fa: {  	[sflag:s26] =	ssyncset.done $0x0  }
0x1fb: {  	[sflag:s26] =	ssyncadd.s32 $0xFFFFFF80  }
0x1fc: {  	s9 =	smov.u32 s30;
	s30 =	sadd.s32 $0x1A0, s30;
	_ =	swait.ge [sflag:s26], $0x80  }
0x1fd: {  	p1 =	sne.s32 s30, $0x9C0;
	[sflag:s26] =	ssyncset.done $0x0  }
.Ltmp0:
0x1fe: {  	[sflag:s26] =	ssyncadd.s32 $0xFFFFFF80;
	(pc) =	sbr.rel @p1 .LBB2_2-.Ltmp0, $4  }
0x1ff: {  	_ =	swait.ge [sflag:s26], $0x80  }
0x200: {  	s31 =	sadd.s32 $0x1, s31;
	s29 =	smov.u32 s9;
	[sflag:s26] =	ssyncset.done $0x0  }
0x201: {  	p3 =	seq.s32 s29, $0x0;
	s7 =	sand.u32 $0x1, s31;
	[sflag:s26] =	ssyncadd.s32 $0xFFFFFF80  }
0x202: {  	p4 =	sne.s32 @!p3 s7, $0x0;
	p2 =	seq.s32 s7, $0x1;
	_ =	swait.ge [sflag:s26], $0x80  }
0x203: {  	[sflag:s26] =	ssyncset.done $0x0  }
0x204: {  	[sflag:s26] =	ssyncadd.s32 $0xFFFFFF80  }
0x205: {  	_ =	swait.ge [sflag:s26], $0x80  }
0x206: {  	[sflag:s26] =	ssyncset.done $0x0  }
0x207: {  	[sflag:s26] =	ssyncadd.s32 $0xFFFFFF80  }
0x208: {  	_ =	swait.ge [sflag:s26], $0x80  }
0x209: {  	[sflag:s26] =	ssyncset.done $0x0  }
0x20a: {  	[sflag:s26] =	ssyncadd.s32 $0xFFFFFF80  }
0x20b: {  	_ =	swait.ge [sflag:s26], $0x80  }
0x20c: {  	p3 =	por p4, p3;
	[sflag:s26] =	ssyncset.done $0x0  }
0x20d: {  	s4 =	simm.s32 @!p3 $0x2;
	[sflag:s26] =	ssyncadd.s32 $0xFFFFFF80  }
0x20e: {  	_ =	swait.ge @!p3 [sflag:s4], $0x100  }
0x20f: {  	[sflag:s4] =	ssyncset.done @!p3 $0x0  }
0x210: {  	[sflag:s4] =	ssyncadd.s32 @!p3 $0xFFFFFF00  }
0x211: {  	_ =	swait.ge @!p3 [sflag:s4], $0x100  }
0x212: {  	[sflag:s4] =	ssyncset.done @!p3 $0x0  }
0x213: {  	[sflag:s4] =	ssyncadd.s32 @!p3 $0xFFFFFF00  }
0x214: {  	_ =	swait.ge @!p3 [sflag:s4], $0x100  }
0x215: {  	[sflag:s4] =	ssyncset.done @!p3 $0x0  }
0x216: {  	[sflag:s4] =	ssyncadd.s32 @!p3 $0xFFFFFF00  }
0x217: {  	_ =	swait.ge @!p3 [sflag:s4], $0x100  }
0x218: {  	[sflag:s4] =	ssyncset.done @!p3 $0x0  }
0x219: {  	[sflag:s4] =	ssyncadd.s32 @!p3 $0xFFFFFF00  }
0x21a: {  	_ =	swait.ge @!p3 [sflag:s4], $0x100  }
0x21b: {  	[sflag:s4] =	ssyncset.done @!p3 $0x0  }
0x21c: {  	[sflag:s4] =	ssyncadd.s32 @!p3 $0xFFFFFF00  }
0x21d: {  	_ =	swait.ge @!p3 [sflag:s4], $0x100  }
0x21e: {  	[sflag:s4] =	ssyncset.done @!p3 $0x0  }
0x21f: {  	[sflag:s4] =	ssyncadd.s32 @!p3 $0xFFFFFF00  }
0x220: {  	_ =	swait.ge @!p3 [sflag:s4], $0x100  }
0x221: {  	[sflag:s4] =	ssyncset.done @!p3 $0x0  }
0x222: {  	[sflag:s4] =	ssyncadd.s32 @!p3 $0xFFFFFF00  }
0x223: {  	_ =	swait.ge @!p3 [sflag:s4], $0x100  }
0x224: {  	[sflag:s4] =	ssyncset.done @!p3 $0x0  }
0x225: {  	[sflag:s4] =	ssyncadd.s32 @!p3 $0xFFFFFF00  }
0x226: {  	_ =	swait.ge @!p3 [sflag:s4], $0x100  }
0x227: {  	[sflag:s4] =	ssyncset.done @!p3 $0x0  }
0x228: {  	[sflag:s4] =	ssyncadd.s32 @!p3 $0xFFFFFF00  }
0x229: {  	_ =	swait.ge @!p3 [sflag:s4], $0x100  }
0x22a: {  	[sflag:s4] =	ssyncset.done @!p3 $0x0  }
0x22b: {  	[sflag:s4] =	ssyncadd.s32 @!p3 $0xFFFFFF00  }
0x22c: {  	_ =	swait.ge @!p3 [sflag:s4], $0x100  }
0x22d: {  	[sflag:s4] =	ssyncset.done @!p3 $0x0  }
0x22e: {  	[sflag:s4] =	ssyncadd.s32 @!p3 $0xFFFFFF00  }
0x22f: {  	_ =	swait.ge @!p3 [sflag:s4], $0x100  }
0x230: {  	[sflag:s4] =	ssyncset.done @!p3 $0x0  }
0x231: {  	[sflag:s4] =	ssyncadd.s32 @!p3 $0xFFFFFF00  }
0x232: {  	_ =	swait.ge @!p3 [sflag:s4], $0x100  }
0x233: {  	p1 =	seq.s32 s7, $0x0;
	[sflag:s4] =	ssyncset.done @!p3 $0x0  }
0x234: {  	s5 =	simm.s32 @!p1 $0x3;
	[sflag:s4] =	ssyncadd.s32 @!p3 $0xFFFFFF00  }
0x235: {  	_ =	swait.ge @!p1 [sflag:s5], $0x100  }
0x236: {  	[sflag:s5] =	ssyncset.done @!p1 $0x0  }
0x237: {  	[sflag:s5] =	ssyncadd.s32 @!p1 $0xFFFFFF00  }
0x238: {  	_ =	swait.ge @!p1 [sflag:s5], $0x100  }
0x239: {  	[sflag:s5] =	ssyncset.done @!p1 $0x0  }
0x23a: {  	[sflag:s5] =	ssyncadd.s32 @!p1 $0xFFFFFF00  }
0x23b: {  	_ =	swait.ge @!p1 [sflag:s5], $0x100  }
0x23c: {  	[sflag:s5] =	ssyncset.done @!p1 $0x0  }
0x23d: {  	[sflag:s5] =	ssyncadd.s32 @!p1 $0xFFFFFF00  }
0x23e: {  	_ =	swait.ge @!p1 [sflag:s5], $0x100  }
0x23f: {  	[sflag:s5] =	ssyncset.done @!p1 $0x0  }
0x240: {  	[sflag:s5] =	ssyncadd.s32 @!p1 $0xFFFFFF00  }
0x241: {  	_ =	swait.ge @!p1 [sflag:s5], $0x100  }
0x242: {  	[sflag:s5] =	ssyncset.done @!p1 $0x0  }
0x243: {  	[sflag:s5] =	ssyncadd.s32 @!p1 $0xFFFFFF00  }
0x244: {  	_ =	swait.ge @!p1 [sflag:s5], $0x100  }
0x245: {  	[sflag:s5] =	ssyncset.done @!p1 $0x0  }
0x246: {  	[sflag:s5] =	ssyncadd.s32 @!p1 $0xFFFFFF00  }
0x247: {  	_ =	swait.ge @!p1 [sflag:s5], $0x100  }
0x248: {  	[sflag:s5] =	ssyncset.done @!p1 $0x0  }
0x249: {  	[sflag:s5] =	ssyncadd.s32 @!p1 $0xFFFFFF00  }
0x24a: {  	_ =	swait.ge @!p1 [sflag:s5], $0x100  }
0x24b: {  	[sflag:s5] =	ssyncset.done @!p1 $0x0  }
0x24c: {  	[sflag:s5] =	ssyncadd.s32 @!p1 $0xFFFFFF00  }
0x24d: {  	_ =	swait.ge @!p1 [sflag:s5], $0x100  }
0x24e: {  	[sflag:s5] =	ssyncset.done @!p1 $0x0  }
0x24f: {  	[sflag:s5] =	ssyncadd.s32 @!p1 $0xFFFFFF00  }
0x250: {  	_ =	swait.ge @!p1 [sflag:s5], $0x100  }
0x251: {  	[sflag:s5] =	ssyncset.done @!p1 $0x0  }
0x252: {  	[sflag:s5] =	ssyncadd.s32 @!p1 $0xFFFFFF00  }
0x253: {  	_ =	swait.ge @!p1 [sflag:s5], $0x100  }
0x254: {  	[sflag:s5] =	ssyncset.done @!p1 $0x0  }
0x255: {  	[sflag:s5] =	ssyncadd.s32 @!p1 $0xFFFFFF00  }
0x256: {  	_ =	swait.ge @!p1 [sflag:s5], $0x100  }
0x257: {  	[sflag:s5] =	ssyncset.done @!p1 $0x0  }
0x258: {  	p3 =	sne.s32 s7, $0x0;
	[sflag:s5] =	ssyncadd.s32 @!p1 $0xFFFFFF00  }
0x259: {  	s6 =	simm.s32 @!p3 $0x0;
	_ =	swait.ge @!p1 [sflag:s5], $0x100  }
0x25a: {  	s8 =	simm.s32 @!p3 $0xD00;
	s4 =	rddreg [dreg:$0x4];
	[sflag:s5] =	ssyncset.done @!p1 $0x0  }
0x25b: {  	[sflag:s5] =	ssyncadd.s32 @!p1 $0xFFFFFF00;
	s5 =	sadd.s32 @!p3 s29, s23;
	s4 =	sadd.s32 @!p3 s29, s4  }
0x25c: {  	[tilespmem:s8], [sflag:$0x3] =	stream.linear.gather @!p3 [hbm4b:s4+s6], $0x100, $0x38;
	[tilespmem:$0x1F80] =	vst v63  }
0x25d: {  	s4 =	sadd.s32 @!p3 $0x1C0, s5;
	s8 =	simm.s32 @!p3 $0xE00  }
0x25e: {  	[tilespmem:s8], [sflag:$0x3] =	stream.linear.gather @!p3 [hbm4b:s4+s6], $0x100, $0x38;
	[tilespmem:$0x1F80] =	vst v63  }
0x25f: {  	s4 =	sadd.s32 @!p3 $0x1E0, s5;
	s8 =	simm.s32 @!p3 $0xF00  }
0x260: {  	[tilespmem:s8], [sflag:$0x3] =	stream.linear.gather @!p3 [hbm4b:s4+s6], $0x100, $0x38;
	[tilespmem:$0x1F80] =	vst v63  }
0x261: {  	s4 =	sadd.s32 @!p3 $0x200, s5;
	s8 =	simm.s32 @!p3 $0x1000  }
0x262: {  	[tilespmem:s8], [sflag:$0x3] =	stream.linear.gather @!p3 [hbm4b:s4+s6], $0x100, $0x38;
	[tilespmem:$0x1F80] =	vst v63  }
0x263: {  	s4 =	sadd.s32 @!p3 $0x220, s5;
	s8 =	simm.s32 @!p3 $0x1100  }
0x264: {  	[tilespmem:s8], [sflag:$0x3] =	stream.linear.gather @!p3 [hbm4b:s4+s6], $0x100, $0x38;
	[tilespmem:$0x1F80] =	vst v63  }
0x265: {  	s4 =	sadd.s32 @!p3 $0x240, s5;
	s8 =	simm.s32 @!p3 $0x1200  }
0x266: {  	[tilespmem:s8], [sflag:$0x3] =	stream.linear.gather @!p3 [hbm4b:s4+s6], $0x100, $0x38;
	[tilespmem:$0x1F80] =	vst v63  }
0x267: {  	s4 =	sadd.s32 @!p3 $0x260, s5;
	s8 =	simm.s32 @!p3 $0x1300  }
0x268: {  	[tilespmem:s8], [sflag:$0x3] =	stream.linear.gather @!p3 [hbm4b:s4+s6], $0x100, $0x38;
	[tilespmem:$0x1F80] =	vst v63  }
0x269: {  	s4 =	sadd.s32 @!p3 $0x280, s5;
	s8 =	simm.s32 @!p3 $0x1400  }
0x26a: {  	[tilespmem:s8], [sflag:$0x3] =	stream.linear.gather @!p3 [hbm4b:s4+s6], $0x100, $0x38;
	[tilespmem:$0x1F80] =	vst v63  }
0x26b: {  	s4 =	sadd.s32 @!p3 $0x2A0, s5;
	s8 =	simm.s32 @!p3 $0x1500  }
0x26c: {  	[tilespmem:s8], [sflag:$0x3] =	stream.linear.gather @!p3 [hbm4b:s4+s6], $0x100, $0x38;
	[tilespmem:$0x1F80] =	vst v63  }
0x26d: {  	s4 =	sadd.s32 @!p3 $0x2C0, s5;
	s8 =	simm.s32 @!p3 $0x1600  }
0x26e: {  	[tilespmem:s8], [sflag:$0x3] =	stream.linear.gather @!p3 [hbm4b:s4+s6], $0x100, $0x38;
	[tilespmem:$0x1F80] =	vst v63  }
0x26f: {  	p6 =	seq.s32 s29, $0x820;
	s4 =	sadd.s32 @!p3 $0x2E0, s5;
	s8 =	simm.s32 @!p3 $0x1700  }
0x270: {  	[tilespmem:s8], [sflag:$0x3] =	stream.linear.gather @!p3 [hbm4b:s4+s6], $0x100, $0x38;
	[tilespmem:$0x1F80] =	vst v63  }
0x271: {  	p2 =	por !p2, !p2;
	s4 =	sadd.s32 @!p3 $0x300, s5;
	s8 =	simm.s32 @!p3 $0x1800  }
0x272: {  	[tilespmem:s8], [sflag:$0x3] =	stream.linear.gather @!p3 [hbm4b:s4+s6], $0x100, $0x38;
	[tilespmem:$0x1F80] =	vst v63  }
0x273: {  	p1 =	por p6, p2;
	s4 =	sadd.s32 @!p3 $0x320, s5;
	s5 =	simm.s32 @!p3 $0x1900  }
0x274: {  	[tilespmem:s5], [sflag:$0x3] =	stream.linear.gather @!p3 [hbm4b:s4+s6], $0x100, $0x38;
	[tilespmem:$0x1F80] =	vst v63  }
0x275: {  	s4 =	sadd.s32 @!p1 s29, s22  }
0x276: {  	s4 =	sadd.s32 @!p1 $0x1A0, s4  }
0x277: {  	s4 =	sand.u32 @!p1 $0x1FFFFFC0, s4  }
0x278: {  	s5 =	sadd.s32 @!p1 s29, s23;
	s6 =	simm.s32 @!p1 $0x0;
	s4 =	sadd.s32 @!p1 s2, s4  }
0x279: {  	[tilespmem:s6], [sflag:$0x2] =	stream.linear.gather @!p1 [hbm4b:s4+s6], $0x100, $0x38;
	[tilespmem:$0x1F80] =	vst v63  }
0x27a: {  	s8 =	simm.s32 @!p1 $0x100;
	s4 =	sadd.s32 @!p1 $0x1C0, s5  }
0x27b: {  	[tilespmem:s8], [sflag:$0x2] =	stream.linear.gather @!p1 [hbm4b:s4+s6], $0x100, $0x38;
	[tilespmem:$0x1F80] =	vst v63  }
0x27c: {  	s4 =	sadd.s32 @!p1 $0x1E0, s5;
	s8 =	simm.s32 @!p1 $0x200  }
0x27d: {  	[tilespmem:s8], [sflag:$0x2] =	stream.linear.gather @!p1 [hbm4b:s4+s6], $0x100, $0x38;
	[tilespmem:$0x1F80] =	vst v63  }
0x27e: {  	s4 =	sadd.s32 @!p1 $0x200, s5;
	s8 =	simm.s32 @!p1 $0x300  }
0x27f: {  	[tilespmem:s8], [sflag:$0x2] =	stream.linear.gather @!p1 [hbm4b:s4+s6], $0x100, $0x38;
	[tilespmem:$0x1F80] =	vst v63  }
0x280: {  	s4 =	sadd.s32 @!p1 $0x220, s5;
	s8 =	simm.s32 @!p1 $0x400  }
0x281: {  	[tilespmem:s8], [sflag:$0x2] =	stream.linear.gather @!p1 [hbm4b:s4+s6], $0x100, $0x38;
	[tilespmem:$0x1F80] =	vst v63  }
0x282: {  	s4 =	sadd.s32 @!p1 $0x240, s5;
	s8 =	simm.s32 @!p1 $0x500  }
0x283: {  	[tilespmem:s8], [sflag:$0x2] =	stream.linear.gather @!p1 [hbm4b:s4+s6], $0x100, $0x38;
	[tilespmem:$0x1F80] =	vst v63  }
0x284: {  	s4 =	sadd.s32 @!p1 $0x260, s5;
	s8 =	simm.s32 @!p1 $0x600  }
0x285: {  	[tilespmem:s8], [sflag:$0x2] =	stream.linear.gather @!p1 [hbm4b:s4+s6], $0x100, $0x38;
	[tilespmem:$0x1F80] =	vst v63  }
0x286: {  	s4 =	sadd.s32 @!p1 $0x280, s5;
	s8 =	simm.s32 @!p1 $0x700  }
0x287: {  	[tilespmem:s8], [sflag:$0x2] =	stream.linear.gather @!p1 [hbm4b:s4+s6], $0x100, $0x38;
	[tilespmem:$0x1F80] =	vst v63  }
0x288: {  	s4 =	sadd.s32 @!p1 $0x2A0, s5;
	s8 =	simm.s32 @!p1 $0x800  }
0x289: {  	[tilespmem:s8], [sflag:$0x2] =	stream.linear.gather @!p1 [hbm4b:s4+s6], $0x100, $0x38;
	[tilespmem:$0x1F80] =	vst v63  }
0x28a: {  	s4 =	sadd.s32 @!p1 $0x2C0, s5;
	s8 =	simm.s32 @!p1 $0x900  }
0x28b: {  	[tilespmem:s8], [sflag:$0x2] =	stream.linear.gather @!p1 [hbm4b:s4+s6], $0x100, $0x38;
	[tilespmem:$0x1F80] =	vst v63  }
0x28c: {  	s4 =	sadd.s32 @!p1 $0x2E0, s5;
	s8 =	simm.s32 @!p1 $0xA00  }
0x28d: {  	[tilespmem:s8], [sflag:$0x2] =	stream.linear.gather @!p1 [hbm4b:s4+s6], $0x100, $0x38;
	[tilespmem:$0x1F80] =	vst v63  }
0x28e: {  	s11 =	smul.u32 $0x3400, s7;
	s4 =	sadd.s32 @!p1 $0x300, s5;
	s8 =	simm.s32 @!p1 $0xB00  }
0x28f: {  	[tilespmem:s8], [sflag:$0x2] =	stream.linear.gather @!p1 [hbm4b:s4+s6], $0x100, $0x38;
	[tilespmem:$0x1F80] =	vst v63  }
0x290: {  	s7 =	simm.s32 @!p1 $0xC00;
	s5 =	sadd.s32 @!p1 $0x320, s5;
	s4 =	sshrl.u32 s11, $0x2  }
0x291: {  	[tilespmem:s7], [sflag:$0x2] =	stream.linear.gather @!p1 [hbm4b:s5+s6], $0x100, $0x38;
	[tilespmem:$0x1F80] =	vst v63  }
0x292: {  	s12 =	sor.u32 $0x80, s4  }
0x293: {  	[spmem:s3] =	stream.indirect.scatter.add.f32 [tilespmem:s1], [sflag:$0x1], $0x1, s12, s0, $0xb8;
	[tilespmem:$0x1F80] =	vst v63  }
0x294: {  	s13 =	sadd.s32 $0x180, s4  }
0x295: {  	[spmem:s3] =	stream.indirect.scatter.add.f32 [tilespmem:s1], [sflag:$0x1], $0x1, s13, s0, $0xb8;
	[tilespmem:$0x1F80] =	vst v63  }
0x296: {  	s14 =	sadd.s32 $0x280, s4  }
0x297: {  	[spmem:s3] =	stream.indirect.scatter.add.f32 [tilespmem:s1], [sflag:$0x1], $0x1, s14, s0, $0xb8;
	[tilespmem:$0x1F80] =	vst v63  }
0x298: {  	s15 =	sadd.s32 $0x380, s4  }
0x299: {  	[spmem:s3] =	stream.indirect.scatter.add.f32 [tilespmem:s1], [sflag:$0x1], $0x1, s15, s0, $0xb8;
	[tilespmem:$0x1F80] =	vst v63  }
0x29a: {  	s16 =	sadd.s32 $0x480, s4  }
0x29b: {  	[spmem:s3] =	stream.indirect.scatter.add.f32 [tilespmem:s1], [sflag:$0x1], $0x1, s16, s0, $0xb8;
	[tilespmem:$0x1F80] =	vst v63  }
0x29c: {  	s17 =	sadd.s32 $0x580, s4  }
0x29d: {  	[spmem:s3] =	stream.indirect.scatter.add.f32 [tilespmem:s1], [sflag:$0x1], $0x1, s17, s0, $0xb8;
	[tilespmem:$0x1F80] =	vst v63  }
0x29e: {  	s18 =	sadd.s32 $0x680, s4  }
0x29f: {  	[spmem:s3] =	stream.indirect.scatter.add.f32 [tilespmem:s1], [sflag:$0x1], $0x1, s18, s0, $0xb8;
	[tilespmem:$0x1F80] =	vst v63  }
0x2a0: {  	s19 =	sadd.s32 $0x780, s4  }
0x2a1: {  	[spmem:s3] =	stream.indirect.scatter.add.f32 [tilespmem:s1], [sflag:$0x1], $0x1, s19, s0, $0xb8;
	[tilespmem:$0x1F80] =	vst v63  }
0x2a2: {  	s20 =	sadd.s32 $0x880, s4  }
0x2a3: {  	[spmem:s3] =	stream.indirect.scatter.add.f32 [tilespmem:s1], [sflag:$0x1], $0x1, s20, s0, $0xb8;
	[tilespmem:$0x1F80] =	vst v63  }
0x2a4: {  	s21 =	sadd.s32 $0x980, s4  }
0x2a5: {  	[spmem:s3] =	stream.indirect.scatter.add.f32 [tilespmem:s1], [sflag:$0x1], $0x1, s21, s0, $0xb8;
	[tilespmem:$0x1F80] =	vst v63  }
0x2a6: {  	s24 =	sadd.s32 $0xA80, s4  }
0x2a7: {  	[spmem:s3] =	stream.indirect.scatter.add.f32 [tilespmem:s1], [sflag:$0x1], $0x1, s24, s0, $0xb8;
	[tilespmem:$0x1F80] =	vst v63  }
0x2a8: {  	s28 =	sadd.s32 $0xB80, s4  }
0x2a9: {  	[spmem:s3] =	stream.indirect.scatter.add.f32 [tilespmem:s1], [sflag:$0x1], $0x1, s28, s0, $0xb8;
	[tilespmem:$0x1F80] =	vst v63  }
0x2aa: {  	s4 =	sadd.s32 $0xC80, s4  }
0x2ab: {  	[spmem:s3] =	stream.indirect.scatter.add.f32 [tilespmem:s1], [sflag:$0x1], $0x1, s4, s0, $0xb8;
	[tilespmem:$0x1F80] =	vst v63  }
0x2ac: {  	_ =	swait.ge [sflag:s26], $0x80  }
0x2ad: {  	[sflag:s26] =	ssyncset.done $0x0  }
0x2ae: {  	[sflag:s26] =	ssyncadd.s32 $0xFFFFFF80  }
0x2af: {  	_ =	swait.ge [sflag:s26], $0x80  }
0x2b0: {  	[sflag:s26] =	ssyncset.done $0x0  }
0x2b1: {  	[sflag:s26] =	ssyncadd.s32 $0xFFFFFF80  }
0x2b2: {  	_ =	swait.ge [sflag:s26], $0x80  }
0x2b3: {  	[sflag:s26] =	ssyncset.done $0x0  }
0x2b4: {  	[sflag:s26] =	ssyncadd.s32 $0xFFFFFF80  }
0x2b5: {  	_ =	swait.ge [sflag:s26], $0x80  }
0x2b6: {  	[sflag:s26] =	ssyncset.done $0x0  }
0x2b7: {  	[sflag:s26] =	ssyncadd.s32 $0xFFFFFF80  }
0x2b8: {  	_ =	swait.ge [sflag:s26], $0x80  }
0x2b9: {  	[sflag:s26] =	ssyncset.done $0x0  }
0x2ba: {  	[sflag:s26] =	ssyncadd.s32 $0xFFFFFF80  }
0x2bb: {  	_ =	swait.ge [sflag:s26], $0x80  }
0x2bc: {  	[sflag:s26] =	ssyncset.done $0x0  }
0x2bd: {  	[sflag:s26] =	ssyncadd.s32 $0xFFFFFF80  }
0x2be: {  	_ =	swait.ge [sflag:s26], $0x80  }
0x2bf: {  	[sflag:s26] =	ssyncset.done $0x0  }
0x2c0: {  	[sflag:s26] =	ssyncadd.s32 $0xFFFFFF80  }
0x2c1: {  	_ =	swait.ge [sflag:s26], $0x80  }
0x2c2: {  	[sflag:s26] =	ssyncset.done $0x0  }
0x2c3: {  	[sflag:s26] =	ssyncadd.s32 $0xFFFFFF80  }
0x2c4: {  	_ =	swait.ge [sflag:s26], $0x80  }
0x2c5: {  	[sflag:s26] =	ssyncset.done $0x0  }
0x2c6: {  	[sflag:s26] =	ssyncadd.s32 $0xFFFFFF80  }
0x2c7: {  	_ =	swait.ge [sflag:s26], $0x80  }
0x2c8: {  	[sflag:s26] =	ssyncset.done $0x0  }
0x2c9: {  	[sflag:s26] =	ssyncadd.s32 $0xFFFFFF80  }
0x2ca: {  	_ =	swait.ge [sflag:s26], $0x80  }
0x2cb: {  	[sflag:s26] =	ssyncset.done $0x0  }
0x2cc: {  	[sflag:s26] =	ssyncadd.s32 $0xFFFFFF80  }
0x2cd: {  	_ =	swait.ge [sflag:s26], $0x80  }
0x2ce: {  	[sflag:s26] =	ssyncset.done $0x0  }
0x2cf: {  	[sflag:s26] =	ssyncadd.s32 $0xFFFFFF80  }
0x2d0: {  	_ =	swait.ge [sflag:s26], $0x80  }
0x2d1: {  	[sflag:s26] =	ssyncset.done $0x0  }
0x2d2: {  	s4 =	simm.s32 @!p0 $0x0;
	s5 =	rddreg [dreg:$0x13];
	[sflag:s26] =	ssyncadd.s32 $0xFFFFFF80  }
0x2d3: {  	[tilespmem:s4], [sflag:$0x4] =	stream.linear.gather @!p0 [hbm4b:s5+s4], $0x100, $0x38;
	[tilespmem:$0x1F80] =	vst v63  }
0x2d4: {  	s4 =	simm.s32 @!p0 $0x4  }
0x2d5: {  	_ =	swait.ge @!p0 [sflag:s4], $0x100  }
0x2d6: {  	[sflag:s4] =	ssyncset.done @!p0 $0x0  }
0x2d7: {  	s6 =	simm.s32 @!p0 $0x1A00;
	s5 =	simm.s32 @!p0 $0x80;
	[sflag:s4] =	ssyncadd.s32 @!p0 $0xFFFFFF00  }
0x2d8: {  	[spmem:s3] =	stream.indirect.scatter.add.f32 @!p0 [tilespmem:s6], [sflag:$0x4], $0x1, s5, s5, $0xb8;
	[tilespmem:$0x1F80] =	vst v63  }
0x2d9: {  	_ =	swait.ge @!p0 [sflag:s4], $0x80  }
0x2da: {  	[sflag:s4] =	ssyncset.done @!p0 $0x0  }
0x2db: {  	[sflag:s4] =	ssyncadd.s32 @!p0 $0xFFFFFF80  }
0x2dc: {  	[bflag:$0x0] =	sbarrier.arrive $0xFFFF  }
0x2dd: {  	s5 =	simm.s32 $0x1A80;
	s6 =	rddreg [dreg:$0x6]  }
0x2de: {  	[tilespmem:s5], [sflag:$0x4] =	stream.linear.gather [spmem:s6], $0x280, $0x38;
	[tilespmem:$0x1F80] =	vst v63  }
0x2df: {  	_ =	swait.ge [sflag:s25], $0x280  }
0x2e0: {  	[sflag:s25] =	ssyncset.done $0x0  }
0x2e1: {  	s12 =	simm.s32 $0x0;
	s29 =	rddreg [dreg:$0x14];
	[sflag:s25] =	ssyncadd.s32 $0xFFFFFD80  }
0x2e2: {  	[hbm4b:s29+s12] =	stream.linear.scatter [tilespmem:s5], [sflag:$0x4], $0x280, $0x38;
	[tilespmem:$0x1F80] =	vst v63  }
0x2e3: {  	_ =	swait.ge [sflag:s25], $0x280  }
0x2e4: {  	s30 =	rddreg [dreg:$0x16]  }
0x2e5: {  	s31 =	rddreg [dreg:$0x15];
	s7 =	sadd.s32 $0x1, s30  }
0x2e6: {  	p1 =	sne.s32 s7, s31  }
.Ltmp1:
0x2e7: {  	_ = 	snop;
	(pc) =	sbr.rel @p1 .LBB2_1-.Ltmp1, $3  }
0x2e8: {  	_ =	sdelay $0x1  }
0x2e9: {  	[sflag:s25] =	ssyncset.done $0x0  }
0x2ea: {  	[sflag:s25] =	ssyncadd.s32 $0xFFFFFD80  }
0x2eb: {  	_ =	sfence.sel $0x180000  }
0x2ec: {  	[bflag:$0x0] =	sbarrier.arrive $0xFFFF  }
0x2ed: {  	_ =	strace $0x90000047  }
0x2ee: {  	s0 =	stileid.u32;
	[bflag:$0x2] =	sbarrier.arrive $0xFFFF  }
0x2ef: {  	p0 =	sne.s32 s0, $0x0;
	s0 =	rddreg [dreg:$0x3]  }
0x2f0: {  	s0 =	sadd.s32 @!p0 $0x100000, s0  }
0x2f1: {  	[sflag:s0] =	ssyncadd.tile.s32 @!p0 $0x1;
	_ =	shalt  }
.Lfunc_end2:
_tile_overlayer_lowered:
.L_overlay_start_2:
0x2f2: {  	(tag) =	ssettag $0x2  }
0x2f3: {  	s0 =	rddreg [dreg:$0x0];
	s2 =	stileid.u32  }
0x2f4: {  	s1 =	rddreg [dreg:$0x1];
	p0 =	sne.s32 s2, $0x0  }
0x2f5: {  	s3 =	rddreg [dreg:$0x2];
	[bflag:$0x3] =	sbarrier.arrive $0xFFFF;
	s2 =	simm.s32 @!p0 $0x1C04  }
0x2f6: {  	[timem:s3], [sflag:s2] =	dma.local @!p0 [hbm:s0], s1  }
0x2f7: {  	s0 =	simm.s32 @!p0 $0x4  }
0x2f8: {  	_ =	swait.ge @!p0 [sflag:s0], s1  }
0x2f9: {  	s1 =	ssub.s32 @!p0 $0x0, s1;
	[sflag:s0] =	ssyncset.done @!p0 $0x0  }
0x2fa: {  	[sflag:s0] =	ssyncadd.s32 @!p0 s1  }
0x2fb: {  	[bflag:$0x3] =	sbarrier.arrive $0xFFFF  }
0x2fc: {  	_ =	shalt  }

</sc_bundles>
